<compile_context>
chip_gen: v7x
topology: tpu7x:2x2x1
jax: 0.10.2.dev20260603
libtpu: 0.0.44.dev20260713+nightly
codegen_flags: <defaults>
</compile_context>

<pallas_src>
import functools

import jax
import jax.numpy as jnp
from jax import lax
from jax.experimental import pallas as pl
from jax.experimental.pallas import tpu as pltpu
from jax.experimental.pallas import tpu_sc as plsc

N = 10000
E = 320000
F_IN = 128
H = 16
LIN = 100
NG = 128
NC = 12

NCORES = 2
NSUB = 16
NW = NCORES * NSUB

N_PAD = 10240
ROWS_PER_SUB = N_PAD // NSUB
GROUPS_PER_SUB = ROWS_PER_SUB // H
CH = 128
E_TILE = E // NW
CHUNKS = E_TILE // CH
TAIL = E_TILE - CHUNKS * CH
POOL_ROWS = NG + 8
POOL_FLAT = POOL_ROWS * H
NBUF = 8
EPI = CHUNKS - (CHUNKS // NBUF) * NBUF

_mesh = plsc.VectorSubcoreMesh(
    core_axis_name="c", subcore_axis_name="s", num_cores=NCORES,
    num_subcores=NSUB)


def _f32(*shape):
    return jax.ShapeDtypeStruct(shape, jnp.float32)


@functools.partial(
    pl.kernel,
    out_type=_f32(NCORES * N_PAD),
    mesh=_mesh,
    compiler_params=pltpu.CompilerParams(use_tc_tiling_on_sc=False),
    scratch_types=[
        pltpu.VMEM((E_TILE,), jnp.int32),
        pltpu.VMEM((CH,), jnp.float32),
        pltpu.VMEM_SHARED((N_PAD,), jnp.float32),
        pltpu.SemaphoreType.DMA,
    ],
)
def _sc_degree(ei_hbm, zeros_hbm, deg_out, didx, ones_v, deg_sh, sem):
    c = lax.axis_index("c")
    s = lax.axis_index("s")
    wid = c * NSUB + s
    pltpu.sync_copy(zeros_hbm.at[pl.ds(0, ROWS_PER_SUB)],
                    deg_sh.at[pl.ds(s * ROWS_PER_SUB, ROWS_PER_SUB)])
    one = jnp.ones((H,), jnp.float32)
    for k in range(CH // H):
        ones_v[pl.ds(k * H, H)] = one
    pltpu.sync_copy(ei_hbm.at[1, pl.ds(wid * E_TILE, E_TILE)], didx)
    plsc.subcore_barrier()

    DEPTH = 6

    @pl.loop(0, CHUNKS // DEPTH)
    def _(t):
        sc = [pltpu.async_copy(
            ones_v, deg_sh.at[didx.at[pl.ds((t * DEPTH + b) * CH, CH)]],
            sem, add=True) for b in range(DEPTH)]
        for b in range(DEPTH):
            sc[b].wait()
    pltpu.sync_copy(ones_v.at[pl.ds(0, TAIL)],
                    deg_sh.at[didx.at[pl.ds(CHUNKS * CH, TAIL)]], add=True)
    plsc.subcore_barrier()
    pltpu.sync_copy(deg_sh.at[pl.ds(s * ROWS_PER_SUB, ROWS_PER_SUB)],
                    deg_out.at[pl.ds(c * N_PAD + s * ROWS_PER_SUB,
                                     ROWS_PER_SUB)])


def _edge_loop(ei_hbm, table_hbm, zeros_hbm,
               sidx, didx, rows, acc_sh, gsem, ssem, s, wid):
    pltpu.sync_copy(zeros_hbm,
                    acc_sh.at[pl.ds(s * ROWS_PER_SUB, ROWS_PER_SUB)])
    pltpu.sync_copy(ei_hbm.at[0, pl.ds(wid * E_TILE, E_TILE)], sidx)
    pltpu.sync_copy(ei_hbm.at[1, pl.ds(wid * E_TILE, E_TILE)], didx)
    plsc.subcore_barrier()

    @pl.loop(0, CHUNKS // NBUF)
    def _(t):
        j0 = t * NBUF * CH
        g = [pltpu.async_copy(table_hbm.at[sidx.at[pl.ds(j0 + b * CH, CH)]],
                              rows.at[b], gsem.at[b]) for b in range(NBUF)]
        sc = []
        for b in range(NBUF):
            g[b].wait()
            sc.append(pltpu.async_copy(
                rows.at[b], acc_sh.at[didx.at[pl.ds(j0 + b * CH, CH)]],
                ssem.at[b], add=True))
        for b in range(NBUF):
            sc[b].wait()
    j0 = (CHUNKS // NBUF) * NBUF * CH
    g = [pltpu.async_copy(table_hbm.at[sidx.at[pl.ds(j0 + b * CH, CH)]],
                          rows.at[b], gsem.at[b]) for b in range(EPI)]
    sc = []
    for b in range(EPI):
        g[b].wait()
        sc.append(pltpu.async_copy(
            rows.at[b], acc_sh.at[didx.at[pl.ds(j0 + b * CH, CH)]],
            ssem.at[b], add=True))
    for b in range(EPI):
        sc[b].wait()
    pltpu.async_copy(table_hbm.at[sidx.at[pl.ds(CHUNKS * CH, TAIL)]],
                     rows.at[0, pl.ds(0, TAIL)], gsem.at[0]).wait()
    pltpu.sync_copy(rows.at[0, pl.ds(0, TAIL)],
                    acc_sh.at[didx.at[pl.ds(CHUNKS * CH, TAIL)]], add=True)
    plsc.subcore_barrier()


_EDGE_SCRATCH = [
    pltpu.VMEM((E_TILE,), jnp.int32),
    pltpu.VMEM((E_TILE,), jnp.int32),
    pltpu.VMEM((NBUF, CH, H), jnp.float32),
    pltpu.VMEM_SHARED((N_PAD, H), jnp.float32),
    pltpu.SemaphoreType.DMA((NBUF,)),
    pltpu.SemaphoreType.DMA((NBUF,)),
]


@functools.partial(
    pl.kernel,
    out_type=_f32(NCORES, N_PAD, H),
    mesh=_mesh,
    compiler_params=pltpu.CompilerParams(use_tc_tiling_on_sc=False),
    scratch_types=_EDGE_SCRATCH,
)
def _sc_edge_acc(ei_hbm, table_hbm, zeros_hbm, acc_out,
                 sidx, didx, rows, acc_sh, gsem, ssem):
    c = lax.axis_index("c")
    s = lax.axis_index("s")
    wid = c * NSUB + s
    _edge_loop(ei_hbm, table_hbm, zeros_hbm,
               sidx, didx, rows, acc_sh, gsem, ssem, s, wid)
    pltpu.sync_copy(acc_sh.at[pl.ds(s * ROWS_PER_SUB, ROWS_PER_SUB)],
                    acc_out.at[c, pl.ds(s * ROWS_PER_SUB, ROWS_PER_SUB)])


@functools.partial(
    pl.kernel,
    out_type=_f32(NW * POOL_FLAT),
    mesh=_mesh,
    compiler_params=pltpu.CompilerParams(use_tc_tiling_on_sc=False,
                                         needs_layout_passes=False),
    scratch_types=_EDGE_SCRATCH + [
        pltpu.VMEM((ROWS_PER_SUB, H), jnp.float32),
        pltpu.VMEM((ROWS_PER_SUB, H), jnp.float32),
        pltpu.VMEM((ROWS_PER_SUB,), jnp.float32),
        pltpu.VMEM((ROWS_PER_SUB,), jnp.int32),
        pltpu.VMEM((H,), jnp.float32),
        pltpu.VMEM((POOL_FLAT,), jnp.float32),
    ],
)
def _sc_edge_pool(ei_hbm, table_hbm, zeros_hbm, dinv_hbm, seg_hbm,
                  b2_hbm, zp_hbm, pool_out,
                  sidx, didx, rows, acc_sh, gsem, ssem,
                  accv, zv, dv, sv, b2v, poolv):
    c = lax.axis_index("c")
    s = lax.axis_index("s")
    wid = c * NSUB + s
    _edge_loop(ei_hbm, table_hbm, zeros_hbm,
               sidx, didx, rows, acc_sh, gsem, ssem, s, wid)

    nbase = s * ROWS_PER_SUB
    pltpu.sync_copy(acc_sh.at[pl.ds(nbase, ROWS_PER_SUB)], accv)
    pltpu.sync_copy(table_hbm.at[pl.ds(nbase, ROWS_PER_SUB)], zv)
    pltpu.sync_copy(dinv_hbm.at[pl.ds(nbase, ROWS_PER_SUB)], dv)
    pltpu.sync_copy(seg_hbm.at[pl.ds(nbase, ROWS_PER_SUB)], sv)
    pltpu.sync_copy(b2_hbm, b2v)
    pltpu.sync_copy(zp_hbm, poolv)
    zc = jnp.where(c == 0, 1.0, 0.0)
    b2r = b2v[...] * zc
    lanes = lax.iota(jnp.int32, H)

    @pl.loop(0, GROUPS_PER_SUB)
    def _(g):
        dvec = dv[pl.ds(g * H, H)]
        svec = sv[pl.ds(g * H, H)]
        for k in range(H):
            i = g * H + k
            v = dvec[k] * (accv[i] + zc * zv[i]) + b2r
            idx = svec[k] * H + lanes
            plsc.addupdate_scatter(poolv, [idx], v)

    pltpu.sync_copy(poolv, pool_out.at[pl.ds(wid * POOL_FLAT, POOL_FLAT)])


def _tc_xw_body(x_ref, w1_ref, xw_ref):
    xw = jnp.dot(x_ref[...], w1_ref[...], preferred_element_type=jnp.float32)
    xw_ref[...] = jnp.concatenate(
        [xw, jnp.zeros((N_PAD - N, H), jnp.float32)], axis=0)


def _tc_scale_body(xw_ref, deg_ref, y_ref, dinv_ref):
    deg = deg_ref[0] + deg_ref[1] + 1.0
    dinv = lax.rsqrt(deg)
    dinv_ref[...] = dinv
    y_ref[...] = dinv[:, None] * xw_ref[...]


def _tc_mid_body(acc_ref, y_ref, dinv_ref, b1_ref, w2_ref, z_ref):
    agg = acc_ref[0] + acc_ref[1] + y_ref[...]
    dinv = dinv_ref[...]
    h = jax.nn.relu(dinv[:, None] * agg + b1_ref[...])
    z_ref[...] = jnp.dot(dinv[:, None] * h, w2_ref[...],
                         preferred_element_type=jnp.float32)


def _tc_head_body(pool_ref, w3_ref, b3_ref, w4_ref, b4_ref, out_ref):
    g = jnp.sum(pool_ref[...], axis=0)[:NG]
    g = jax.nn.relu(g)
    t = jax.nn.relu(jnp.dot(g, w3_ref[...],
                            preferred_element_type=jnp.float32) + b3_ref[...])
    out_ref[...] = jnp.dot(t, w4_ref[...],
                           preferred_element_type=jnp.float32) + b4_ref[...]


def kernel(x, edge_index, batch_vec, W1, b1, W2, b2, W3, b3, W4, b4):
    batch_p = jnp.concatenate(
        [batch_vec, jnp.full((N_PAD - N,), NG, jnp.int32)])
    zeros_rows = jnp.zeros((ROWS_PER_SUB, H), jnp.float32)
    zeros_deg = jnp.zeros((N_PAD,), jnp.float32)
    zeros_pool = jnp.zeros((POOL_FLAT,), jnp.float32)

    deg2 = _sc_degree(edge_index, zeros_deg).reshape(NCORES, N_PAD)
    xw1 = pl.pallas_call(_tc_xw_body, out_shape=_f32(N_PAD, H))(x, W1)

    y1, dinv = pl.pallas_call(
        _tc_scale_body,
        out_shape=(_f32(N_PAD, H), _f32(N_PAD)),
    )(xw1, deg2)

    acc1 = _sc_edge_acc(edge_index, y1, zeros_rows)

    z = pl.pallas_call(
        _tc_mid_body,
        out_shape=_f32(N_PAD, H),
    )(acc1, y1, dinv, b1, W2)

    pools = _sc_edge_pool(edge_index, z, zeros_rows, dinv, batch_p, b2,
                          zeros_pool)

    out = pl.pallas_call(
        _tc_head_body,
        out_shape=_f32(NG, NC),
    )(pools.reshape(NW, POOL_ROWS, H), W3, b3, W4, b4)
    return out

# --- scband reference (transcript-rebuilt; emitter-appended) ---
"""Pipeline reference for scband-mol-net-2783138808276 (READ-ONLY COPY).

The authoritative reference and input builder live on the scoring server;
editing this copy changes nothing except your own understanding.
"""

import jax, jax.numpy as jnp
import numpy as np

N = 10000
E = 320000
F_IN = 128
H = 16
LIN = 100
NG = 128
NC = 12


def setup_inputs(seed: int = 0) -> dict:
    key = jax.random.key(seed)
    ks = jax.random.split(key, 12)
    x = jax.random.normal(ks[0], (N, F_IN), dtype=jnp.float32)
    edge_index = jax.random.randint(ks[1], (2, E), 0, N, dtype=jnp.int32)
    batch_vec = jnp.sort(jax.random.randint(ks[2], (N,), 0, NG, dtype=jnp.int32))
    W1 = jax.random.normal(ks[3], (F_IN, H), dtype=jnp.float32) * (1.0 / np.sqrt(F_IN))
    b1 = jnp.zeros((H,), dtype=jnp.float32)
    W2 = jax.random.normal(ks[4], (H, H), dtype=jnp.float32) * (1.0 / np.sqrt(H))
    b2 = jnp.zeros((H,), dtype=jnp.float32)
    W3 = jax.random.normal(ks[5], (H, LIN), dtype=jnp.float32) * (1.0 / np.sqrt(H))
    b3 = jnp.zeros((LIN,), dtype=jnp.float32)
    W4 = jax.random.normal(ks[6], (LIN, NC), dtype=jnp.float32) * (1.0 / np.sqrt(LIN))
    b4 = jnp.zeros((NC,), dtype=jnp.float32)
    return {"x": x, "edge_index": edge_index, "batch_vec": batch_vec,
            "W1": W1, "b1": b1, "W2": W2, "b2": b2,
            "W3": W3, "b3": b3, "W4": W4, "b4": b4}


def _gcn_conv(x, edge_index, W, b):
    # PyG GCNConv: add self-loops, symmetric normalization, sum-aggregate
    src = edge_index[0]
    dst = edge_index[1]
    loop = jnp.arange(N, dtype=edge_index.dtype)
    s = jnp.concatenate([src, loop])
    d = jnp.concatenate([dst, loop])
    deg = jnp.zeros((N,), dtype=jnp.float32).at[d].add(1.0)
    dinv = jax.lax.rsqrt(deg)  # deg >= 1 due to self loops
    norm = dinv[s] * dinv[d]
    xw = x @ W
    msg = jnp.take(xw, s, axis=0) * norm[:, None]
    out = jnp.zeros((N, W.shape[1]), dtype=xw.dtype).at[d].add(msg)
    return out + b


def reference(x, edge_index, batch_vec, W1, b1, W2, b2, W3, b3, W4, b4):
    h = jax.nn.relu(_gcn_conv(x, edge_index, W1, b1))
    # dropout is identity in eval mode
    h = _gcn_conv(h, edge_index, W2, b2)
    g = jax.ops.segment_sum(h, batch_vec, num_segments=NG)  # global_add_pool
    g = jax.nn.relu(g)
    g = jax.nn.relu(g @ W3 + b3)
    out = g @ W4 + b4
    return out

if __name__ == "__main__":
    import jax
    _d = setup_inputs()
    print(jax.jit(kernel)(*tuple(_d.values())))

</pallas_src>

<mosaic_0001>
#map = affine_map<(d0, d1) -> (0, 0)>
#map1 = affine_map<(d0, d1) -> (0, 0, 0)>
module attributes {stable_mosaic.version = 14 : i64} {
  func.func @_sc_edge_acc(%arg0: i32, %arg1: i32, %arg2: memref<2x320000xi32, #tpu.memory_space<hbm>>, %arg3: memref<10240x16xf32, #tpu.memory_space<hbm>>, %arg4: memref<640x16xf32, #tpu.memory_space<hbm>>, %arg5: memref<2x10240x16xf32, #tpu.memory_space<hbm>>, %arg6: memref<10000xi32, #tpu.memory_space<vmem>>, %arg7: memref<10000xi32, #tpu.memory_space<vmem>>, %arg8: memref<8x128x16xf32, #tpu.memory_space<vmem>>, %arg9: memref<10240x16xf32, #tpu.memory_space<vmem_shared>>, %arg10: memref<8x!tpu.dma_semaphore, #tpu.memory_space<semaphore_mem>>, %arg11: memref<8x!tpu.dma_semaphore, #tpu.memory_space<semaphore_mem>>) attributes {dimension_semantics = [#tpu.dimension_semantics<core_parallel>, #tpu.dimension_semantics<subcore_parallel>], iteration_bounds = array<i64: 2, 16>, scalar_prefetch = 0 : i64, scratch_operands = 6 : i64, tpu.core_type = #tpu.core_type<sc_vector_subcore>, window_params = [{transform_indices = #map}, {transform_indices = #map}, {transform_indices = #map}, {transform_indices = #map1}]} {
    %mul3A = arith.constant 16 : i32
    %mul3A_0 = arith.muli %arg0, %mul3A : i32
    %add3A = arith.addi %mul3A_0, %arg1 : i32
    %mul3A_1 = arith.constant 640 : i32
    %mul3A_2 = arith.muli %arg1, %mul3A_1 : i32
    "tpu.region"() ({
      %run_scoped3A_354 = tpu.sem_alloc : memref<!tpu.dma_semaphore, #tpu.memory_space<semaphore_mem>>
      %dma_start3A_355 = arith.constant 0 : i32
      %dma_start3A_356 = tpu.memref_slice %arg9[%mul3A_2, %dma_start3A_355] : memref<10240x16xf32, #tpu.memory_space<vmem_shared>> -> memref<640x16xf32, #tpu.memory_space<vmem_shared>>
      tpu.enqueue_dma source(%arg4 : memref<640x16xf32, #tpu.memory_space<hbm>>) target(%dma_start3A_356 : memref<640x16xf32, #tpu.memory_space<vmem_shared>>) target_semaphore(%run_scoped3A_354 : memref<!tpu.dma_semaphore, #tpu.memory_space<semaphore_mem>>)
      %dma_wait3A_357 = arith.constant 0 : i32
      %dma_wait3A_358 = tpu.memref_slice %arg9[%mul3A_2, %dma_wait3A_357] : memref<10240x16xf32, #tpu.memory_space<vmem_shared>> -> memref<640x16xf32, #tpu.memory_space<vmem_shared>>
      tpu.wait_dma2 semaphore(%run_scoped3A_354 : memref<!tpu.dma_semaphore, #tpu.memory_space<semaphore_mem>>) src(%arg4 : memref<640x16xf32, #tpu.memory_space<hbm>>) dst(%dma_wait3A_358 : memref<640x16xf32, #tpu.memory_space<vmem_shared>>)
      tpu.yield
    }) : () -> ()
    %mul3A_3 = arith.constant 10000 : i32
    %mul3A_4 = arith.muli %add3A, %mul3A_3 : i32
    %run_scoped3A = arith.constant 0 : i32
    "tpu.region"() ({
      %run_scoped3A_354 = tpu.sem_alloc : memref<!tpu.dma_semaphore, #tpu.memory_space<semaphore_mem>>
      %dma_start3A_355 = tpu.memref_slice %arg2[%run_scoped3A, %mul3A_4] : memref<2x320000xi32, #tpu.memory_space<hbm>> -> memref<1x10000xi32, #tpu.memory_space<hbm>>
      %dma_start3A_356 = tpu.memref_squeeze %dma_start3A_355 : memref<1x10000xi32, #tpu.memory_space<hbm>> -> memref<10000xi32, #tpu.memory_space<hbm>>
      %dma_start3A_357 = tpu.memref_slice %arg2[%run_scoped3A, %mul3A_4] : memref<2x320000xi32, #tpu.memory_space<hbm>> -> memref<1x10000xi32, #tpu.memory_space<hbm>>
      %dma_start3A_358 = tpu.memref_squeeze %dma_start3A_357 : memref<1x10000xi32, #tpu.memory_space<hbm>> -> memref<10000xi32, #tpu.memory_space<hbm>>
      tpu.enqueue_dma source(%dma_start3A_358 : memref<10000xi32, #tpu.memory_space<hbm>>) target(%arg6 : memref<10000xi32, #tpu.memory_space<vmem>>) target_semaphore(%run_scoped3A_354 : memref<!tpu.dma_semaphore, #tpu.memory_space<semaphore_mem>>)
      %dma_wait3A_359 = tpu.memref_slice %arg2[%run_scoped3A, %mul3A_4] : memref<2x320000xi32, #tpu.memory_space<hbm>> -> memref<1x10000xi32, #tpu.memory_space<hbm>>
      %dma_wait3A_360 = tpu.memref_squeeze %dma_wait3A_359 : memref<1x10000xi32, #tpu.memory_space<hbm>> -> memref<10000xi32, #tpu.memory_space<hbm>>
      %dma_wait3A_361 = tpu.memref_slice %arg2[%run_scoped3A, %mul3A_4] : memref<2x320000xi32, #tpu.memory_space<hbm>> -> memref<1x10000xi32, #tpu.memory_space<hbm>>
      %dma_wait3A_362 = tpu.memref_squeeze %dma_wait3A_361 : memref<1x10000xi32, #tpu.memory_space<hbm>> -> memref<10000xi32, #tpu.memory_space<hbm>>
      tpu.wait_dma2 semaphore(%run_scoped3A_354 : memref<!tpu.dma_semaphore, #tpu.memory_space<semaphore_mem>>) src(%dma_wait3A_362 : memref<10000xi32, #tpu.memory_space<hbm>>) dst(%arg6 : memref<10000xi32, #tpu.memory_space<vmem>>)
      tpu.yield
    }) : () -> ()
    %mul3A_5 = arith.constant 10000 : i32
    %mul3A_6 = arith.muli %add3A, %mul3A_5 : i32
    %run_scoped3A_7 = arith.constant 1 : i32
    "tpu.region"() ({
      %run_scoped3A_354 = tpu.sem_alloc : memref<!tpu.dma_semaphore, #tpu.memory_space<semaphore_mem>>
      %dma_start3A_355 = tpu.memref_slice %arg2[%run_scoped3A_7, %mul3A_6] : memref<2x320000xi32, #tpu.memory_space<hbm>> -> memref<1x10000xi32, #tpu.memory_space<hbm>>
      %dma_start3A_356 = tpu.memref_squeeze %dma_start3A_355 : memref<1x10000xi32, #tpu.memory_space<hbm>> -> memref<10000xi32, #tpu.memory_space<hbm>>
      %dma_start3A_357 = tpu.memref_slice %arg2[%run_scoped3A_7, %mul3A_6] : memref<2x320000xi32, #tpu.memory_space<hbm>> -> memref<1x10000xi32, #tpu.memory_space<hbm>>
      %dma_start3A_358 = tpu.memref_squeeze %dma_start3A_357 : memref<1x10000xi32, #tpu.memory_space<hbm>> -> memref<10000xi32, #tpu.memory_space<hbm>>
      tpu.enqueue_dma source(%dma_start3A_358 : memref<10000xi32, #tpu.memory_space<hbm>>) target(%arg7 : memref<10000xi32, #tpu.memory_space<vmem>>) target_semaphore(%run_scoped3A_354 : memref<!tpu.dma_semaphore, #tpu.memory_space<semaphore_mem>>)
      %dma_wait3A_359 = tpu.memref_slice %arg2[%run_scoped3A_7, %mul3A_6] : memref<2x320000xi32, #tpu.memory_space<hbm>> -> memref<1x10000xi32, #tpu.memory_space<hbm>>
      %dma_wait3A_360 = tpu.memref_squeeze %dma_wait3A_359 : memref<1x10000xi32, #tpu.memory_space<hbm>> -> memref<10000xi32, #tpu.memory_space<hbm>>
      %dma_wait3A_361 = tpu.memref_slice %arg2[%run_scoped3A_7, %mul3A_6] : memref<2x320000xi32, #tpu.memory_space<hbm>> -> memref<1x10000xi32, #tpu.memory_space<hbm>>
      %dma_wait3A_362 = tpu.memref_squeeze %dma_wait3A_361 : memref<1x10000xi32, #tpu.memory_space<hbm>> -> memref<10000xi32, #tpu.memory_space<hbm>>
      tpu.wait_dma2 semaphore(%run_scoped3A_354 : memref<!tpu.dma_semaphore, #tpu.memory_space<semaphore_mem>>) src(%dma_wait3A_362 : memref<10000xi32, #tpu.memory_space<hbm>>) dst(%arg7 : memref<10000xi32, #tpu.memory_space<vmem>>)
      tpu.yield
    }) : () -> ()
    %barrier3A = arith.constant 0 : index
    tpu.barrier barrier_id(%barrier3A)
    %scan3A = arith.constant 0 : i32
    %scan3A_8 = arith.constant 9 : i32
    %scan3A_9 = arith.addi %scan3A, %scan3A_8 : i32
    %scan3A_10 = arith.constant 1 : i32
    scf.for %scan3A_354 = %scan3A to %scan3A_9 step %scan3A_10  : i32 {
      %mul3A_355 = arith.constant 1 : i32
      %mul3A_356 = arith.muli %scan3A_354, %mul3A_355 : i32
      %add3A_357 = arith.constant 0 : i32
      %add3A_358 = arith.addi %add3A_357, %mul3A_356 : i32
      %mul3A_359 = arith.constant 8 : i32
      %mul3A_360 = arith.muli %add3A_358, %mul3A_359 : i32
      %mul3A_361 = arith.constant 128 : i32
      %mul3A_362 = arith.muli %mul3A_360, %mul3A_361 : i32
      %add3A_363 = arith.constant 0 : i32
      %add3A_364 = arith.addi %mul3A_362, %add3A_363 : i32
      %dma_start3A_365 = arith.constant 0 : i32
      %dma_start3A_366 = arith.constant 0 : i32
      %dma_start3A_367 = arith.constant 0 : i32
      %dma_start3A_368 = arith.constant 0 : i32
      %dma_start3A_369 = tpu.memref_slice %arg8[%dma_start3A_365, %dma_start3A_367, %dma_start3A_368] : memref<8x128x16xf32, #tpu.memory_space<vmem>> -> memref<1x128x16xf32, #tpu.memory_space<vmem>>
      %dma_start3A_370 = tpu.memref_squeeze %dma_start3A_369 : memref<1x128x16xf32, #tpu.memory_space<vmem>> -> memref<128x16xf32, #tpu.memory_space<vmem>>
      %dma_start3A_371 = tpu.memref_slice %arg6[%add3A_364] : memref<10000xi32, #tpu.memory_space<vmem>> -> memref<128xi32, #tpu.memory_space<vmem>>
      %dma_start3A_372 = arith.constant 0 : i32
      %dma_start3A_373 = arith.constant 0 : i32
      %dma_start3A_374 = tpu.memref_slice %arg3[%dma_start3A_372, %dma_start3A_373] : memref<10240x16xf32, #tpu.memory_space<hbm>> -> memref<10240x16xf32, #tpu.memory_space<hbm>>
      %dma_start3A_375 = tpu.memref_slice %arg10[%dma_start3A_366] : memref<8x!tpu.dma_semaphore, #tpu.memory_space<semaphore_mem>> -> memref<1x!tpu.dma_semaphore, #tpu.memory_space<semaphore_mem>>
      %dma_start3A_376 = tpu.memref_squeeze %dma_start3A_375 : memref<1x!tpu.dma_semaphore, #tpu.memory_space<semaphore_mem>> -> memref<!tpu.dma_semaphore, #tpu.memory_space<semaphore_mem>>
      tpu.enqueue_indirect_dma source(%dma_start3A_374 : memref<10240x16xf32, #tpu.memory_space<hbm>>) target(%dma_start3A_370 : memref<128x16xf32, #tpu.memory_space<vmem>>) offsets(%dma_start3A_371 : memref<128xi32, #tpu.memory_space<vmem>>) semaphore(%dma_start3A_376 : memref<!tpu.dma_semaphore, #tpu.memory_space<semaphore_mem>>)
      %add3A_377 = arith.constant 128 : i32
      %add3A_378 = arith.addi %mul3A_362, %add3A_377 : i32
      %dma_start3A_379 = arith.constant 1 : i32
      %dma_start3A_380 = arith.constant 1 : i32
      %dma_start3A_381 = arith.constant 0 : i32
      %dma_start3A_382 = arith.constant 0 : i32
      %dma_start3A_383 = tpu.memref_slice %arg8[%dma_start3A_379, %dma_start3A_381, %dma_start3A_382] : memref<8x128x16xf32, #tpu.memory_space<vmem>> -> memref<1x128x16xf32, #tpu.memory_space<vmem>>
      %dma_start3A_384 = tpu.memref_squeeze %dma_start3A_383 : memref<1x128x16xf32, #tpu.memory_space<vmem>> -> memref<128x16xf32, #tpu.memory_space<vmem>>
      %dma_start3A_385 = tpu.memref_slice %arg6[%add3A_378] : memref<10000xi32, #tpu.memory_space<vmem>> -> memref<128xi32, #tpu.memory_space<vmem>>
      %dma_start3A_386 = arith.constant 0 : i32
      %dma_start3A_387 = arith.constant 0 : i32
      %dma_start3A_388 = tpu.memref_slice %arg3[%dma_start3A_386, %dma_start3A_387] : memref<10240x16xf32, #tpu.memory_space<hbm>> -> memref<10240x16xf32, #tpu.memory_space<hbm>>
      %dma_start3A_389 = tpu.memref_slice %arg10[%dma_start3A_380] : memref<8x!tpu.dma_semaphore, #tpu.memory_space<semaphore_mem>> -> memref<1x!tpu.dma_semaphore, #tpu.memory_space<semaphore_mem>>
      %dma_start3A_390 = tpu.memref_squeeze %dma_start3A_389 : memref<1x!tpu.dma_semaphore, #tpu.memory_space<semaphore_mem>> -> memref<!tpu.dma_semaphore, #tpu.memory_space<semaphore_mem>>
      tpu.enqueue_indirect_dma source(%dma_start3A_388 : memref<10240x16xf32, #tpu.memory_space<hbm>>) target(%dma_start3A_384 : memref<128x16xf32, #tpu.memory_space<vmem>>) offsets(%dma_start3A_385 : memref<128xi32, #tpu.memory_space<vmem>>) semaphore(%dma_start3A_390 : memref<!tpu.dma_semaphore, #tpu.memory_space<semaphore_mem>>)
      %add3A_391 = arith.constant 256 : i32
      %add3A_392 = arith.addi %mul3A_362, %add3A_391 : i32
      %dma_start3A_393 = arith.constant 2 : i32
      %dma_start3A_394 = arith.constant 2 : i32
      %dma_start3A_395 = arith.constant 0 : i32
      %dma_start3A_396 = arith.constant 0 : i32
      %dma_start3A_397 = tpu.memref_slice %arg8[%dma_start3A_393, %dma_start3A_395, %dma_start3A_396] : memref<8x128x16xf32, #tpu.memory_space<vmem>> -> memref<1x128x16xf32, #tpu.memory_space<vmem>>
      %dma_start3A_398 = tpu.memref_squeeze %dma_start3A_397 : memref<1x128x16xf32, #tpu.memory_space<vmem>> -> memref<128x16xf32, #tpu.memory_space<vmem>>
      %dma_start3A_399 = tpu.memref_slice %arg6[%add3A_392] : memref<10000xi32, #tpu.memory_space<vmem>> -> memref<128xi32, #tpu.memory_space<vmem>>
      %dma_start3A_400 = arith.constant 0 : i32
      %dma_start3A_401 = arith.constant 0 : i32
      %dma_start3A_402 = tpu.memref_slice %arg3[%dma_start3A_400, %dma_start3A_401] : memref<10240x16xf32, #tpu.memory_space<hbm>> -> memref<10240x16xf32, #tpu.memory_space<hbm>>
      %dma_start3A_403 = tpu.memref_slice %arg10[%dma_start3A_394] : memref<8x!tpu.dma_semaphore, #tpu.memory_space<semaphore_mem>> -> memref<1x!tpu.dma_semaphore, #tpu.memory_space<semaphore_mem>>
      %dma_start3A_404 = tpu.memref_squeeze %dma_start3A_403 : memref<1x!tpu.dma_semaphore, #tpu.memory_space<semaphore_mem>> -> memref<!tpu.dma_semaphore, #tpu.memory_space<semaphore_mem>>
      tpu.enqueue_indirect_dma source(%dma_start3A_402 : memref<10240x16xf32, #tpu.memory_space<hbm>>) target(%dma_start3A_398 : memref<128x16xf32, #tpu.memory_space<vmem>>) offsets(%dma_start3A_399 : memref<128xi32, #tpu.memory_space<vmem>>) semaphore(%dma_start3A_404 : memref<!tpu.dma_semaphore, #tpu.memory_space<semaphore_mem>>)
      %add3A_405 = arith.constant 384 : i32
      %add3A_406 = arith.addi %mul3A_362, %add3A_405 : i32
      %dma_start3A_407 = arith.constant 3 : i32
      %dma_start3A_408 = arith.constant 3 : i32
      %dma_start3A_409 = arith.constant 0 : i32
      %dma_start3A_410 = arith.constant 0 : i32
      %dma_start3A_411 = tpu.memref_slice %arg8[%dma_start3A_407, %dma_start3A_409, %dma_start3A_410] : memref<8x128x16xf32, #tpu.memory_space<vmem>> -> memref<1x128x16xf32, #tpu.memory_space<vmem>>
      %dma_start3A_412 = tpu.memref_squeeze %dma_start3A_411 : memref<1x128x16xf32, #tpu.memory_space<vmem>> -> memref<128x16xf32, #tpu.memory_space<vmem>>
      %dma_start3A_413 = tpu.memref_slice %arg6[%add3A_406] : memref<10000xi32, #tpu.memory_space<vmem>> -> memref<128xi32, #tpu.memory_space<vmem>>
      %dma_start3A_414 = arith.constant 0 : i32
      %dma_start3A_415 = arith.constant 0 : i32
      %dma_start3A_416 = tpu.memref_slice %arg3[%dma_start3A_414, %dma_start3A_415] : memref<10240x16xf32, #tpu.memory_space<hbm>> -> memref<10240x16xf32, #tpu.memory_space<hbm>>
      %dma_start3A_417 = tpu.memref_slice %arg10[%dma_start3A_408] : memref<8x!tpu.dma_semaphore, #tpu.memory_space<semaphore_mem>> -> memref<1x!tpu.dma_semaphore, #tpu.memory_space<semaphore_mem>>
      %dma_start3A_418 = tpu.memref_squeeze %dma_start3A_417 : memref<1x!tpu.dma_semaphore, #tpu.memory_space<semaphore_mem>> -> memref<!tpu.dma_semaphore, #tpu.memory_space<semaphore_mem>>
      tpu.enqueue_indirect_dma source(%dma_start3A_416 : memref<10240x16xf32, #tpu.memory_space<hbm>>) target(%dma_start3A_412 : memref<128x16xf32, #tpu.memory_space<vmem>>) offsets(%dma_start3A_413 : memref<128xi32, #tpu.memory_space<vmem>>) semaphore(%dma_start3A_418 : memref<!tpu.dma_semaphore, #tpu.memory_space<semaphore_mem>>)
      %add3A_419 = arith.constant 512 : i32
      %add3A_420 = arith.addi %mul3A_362, %add3A_419 : i32
      %dma_start3A_421 = arith.constant 4 : i32
      %dma_start3A_422 = arith.constant 4 : i32
      %dma_start3A_423 = arith.constant 0 : i32
      %dma_start3A_424 = arith.constant 0 : i32
      %dma_start3A_425 = tpu.memref_slice %arg8[%dma_start3A_421, %dma_start3A_423, %dma_start3A_424] : memref<8x128x16xf32, #tpu.memory_space<vmem>> -> memref<1x128x16xf32, #tpu.memory_space<vmem>>
      %dma_start3A_426 = tpu.memref_squeeze %dma_start3A_425 : memref<1x128x16xf32, #tpu.memory_space<vmem>> -> memref<128x16xf32, #tpu.memory_space<vmem>>
      %dma_start3A_427 = tpu.memref_slice %arg6[%add3A_420] : memref<10000xi32, #tpu.memory_space<vmem>> -> memref<128xi32, #tpu.memory_space<vmem>>
      %dma_start3A_428 = arith.constant 0 : i32
      %dma_start3A_429 = arith.constant 0 : i32
      %dma_start3A_430 = tpu.memref_slice %arg3[%dma_start3A_428, %dma_start3A_429] : memref<10240x16xf32, #tpu.memory_space<hbm>> -> memref<10240x16xf32, #tpu.memory_space<hbm>>
      %dma_start3A_431 = tpu.memref_slice %arg10[%dma_start3A_422] : memref<8x!tpu.dma_semaphore, #tpu.memory_space<semaphore_mem>> -> memref<1x!tpu.dma_semaphore, #tpu.memory_space<semaphore_mem>>
      %dma_start3A_432 = tpu.memref_squeeze %dma_start3A_431 : memref<1x!tpu.dma_semaphore, #tpu.memory_space<semaphore_mem>> -> memref<!tpu.dma_semaphore, #tpu.memory_space<semaphore_mem>>
      tpu.enqueue_indirect_dma source(%dma_start3A_430 : memref<10240x16xf32, #tpu.memory_space<hbm>>) target(%dma_start3A_426 : memref<128x16xf32, #tpu.memory_space<vmem>>) offsets(%dma_start3A_427 : memref<128xi32, #tpu.memory_space<vmem>>) semaphore(%dma_start3A_432 : memref<!tpu.dma_semaphore, #tpu.memory_space<semaphore_mem>>)
      %add3A_433 = arith.constant 640 : i32
      %add3A_434 = arith.addi %mul3A_362, %add3A_433 : i32
      %dma_start3A_435 = arith.constant 5 : i32
      %dma_start3A_436 = arith.constant 5 : i32
      %dma_start3A_437 = arith.constant 0 : i32
      %dma_start3A_438 = arith.constant 0 : i32
      %dma_start3A_439 = tpu.memref_slice %arg8[%dma_start3A_435, %dma_start3A_437, %dma_start3A_438] : memref<8x128x16xf32, #tpu.memory_space<vmem>> -> memref<1x128x16xf32, #tpu.memory_space<vmem>>
      %dma_start3A_440 = tpu.memref_squeeze %dma_start3A_439 : memref<1x128x16xf32, #tpu.memory_space<vmem>> -> memref<128x16xf32, #tpu.memory_space<vmem>>
      %dma_start3A_441 = tpu.memref_slice %arg6[%add3A_434] : memref<10000xi32, #tpu.memory_space<vmem>> -> memref<128xi32, #tpu.memory_space<vmem>>
      %dma_start3A_442 = arith.constant 0 : i32
      %dma_start3A_443 = arith.constant 0 : i32
      %dma_start3A_444 = tpu.memref_slice %arg3[%dma_start3A_442, %dma_start3A_443] : memref<10240x16xf32, #tpu.memory_space<hbm>> -> memref<10240x16xf32, #tpu.memory_space<hbm>>
      %dma_start3A_445 = tpu.memref_slice %arg10[%dma_start3A_436] : memref<8x!tpu.dma_semaphore, #tpu.memory_space<semaphore_mem>> -> memref<1x!tpu.dma_semaphore, #tpu.memory_space<semaphore_mem>>
      %dma_start3A_446 = tpu.memref_squeeze %dma_start3A_445 : memref<1x!tpu.dma_semaphore, #tpu.memory_space<semaphore_mem>> -> memref<!tpu.dma_semaphore, #tpu.memory_space<semaphore_mem>>
      tpu.enqueue_indirect_dma source(%dma_start3A_444 : memref<10240x16xf32, #tpu.memory_space<hbm>>) target(%dma_start3A_440 : memref<128x16xf32, #tpu.memory_space<vmem>>) offsets(%dma_start3A_441 : memref<128xi32, #tpu.memory_space<vmem>>) semaphore(%dma_start3A_446 : memref<!tpu.dma_semaphore, #tpu.memory_space<semaphore_mem>>)
      %add3A_447 = arith.constant 768 : i32
      %add3A_448 = arith.addi %mul3A_362, %add3A_447 : i32
      %dma_start3A_449 = arith.constant 6 : i32
      %dma_start3A_450 = arith.constant 6 : i32
      %dma_start3A_451 = arith.constant 0 : i32
      %dma_start3A_452 = arith.constant 0 : i32
      %dma_start3A_453 = tpu.memref_slice %arg8[%dma_start3A_449, %dma_start3A_451, %dma_start3A_452] : memref<8x128x16xf32, #tpu.memory_space<vmem>> -> memref<1x128x16xf32, #tpu.memory_space<vmem>>
      %dma_start3A_454 = tpu.memref_squeeze %dma_start3A_453 : memref<1x128x16xf32, #tpu.memory_space<vmem>> -> memref<128x16xf32, #tpu.memory_space<vmem>>
      %dma_start3A_455 = tpu.memref_slice %arg6[%add3A_448] : memref<10000xi32, #tpu.memory_space<vmem>> -> memref<128xi32, #tpu.memory_space<vmem>>
      %dma_start3A_456 = arith.constant 0 : i32
      %dma_start3A_457 = arith.constant 0 : i32
      %dma_start3A_458 = tpu.memref_slice %arg3[%dma_start3A_456, %dma_start3A_457] : memref<10240x16xf32, #tpu.memory_space<hbm>> -> memref<10240x16xf32, #tpu.memory_space<hbm>>
      %dma_start3A_459 = tpu.memref_slice %arg10[%dma_start3A_450] : memref<8x!tpu.dma_semaphore, #tpu.memory_space<semaphore_mem>> -> memref<1x!tpu.dma_semaphore, #tpu.memory_space<semaphore_mem>>
      %dma_start3A_460 = tpu.memref_squeeze %dma_start3A_459 : memref<1x!tpu.dma_semaphore, #tpu.memory_space<semaphore_mem>> -> memref<!tpu.dma_semaphore, #tpu.memory_space<semaphore_mem>>
      tpu.enqueue_indirect_dma source(%dma_start3A_458 : memref<10240x16xf32, #tpu.memory_space<hbm>>) target(%dma_start3A_454 : memref<128x16xf32, #tpu.memory_space<vmem>>) offsets(%dma_start3A_455 : memref<128xi32, #tpu.memory_space<vmem>>) semaphore(%dma_start3A_460 : memref<!tpu.dma_semaphore, #tpu.memory_space<semaphore_mem>>)
      %add3A_461 = arith.constant 896 : i32
      %add3A_462 = arith.addi %mul3A_362, %add3A_461 : i32
      %dma_start3A_463 = arith.constant 7 : i32
      %dma_start3A_464 = arith.constant 7 : i32
      %dma_start3A_465 = arith.constant 0 : i32
      %dma_start3A_466 = arith.constant 0 : i32
      %dma_start3A_467 = tpu.memref_slice %arg8[%dma_start3A_463, %dma_start3A_465, %dma_start3A_466] : memref<8x128x16xf32, #tpu.memory_space<vmem>> -> memref<1x128x16xf32, #tpu.memory_space<vmem>>
      %dma_start3A_468 = tpu.memref_squeeze %dma_start3A_467 : memref<1x128x16xf32, #tpu.memory_space<vmem>> -> memref<128x16xf32, #tpu.memory_space<vmem>>
      %dma_start3A_469 = tpu.memref_slice %arg6[%add3A_462] : memref<10000xi32, #tpu.memory_space<vmem>> -> memref<128xi32, #tpu.memory_space<vmem>>
      %dma_start3A_470 = arith.constant 0 : i32
      %dma_start3A_471 = arith.constant 0 : i32
      %dma_start3A_472 = tpu.memref_slice %arg3[%dma_start3A_470, %dma_start3A_471] : memref<10240x16xf32, #tpu.memory_space<hbm>> -> memref<10240x16xf32, #tpu.memory_space<hbm>>
      %dma_start3A_473 = tpu.memref_slice %arg10[%dma_start3A_464] : memref<8x!tpu.dma_semaphore, #tpu.memory_space<semaphore_mem>> -> memref<1x!tpu.dma_semaphore, #tpu.memory_space<semaphore_mem>>
      %dma_start3A_474 = tpu.memref_squeeze %dma_start3A_473 : memref<1x!tpu.dma_semaphore, #tpu.memory_space<semaphore_mem>> -> memref<!tpu.dma_semaphore, #tpu.memory_space<semaphore_mem>>
      tpu.enqueue_indirect_dma source(%dma_start3A_472 : memref<10240x16xf32, #tpu.memory_space<hbm>>) target(%dma_start3A_468 : memref<128x16xf32, #tpu.memory_space<vmem>>) offsets(%dma_start3A_469 : memref<128xi32, #tpu.memory_space<vmem>>) semaphore(%dma_start3A_474 : memref<!tpu.dma_semaphore, #tpu.memory_space<semaphore_mem>>)
      %dma_wait3A_475 = arith.constant 0 : i32
      %dma_wait3A_476 = arith.constant 0 : i32
      %dma_wait3A_477 = arith.constant 0 : i32
      %dma_wait3A_478 = arith.constant 0 : i32
      %dma_wait3A_479 = tpu.memref_slice %arg8[%dma_wait3A_475, %dma_wait3A_477, %dma_wait3A_478] : memref<8x128x16xf32, #tpu.memory_space<vmem>> -> memref<1x128x16xf32, #tpu.memory_space<vmem>>
      %dma_wait3A_480 = tpu.memref_squeeze %dma_wait3A_479 : memref<1x128x16xf32, #tpu.memory_space<vmem>> -> memref<128x16xf32, #tpu.memory_space<vmem>>
      %dma_wait3A_481 = tpu.memref_slice %arg6[%add3A_364] : memref<10000xi32, #tpu.memory_space<vmem>> -> memref<128xi32, #tpu.memory_space<vmem>>
      %dma_wait3A_482 = arith.constant 0 : i32
      %dma_wait3A_483 = arith.constant 0 : i32
      %dma_wait3A_484 = tpu.memref_slice %arg3[%dma_wait3A_482, %dma_wait3A_483] : memref<10240x16xf32, #tpu.memory_space<hbm>> -> memref<10240x16xf32, #tpu.memory_space<hbm>>
      %dma_wait3A_485 = tpu.memref_slice %arg10[%dma_wait3A_476] : memref<8x!tpu.dma_semaphore, #tpu.memory_space<semaphore_mem>> -> memref<1x!tpu.dma_semaphore, #tpu.memory_space<semaphore_mem>>
      %dma_wait3A_486 = tpu.memref_squeeze %dma_wait3A_485 : memref<1x!tpu.dma_semaphore, #tpu.memory_space<semaphore_mem>> -> memref<!tpu.dma_semaphore, #tpu.memory_space<semaphore_mem>>
      tpu.wait_indirect_dma semaphore(%dma_wait3A_486 : memref<!tpu.dma_semaphore, #tpu.memory_space<semaphore_mem>>) src(%dma_wait3A_484 : memref<10240x16xf32, #tpu.memory_space<hbm>>) dst(%dma_wait3A_480 : memref<128x16xf32, #tpu.memory_space<vmem>>)
      %add3A_487 = arith.constant 0 : i32
      %add3A_488 = arith.addi %mul3A_362, %add3A_487 : i32
      %dma_start3A_489 = arith.constant 0 : i32
      %dma_start3A_490 = arith.constant 0 : i32
      %dma_start3A_491 = arith.constant 0 : i32
      %dma_start3A_492 = arith.constant 0 : i32
      %dma_start3A_493 = tpu.memref_slice %arg8[%dma_start3A_489, %dma_start3A_491, %dma_start3A_492] : memref<8x128x16xf32, #tpu.memory_space<vmem>> -> memref<1x128x16xf32, #tpu.memory_space<vmem>>
      %dma_start3A_494 = tpu.memref_squeeze %dma_start3A_493 : memref<1x128x16xf32, #tpu.memory_space<vmem>> -> memref<128x16xf32, #tpu.memory_space<vmem>>
      %dma_start3A_495 = tpu.memref_slice %arg7[%add3A_488] : memref<10000xi32, #tpu.memory_space<vmem>> -> memref<128xi32, #tpu.memory_space<vmem>>
      %dma_start3A_496 = arith.constant 0 : i32
      %dma_start3A_497 = arith.constant 0 : i32
      %dma_start3A_498 = tpu.memref_slice %arg9[%dma_start3A_496, %dma_start3A_497] : memref<10240x16xf32, #tpu.memory_space<vmem_shared>> -> memref<10240x16xf32, #tpu.memory_space<vmem_shared>>
      %dma_start3A_499 = tpu.memref_slice %arg11[%dma_start3A_490] : memref<8x!tpu.dma_semaphore, #tpu.memory_space<semaphore_mem>> -> memref<1x!tpu.dma_semaphore, #tpu.memory_space<semaphore_mem>>
      %dma_start3A_500 = tpu.memref_squeeze %dma_start3A_499 : memref<1x!tpu.dma_semaphore, #tpu.memory_space<semaphore_mem>> -> memref<!tpu.dma_semaphore, #tpu.memory_space<semaphore_mem>>
      tpu.enqueue_indirect_dma source(%dma_start3A_494 : memref<128x16xf32, #tpu.memory_space<vmem>>) target(%dma_start3A_498 : memref<10240x16xf32, #tpu.memory_space<vmem_shared>>) offsets(%dma_start3A_495 : memref<128xi32, #tpu.memory_space<vmem>>) semaphore(%dma_start3A_500 : memref<!tpu.dma_semaphore, #tpu.memory_space<semaphore_mem>>) {add = true}
      %dma_wait3A_501 = arith.constant 1 : i32
      %dma_wait3A_502 = arith.constant 1 : i32
      %dma_wait3A_503 = arith.constant 0 : i32
      %dma_wait3A_504 = arith.constant 0 : i32
      %dma_wait3A_505 = tpu.memref_slice %arg8[%dma_wait3A_501, %dma_wait3A_503, %dma_wait3A_504] : memref<8x128x16xf32, #tpu.memory_space<vmem>> -> memref<1x128x16xf32, #tpu.memory_space<vmem>>
      %dma_wait3A_506 = tpu.memref_squeeze %dma_wait3A_505 : memref<1x128x16xf32, #tpu.memory_space<vmem>> -> memref<128x16xf32, #tpu.memory_space<vmem>>
      %dma_wait3A_507 = tpu.memref_slice %arg6[%add3A_378] : memref<10000xi32, #tpu.memory_space<vmem>> -> memref<128xi32, #tpu.memory_space<vmem>>
      %dma_wait3A_508 = arith.constant 0 : i32
      %dma_wait3A_509 = arith.constant 0 : i32
      %dma_wait3A_510 = tpu.memref_slice %arg3[%dma_wait3A_508, %dma_wait3A_509] : memref<10240x16xf32, #tpu.memory_space<hbm>> -> memref<10240x16xf32, #tpu.memory_space<hbm>>
      %dma_wait3A_511 = tpu.memref_slice %arg10[%dma_wait3A_502] : memref<8x!tpu.dma_semaphore, #tpu.memory_space<semaphore_mem>> -> memref<1x!tpu.dma_semaphore, #tpu.memory_space<semaphore_mem>>
      %dma_wait3A_512 = tpu.memref_squeeze %dma_wait3A_511 : memref<1x!tpu.dma_semaphore, #tpu.memory_space<semaphore_mem>> -> memref<!tpu.dma_semaphore, #tpu.memory_space<semaphore_mem>>
      tpu.wait_indirect_dma semaphore(%dma_wait3A_512 : memref<!tpu.dma_semaphore, #tpu.memory_space<semaphore_mem>>) src(%dma_wait3A_510 : memref<10240x16xf32, #tpu.memory_space<hbm>>) dst(%dma_wait3A_506 : memref<128x16xf32, #tpu.memory_space<vmem>>)
      %add3A_513 = arith.constant 128 : i32
      %add3A_514 = arith.addi %mul3A_362, %add3A_513 : i32
      %dma_start3A_515 = arith.constant 1 : i32
      %dma_start3A_516 = arith.constant 1 : i32
      %dma_start3A_517 = arith.constant 0 : i32
      %dma_start3A_518 = arith.constant 0 : i32
      %dma_start3A_519 = tpu.memref_slice %arg8[%dma_start3A_515, %dma_start3A_517, %dma_start3A_518] : memref<8x128x16xf32, #tpu.memory_space<vmem>> -> memref<1x128x16xf32, #tpu.memory_space<vmem>>
      %dma_start3A_520 = tpu.memref_squeeze %dma_start3A_519 : memref<1x128x16xf32, #tpu.memory_space<vmem>> -> memref<128x16xf32, #tpu.memory_space<vmem>>
      %dma_start3A_521 = tpu.memref_slice %arg7[%add3A_514] : memref<10000xi32, #tpu.memory_space<vmem>> -> memref<128xi32, #tpu.memory_space<vmem>>
      %dma_start3A_522 = arith.constant 0 : i32
      %dma_start3A_523 = arith.constant 0 : i32
      %dma_start3A_524 = tpu.memref_slice %arg9[%dma_start3A_522, %dma_start3A_523] : memref<10240x16xf32, #tpu.memory_space<vmem_shared>> -> memref<10240x16xf32, #tpu.memory_space<vmem_shared>>
      %dma_start3A_525 = tpu.memref_slice %arg11[%dma_start3A_516] : memref<8x!tpu.dma_semaphore, #tpu.memory_space<semaphore_mem>> -> memref<1x!tpu.dma_semaphore, #tpu.memory_space<semaphore_mem>>
      %dma_start3A_526 = tpu.memref_squeeze %dma_start3A_525 : memref<1x!tpu.dma_semaphore, #tpu.memory_space<semaphore_mem>> -> memref<!tpu.dma_semaphore, #tpu.memory_space<semaphore_mem>>
      tpu.enqueue_indirect_dma source(%dma_start3A_520 : memref<128x16xf32, #tpu.memory_space<vmem>>) target(%dma_start3A_524 : memref<10240x16xf32, #tpu.memory_space<vmem_shared>>) offsets(%dma_start3A_521 : memref<128xi32, #tpu.memory_space<vmem>>) semaphore(%dma_start3A_526 : memref<!tpu.dma_semaphore, #tpu.memory_space<semaphore_mem>>) {add = true}
      %dma_wait3A_527 = arith.constant 2 : i32
      %dma_wait3A_528 = arith.constant 2 : i32
      %dma_wait3A_529 = arith.constant 0 : i32
      %dma_wait3A_530 = arith.constant 0 : i32
      %dma_wait3A_531 = tpu.memref_slice %arg8[%dma_wait3A_527, %dma_wait3A_529, %dma_wait3A_530] : memref<8x128x16xf32, #tpu.memory_space<vmem>> -> memref<1x128x16xf32, #tpu.memory_space<vmem>>
      %dma_wait3A_532 = tpu.memref_squeeze %dma_wait3A_531 : memref<1x128x16xf32, #tpu.memory_space<vmem>> -> memref<128x16xf32, #tpu.memory_space<vmem>>
      %dma_wait3A_533 = tpu.memref_slice %arg6[%add3A_392] : memref<10000xi32, #tpu.memory_space<vmem>> -> memref<128xi32, #tpu.memory_space<vmem>>
      %dma_wait3A_534 = arith.constant 0 : i32
      %dma_wait3A_535 = arith.constant 0 : i32
      %dma_wait3A_536 = tpu.memref_slice %arg3[%dma_wait3A_534, %dma_wait3A_535] : memref<10240x16xf32, #tpu.memory_space<hbm>> -> memref<10240x16xf32, #tpu.memory_space<hbm>>
      %dma_wait3A_537 = tpu.memref_slice %arg10[%dma_wait3A_528] : memref<8x!tpu.dma_semaphore, #tpu.memory_space<semaphore_mem>> -> memref<1x!tpu.dma_semaphore, #tpu.memory_space<semaphore_mem>>
      %dma_wait3A_538 = tpu.memref_squeeze %dma_wait3A_537 : memref<1x!tpu.dma_semaphore, #tpu.memory_space<semaphore_mem>> -> memref<!tpu.dma_semaphore, #tpu.memory_space<semaphore_mem>>
      tpu.wait_indirect_dma semaphore(%dma_wait3A_538 : memref<!tpu.dma_semaphore, #tpu.memory_space<semaphore_mem>>) src(%dma_wait3A_536 : memref<10240x16xf32, #tpu.memory_space<hbm>>) dst(%dma_wait3A_532 : memref<128x16xf32, #tpu.memory_space<vmem>>)
      %add3A_539 = arith.constant 256 : i32
      %add3A_540 = arith.addi %mul3A_362, %add3A_539 : i32
      %dma_start3A_541 = arith.constant 2 : i32
      %dma_start3A_542 = arith.constant 2 : i32
      %dma_start3A_543 = arith.constant 0 : i32
      %dma_start3A_544 = arith.constant 0 : i32
      %dma_start3A_545 = tpu.memref_slice %arg8[%dma_start3A_541, %dma_start3A_543, %dma_start3A_544] : memref<8x128x16xf32, #tpu.memory_space<vmem>> -> memref<1x128x16xf32, #tpu.memory_space<vmem>>
      %dma_start3A_546 = tpu.memref_squeeze %dma_start3A_545 : memref<1x128x16xf32, #tpu.memory_space<vmem>> -> memref<128x16xf32, #tpu.memory_space<vmem>>
      %dma_start3A_547 = tpu.memref_slice %arg7[%add3A_540] : memref<10000xi32, #tpu.memory_space<vmem>> -> memref<128xi32, #tpu.memory_space<vmem>>
      %dma_start3A_548 = arith.constant 0 : i32
      %dma_start3A_549 = arith.constant 0 : i32
      %dma_start3A_550 = tpu.memref_slice %arg9[%dma_start3A_548, %dma_start3A_549] : memref<10240x16xf32, #tpu.memory_space<vmem_shared>> -> memref<10240x16xf32, #tpu.memory_space<vmem_shared>>
      %dma_start3A_551 = tpu.memref_slice %arg11[%dma_start3A_542] : memref<8x!tpu.dma_semaphore, #tpu.memory_space<semaphore_mem>> -> memref<1x!tpu.dma_semaphore, #tpu.memory_space<semaphore_mem>>
      %dma_start3A_552 = tpu.memref_squeeze %dma_start3A_551 : memref<1x!tpu.dma_semaphore, #tpu.memory_space<semaphore_mem>> -> memref<!tpu.dma_semaphore, #tpu.memory_space<semaphore_mem>>
      tpu.enqueue_indirect_dma source(%dma_start3A_546 : memref<128x16xf32, #tpu.memory_space<vmem>>) target(%dma_start3A_550 : memref<10240x16xf32, #tpu.memory_space<vmem_shared>>) offsets(%dma_start3A_547 : memref<128xi32, #tpu.memory_space<vmem>>) semaphore(%dma_start3A_552 : memref<!tpu.dma_semaphore, #tpu.memory_space<semaphore_mem>>) {add = true}
      %dma_wait3A_553 = arith.constant 3 : i32
      %dma_wait3A_554 = arith.constant 3 : i32
      %dma_wait3A_555 = arith.constant 0 : i32
      %dma_wait3A_556 = arith.constant 0 : i32
      %dma_wait3A_557 = tpu.memref_slice %arg8[%dma_wait3A_553, %dma_wait3A_555, %dma_wait3A_556] : memref<8x128x16xf32, #tpu.memory_space<vmem>> -> memref<1x128x16xf32, #tpu.memory_space<vmem>>
      %dma_wait3A_558 = tpu.memref_squeeze %dma_wait3A_557 : memref<1x128x16xf32, #tpu.memory_space<vmem>> -> memref<128x16xf32, #tpu.memory_space<vmem>>
      %dma_wait3A_559 = tpu.memref_slice %arg6[%add3A_406] : memref<10000xi32, #tpu.memory_space<vmem>> -> memref<128xi32, #tpu.memory_space<vmem>>
      %dma_wait3A_560 = arith.constant 0 : i32
      %dma_wait3A_561 = arith.constant 0 : i32
      %dma_wait3A_562 = tpu.memref_slice %arg3[%dma_wait3A_560, %dma_wait3A_561] : memref<10240x16xf32, #tpu.memory_space<hbm>> -> memref<10240x16xf32, #tpu.memory_space<hbm>>
      %dma_wait3A_563 = tpu.memref_slice %arg10[%dma_wait3A_554] : memref<8x!tpu.dma_semaphore, #tpu.memory_space<semaphore_mem>> -> memref<1x!tpu.dma_semaphore, #tpu.memory_space<semaphore_mem>>
      %dma_wait3A_564 = tpu.memref_squeeze %dma_wait3A_563 : memref<1x!tpu.dma_semaphore, #tpu.memory_space<semaphore_mem>> -> memref<!tpu.dma_semaphore, #tpu.memory_space<semaphore_mem>>
      tpu.wait_indirect_dma semaphore(%dma_wait3A_564 : memref<!tpu.dma_semaphore, #tpu.memory_space<semaphore_mem>>) src(%dma_wait3A_562 : memref<10240x16xf32, #tpu.memory_space<hbm>>) dst(%dma_wait3A_558 : memref<128x16xf32, #tpu.memory_space<vmem>>)
      %add3A_565 = arith.constant 384 : i32
      %add3A_566 = arith.addi %mul3A_362, %add3A_565 : i32
      %dma_start3A_567 = arith.constant 3 : i32
      %dma_start3A_568 = arith.constant 3 : i32
      %dma_start3A_569 = arith.constant 0 : i32
      %dma_start3A_570 = arith.constant 0 : i32
      %dma_start3A_571 = tpu.memref_slice %arg8[%dma_start3A_567, %dma_start3A_569, %dma_start3A_570] : memref<8x128x16xf32, #tpu.memory_space<vmem>> -> memref<1x128x16xf32, #tpu.memory_space<vmem>>
      %dma_start3A_572 = tpu.memref_squeeze %dma_start3A_571 : memref<1x128x16xf32, #tpu.memory_space<vmem>> -> memref<128x16xf32, #tpu.memory_space<vmem>>
      %dma_start3A_573 = tpu.memref_slice %arg7[%add3A_566] : memref<10000xi32, #tpu.memory_space<vmem>> -> memref<128xi32, #tpu.memory_space<vmem>>
      %dma_start3A_574 = arith.constant 0 : i32
      %dma_start3A_575 = arith.constant 0 : i32
      %dma_start3A_576 = tpu.memref_slice %arg9[%dma_start3A_574, %dma_start3A_575] : memref<10240x16xf32, #tpu.memory_space<vmem_shared>> -> memref<10240x16xf32, #tpu.memory_space<vmem_shared>>
      %dma_start3A_577 = tpu.memref_slice %arg11[%dma_start3A_568] : memref<8x!tpu.dma_semaphore, #tpu.memory_space<semaphore_mem>> -> memref<1x!tpu.dma_semaphore, #tpu.memory_space<semaphore_mem>>
      %dma_start3A_578 = tpu.memref_squeeze %dma_start3A_577 : memref<1x!tpu.dma_semaphore, #tpu.memory_space<semaphore_mem>> -> memref<!tpu.dma_semaphore, #tpu.memory_space<semaphore_mem>>
      tpu.enqueue_indirect_dma source(%dma_start3A_572 : memref<128x16xf32, #tpu.memory_space<vmem>>) target(%dma_start3A_576 : memref<10240x16xf32, #tpu.memory_space<vmem_shared>>) offsets(%dma_start3A_573 : memref<128xi32, #tpu.memory_space<vmem>>) semaphore(%dma_start3A_578 : memref<!tpu.dma_semaphore, #tpu.memory_space<semaphore_mem>>) {add = true}
      %dma_wait3A_579 = arith.constant 4 : i32
      %dma_wait3A_580 = arith.constant 4 : i32
      %dma_wait3A_581 = arith.constant 0 : i32
      %dma_wait3A_582 = arith.constant 0 : i32
      %dma_wait3A_583 = tpu.memref_slice %arg8[%dma_wait3A_579, %dma_wait3A_581, %dma_wait3A_582] : memref<8x128x16xf32, #tpu.memory_space<vmem>> -> memref<1x128x16xf32, #tpu.memory_space<vmem>>
      %dma_wait3A_584 = tpu.memref_squeeze %dma_wait3A_583 : memref<1x128x16xf32, #tpu.memory_space<vmem>> -> memref<128x16xf32, #tpu.memory_space<vmem>>
      %dma_wait3A_585 = tpu.memref_slice %arg6[%add3A_420] : memref<10000xi32, #tpu.memory_space<vmem>> -> memref<128xi32, #tpu.memory_space<vmem>>
      %dma_wait3A_586 = arith.constant 0 : i32
      %dma_wait3A_587 = arith.constant 0 : i32
      %dma_wait3A_588 = tpu.memref_slice %arg3[%dma_wait3A_586, %dma_wait3A_587] : memref<10240x16xf32, #tpu.memory_space<hbm>> -> memref<10240x16xf32, #tpu.memory_space<hbm>>
      %dma_wait3A_589 = tpu.memref_slice %arg10[%dma_wait3A_580] : memref<8x!tpu.dma_semaphore, #tpu.memory_space<semaphore_mem>> -> memref<1x!tpu.dma_semaphore, #tpu.memory_space<semaphore_mem>>
      %dma_wait3A_590 = tpu.memref_squeeze %dma_wait3A_589 : memref<1x!tpu.dma_semaphore, #tpu.memory_space<semaphore_mem>> -> memref<!tpu.dma_semaphore, #tpu.memory_space<semaphore_mem>>
      tpu.wait_indirect_dma semaphore(%dma_wait3A_590 : memref<!tpu.dma_semaphore, #tpu.memory_space<semaphore_mem>>) src(%dma_wait3A_588 : memref<10240x16xf32, #tpu.memory_space<hbm>>) dst(%dma_wait3A_584 : memref<128x16xf32, #tpu.memory_space<vmem>>)
      %add3A_591 = arith.constant 512 : i32
      %add3A_592 = arith.addi %mul3A_362, %add3A_591 : i32
      %dma_start3A_593 = arith.constant 4 : i32
      %dma_start3A_594 = arith.constant 4 : i32
      %dma_start3A_595 = arith.constant 0 : i32
      %dma_start3A_596 = arith.constant 0 : i32
      %dma_start3A_597 = tpu.memref_slice %arg8[%dma_start3A_593, %dma_start3A_595, %dma_start3A_596] : memref<8x128x16xf32, #tpu.memory_space<vmem>> -> memref<1x128x16xf32, #tpu.memory_space<vmem>>
      %dma_start3A_598 = tpu.memref_squeeze %dma_start3A_597 : memref<1x128x16xf32, #tpu.memory_space<vmem>> -> memref<128x16xf32, #tpu.memory_space<vmem>>
      %dma_start3A_599 = tpu.memref_slice %arg7[%add3A_592] : memref<10000xi32, #tpu.memory_space<vmem>> -> memref<128xi32, #tpu.memory_space<vmem>>
      %dma_start3A_600 = arith.constant 0 : i32
      %dma_start3A_601 = arith.constant 0 : i32
      %dma_start3A_602 = tpu.memref_slice %arg9[%dma_start3A_600, %dma_start3A_601] : memref<10240x16xf32, #tpu.memory_space<vmem_shared>> -> memref<10240x16xf32, #tpu.memory_space<vmem_shared>>
      %dma_start3A_603 = tpu.memref_slice %arg11[%dma_start3A_594] : memref<8x!tpu.dma_semaphore, #tpu.memory_space<semaphore_mem>> -> memref<1x!tpu.dma_semaphore, #tpu.memory_space<semaphore_mem>>
      %dma_start3A_604 = tpu.memref_squeeze %dma_start3A_603 : memref<1x!tpu.dma_semaphore, #tpu.memory_space<semaphore_mem>> -> memref<!tpu.dma_semaphore, #tpu.memory_space<semaphore_mem>>
      tpu.enqueue_indirect_dma source(%dma_start3A_598 : memref<128x16xf32, #tpu.memory_space<vmem>>) target(%dma_start3A_602 : memref<10240x16xf32, #tpu.memory_space<vmem_shared>>) offsets(%dma_start3A_599 : memref<128xi32, #tpu.memory_space<vmem>>) semaphore(%dma_start3A_604 : memref<!tpu.dma_semaphore, #tpu.memory_space<semaphore_mem>>) {add = true}
      %dma_wait3A_605 = arith.constant 5 : i32
      %dma_wait3A_606 = arith.constant 5 : i32
      %dma_wait3A_607 = arith.constant 0 : i32
      %dma_wait3A_608 = arith.constant 0 : i32
      %dma_wait3A_609 = tpu.memref_slice %arg8[%dma_wait3A_605, %dma_wait3A_607, %dma_wait3A_608] : memref<8x128x16xf32, #tpu.memory_space<vmem>> -> memref<1x128x16xf32, #tpu.memory_space<vmem>>
      %dma_wait3A_610 = tpu.memref_squeeze %dma_wait3A_609 : memref<1x128x16xf32, #tpu.memory_space<vmem>> -> memref<128x16xf32, #tpu.memory_space<vmem>>
      %dma_wait3A_611 = tpu.memref_slice %arg6[%add3A_434] : memref<10000xi32, #tpu.memory_space<vmem>> -> memref<128xi32, #tpu.memory_space<vmem>>
      %dma_wait3A_612 = arith.constant 0 : i32
      %dma_wait3A_613 = arith.constant 0 : i32
      %dma_wait3A_614 = tpu.memref_slice %arg3[%dma_wait3A_612, %dma_wait3A_613] : memref<10240x16xf32, #tpu.memory_space<hbm>> -> memref<10240x16xf32, #tpu.memory_space<hbm>>
      %dma_wait3A_615 = tpu.memref_slice %arg10[%dma_wait3A_606] : memref<8x!tpu.dma_semaphore, #tpu.memory_space<semaphore_mem>> -> memref<1x!tpu.dma_semaphore, #tpu.memory_space<semaphore_mem>>
      %dma_wait3A_616 = tpu.memref_squeeze %dma_wait3A_615 : memref<1x!tpu.dma_semaphore, #tpu.memory_space<semaphore_mem>> -> memref<!tpu.dma_semaphore, #tpu.memory_space<semaphore_mem>>
      tpu.wait_indirect_dma semaphore(%dma_wait3A_616 : memref<!tpu.dma_semaphore, #tpu.memory_space<semaphore_mem>>) src(%dma_wait3A_614 : memref<10240x16xf32, #tpu.memory_space<hbm>>) dst(%dma_wait3A_610 : memref<128x16xf32, #tpu.memory_space<vmem>>)
      %add3A_617 = arith.constant 640 : i32
      %add3A_618 = arith.addi %mul3A_362, %add3A_617 : i32
      %dma_start3A_619 = arith.constant 5 : i32
      %dma_start3A_620 = arith.constant 5 : i32
      %dma_start3A_621 = arith.constant 0 : i32
      %dma_start3A_622 = arith.constant 0 : i32
      %dma_start3A_623 = tpu.memref_slice %arg8[%dma_start3A_619, %dma_start3A_621, %dma_start3A_622] : memref<8x128x16xf32, #tpu.memory_space<vmem>> -> memref<1x128x16xf32, #tpu.memory_space<vmem>>
      %dma_start3A_624 = tpu.memref_squeeze %dma_start3A_623 : memref<1x128x16xf32, #tpu.memory_space<vmem>> -> memref<128x16xf32, #tpu.memory_space<vmem>>
      %dma_start3A_625 = tpu.memref_slice %arg7[%add3A_618] : memref<10000xi32, #tpu.memory_space<vmem>> -> memref<128xi32, #tpu.memory_space<vmem>>
      %dma_start3A_626 = arith.constant 0 : i32
      %dma_start3A_627 = arith.constant 0 : i32
      %dma_start3A_628 = tpu.memref_slice %arg9[%dma_start3A_626, %dma_start3A_627] : memref<10240x16xf32, #tpu.memory_space<vmem_shared>> -> memref<10240x16xf32, #tpu.memory_space<vmem_shared>>
      %dma_start3A_629 = tpu.memref_slice %arg11[%dma_start3A_620] : memref<8x!tpu.dma_semaphore, #tpu.memory_space<semaphore_mem>> -> memref<1x!tpu.dma_semaphore, #tpu.memory_space<semaphore_mem>>
      %dma_start3A_630 = tpu.memref_squeeze %dma_start3A_629 : memref<1x!tpu.dma_semaphore, #tpu.memory_space<semaphore_mem>> -> memref<!tpu.dma_semaphore, #tpu.memory_space<semaphore_mem>>
      tpu.enqueue_indirect_dma source(%dma_start3A_624 : memref<128x16xf32, #tpu.memory_space<vmem>>) target(%dma_start3A_628 : memref<10240x16xf32, #tpu.memory_space<vmem_shared>>) offsets(%dma_start3A_625 : memref<128xi32, #tpu.memory_space<vmem>>) semaphore(%dma_start3A_630 : memref<!tpu.dma_semaphore, #tpu.memory_space<semaphore_mem>>) {add = true}
      %dma_wait3A_631 = arith.constant 6 : i32
      %dma_wait3A_632 = arith.constant 6 : i32
      %dma_wait3A_633 = arith.constant 0 : i32
      %dma_wait3A_634 = arith.constant 0 : i32
      %dma_wait3A_635 = tpu.memref_slice %arg8[%dma_wait3A_631, %dma_wait3A_633, %dma_wait3A_634] : memref<8x128x16xf32, #tpu.memory_space<vmem>> -> memref<1x128x16xf32, #tpu.memory_space<vmem>>
      %dma_wait3A_636 = tpu.memref_squeeze %dma_wait3A_635 : memref<1x128x16xf32, #tpu.memory_space<vmem>> -> memref<128x16xf32, #tpu.memory_space<vmem>>
      %dma_wait3A_637 = tpu.memref_slice %arg6[%add3A_448] : memref<10000xi32, #tpu.memory_space<vmem>> -> memref<128xi32, #tpu.memory_space<vmem>>
      %dma_wait3A_638 = arith.constant 0 : i32
      %dma_wait3A_639 = arith.constant 0 : i32
      %dma_wait3A_640 = tpu.memref_slice %arg3[%dma_wait3A_638, %dma_wait3A_639] : memref<10240x16xf32, #tpu.memory_space<hbm>> -> memref<10240x16xf32, #tpu.memory_space<hbm>>
      %dma_wait3A_641 = tpu.memref_slice %arg10[%dma_wait3A_632] : memref<8x!tpu.dma_semaphore, #tpu.memory_space<semaphore_mem>> -> memref<1x!tpu.dma_semaphore, #tpu.memory_space<semaphore_mem>>
      %dma_wait3A_642 = tpu.memref_squeeze %dma_wait3A_641 : memref<1x!tpu.dma_semaphore, #tpu.memory_space<semaphore_mem>> -> memref<!tpu.dma_semaphore, #tpu.memory_space<semaphore_mem>>
      tpu.wait_indirect_dma semaphore(%dma_wait3A_642 : memref<!tpu.dma_semaphore, #tpu.memory_space<semaphore_mem>>) src(%dma_wait3A_640 : memref<10240x16xf32, #tpu.memory_space<hbm>>) dst(%dma_wait3A_636 : memref<128x16xf32, #tpu.memory_space<vmem>>)
      %add3A_643 = arith.constant 768 : i32
      %add3A_644 = arith.addi %mul3A_362, %add3A_643 : i32
      %dma_start3A_645 = arith.constant 6 : i32
      %dma_start3A_646 = arith.constant 6 : i32
      %dma_start3A_647 = arith.constant 0 : i32
      %dma_start3A_648 = arith.constant 0 : i32
      %dma_start3A_649 = tpu.memref_slice %arg8[%dma_start3A_645, %dma_start3A_647, %dma_start3A_648] : memref<8x128x16xf32, #tpu.memory_space<vmem>> -> memref<1x128x16xf32, #tpu.memory_space<vmem>>
      %dma_start3A_650 = tpu.memref_squeeze %dma_start3A_649 : memref<1x128x16xf32, #tpu.memory_space<vmem>> -> memref<128x16xf32, #tpu.memory_space<vmem>>
      %dma_start3A_651 = tpu.memref_slice %arg7[%add3A_644] : memref<10000xi32, #tpu.memory_space<vmem>> -> memref<128xi32, #tpu.memory_space<vmem>>
      %dma_start3A_652 = arith.constant 0 : i32
      %dma_start3A_653 = arith.constant 0 : i32
      %dma_start3A_654 = tpu.memref_slice %arg9[%dma_start3A_652, %dma_start3A_653] : memref<10240x16xf32, #tpu.memory_space<vmem_shared>> -> memref<10240x16xf32, #tpu.memory_space<vmem_shared>>
      %dma_start3A_655 = tpu.memref_slice %arg11[%dma_start3A_646] : memref<8x!tpu.dma_semaphore, #tpu.memory_space<semaphore_mem>> -> memref<1x!tpu.dma_semaphore, #tpu.memory_space<semaphore_mem>>
      %dma_start3A_656 = tpu.memref_squeeze %dma_start3A_655 : memref<1x!tpu.dma_semaphore, #tpu.memory_space<semaphore_mem>> -> memref<!tpu.dma_semaphore, #tpu.memory_space<semaphore_mem>>
      tpu.enqueue_indirect_dma source(%dma_start3A_650 : memref<128x16xf32, #tpu.memory_space<vmem>>) target(%dma_start3A_654 : memref<10240x16xf32, #tpu.memory_space<vmem_shared>>) offsets(%dma_start3A_651 : memref<128xi32, #tpu.memory_space<vmem>>) semaphore(%dma_start3A_656 : memref<!tpu.dma_semaphore, #tpu.memory_space<semaphore_mem>>) {add = true}
      %dma_wait3A_657 = arith.constant 7 : i32
      %dma_wait3A_658 = arith.constant 7 : i32
      %dma_wait3A_659 = arith.constant 0 : i32
      %dma_wait3A_660 = arith.constant 0 : i32
      %dma_wait3A_661 = tpu.memref_slice %arg8[%dma_wait3A_657, %dma_wait3A_659, %dma_wait3A_660] : memref<8x128x16xf32, #tpu.memory_space<vmem>> -> memref<1x128x16xf32, #tpu.memory_space<vmem>>
      %dma_wait3A_662 = tpu.memref_squeeze %dma_wait3A_661 : memref<1x128x16xf32, #tpu.memory_space<vmem>> -> memref<128x16xf32, #tpu.memory_space<vmem>>
      %dma_wait3A_663 = tpu.memref_slice %arg6[%add3A_462] : memref<10000xi32, #tpu.memory_space<vmem>> -> memref<128xi32, #tpu.memory_space<vmem>>
      %dma_wait3A_664 = arith.constant 0 : i32
      %dma_wait3A_665 = arith.constant 0 : i32
      %dma_wait3A_666 = tpu.memref_slice %arg3[%dma_wait3A_664, %dma_wait3A_665] : memref<10240x16xf32, #tpu.memory_space<hbm>> -> memref<10240x16xf32, #tpu.memory_space<hbm>>
      %dma_wait3A_667 = tpu.memref_slice %arg10[%dma_wait3A_658] : memref<8x!tpu.dma_semaphore, #tpu.memory_space<semaphore_mem>> -> memref<1x!tpu.dma_semaphore, #tpu.memory_space<semaphore_mem>>
      %dma_wait3A_668 = tpu.memref_squeeze %dma_wait3A_667 : memref<1x!tpu.dma_semaphore, #tpu.memory_space<semaphore_mem>> -> memref<!tpu.dma_semaphore, #tpu.memory_space<semaphore_mem>>
      tpu.wait_indirect_dma semaphore(%dma_wait3A_668 : memref<!tpu.dma_semaphore, #tpu.memory_space<semaphore_mem>>) src(%dma_wait3A_666 : memref<10240x16xf32, #tpu.memory_space<hbm>>) dst(%dma_wait3A_662 : memref<128x16xf32, #tpu.memory_space<vmem>>)
      %add3A_669 = arith.constant 896 : i32
      %add3A_670 = arith.addi %mul3A_362, %add3A_669 : i32
      %dma_start3A_671 = arith.constant 7 : i32
      %dma_start3A_672 = arith.constant 7 : i32
      %dma_start3A_673 = arith.constant 0 : i32
      %dma_start3A_674 = arith.constant 0 : i32
      %dma_start3A_675 = tpu.memref_slice %arg8[%dma_start3A_671, %dma_start3A_673, %dma_start3A_674] : memref<8x128x16xf32, #tpu.memory_space<vmem>> -> memref<1x128x16xf32, #tpu.memory_space<vmem>>
      %dma_start3A_676 = tpu.memref_squeeze %dma_start3A_675 : memref<1x128x16xf32, #tpu.memory_space<vmem>> -> memref<128x16xf32, #tpu.memory_space<vmem>>
      %dma_start3A_677 = tpu.memref_slice %arg7[%add3A_670] : memref<10000xi32, #tpu.memory_space<vmem>> -> memref<128xi32, #tpu.memory_space<vmem>>
      %dma_start3A_678 = arith.constant 0 : i32
      %dma_start3A_679 = arith.constant 0 : i32
      %dma_start3A_680 = tpu.memref_slice %arg9[%dma_start3A_678, %dma_start3A_679] : memref<10240x16xf32, #tpu.memory_space<vmem_shared>> -> memref<10240x16xf32, #tpu.memory_space<vmem_shared>>
      %dma_start3A_681 = tpu.memref_slice %arg11[%dma_start3A_672] : memref<8x!tpu.dma_semaphore, #tpu.memory_space<semaphore_mem>> -> memref<1x!tpu.dma_semaphore, #tpu.memory_space<semaphore_mem>>
      %dma_start3A_682 = tpu.memref_squeeze %dma_start3A_681 : memref<1x!tpu.dma_semaphore, #tpu.memory_space<semaphore_mem>> -> memref<!tpu.dma_semaphore, #tpu.memory_space<semaphore_mem>>
      tpu.enqueue_indirect_dma source(%dma_start3A_676 : memref<128x16xf32, #tpu.memory_space<vmem>>) target(%dma_start3A_680 : memref<10240x16xf32, #tpu.memory_space<vmem_shared>>) offsets(%dma_start3A_677 : memref<128xi32, #tpu.memory_space<vmem>>) semaphore(%dma_start3A_682 : memref<!tpu.dma_semaphore, #tpu.memory_space<semaphore_mem>>) {add = true}
      %dma_wait3A_683 = arith.constant 0 : i32
      %dma_wait3A_684 = arith.constant 0 : i32
      %dma_wait3A_685 = arith.constant 0 : i32
      %dma_wait3A_686 = arith.constant 0 : i32
      %dma_wait3A_687 = tpu.memref_slice %arg8[%dma_wait3A_683, %dma_wait3A_685, %dma_wait3A_686] : memref<8x128x16xf32, #tpu.memory_space<vmem>> -> memref<1x128x16xf32, #tpu.memory_space<vmem>>
      %dma_wait3A_688 = tpu.memref_squeeze %dma_wait3A_687 : memref<1x128x16xf32, #tpu.memory_space<vmem>> -> memref<128x16xf32, #tpu.memory_space<vmem>>
      %dma_wait3A_689 = tpu.memref_slice %arg7[%add3A_488] : memref<10000xi32, #tpu.memory_space<vmem>> -> memref<128xi32, #tpu.memory_space<vmem>>
      %dma_wait3A_690 = arith.constant 0 : i32
      %dma_wait3A_691 = arith.constant 0 : i32
      %dma_wait3A_692 = tpu.memref_slice %arg9[%dma_wait3A_690, %dma_wait3A_691] : memref<10240x16xf32, #tpu.memory_space<vmem_shared>> -> memref<10240x16xf32, #tpu.memory_space<vmem_shared>>
      %dma_wait3A_693 = tpu.memref_slice %arg11[%dma_wait3A_684] : memref<8x!tpu.dma_semaphore, #tpu.memory_space<semaphore_mem>> -> memref<1x!tpu.dma_semaphore, #tpu.memory_space<semaphore_mem>>
      %dma_wait3A_694 = tpu.memref_squeeze %dma_wait3A_693 : memref<1x!tpu.dma_semaphore, #tpu.memory_space<semaphore_mem>> -> memref<!tpu.dma_semaphore, #tpu.memory_space<semaphore_mem>>
      tpu.wait_indirect_dma semaphore(%dma_wait3A_694 : memref<!tpu.dma_semaphore, #tpu.memory_space<semaphore_mem>>) src(%dma_wait3A_688 : memref<128x16xf32, #tpu.memory_space<vmem>>) dst(%dma_wait3A_692 : memref<10240x16xf32, #tpu.memory_space<vmem_shared>>)
      %dma_wait3A_695 = arith.constant 1 : i32
      %dma_wait3A_696 = arith.constant 1 : i32
      %dma_wait3A_697 = arith.constant 0 : i32
      %dma_wait3A_698 = arith.constant 0 : i32
      %dma_wait3A_699 = tpu.memref_slice %arg8[%dma_wait3A_695, %dma_wait3A_697, %dma_wait3A_698] : memref<8x128x16xf32, #tpu.memory_space<vmem>> -> memref<1x128x16xf32, #tpu.memory_space<vmem>>
      %dma_wait3A_700 = tpu.memref_squeeze %dma_wait3A_699 : memref<1x128x16xf32, #tpu.memory_space<vmem>> -> memref<128x16xf32, #tpu.memory_space<vmem>>
      %dma_wait3A_701 = tpu.memref_slice %arg7[%add3A_514] : memref<10000xi32, #tpu.memory_space<vmem>> -> memref<128xi32, #tpu.memory_space<vmem>>
      %dma_wait3A_702 = arith.constant 0 : i32
      %dma_wait3A_703 = arith.constant 0 : i32
      %dma_wait3A_704 = tpu.memref_slice %arg9[%dma_wait3A_702, %dma_wait3A_703] : memref<10240x16xf32, #tpu.memory_space<vmem_shared>> -> memref<10240x16xf32, #tpu.memory_space<vmem_shared>>
      %dma_wait3A_705 = tpu.memref_slice %arg11[%dma_wait3A_696] : memref<8x!tpu.dma_semaphore, #tpu.memory_space<semaphore_mem>> -> memref<1x!tpu.dma_semaphore, #tpu.memory_space<semaphore_mem>>
      %dma_wait3A_706 = tpu.memref_squeeze %dma_wait3A_705 : memref<1x!tpu.dma_semaphore, #tpu.memory_space<semaphore_mem>> -> memref<!tpu.dma_semaphore, #tpu.memory_space<semaphore_mem>>
      tpu.wait_indirect_dma semaphore(%dma_wait3A_706 : memref<!tpu.dma_semaphore, #tpu.memory_space<semaphore_mem>>) src(%dma_wait3A_700 : memref<128x16xf32, #tpu.memory_space<vmem>>) dst(%dma_wait3A_704 : memref<10240x16xf32, #tpu.memory_space<vmem_shared>>)
      %dma_wait3A_707 = arith.constant 2 : i32
      %dma_wait3A_708 = arith.constant 2 : i32
      %dma_wait3A_709 = arith.constant 0 : i32
      %dma_wait3A_710 = arith.constant 0 : i32
      %dma_wait3A_711 = tpu.memref_slice %arg8[%dma_wait3A_707, %dma_wait3A_709, %dma_wait3A_710] : memref<8x128x16xf32, #tpu.memory_space<vmem>> -> memref<1x128x16xf32, #tpu.memory_space<vmem>>
      %dma_wait3A_712 = tpu.memref_squeeze %dma_wait3A_711 : memref<1x128x16xf32, #tpu.memory_space<vmem>> -> memref<128x16xf32, #tpu.memory_space<vmem>>
      %dma_wait3A_713 = tpu.memref_slice %arg7[%add3A_540] : memref<10000xi32, #tpu.memory_space<vmem>> -> memref<128xi32, #tpu.memory_space<vmem>>
      %dma_wait3A_714 = arith.constant 0 : i32
      %dma_wait3A_715 = arith.constant 0 : i32
      %dma_wait3A_716 = tpu.memref_slice %arg9[%dma_wait3A_714, %dma_wait3A_715] : memref<10240x16xf32, #tpu.memory_space<vmem_shared>> -> memref<10240x16xf32, #tpu.memory_space<vmem_shared>>
      %dma_wait3A_717 = tpu.memref_slice %arg11[%dma_wait3A_708] : memref<8x!tpu.dma_semaphore, #tpu.memory_space<semaphore_mem>> -> memref<1x!tpu.dma_semaphore, #tpu.memory_space<semaphore_mem>>
      %dma_wait3A_718 = tpu.memref_squeeze %dma_wait3A_717 : memref<1x!tpu.dma_semaphore, #tpu.memory_space<semaphore_mem>> -> memref<!tpu.dma_semaphore, #tpu.memory_space<semaphore_mem>>
      tpu.wait_indirect_dma semaphore(%dma_wait3A_718 : memref<!tpu.dma_semaphore, #tpu.memory_space<semaphore_mem>>) src(%dma_wait3A_712 : memref<128x16xf32, #tpu.memory_space<vmem>>) dst(%dma_wait3A_716 : memref<10240x16xf32, #tpu.memory_space<vmem_shared>>)
      %dma_wait3A_719 = arith.constant 3 : i32
      %dma_wait3A_720 = arith.constant 3 : i32
      %dma_wait3A_721 = arith.constant 0 : i32
      %dma_wait3A_722 = arith.constant 0 : i32
      %dma_wait3A_723 = tpu.memref_slice %arg8[%dma_wait3A_719, %dma_wait3A_721, %dma_wait3A_722] : memref<8x128x16xf32, #tpu.memory_space<vmem>> -> memref<1x128x16xf32, #tpu.memory_space<vmem>>
      %dma_wait3A_724 = tpu.memref_squeeze %dma_wait3A_723 : memref<1x128x16xf32, #tpu.memory_space<vmem>> -> memref<128x16xf32, #tpu.memory_space<vmem>>
      %dma_wait3A_725 = tpu.memref_slice %arg7[%add3A_566] : memref<10000xi32, #tpu.memory_space<vmem>> -> memref<128xi32, #tpu.memory_space<vmem>>
      %dma_wait3A_726 = arith.constant 0 : i32
      %dma_wait3A_727 = arith.constant 0 : i32
      %dma_wait3A_728 = tpu.memref_slice %arg9[%dma_wait3A_726, %dma_wait3A_727] : memref<10240x16xf32, #tpu.memory_space<vmem_shared>> -> memref<10240x16xf32, #tpu.memory_space<vmem_shared>>
      %dma_wait3A_729 = tpu.memref_slice %arg11[%dma_wait3A_720] : memref<8x!tpu.dma_semaphore, #tpu.memory_space<semaphore_mem>> -> memref<1x!tpu.dma_semaphore, #tpu.memory_space<semaphore_mem>>
      %dma_wait3A_730 = tpu.memref_squeeze %dma_wait3A_729 : memref<1x!tpu.dma_semaphore, #tpu.memory_space<semaphore_mem>> -> memref<!tpu.dma_semaphore, #tpu.memory_space<semaphore_mem>>
      tpu.wait_indirect_dma semaphore(%dma_wait3A_730 : memref<!tpu.dma_semaphore, #tpu.memory_space<semaphore_mem>>) src(%dma_wait3A_724 : memref<128x16xf32, #tpu.memory_space<vmem>>) dst(%dma_wait3A_728 : memref<10240x16xf32, #tpu.memory_space<vmem_shared>>)
      %dma_wait3A_731 = arith.constant 4 : i32
      %dma_wait3A_732 = arith.constant 4 : i32
      %dma_wait3A_733 = arith.constant 0 : i32
      %dma_wait3A_734 = arith.constant 0 : i32
      %dma_wait3A_735 = tpu.memref_slice %arg8[%dma_wait3A_731, %dma_wait3A_733, %dma_wait3A_734] : memref<8x128x16xf32, #tpu.memory_space<vmem>> -> memref<1x128x16xf32, #tpu.memory_space<vmem>>
      %dma_wait3A_736 = tpu.memref_squeeze %dma_wait3A_735 : memref<1x128x16xf32, #tpu.memory_space<vmem>> -> memref<128x16xf32, #tpu.memory_space<vmem>>
      %dma_wait3A_737 = tpu.memref_slice %arg7[%add3A_592] : memref<10000xi32, #tpu.memory_space<vmem>> -> memref<128xi32, #tpu.memory_space<vmem>>
      %dma_wait3A_738 = arith.constant 0 : i32
      %dma_wait3A_739 = arith.constant 0 : i32
      %dma_wait3A_740 = tpu.memref_slice %arg9[%dma_wait3A_738, %dma_wait3A_739] : memref<10240x16xf32, #tpu.memory_space<vmem_shared>> -> memref<10240x16xf32, #tpu.memory_space<vmem_shared>>
      %dma_wait3A_741 = tpu.memref_slice %arg11[%dma_wait3A_732] : memref<8x!tpu.dma_semaphore, #tpu.memory_space<semaphore_mem>> -> memref<1x!tpu.dma_semaphore, #tpu.memory_space<semaphore_mem>>
      %dma_wait3A_742 = tpu.memref_squeeze %dma_wait3A_741 : memref<1x!tpu.dma_semaphore, #tpu.memory_space<semaphore_mem>> -> memref<!tpu.dma_semaphore, #tpu.memory_space<semaphore_mem>>
      tpu.wait_indirect_dma semaphore(%dma_wait3A_742 : memref<!tpu.dma_semaphore, #tpu.memory_space<semaphore_mem>>) src(%dma_wait3A_736 : memref<128x16xf32, #tpu.memory_space<vmem>>) dst(%dma_wait3A_740 : memref<10240x16xf32, #tpu.memory_space<vmem_shared>>)
      %dma_wait3A_743 = arith.constant 5 : i32
      %dma_wait3A_744 = arith.constant 5 : i32
      %dma_wait3A_745 = arith.constant 0 : i32
      %dma_wait3A_746 = arith.constant 0 : i32
      %dma_wait3A_747 = tpu.memref_slice %arg8[%dma_wait3A_743, %dma_wait3A_745, %dma_wait3A_746] : memref<8x128x16xf32, #tpu.memory_space<vmem>> -> memref<1x128x16xf32, #tpu.memory_space<vmem>>
      %dma_wait3A_748 = tpu.memref_squeeze %dma_wait3A_747 : memref<1x128x16xf32, #tpu.memory_space<vmem>> -> memref<128x16xf32, #tpu.memory_space<vmem>>
      %dma_wait3A_749 = tpu.memref_slice %arg7[%add3A_618] : memref<10000xi32, #tpu.memory_space<vmem>> -> memref<128xi32, #tpu.memory_space<vmem>>
      %dma_wait3A_750 = arith.constant 0 : i32
      %dma_wait3A_751 = arith.constant 0 : i32
      %dma_wait3A_752 = tpu.memref_slice %arg9[%dma_wait3A_750, %dma_wait3A_751] : memref<10240x16xf32, #tpu.memory_space<vmem_shared>> -> memref<10240x16xf32, #tpu.memory_space<vmem_shared>>
      %dma_wait3A_753 = tpu.memref_slice %arg11[%dma_wait3A_744] : memref<8x!tpu.dma_semaphore, #tpu.memory_space<semaphore_mem>> -> memref<1x!tpu.dma_semaphore, #tpu.memory_space<semaphore_mem>>
      %dma_wait3A_754 = tpu.memref_squeeze %dma_wait3A_753 : memref<1x!tpu.dma_semaphore, #tpu.memory_space<semaphore_mem>> -> memref<!tpu.dma_semaphore, #tpu.memory_space<semaphore_mem>>
      tpu.wait_indirect_dma semaphore(%dma_wait3A_754 : memref<!tpu.dma_semaphore, #tpu.memory_space<semaphore_mem>>) src(%dma_wait3A_748 : memref<128x16xf32, #tpu.memory_space<vmem>>) dst(%dma_wait3A_752 : memref<10240x16xf32, #tpu.memory_space<vmem_shared>>)
      %dma_wait3A_755 = arith.constant 6 : i32
      %dma_wait3A_756 = arith.constant 6 : i32
      %dma_wait3A_757 = arith.constant 0 : i32
      %dma_wait3A_758 = arith.constant 0 : i32
      %dma_wait3A_759 = tpu.memref_slice %arg8[%dma_wait3A_755, %dma_wait3A_757, %dma_wait3A_758] : memref<8x128x16xf32, #tpu.memory_space<vmem>> -> memref<1x128x16xf32, #tpu.memory_space<vmem>>
      %dma_wait3A_760 = tpu.memref_squeeze %dma_wait3A_759 : memref<1x128x16xf32, #tpu.memory_space<vmem>> -> memref<128x16xf32, #tpu.memory_space<vmem>>
      %dma_wait3A_761 = tpu.memref_slice %arg7[%add3A_644] : memref<10000xi32, #tpu.memory_space<vmem>> -> memref<128xi32, #tpu.memory_space<vmem>>
      %dma_wait3A_762 = arith.constant 0 : i32
      %dma_wait3A_763 = arith.constant 0 : i32
      %dma_wait3A_764 = tpu.memref_slice %arg9[%dma_wait3A_762, %dma_wait3A_763] : memref<10240x16xf32, #tpu.memory_space<vmem_shared>> -> memref<10240x16xf32, #tpu.memory_space<vmem_shared>>
      %dma_wait3A_765 = tpu.memref_slice %arg11[%dma_wait3A_756] : memref<8x!tpu.dma_semaphore, #tpu.memory_space<semaphore_mem>> -> memref<1x!tpu.dma_semaphore, #tpu.memory_space<semaphore_mem>>
      %dma_wait3A_766 = tpu.memref_squeeze %dma_wait3A_765 : memref<1x!tpu.dma_semaphore, #tpu.memory_space<semaphore_mem>> -> memref<!tpu.dma_semaphore, #tpu.memory_space<semaphore_mem>>
      tpu.wait_indirect_dma semaphore(%dma_wait3A_766 : memref<!tpu.dma_semaphore, #tpu.memory_space<semaphore_mem>>) src(%dma_wait3A_760 : memref<128x16xf32, #tpu.memory_space<vmem>>) dst(%dma_wait3A_764 : memref<10240x16xf32, #tpu.memory_space<vmem_shared>>)
      %dma_wait3A_767 = arith.constant 7 : i32
      %dma_wait3A_768 = arith.constant 7 : i32
      %dma_wait3A_769 = arith.constant 0 : i32
      %dma_wait3A_770 = arith.constant 0 : i32
      %dma_wait3A_771 = tpu.memref_slice %arg8[%dma_wait3A_767, %dma_wait3A_769, %dma_wait3A_770] : memref<8x128x16xf32, #tpu.memory_space<vmem>> -> memref<1x128x16xf32, #tpu.memory_space<vmem>>
      %dma_wait3A_772 = tpu.memref_squeeze %dma_wait3A_771 : memref<1x128x16xf32, #tpu.memory_space<vmem>> -> memref<128x16xf32, #tpu.memory_space<vmem>>
      %dma_wait3A_773 = tpu.memref_slice %arg7[%add3A_670] : memref<10000xi32, #tpu.memory_space<vmem>> -> memref<128xi32, #tpu.memory_space<vmem>>
      %dma_wait3A_774 = arith.constant 0 : i32
      %dma_wait3A_775 = arith.constant 0 : i32
      %dma_wait3A_776 = tpu.memref_slice %arg9[%dma_wait3A_774, %dma_wait3A_775] : memref<10240x16xf32, #tpu.memory_space<vmem_shared>> -> memref<10240x16xf32, #tpu.memory_space<vmem_shared>>
      %dma_wait3A_777 = tpu.memref_slice %arg11[%dma_wait3A_768] : memref<8x!tpu.dma_semaphore, #tpu.memory_space<semaphore_mem>> -> memref<1x!tpu.dma_semaphore, #tpu.memory_space<semaphore_mem>>
      %dma_wait3A_778 = tpu.memref_squeeze %dma_wait3A_777 : memref<1x!tpu.dma_semaphore, #tpu.memory_space<semaphore_mem>> -> memref<!tpu.dma_semaphore, #tpu.memory_space<semaphore_mem>>
      tpu.wait_indirect_dma semaphore(%dma_wait3A_778 : memref<!tpu.dma_semaphore, #tpu.memory_space<semaphore_mem>>) src(%dma_wait3A_772 : memref<128x16xf32, #tpu.memory_space<vmem>>) dst(%dma_wait3A_776 : memref<10240x16xf32, #tpu.memory_space<vmem_shared>>)
    }
    %scan3A_11 = arith.constant 9 : i32
    %dma_start3A = arith.constant 0 : i32
    %dma_start3A_12 = arith.constant 0 : i32
    %dma_start3A_13 = arith.constant 0 : i32
    %dma_start3A_14 = arith.constant 0 : i32
    %dma_start3A_15 = tpu.memref_slice %arg8[%dma_start3A, %dma_start3A_13, %dma_start3A_14] : memref<8x128x16xf32, #tpu.memory_space<vmem>> -> memref<1x128x16xf32, #tpu.memory_space<vmem>>
    %dma_start3A_16 = tpu.memref_squeeze %dma_start3A_15 : memref<1x128x16xf32, #tpu.memory_space<vmem>> -> memref<128x16xf32, #tpu.memory_space<vmem>>
    %dma_start3A_17 = arith.constant 9216 : i32
    %dma_start3A_18 = tpu.memref_slice %arg6[%dma_start3A_17] : memref<10000xi32, #tpu.memory_space<vmem>> -> memref<128xi32, #tpu.memory_space<vmem>>
    %dma_start3A_19 = arith.constant 0 : i32
    %dma_start3A_20 = arith.constant 0 : i32
    %dma_start3A_21 = tpu.memref_slice %arg3[%dma_start3A_19, %dma_start3A_20] : memref<10240x16xf32, #tpu.memory_space<hbm>> -> memref<10240x16xf32, #tpu.memory_space<hbm>>
    %dma_start3A_22 = tpu.memref_slice %arg10[%dma_start3A_12] : memref<8x!tpu.dma_semaphore, #tpu.memory_space<semaphore_mem>> -> memref<1x!tpu.dma_semaphore, #tpu.memory_space<semaphore_mem>>
    %dma_start3A_23 = tpu.memref_squeeze %dma_start3A_22 : memref<1x!tpu.dma_semaphore, #tpu.memory_space<semaphore_mem>> -> memref<!tpu.dma_semaphore, #tpu.memory_space<semaphore_mem>>
    tpu.enqueue_indirect_dma source(%dma_start3A_21 : memref<10240x16xf32, #tpu.memory_space<hbm>>) target(%dma_start3A_16 : memref<128x16xf32, #tpu.memory_space<vmem>>) offsets(%dma_start3A_18 : memref<128xi32, #tpu.memory_space<vmem>>) semaphore(%dma_start3A_23 : memref<!tpu.dma_semaphore, #tpu.memory_space<semaphore_mem>>)
    %dma_start3A_24 = arith.constant 1 : i32
    %dma_start3A_25 = arith.constant 1 : i32
    %dma_start3A_26 = arith.constant 0 : i32
    %dma_start3A_27 = arith.constant 0 : i32
    %dma_start3A_28 = tpu.memref_slice %arg8[%dma_start3A_24, %dma_start3A_26, %dma_start3A_27] : memref<8x128x16xf32, #tpu.memory_space<vmem>> -> memref<1x128x16xf32, #tpu.memory_space<vmem>>
    %dma_start3A_29 = tpu.memref_squeeze %dma_start3A_28 : memref<1x128x16xf32, #tpu.memory_space<vmem>> -> memref<128x16xf32, #tpu.memory_space<vmem>>
    %dma_start3A_30 = arith.constant 9344 : i32
    %dma_start3A_31 = tpu.memref_slice %arg6[%dma_start3A_30] : memref<10000xi32, #tpu.memory_space<vmem>> -> memref<128xi32, #tpu.memory_space<vmem>>
    %dma_start3A_32 = arith.constant 0 : i32
    %dma_start3A_33 = arith.constant 0 : i32
    %dma_start3A_34 = tpu.memref_slice %arg3[%dma_start3A_32, %dma_start3A_33] : memref<10240x16xf32, #tpu.memory_space<hbm>> -> memref<10240x16xf32, #tpu.memory_space<hbm>>
    %dma_start3A_35 = tpu.memref_slice %arg10[%dma_start3A_25] : memref<8x!tpu.dma_semaphore, #tpu.memory_space<semaphore_mem>> -> memref<1x!tpu.dma_semaphore, #tpu.memory_space<semaphore_mem>>
    %dma_start3A_36 = tpu.memref_squeeze %dma_start3A_35 : memref<1x!tpu.dma_semaphore, #tpu.memory_space<semaphore_mem>> -> memref<!tpu.dma_semaphore, #tpu.memory_space<semaphore_mem>>
    tpu.enqueue_indirect_dma source(%dma_start3A_34 : memref<10240x16xf32, #tpu.memory_space<hbm>>) target(%dma_start3A_29 : memref<128x16xf32, #tpu.memory_space<vmem>>) offsets(%dma_start3A_31 : memref<128xi32, #tpu.memory_space<vmem>>) semaphore(%dma_start3A_36 : memref<!tpu.dma_semaphore, #tpu.memory_space<semaphore_mem>>)
    %dma_start3A_37 = arith.constant 2 : i32
    %dma_start3A_38 = arith.constant 2 : i32
    %dma_start3A_39 = arith.constant 0 : i32
    %dma_start3A_40 = arith.constant 0 : i32
    %dma_start3A_41 = tpu.memref_slice %arg8[%dma_start3A_37, %dma_start3A_39, %dma_start3A_40] : memref<8x128x16xf32, #tpu.memory_space<vmem>> -> memref<1x128x16xf32, #tpu.memory_space<vmem>>
    %dma_start3A_42 = tpu.memref_squeeze %dma_start3A_41 : memref<1x128x16xf32, #tpu.memory_space<vmem>> -> memref<128x16xf32, #tpu.memory_space<vmem>>
    %dma_start3A_43 = arith.constant 9472 : i32
    %dma_start3A_44 = tpu.memref_slice %arg6[%dma_start3A_43] : memref<10000xi32, #tpu.memory_space<vmem>> -> memref<128xi32, #tpu.memory_space<vmem>>
    %dma_start3A_45 = arith.constant 0 : i32
    %dma_start3A_46 = arith.constant 0 : i32
    %dma_start3A_47 = tpu.memref_slice %arg3[%dma_start3A_45, %dma_start3A_46] : memref<10240x16xf32, #tpu.memory_space<hbm>> -> memref<10240x16xf32, #tpu.memory_space<hbm>>
    %dma_start3A_48 = tpu.memref_slice %arg10[%dma_start3A_38] : memref<8x!tpu.dma_semaphore, #tpu.memory_space<semaphore_mem>> -> memref<1x!tpu.dma_semaphore, #tpu.memory_space<semaphore_mem>>
    %dma_start3A_49 = tpu.memref_squeeze %dma_start3A_48 : memref<1x!tpu.dma_semaphore, #tpu.memory_space<semaphore_mem>> -> memref<!tpu.dma_semaphore, #tpu.memory_space<semaphore_mem>>
    tpu.enqueue_indirect_dma source(%dma_start3A_47 : memref<10240x16xf32, #tpu.memory_space<hbm>>) target(%dma_start3A_42 : memref<128x16xf32, #tpu.memory_space<vmem>>) offsets(%dma_start3A_44 : memref<128xi32, #tpu.memory_space<vmem>>) semaphore(%dma_start3A_49 : memref<!tpu.dma_semaphore, #tpu.memory_space<semaphore_mem>>)
    %dma_start3A_50 = arith.constant 3 : i32
    %dma_start3A_51 = arith.constant 3 : i32
    %dma_start3A_52 = arith.constant 0 : i32
    %dma_start3A_53 = arith.constant 0 : i32
    %dma_start3A_54 = tpu.memref_slice %arg8[%dma_start3A_50, %dma_start3A_52, %dma_start3A_53] : memref<8x128x16xf32, #tpu.memory_space<vmem>> -> memref<1x128x16xf32, #tpu.memory_space<vmem>>
    %dma_start3A_55 = tpu.memref_squeeze %dma_start3A_54 : memref<1x128x16xf32, #tpu.memory_space<vmem>> -> memref<128x16xf32, #tpu.memory_space<vmem>>
    %dma_start3A_56 = arith.constant 9600 : i32
    %dma_start3A_57 = tpu.memref_slice %arg6[%dma_start3A_56] : memref<10000xi32, #tpu.memory_space<vmem>> -> memref<128xi32, #tpu.memory_space<vmem>>
    %dma_start3A_58 = arith.constant 0 : i32
    %dma_start3A_59 = arith.constant 0 : i32
    %dma_start3A_60 = tpu.memref_slice %arg3[%dma_start3A_58, %dma_start3A_59] : memref<10240x16xf32, #tpu.memory_space<hbm>> -> memref<10240x16xf32, #tpu.memory_space<hbm>>
    %dma_start3A_61 = tpu.memref_slice %arg10[%dma_start3A_51] : memref<8x!tpu.dma_semaphore, #tpu.memory_space<semaphore_mem>> -> memref<1x!tpu.dma_semaphore, #tpu.memory_space<semaphore_mem>>
    %dma_start3A_62 = tpu.memref_squeeze %dma_start3A_61 : memref<1x!tpu.dma_semaphore, #tpu.memory_space<semaphore_mem>> -> memref<!tpu.dma_semaphore, #tpu.memory_space<semaphore_mem>>
    tpu.enqueue_indirect_dma source(%dma_start3A_60 : memref<10240x16xf32, #tpu.memory_space<hbm>>) target(%dma_start3A_55 : memref<128x16xf32, #tpu.memory_space<vmem>>) offsets(%dma_start3A_57 : memref<128xi32, #tpu.memory_space<vmem>>) semaphore(%dma_start3A_62 : memref<!tpu.dma_semaphore, #tpu.memory_space<semaphore_mem>>)
    %dma_start3A_63 = arith.constant 4 : i32
    %dma_start3A_64 = arith.constant 4 : i32
    %dma_start3A_65 = arith.constant 0 : i32
    %dma_start3A_66 = arith.constant 0 : i32
    %dma_start3A_67 = tpu.memref_slice %arg8[%dma_start3A_63, %dma_start3A_65, %dma_start3A_66] : memref<8x128x16xf32, #tpu.memory_space<vmem>> -> memref<1x128x16xf32, #tpu.memory_space<vmem>>
    %dma_start3A_68 = tpu.memref_squeeze %dma_start3A_67 : memref<1x128x16xf32, #tpu.memory_space<vmem>> -> memref<128x16xf32, #tpu.memory_space<vmem>>
    %dma_start3A_69 = arith.constant 9728 : i32
    %dma_start3A_70 = tpu.memref_slice %arg6[%dma_start3A_69] : memref<10000xi32, #tpu.memory_space<vmem>> -> memref<128xi32, #tpu.memory_space<vmem>>
    %dma_start3A_71 = arith.constant 0 : i32
    %dma_start3A_72 = arith.constant 0 : i32
    %dma_start3A_73 = tpu.memref_slice %arg3[%dma_start3A_71, %dma_start3A_72] : memref<10240x16xf32, #tpu.memory_space<hbm>> -> memref<10240x16xf32, #tpu.memory_space<hbm>>
    %dma_start3A_74 = tpu.memref_slice %arg10[%dma_start3A_64] : memref<8x!tpu.dma_semaphore, #tpu.memory_space<semaphore_mem>> -> memref<1x!tpu.dma_semaphore, #tpu.memory_space<semaphore_mem>>
    %dma_start3A_75 = tpu.memref_squeeze %dma_start3A_74 : memref<1x!tpu.dma_semaphore, #tpu.memory_space<semaphore_mem>> -> memref<!tpu.dma_semaphore, #tpu.memory_space<semaphore_mem>>
    tpu.enqueue_indirect_dma source(%dma_start3A_73 : memref<10240x16xf32, #tpu.memory_space<hbm>>) target(%dma_start3A_68 : memref<128x16xf32, #tpu.memory_space<vmem>>) offsets(%dma_start3A_70 : memref<128xi32, #tpu.memory_space<vmem>>) semaphore(%dma_start3A_75 : memref<!tpu.dma_semaphore, #tpu.memory_space<semaphore_mem>>)
    %dma_start3A_76 = arith.constant 5 : i32
    %dma_start3A_77 = arith.constant 5 : i32
    %dma_start3A_78 = arith.constant 0 : i32
    %dma_start3A_79 = arith.constant 0 : i32
    %dma_start3A_80 = tpu.memref_slice %arg8[%dma_start3A_76, %dma_start3A_78, %dma_start3A_79] : memref<8x128x16xf32, #tpu.memory_space<vmem>> -> memref<1x128x16xf32, #tpu.memory_space<vmem>>
    %dma_start3A_81 = tpu.memref_squeeze %dma_start3A_80 : memref<1x128x16xf32, #tpu.memory_space<vmem>> -> memref<128x16xf32, #tpu.memory_space<vmem>>
    %dma_start3A_82 = arith.constant 9856 : i32
    %dma_start3A_83 = tpu.memref_slice %arg6[%dma_start3A_82] : memref<10000xi32, #tpu.memory_space<vmem>> -> memref<128xi32, #tpu.memory_space<vmem>>
    %dma_start3A_84 = arith.constant 0 : i32
    %dma_start3A_85 = arith.constant 0 : i32
    %dma_start3A_86 = tpu.memref_slice %arg3[%dma_start3A_84, %dma_start3A_85] : memref<10240x16xf32, #tpu.memory_space<hbm>> -> memref<10240x16xf32, #tpu.memory_space<hbm>>
    %dma_start3A_87 = tpu.memref_slice %arg10[%dma_start3A_77] : memref<8x!tpu.dma_semaphore, #tpu.memory_space<semaphore_mem>> -> memref<1x!tpu.dma_semaphore, #tpu.memory_space<semaphore_mem>>
    %dma_start3A_88 = tpu.memref_squeeze %dma_start3A_87 : memref<1x!tpu.dma_semaphore, #tpu.memory_space<semaphore_mem>> -> memref<!tpu.dma_semaphore, #tpu.memory_space<semaphore_mem>>
    tpu.enqueue_indirect_dma source(%dma_start3A_86 : memref<10240x16xf32, #tpu.memory_space<hbm>>) target(%dma_start3A_81 : memref<128x16xf32, #tpu.memory_space<vmem>>) offsets(%dma_start3A_83 : memref<128xi32, #tpu.memory_space<vmem>>) semaphore(%dma_start3A_88 : memref<!tpu.dma_semaphore, #tpu.memory_space<semaphore_mem>>)
    %dma_wait3A = arith.constant 0 : i32
    %dma_wait3A_89 = arith.constant 0 : i32
    %dma_wait3A_90 = arith.constant 0 : i32
    %dma_wait3A_91 = arith.constant 0 : i32
    %dma_wait3A_92 = tpu.memref_slice %arg8[%dma_wait3A, %dma_wait3A_90, %dma_wait3A_91] : memref<8x128x16xf32, #tpu.memory_space<vmem>> -> memref<1x128x16xf32, #tpu.memory_space<vmem>>
    %dma_wait3A_93 = tpu.memref_squeeze %dma_wait3A_92 : memref<1x128x16xf32, #tpu.memory_space<vmem>> -> memref<128x16xf32, #tpu.memory_space<vmem>>
    %dma_wait3A_94 = arith.constant 9216 : i32
    %dma_wait3A_95 = tpu.memref_slice %arg6[%dma_wait3A_94] : memref<10000xi32, #tpu.memory_space<vmem>> -> memref<128xi32, #tpu.memory_space<vmem>>
    %dma_wait3A_96 = arith.constant 0 : i32
    %dma_wait3A_97 = arith.constant 0 : i32
    %dma_wait3A_98 = tpu.memref_slice %arg3[%dma_wait3A_96, %dma_wait3A_97] : memref<10240x16xf32, #tpu.memory_space<hbm>> -> memref<10240x16xf32, #tpu.memory_space<hbm>>
    %dma_wait3A_99 = tpu.memref_slice %arg10[%dma_wait3A_89] : memref<8x!tpu.dma_semaphore, #tpu.memory_space<semaphore_mem>> -> memref<1x!tpu.dma_semaphore, #tpu.memory_space<semaphore_mem>>
    %dma_wait3A_100 = tpu.memref_squeeze %dma_wait3A_99 : memref<1x!tpu.dma_semaphore, #tpu.memory_space<semaphore_mem>> -> memref<!tpu.dma_semaphore, #tpu.memory_space<semaphore_mem>>
    tpu.wait_indirect_dma semaphore(%dma_wait3A_100 : memref<!tpu.dma_semaphore, #tpu.memory_space<semaphore_mem>>) src(%dma_wait3A_98 : memref<10240x16xf32, #tpu.memory_space<hbm>>) dst(%dma_wait3A_93 : memref<128x16xf32, #tpu.memory_space<vmem>>)
    %dma_start3A_101 = arith.constant 0 : i32
    %dma_start3A_102 = arith.constant 0 : i32
    %dma_start3A_103 = arith.constant 0 : i32
    %dma_start3A_104 = arith.constant 0 : i32
    %dma_start3A_105 = tpu.memref_slice %arg8[%dma_start3A_101, %dma_start3A_103, %dma_start3A_104] : memref<8x128x16xf32, #tpu.memory_space<vmem>> -> memref<1x128x16xf32, #tpu.memory_space<vmem>>
    %dma_start3A_106 = tpu.memref_squeeze %dma_start3A_105 : memref<1x128x16xf32, #tpu.memory_space<vmem>> -> memref<128x16xf32, #tpu.memory_space<vmem>>
    %dma_start3A_107 = arith.constant 9216 : i32
    %dma_start3A_108 = tpu.memref_slice %arg7[%dma_start3A_107] : memref<10000xi32, #tpu.memory_space<vmem>> -> memref<128xi32, #tpu.memory_space<vmem>>
    %dma_start3A_109 = arith.constant 0 : i32
    %dma_start3A_110 = arith.constant 0 : i32
    %dma_start3A_111 = tpu.memref_slice %arg9[%dma_start3A_109, %dma_start3A_110] : memref<10240x16xf32, #tpu.memory_space<vmem_shared>> -> memref<10240x16xf32, #tpu.memory_space<vmem_shared>>
    %dma_start3A_112 = tpu.memref_slice %arg11[%dma_start3A_102] : memref<8x!tpu.dma_semaphore, #tpu.memory_space<semaphore_mem>> -> memref<1x!tpu.dma_semaphore, #tpu.memory_space<semaphore_mem>>
    %dma_start3A_113 = tpu.memref_squeeze %dma_start3A_112 : memref<1x!tpu.dma_semaphore, #tpu.memory_space<semaphore_mem>> -> memref<!tpu.dma_semaphore, #tpu.memory_space<semaphore_mem>>
    tpu.enqueue_indirect_dma source(%dma_start3A_106 : memref<128x16xf32, #tpu.memory_space<vmem>>) target(%dma_start3A_111 : memref<10240x16xf32, #tpu.memory_space<vmem_shared>>) offsets(%dma_start3A_108 : memref<128xi32, #tpu.memory_space<vmem>>) semaphore(%dma_start3A_113 : memref<!tpu.dma_semaphore, #tpu.memory_space<semaphore_mem>>) {add = true}
    %dma_wait3A_114 = arith.constant 1 : i32
    %dma_wait3A_115 = arith.constant 1 : i32
    %dma_wait3A_116 = arith.constant 0 : i32
    %dma_wait3A_117 = arith.constant 0 : i32
    %dma_wait3A_118 = tpu.memref_slice %arg8[%dma_wait3A_114, %dma_wait3A_116, %dma_wait3A_117] : memref<8x128x16xf32, #tpu.memory_space<vmem>> -> memref<1x128x16xf32, #tpu.memory_space<vmem>>
    %dma_wait3A_119 = tpu.memref_squeeze %dma_wait3A_118 : memref<1x128x16xf32, #tpu.memory_space<vmem>> -> memref<128x16xf32, #tpu.memory_space<vmem>>
    %dma_wait3A_120 = arith.constant 9344 : i32
    %dma_wait3A_121 = tpu.memref_slice %arg6[%dma_wait3A_120] : memref<10000xi32, #tpu.memory_space<vmem>> -> memref<128xi32, #tpu.memory_space<vmem>>
    %dma_wait3A_122 = arith.constant 0 : i32
    %dma_wait3A_123 = arith.constant 0 : i32
    %dma_wait3A_124 = tpu.memref_slice %arg3[%dma_wait3A_122, %dma_wait3A_123] : memref<10240x16xf32, #tpu.memory_space<hbm>> -> memref<10240x16xf32, #tpu.memory_space<hbm>>
    %dma_wait3A_125 = tpu.memref_slice %arg10[%dma_wait3A_115] : memref<8x!tpu.dma_semaphore, #tpu.memory_space<semaphore_mem>> -> memref<1x!tpu.dma_semaphore, #tpu.memory_space<semaphore_mem>>
    %dma_wait3A_126 = tpu.memref_squeeze %dma_wait3A_125 : memref<1x!tpu.dma_semaphore, #tpu.memory_space<semaphore_mem>> -> memref<!tpu.dma_semaphore, #tpu.memory_space<semaphore_mem>>
    tpu.wait_indirect_dma semaphore(%dma_wait3A_126 : memref<!tpu.dma_semaphore, #tpu.memory_space<semaphore_mem>>) src(%dma_wait3A_124 : memref<10240x16xf32, #tpu.memory_space<hbm>>) dst(%dma_wait3A_119 : memref<128x16xf32, #tpu.memory_space<vmem>>)
    %dma_start3A_127 = arith.constant 1 : i32
    %dma_start3A_128 = arith.constant 1 : i32
    %dma_start3A_129 = arith.constant 0 : i32
    %dma_start3A_130 = arith.constant 0 : i32
    %dma_start3A_131 = tpu.memref_slice %arg8[%dma_start3A_127, %dma_start3A_129, %dma_start3A_130] : memref<8x128x16xf32, #tpu.memory_space<vmem>> -> memref<1x128x16xf32, #tpu.memory_space<vmem>>
    %dma_start3A_132 = tpu.memref_squeeze %dma_start3A_131 : memref<1x128x16xf32, #tpu.memory_space<vmem>> -> memref<128x16xf32, #tpu.memory_space<vmem>>
    %dma_start3A_133 = arith.constant 9344 : i32
    %dma_start3A_134 = tpu.memref_slice %arg7[%dma_start3A_133] : memref<10000xi32, #tpu.memory_space<vmem>> -> memref<128xi32, #tpu.memory_space<vmem>>
    %dma_start3A_135 = arith.constant 0 : i32
    %dma_start3A_136 = arith.constant 0 : i32
    %dma_start3A_137 = tpu.memref_slice %arg9[%dma_start3A_135, %dma_start3A_136] : memref<10240x16xf32, #tpu.memory_space<vmem_shared>> -> memref<10240x16xf32, #tpu.memory_space<vmem_shared>>
    %dma_start3A_138 = tpu.memref_slice %arg11[%dma_start3A_128] : memref<8x!tpu.dma_semaphore, #tpu.memory_space<semaphore_mem>> -> memref<1x!tpu.dma_semaphore, #tpu.memory_space<semaphore_mem>>
    %dma_start3A_139 = tpu.memref_squeeze %dma_start3A_138 : memref<1x!tpu.dma_semaphore, #tpu.memory_space<semaphore_mem>> -> memref<!tpu.dma_semaphore, #tpu.memory_space<semaphore_mem>>
    tpu.enqueue_indirect_dma source(%dma_start3A_132 : memref<128x16xf32, #tpu.memory_space<vmem>>) target(%dma_start3A_137 : memref<10240x16xf32, #tpu.memory_space<vmem_shared>>) offsets(%dma_start3A_134 : memref<128xi32, #tpu.memory_space<vmem>>) semaphore(%dma_start3A_139 : memref<!tpu.dma_semaphore, #tpu.memory_space<semaphore_mem>>) {add = true}
    %dma_wait3A_140 = arith.constant 2 : i32
    %dma_wait3A_141 = arith.constant 2 : i32
    %dma_wait3A_142 = arith.constant 0 : i32
    %dma_wait3A_143 = arith.constant 0 : i32
    %dma_wait3A_144 = tpu.memref_slice %arg8[%dma_wait3A_140, %dma_wait3A_142, %dma_wait3A_143] : memref<8x128x16xf32, #tpu.memory_space<vmem>> -> memref<1x128x16xf32, #tpu.memory_space<vmem>>
    %dma_wait3A_145 = tpu.memref_squeeze %dma_wait3A_144 : memref<1x128x16xf32, #tpu.memory_space<vmem>> -> memref<128x16xf32, #tpu.memory_space<vmem>>
    %dma_wait3A_146 = arith.constant 9472 : i32
    %dma_wait3A_147 = tpu.memref_slice %arg6[%dma_wait3A_146] : memref<10000xi32, #tpu.memory_space<vmem>> -> memref<128xi32, #tpu.memory_space<vmem>>
    %dma_wait3A_148 = arith.constant 0 : i32
    %dma_wait3A_149 = arith.constant 0 : i32
    %dma_wait3A_150 = tpu.memref_slice %arg3[%dma_wait3A_148, %dma_wait3A_149] : memref<10240x16xf32, #tpu.memory_space<hbm>> -> memref<10240x16xf32, #tpu.memory_space<hbm>>
    %dma_wait3A_151 = tpu.memref_slice %arg10[%dma_wait3A_141] : memref<8x!tpu.dma_semaphore, #tpu.memory_space<semaphore_mem>> -> memref<1x!tpu.dma_semaphore, #tpu.memory_space<semaphore_mem>>
    %dma_wait3A_152 = tpu.memref_squeeze %dma_wait3A_151 : memref<1x!tpu.dma_semaphore, #tpu.memory_space<semaphore_mem>> -> memref<!tpu.dma_semaphore, #tpu.memory_space<semaphore_mem>>
    tpu.wait_indirect_dma semaphore(%dma_wait3A_152 : memref<!tpu.dma_semaphore, #tpu.memory_space<semaphore_mem>>) src(%dma_wait3A_150 : memref<10240x16xf32, #tpu.memory_space<hbm>>) dst(%dma_wait3A_145 : memref<128x16xf32, #tpu.memory_space<vmem>>)
    %dma_start3A_153 = arith.constant 2 : i32
    %dma_start3A_154 = arith.constant 2 : i32
    %dma_start3A_155 = arith.constant 0 : i32
    %dma_start3A_156 = arith.constant 0 : i32
    %dma_start3A_157 = tpu.memref_slice %arg8[%dma_start3A_153, %dma_start3A_155, %dma_start3A_156] : memref<8x128x16xf32, #tpu.memory_space<vmem>> -> memref<1x128x16xf32, #tpu.memory_space<vmem>>
    %dma_start3A_158 = tpu.memref_squeeze %dma_start3A_157 : memref<1x128x16xf32, #tpu.memory_space<vmem>> -> memref<128x16xf32, #tpu.memory_space<vmem>>
    %dma_start3A_159 = arith.constant 9472 : i32
    %dma_start3A_160 = tpu.memref_slice %arg7[%dma_start3A_159] : memref<10000xi32, #tpu.memory_space<vmem>> -> memref<128xi32, #tpu.memory_space<vmem>>
    %dma_start3A_161 = arith.constant 0 : i32
    %dma_start3A_162 = arith.constant 0 : i32
    %dma_start3A_163 = tpu.memref_slice %arg9[%dma_start3A_161, %dma_start3A_162] : memref<10240x16xf32, #tpu.memory_space<vmem_shared>> -> memref<10240x16xf32, #tpu.memory_space<vmem_shared>>
    %dma_start3A_164 = tpu.memref_slice %arg11[%dma_start3A_154] : memref<8x!tpu.dma_semaphore, #tpu.memory_space<semaphore_mem>> -> memref<1x!tpu.dma_semaphore, #tpu.memory_space<semaphore_mem>>
    %dma_start3A_165 = tpu.memref_squeeze %dma_start3A_164 : memref<1x!tpu.dma_semaphore, #tpu.memory_space<semaphore_mem>> -> memref<!tpu.dma_semaphore, #tpu.memory_space<semaphore_mem>>
    tpu.enqueue_indirect_dma source(%dma_start3A_158 : memref<128x16xf32, #tpu.memory_space<vmem>>) target(%dma_start3A_163 : memref<10240x16xf32, #tpu.memory_space<vmem_shared>>) offsets(%dma_start3A_160 : memref<128xi32, #tpu.memory_space<vmem>>) semaphore(%dma_start3A_165 : memref<!tpu.dma_semaphore, #tpu.memory_space<semaphore_mem>>) {add = true}
    %dma_wait3A_166 = arith.constant 3 : i32
    %dma_wait3A_167 = arith.constant 3 : i32
    %dma_wait3A_168 = arith.constant 0 : i32
    %dma_wait3A_169 = arith.constant 0 : i32
    %dma_wait3A_170 = tpu.memref_slice %arg8[%dma_wait3A_166, %dma_wait3A_168, %dma_wait3A_169] : memref<8x128x16xf32, #tpu.memory_space<vmem>> -> memref<1x128x16xf32, #tpu.memory_space<vmem>>
    %dma_wait3A_171 = tpu.memref_squeeze %dma_wait3A_170 : memref<1x128x16xf32, #tpu.memory_space<vmem>> -> memref<128x16xf32, #tpu.memory_space<vmem>>
    %dma_wait3A_172 = arith.constant 9600 : i32
    %dma_wait3A_173 = tpu.memref_slice %arg6[%dma_wait3A_172] : memref<10000xi32, #tpu.memory_space<vmem>> -> memref<128xi32, #tpu.memory_space<vmem>>
    %dma_wait3A_174 = arith.constant 0 : i32
    %dma_wait3A_175 = arith.constant 0 : i32
    %dma_wait3A_176 = tpu.memref_slice %arg3[%dma_wait3A_174, %dma_wait3A_175] : memref<10240x16xf32, #tpu.memory_space<hbm>> -> memref<10240x16xf32, #tpu.memory_space<hbm>>
    %dma_wait3A_177 = tpu.memref_slice %arg10[%dma_wait3A_167] : memref<8x!tpu.dma_semaphore, #tpu.memory_space<semaphore_mem>> -> memref<1x!tpu.dma_semaphore, #tpu.memory_space<semaphore_mem>>
    %dma_wait3A_178 = tpu.memref_squeeze %dma_wait3A_177 : memref<1x!tpu.dma_semaphore, #tpu.memory_space<semaphore_mem>> -> memref<!tpu.dma_semaphore, #tpu.memory_space<semaphore_mem>>
    tpu.wait_indirect_dma semaphore(%dma_wait3A_178 : memref<!tpu.dma_semaphore, #tpu.memory_space<semaphore_mem>>) src(%dma_wait3A_176 : memref<10240x16xf32, #tpu.memory_space<hbm>>) dst(%dma_wait3A_171 : memref<128x16xf32, #tpu.memory_space<vmem>>)
    %dma_start3A_179 = arith.constant 3 : i32
    %dma_start3A_180 = arith.constant 3 : i32
    %dma_start3A_181 = arith.constant 0 : i32
    %dma_start3A_182 = arith.constant 0 : i32
    %dma_start3A_183 = tpu.memref_slice %arg8[%dma_start3A_179, %dma_start3A_181, %dma_start3A_182] : memref<8x128x16xf32, #tpu.memory_space<vmem>> -> memref<1x128x16xf32, #tpu.memory_space<vmem>>
    %dma_start3A_184 = tpu.memref_squeeze %dma_start3A_183 : memref<1x128x16xf32, #tpu.memory_space<vmem>> -> memref<128x16xf32, #tpu.memory_space<vmem>>
    %dma_start3A_185 = arith.constant 9600 : i32
    %dma_start3A_186 = tpu.memref_slice %arg7[%dma_start3A_185] : memref<10000xi32, #tpu.memory_space<vmem>> -> memref<128xi32, #tpu.memory_space<vmem>>
    %dma_start3A_187 = arith.constant 0 : i32
    %dma_start3A_188 = arith.constant 0 : i32
    %dma_start3A_189 = tpu.memref_slice %arg9[%dma_start3A_187, %dma_start3A_188] : memref<10240x16xf32, #tpu.memory_space<vmem_shared>> -> memref<10240x16xf32, #tpu.memory_space<vmem_shared>>
    %dma_start3A_190 = tpu.memref_slice %arg11[%dma_start3A_180] : memref<8x!tpu.dma_semaphore, #tpu.memory_space<semaphore_mem>> -> memref<1x!tpu.dma_semaphore, #tpu.memory_space<semaphore_mem>>
    %dma_start3A_191 = tpu.memref_squeeze %dma_start3A_190 : memref<1x!tpu.dma_semaphore, #tpu.memory_space<semaphore_mem>> -> memref<!tpu.dma_semaphore, #tpu.memory_space<semaphore_mem>>
    tpu.enqueue_indirect_dma source(%dma_start3A_184 : memref<128x16xf32, #tpu.memory_space<vmem>>) target(%dma_start3A_189 : memref<10240x16xf32, #tpu.memory_space<vmem_shared>>) offsets(%dma_start3A_186 : memref<128xi32, #tpu.memory_space<vmem>>) semaphore(%dma_start3A_191 : memref<!tpu.dma_semaphore, #tpu.memory_space<semaphore_mem>>) {add = true}
    %dma_wait3A_192 = arith.constant 4 : i32
    %dma_wait3A_193 = arith.constant 4 : i32
    %dma_wait3A_194 = arith.constant 0 : i32
    %dma_wait3A_195 = arith.constant 0 : i32
    %dma_wait3A_196 = tpu.memref_slice %arg8[%dma_wait3A_192, %dma_wait3A_194, %dma_wait3A_195] : memref<8x128x16xf32, #tpu.memory_space<vmem>> -> memref<1x128x16xf32, #tpu.memory_space<vmem>>
    %dma_wait3A_197 = tpu.memref_squeeze %dma_wait3A_196 : memref<1x128x16xf32, #tpu.memory_space<vmem>> -> memref<128x16xf32, #tpu.memory_space<vmem>>
    %dma_wait3A_198 = arith.constant 9728 : i32
    %dma_wait3A_199 = tpu.memref_slice %arg6[%dma_wait3A_198] : memref<10000xi32, #tpu.memory_space<vmem>> -> memref<128xi32, #tpu.memory_space<vmem>>
    %dma_wait3A_200 = arith.constant 0 : i32
    %dma_wait3A_201 = arith.constant 0 : i32
    %dma_wait3A_202 = tpu.memref_slice %arg3[%dma_wait3A_200, %dma_wait3A_201] : memref<10240x16xf32, #tpu.memory_space<hbm>> -> memref<10240x16xf32, #tpu.memory_space<hbm>>
    %dma_wait3A_203 = tpu.memref_slice %arg10[%dma_wait3A_193] : memref<8x!tpu.dma_semaphore, #tpu.memory_space<semaphore_mem>> -> memref<1x!tpu.dma_semaphore, #tpu.memory_space<semaphore_mem>>
    %dma_wait3A_204 = tpu.memref_squeeze %dma_wait3A_203 : memref<1x!tpu.dma_semaphore, #tpu.memory_space<semaphore_mem>> -> memref<!tpu.dma_semaphore, #tpu.memory_space<semaphore_mem>>
    tpu.wait_indirect_dma semaphore(%dma_wait3A_204 : memref<!tpu.dma_semaphore, #tpu.memory_space<semaphore_mem>>) src(%dma_wait3A_202 : memref<10240x16xf32, #tpu.memory_space<hbm>>) dst(%dma_wait3A_197 : memref<128x16xf32, #tpu.memory_space<vmem>>)
    %dma_start3A_205 = arith.constant 4 : i32
    %dma_start3A_206 = arith.constant 4 : i32
    %dma_start3A_207 = arith.constant 0 : i32
    %dma_start3A_208 = arith.constant 0 : i32
    %dma_start3A_209 = tpu.memref_slice %arg8[%dma_start3A_205, %dma_start3A_207, %dma_start3A_208] : memref<8x128x16xf32, #tpu.memory_space<vmem>> -> memref<1x128x16xf32, #tpu.memory_space<vmem>>
    %dma_start3A_210 = tpu.memref_squeeze %dma_start3A_209 : memref<1x128x16xf32, #tpu.memory_space<vmem>> -> memref<128x16xf32, #tpu.memory_space<vmem>>
    %dma_start3A_211 = arith.constant 9728 : i32
    %dma_start3A_212 = tpu.memref_slice %arg7[%dma_start3A_211] : memref<10000xi32, #tpu.memory_space<vmem>> -> memref<128xi32, #tpu.memory_space<vmem>>
    %dma_start3A_213 = arith.constant 0 : i32
    %dma_start3A_214 = arith.constant 0 : i32
    %dma_start3A_215 = tpu.memref_slice %arg9[%dma_start3A_213, %dma_start3A_214] : memref<10240x16xf32, #tpu.memory_space<vmem_shared>> -> memref<10240x16xf32, #tpu.memory_space<vmem_shared>>
    %dma_start3A_216 = tpu.memref_slice %arg11[%dma_start3A_206] : memref<8x!tpu.dma_semaphore, #tpu.memory_space<semaphore_mem>> -> memref<1x!tpu.dma_semaphore, #tpu.memory_space<semaphore_mem>>
    %dma_start3A_217 = tpu.memref_squeeze %dma_start3A_216 : memref<1x!tpu.dma_semaphore, #tpu.memory_space<semaphore_mem>> -> memref<!tpu.dma_semaphore, #tpu.memory_space<semaphore_mem>>
    tpu.enqueue_indirect_dma source(%dma_start3A_210 : memref<128x16xf32, #tpu.memory_space<vmem>>) target(%dma_start3A_215 : memref<10240x16xf32, #tpu.memory_space<vmem_shared>>) offsets(%dma_start3A_212 : memref<128xi32, #tpu.memory_space<vmem>>) semaphore(%dma_start3A_217 : memref<!tpu.dma_semaphore, #tpu.memory_space<semaphore_mem>>) {add = true}
    %dma_wait3A_218 = arith.constant 5 : i32
    %dma_wait3A_219 = arith.constant 5 : i32
    %dma_wait3A_220 = arith.constant 0 : i32
    %dma_wait3A_221 = arith.constant 0 : i32
    %dma_wait3A_222 = tpu.memref_slice %arg8[%dma_wait3A_218, %dma_wait3A_220, %dma_wait3A_221] : memref<8x128x16xf32, #tpu.memory_space<vmem>> -> memref<1x128x16xf32, #tpu.memory_space<vmem>>
    %dma_wait3A_223 = tpu.memref_squeeze %dma_wait3A_222 : memref<1x128x16xf32, #tpu.memory_space<vmem>> -> memref<128x16xf32, #tpu.memory_space<vmem>>
    %dma_wait3A_224 = arith.constant 9856 : i32
    %dma_wait3A_225 = tpu.memref_slice %arg6[%dma_wait3A_224] : memref<10000xi32, #tpu.memory_space<vmem>> -> memref<128xi32, #tpu.memory_space<vmem>>
    %dma_wait3A_226 = arith.constant 0 : i32
    %dma_wait3A_227 = arith.constant 0 : i32
    %dma_wait3A_228 = tpu.memref_slice %arg3[%dma_wait3A_226, %dma_wait3A_227] : memref<10240x16xf32, #tpu.memory_space<hbm>> -> memref<10240x16xf32, #tpu.memory_space<hbm>>
    %dma_wait3A_229 = tpu.memref_slice %arg10[%dma_wait3A_219] : memref<8x!tpu.dma_semaphore, #tpu.memory_space<semaphore_mem>> -> memref<1x!tpu.dma_semaphore, #tpu.memory_space<semaphore_mem>>
    %dma_wait3A_230 = tpu.memref_squeeze %dma_wait3A_229 : memref<1x!tpu.dma_semaphore, #tpu.memory_space<semaphore_mem>> -> memref<!tpu.dma_semaphore, #tpu.memory_space<semaphore_mem>>
    tpu.wait_indirect_dma semaphore(%dma_wait3A_230 : memref<!tpu.dma_semaphore, #tpu.memory_space<semaphore_mem>>) src(%dma_wait3A_228 : memref<10240x16xf32, #tpu.memory_space<hbm>>) dst(%dma_wait3A_223 : memref<128x16xf32, #tpu.memory_space<vmem>>)
    %dma_start3A_231 = arith.constant 5 : i32
    %dma_start3A_232 = arith.constant 5 : i32
    %dma_start3A_233 = arith.constant 0 : i32
    %dma_start3A_234 = arith.constant 0 : i32
    %dma_start3A_235 = tpu.memref_slice %arg8[%dma_start3A_231, %dma_start3A_233, %dma_start3A_234] : memref<8x128x16xf32, #tpu.memory_space<vmem>> -> memref<1x128x16xf32, #tpu.memory_space<vmem>>
    %dma_start3A_236 = tpu.memref_squeeze %dma_start3A_235 : memref<1x128x16xf32, #tpu.memory_space<vmem>> -> memref<128x16xf32, #tpu.memory_space<vmem>>
    %dma_start3A_237 = arith.constant 9856 : i32
    %dma_start3A_238 = tpu.memref_slice %arg7[%dma_start3A_237] : memref<10000xi32, #tpu.memory_space<vmem>> -> memref<128xi32, #tpu.memory_space<vmem>>
    %dma_start3A_239 = arith.constant 0 : i32
    %dma_start3A_240 = arith.constant 0 : i32
    %dma_start3A_241 = tpu.memref_slice %arg9[%dma_start3A_239, %dma_start3A_240] : memref<10240x16xf32, #tpu.memory_space<vmem_shared>> -> memref<10240x16xf32, #tpu.memory_space<vmem_shared>>
    %dma_start3A_242 = tpu.memref_slice %arg11[%dma_start3A_232] : memref<8x!tpu.dma_semaphore, #tpu.memory_space<semaphore_mem>> -> memref<1x!tpu.dma_semaphore, #tpu.memory_space<semaphore_mem>>
    %dma_start3A_243 = tpu.memref_squeeze %dma_start3A_242 : memref<1x!tpu.dma_semaphore, #tpu.memory_space<semaphore_mem>> -> memref<!tpu.dma_semaphore, #tpu.memory_space<semaphore_mem>>
    tpu.enqueue_indirect_dma source(%dma_start3A_236 : memref<128x16xf32, #tpu.memory_space<vmem>>) target(%dma_start3A_241 : memref<10240x16xf32, #tpu.memory_space<vmem_shared>>) offsets(%dma_start3A_238 : memref<128xi32, #tpu.memory_space<vmem>>) semaphore(%dma_start3A_243 : memref<!tpu.dma_semaphore, #tpu.memory_space<semaphore_mem>>) {add = true}
    %dma_wait3A_244 = arith.constant 0 : i32
    %dma_wait3A_245 = arith.constant 0 : i32
    %dma_wait3A_246 = arith.constant 0 : i32
    %dma_wait3A_247 = arith.constant 0 : i32
    %dma_wait3A_248 = tpu.memref_slice %arg8[%dma_wait3A_244, %dma_wait3A_246, %dma_wait3A_247] : memref<8x128x16xf32, #tpu.memory_space<vmem>> -> memref<1x128x16xf32, #tpu.memory_space<vmem>>
    %dma_wait3A_249 = tpu.memref_squeeze %dma_wait3A_248 : memref<1x128x16xf32, #tpu.memory_space<vmem>> -> memref<128x16xf32, #tpu.memory_space<vmem>>
    %dma_wait3A_250 = arith.constant 9216 : i32
    %dma_wait3A_251 = tpu.memref_slice %arg7[%dma_wait3A_250] : memref<10000xi32, #tpu.memory_space<vmem>> -> memref<128xi32, #tpu.memory_space<vmem>>
    %dma_wait3A_252 = arith.constant 0 : i32
    %dma_wait3A_253 = arith.constant 0 : i32
    %dma_wait3A_254 = tpu.memref_slice %arg9[%dma_wait3A_252, %dma_wait3A_253] : memref<10240x16xf32, #tpu.memory_space<vmem_shared>> -> memref<10240x16xf32, #tpu.memory_space<vmem_shared>>
    %dma_wait3A_255 = tpu.memref_slice %arg11[%dma_wait3A_245] : memref<8x!tpu.dma_semaphore, #tpu.memory_space<semaphore_mem>> -> memref<1x!tpu.dma_semaphore, #tpu.memory_space<semaphore_mem>>
    %dma_wait3A_256 = tpu.memref_squeeze %dma_wait3A_255 : memref<1x!tpu.dma_semaphore, #tpu.memory_space<semaphore_mem>> -> memref<!tpu.dma_semaphore, #tpu.memory_space<semaphore_mem>>
    tpu.wait_indirect_dma semaphore(%dma_wait3A_256 : memref<!tpu.dma_semaphore, #tpu.memory_space<semaphore_mem>>) src(%dma_wait3A_249 : memref<128x16xf32, #tpu.memory_space<vmem>>) dst(%dma_wait3A_254 : memref<10240x16xf32, #tpu.memory_space<vmem_shared>>)
    %dma_wait3A_257 = arith.constant 1 : i32
    %dma_wait3A_258 = arith.constant 1 : i32
    %dma_wait3A_259 = arith.constant 0 : i32
    %dma_wait3A_260 = arith.constant 0 : i32
    %dma_wait3A_261 = tpu.memref_slice %arg8[%dma_wait3A_257, %dma_wait3A_259, %dma_wait3A_260] : memref<8x128x16xf32, #tpu.memory_space<vmem>> -> memref<1x128x16xf32, #tpu.memory_space<vmem>>
    %dma_wait3A_262 = tpu.memref_squeeze %dma_wait3A_261 : memref<1x128x16xf32, #tpu.memory_space<vmem>> -> memref<128x16xf32, #tpu.memory_space<vmem>>
    %dma_wait3A_263 = arith.constant 9344 : i32
    %dma_wait3A_264 = tpu.memref_slice %arg7[%dma_wait3A_263] : memref<10000xi32, #tpu.memory_space<vmem>> -> memref<128xi32, #tpu.memory_space<vmem>>
    %dma_wait3A_265 = arith.constant 0 : i32
    %dma_wait3A_266 = arith.constant 0 : i32
    %dma_wait3A_267 = tpu.memref_slice %arg9[%dma_wait3A_265, %dma_wait3A_266] : memref<10240x16xf32, #tpu.memory_space<vmem_shared>> -> memref<10240x16xf32, #tpu.memory_space<vmem_shared>>
    %dma_wait3A_268 = tpu.memref_slice %arg11[%dma_wait3A_258] : memref<8x!tpu.dma_semaphore, #tpu.memory_space<semaphore_mem>> -> memref<1x!tpu.dma_semaphore, #tpu.memory_space<semaphore_mem>>
    %dma_wait3A_269 = tpu.memref_squeeze %dma_wait3A_268 : memref<1x!tpu.dma_semaphore, #tpu.memory_space<semaphore_mem>> -> memref<!tpu.dma_semaphore, #tpu.memory_space<semaphore_mem>>
    tpu.wait_indirect_dma semaphore(%dma_wait3A_269 : memref<!tpu.dma_semaphore, #tpu.memory_space<semaphore_mem>>) src(%dma_wait3A_262 : memref<128x16xf32, #tpu.memory_space<vmem>>) dst(%dma_wait3A_267 : memref<10240x16xf32, #tpu.memory_space<vmem_shared>>)
    %dma_wait3A_270 = arith.constant 2 : i32
    %dma_wait3A_271 = arith.constant 2 : i32
    %dma_wait3A_272 = arith.constant 0 : i32
    %dma_wait3A_273 = arith.constant 0 : i32
    %dma_wait3A_274 = tpu.memref_slice %arg8[%dma_wait3A_270, %dma_wait3A_272, %dma_wait3A_273] : memref<8x128x16xf32, #tpu.memory_space<vmem>> -> memref<1x128x16xf32, #tpu.memory_space<vmem>>
    %dma_wait3A_275 = tpu.memref_squeeze %dma_wait3A_274 : memref<1x128x16xf32, #tpu.memory_space<vmem>> -> memref<128x16xf32, #tpu.memory_space<vmem>>
    %dma_wait3A_276 = arith.constant 9472 : i32
    %dma_wait3A_277 = tpu.memref_slice %arg7[%dma_wait3A_276] : memref<10000xi32, #tpu.memory_space<vmem>> -> memref<128xi32, #tpu.memory_space<vmem>>
    %dma_wait3A_278 = arith.constant 0 : i32
    %dma_wait3A_279 = arith.constant 0 : i32
    %dma_wait3A_280 = tpu.memref_slice %arg9[%dma_wait3A_278, %dma_wait3A_279] : memref<10240x16xf32, #tpu.memory_space<vmem_shared>> -> memref<10240x16xf32, #tpu.memory_space<vmem_shared>>
    %dma_wait3A_281 = tpu.memref_slice %arg11[%dma_wait3A_271] : memref<8x!tpu.dma_semaphore, #tpu.memory_space<semaphore_mem>> -> memref<1x!tpu.dma_semaphore, #tpu.memory_space<semaphore_mem>>
    %dma_wait3A_282 = tpu.memref_squeeze %dma_wait3A_281 : memref<1x!tpu.dma_semaphore, #tpu.memory_space<semaphore_mem>> -> memref<!tpu.dma_semaphore, #tpu.memory_space<semaphore_mem>>
    tpu.wait_indirect_dma semaphore(%dma_wait3A_282 : memref<!tpu.dma_semaphore, #tpu.memory_space<semaphore_mem>>) src(%dma_wait3A_275 : memref<128x16xf32, #tpu.memory_space<vmem>>) dst(%dma_wait3A_280 : memref<10240x16xf32, #tpu.memory_space<vmem_shared>>)
    %dma_wait3A_283 = arith.constant 3 : i32
    %dma_wait3A_284 = arith.constant 3 : i32
    %dma_wait3A_285 = arith.constant 0 : i32
    %dma_wait3A_286 = arith.constant 0 : i32
    %dma_wait3A_287 = tpu.memref_slice %arg8[%dma_wait3A_283, %dma_wait3A_285, %dma_wait3A_286] : memref<8x128x16xf32, #tpu.memory_space<vmem>> -> memref<1x128x16xf32, #tpu.memory_space<vmem>>
    %dma_wait3A_288 = tpu.memref_squeeze %dma_wait3A_287 : memref<1x128x16xf32, #tpu.memory_space<vmem>> -> memref<128x16xf32, #tpu.memory_space<vmem>>
    %dma_wait3A_289 = arith.constant 9600 : i32
    %dma_wait3A_290 = tpu.memref_slice %arg7[%dma_wait3A_289] : memref<10000xi32, #tpu.memory_space<vmem>> -> memref<128xi32, #tpu.memory_space<vmem>>
    %dma_wait3A_291 = arith.constant 0 : i32
    %dma_wait3A_292 = arith.constant 0 : i32
    %dma_wait3A_293 = tpu.memref_slice %arg9[%dma_wait3A_291, %dma_wait3A_292] : memref<10240x16xf32, #tpu.memory_space<vmem_shared>> -> memref<10240x16xf32, #tpu.memory_space<vmem_shared>>
    %dma_wait3A_294 = tpu.memref_slice %arg11[%dma_wait3A_284] : memref<8x!tpu.dma_semaphore, #tpu.memory_space<semaphore_mem>> -> memref<1x!tpu.dma_semaphore, #tpu.memory_space<semaphore_mem>>
    %dma_wait3A_295 = tpu.memref_squeeze %dma_wait3A_294 : memref<1x!tpu.dma_semaphore, #tpu.memory_space<semaphore_mem>> -> memref<!tpu.dma_semaphore, #tpu.memory_space<semaphore_mem>>
    tpu.wait_indirect_dma semaphore(%dma_wait3A_295 : memref<!tpu.dma_semaphore, #tpu.memory_space<semaphore_mem>>) src(%dma_wait3A_288 : memref<128x16xf32, #tpu.memory_space<vmem>>) dst(%dma_wait3A_293 : memref<10240x16xf32, #tpu.memory_space<vmem_shared>>)
    %dma_wait3A_296 = arith.constant 4 : i32
    %dma_wait3A_297 = arith.constant 4 : i32
    %dma_wait3A_298 = arith.constant 0 : i32
    %dma_wait3A_299 = arith.constant 0 : i32
    %dma_wait3A_300 = tpu.memref_slice %arg8[%dma_wait3A_296, %dma_wait3A_298, %dma_wait3A_299] : memref<8x128x16xf32, #tpu.memory_space<vmem>> -> memref<1x128x16xf32, #tpu.memory_space<vmem>>
    %dma_wait3A_301 = tpu.memref_squeeze %dma_wait3A_300 : memref<1x128x16xf32, #tpu.memory_space<vmem>> -> memref<128x16xf32, #tpu.memory_space<vmem>>
    %dma_wait3A_302 = arith.constant 9728 : i32
    %dma_wait3A_303 = tpu.memref_slice %arg7[%dma_wait3A_302] : memref<10000xi32, #tpu.memory_space<vmem>> -> memref<128xi32, #tpu.memory_space<vmem>>
    %dma_wait3A_304 = arith.constant 0 : i32
    %dma_wait3A_305 = arith.constant 0 : i32
    %dma_wait3A_306 = tpu.memref_slice %arg9[%dma_wait3A_304, %dma_wait3A_305] : memref<10240x16xf32, #tpu.memory_space<vmem_shared>> -> memref<10240x16xf32, #tpu.memory_space<vmem_shared>>
    %dma_wait3A_307 = tpu.memref_slice %arg11[%dma_wait3A_297] : memref<8x!tpu.dma_semaphore, #tpu.memory_space<semaphore_mem>> -> memref<1x!tpu.dma_semaphore, #tpu.memory_space<semaphore_mem>>
    %dma_wait3A_308 = tpu.memref_squeeze %dma_wait3A_307 : memref<1x!tpu.dma_semaphore, #tpu.memory_space<semaphore_mem>> -> memref<!tpu.dma_semaphore, #tpu.memory_space<semaphore_mem>>
    tpu.wait_indirect_dma semaphore(%dma_wait3A_308 : memref<!tpu.dma_semaphore, #tpu.memory_space<semaphore_mem>>) src(%dma_wait3A_301 : memref<128x16xf32, #tpu.memory_space<vmem>>) dst(%dma_wait3A_306 : memref<10240x16xf32, #tpu.memory_space<vmem_shared>>)
    %dma_wait3A_309 = arith.constant 5 : i32
    %dma_wait3A_310 = arith.constant 5 : i32
    %dma_wait3A_311 = arith.constant 0 : i32
    %dma_wait3A_312 = arith.constant 0 : i32
    %dma_wait3A_313 = tpu.memref_slice %arg8[%dma_wait3A_309, %dma_wait3A_311, %dma_wait3A_312] : memref<8x128x16xf32, #tpu.memory_space<vmem>> -> memref<1x128x16xf32, #tpu.memory_space<vmem>>
    %dma_wait3A_314 = tpu.memref_squeeze %dma_wait3A_313 : memref<1x128x16xf32, #tpu.memory_space<vmem>> -> memref<128x16xf32, #tpu.memory_space<vmem>>
    %dma_wait3A_315 = arith.constant 9856 : i32
    %dma_wait3A_316 = tpu.memref_slice %arg7[%dma_wait3A_315] : memref<10000xi32, #tpu.memory_space<vmem>> -> memref<128xi32, #tpu.memory_space<vmem>>
    %dma_wait3A_317 = arith.constant 0 : i32
    %dma_wait3A_318 = arith.constant 0 : i32
    %dma_wait3A_319 = tpu.memref_slice %arg9[%dma_wait3A_317, %dma_wait3A_318] : memref<10240x16xf32, #tpu.memory_space<vmem_shared>> -> memref<10240x16xf32, #tpu.memory_space<vmem_shared>>
    %dma_wait3A_320 = tpu.memref_slice %arg11[%dma_wait3A_310] : memref<8x!tpu.dma_semaphore, #tpu.memory_space<semaphore_mem>> -> memref<1x!tpu.dma_semaphore, #tpu.memory_space<semaphore_mem>>
    %dma_wait3A_321 = tpu.memref_squeeze %dma_wait3A_320 : memref<1x!tpu.dma_semaphore, #tpu.memory_space<semaphore_mem>> -> memref<!tpu.dma_semaphore, #tpu.memory_space<semaphore_mem>>
    tpu.wait_indirect_dma semaphore(%dma_wait3A_321 : memref<!tpu.dma_semaphore, #tpu.memory_space<semaphore_mem>>) src(%dma_wait3A_314 : memref<128x16xf32, #tpu.memory_space<vmem>>) dst(%dma_wait3A_319 : memref<10240x16xf32, #tpu.memory_space<vmem_shared>>)
    %dma_start3A_322 = arith.constant 0 : i32
    %dma_start3A_323 = arith.constant 0 : i32
    %dma_start3A_324 = arith.constant 0 : i32
    %dma_start3A_325 = arith.constant 0 : i32
    %dma_start3A_326 = tpu.memref_slice %arg8[%dma_start3A_322, %dma_start3A_324, %dma_start3A_325] : memref<8x128x16xf32, #tpu.memory_space<vmem>> -> memref<1x16x16xf32, #tpu.memory_space<vmem>>
    %dma_start3A_327 = tpu.memref_squeeze %dma_start3A_326 : memref<1x16x16xf32, #tpu.memory_space<vmem>> -> memref<16x16xf32, #tpu.memory_space<vmem>>
    %dma_start3A_328 = arith.constant 9984 : i32
    %dma_start3A_329 = tpu.memref_slice %arg6[%dma_start3A_328] : memref<10000xi32, #tpu.memory_space<vmem>> -> memref<16xi32, #tpu.memory_space<vmem>>
    %dma_start3A_330 = arith.constant 0 : i32
    %dma_start3A_331 = arith.constant 0 : i32
    %dma_start3A_332 = tpu.memref_slice %arg3[%dma_start3A_330, %dma_start3A_331] : memref<10240x16xf32, #tpu.memory_space<hbm>> -> memref<10240x16xf32, #tpu.memory_space<hbm>>
    %dma_start3A_333 = tpu.memref_slice %arg10[%dma_start3A_323] : memref<8x!tpu.dma_semaphore, #tpu.memory_space<semaphore_mem>> -> memref<1x!tpu.dma_semaphore, #tpu.memory_space<semaphore_mem>>
    %dma_start3A_334 = tpu.memref_squeeze %dma_start3A_333 : memref<1x!tpu.dma_semaphore, #tpu.memory_space<semaphore_mem>> -> memref<!tpu.dma_semaphore, #tpu.memory_space<semaphore_mem>>
    tpu.enqueue_indirect_dma source(%dma_start3A_332 : memref<10240x16xf32, #tpu.memory_space<hbm>>) target(%dma_start3A_327 : memref<16x16xf32, #tpu.memory_space<vmem>>) offsets(%dma_start3A_329 : memref<16xi32, #tpu.memory_space<vmem>>) semaphore(%dma_start3A_334 : memref<!tpu.dma_semaphore, #tpu.memory_space<semaphore_mem>>)
    %dma_wait3A_335 = arith.constant 0 : i32
    %dma_wait3A_336 = arith.constant 0 : i32
    %dma_wait3A_337 = arith.constant 0 : i32
    %dma_wait3A_338 = arith.constant 0 : i32
    %dma_wait3A_339 = tpu.memref_slice %arg8[%dma_wait3A_335, %dma_wait3A_337, %dma_wait3A_338] : memref<8x128x16xf32, #tpu.memory_space<vmem>> -> memref<1x16x16xf32, #tpu.memory_space<vmem>>
    %dma_wait3A_340 = tpu.memref_squeeze %dma_wait3A_339 : memref<1x16x16xf32, #tpu.memory_space<vmem>> -> memref<16x16xf32, #tpu.memory_space<vmem>>
    %dma_wait3A_341 = arith.constant 9984 : i32
    %dma_wait3A_342 = tpu.memref_slice %arg6[%dma_wait3A_341] : memref<10000xi32, #tpu.memory_space<vmem>> -> memref<16xi32, #tpu.memory_space<vmem>>
    %dma_wait3A_343 = arith.constant 0 : i32
    %dma_wait3A_344 = arith.constant 0 : i32
    %dma_wait3A_345 = tpu.memref_slice %arg3[%dma_wait3A_343, %dma_wait3A_344] : memref<10240x16xf32, #tpu.memory_space<hbm>> -> memref<10240x16xf32, #tpu.memory_space<hbm>>
    %dma_wait3A_346 = tpu.memref_slice %arg10[%dma_wait3A_336] : memref<8x!tpu.dma_semaphore, #tpu.memory_space<semaphore_mem>> -> memref<1x!tpu.dma_semaphore, #tpu.memory_space<semaphore_mem>>
    %dma_wait3A_347 = tpu.memref_squeeze %dma_wait3A_346 : memref<1x!tpu.dma_semaphore, #tpu.memory_space<semaphore_mem>> -> memref<!tpu.dma_semaphore, #tpu.memory_space<semaphore_mem>>
    tpu.wait_indirect_dma semaphore(%dma_wait3A_347 : memref<!tpu.dma_semaphore, #tpu.memory_space<semaphore_mem>>) src(%dma_wait3A_345 : memref<10240x16xf32, #tpu.memory_space<hbm>>) dst(%dma_wait3A_340 : memref<16x16xf32, #tpu.memory_space<vmem>>)
    %run_scoped3A_348 = arith.constant 0 : i32
    "tpu.region"() ({
      %run_scoped3A_354 = tpu.sem_alloc : memref<!tpu.dma_semaphore, #tpu.memory_space<semaphore_mem>>
      %dma_start3A_355 = arith.constant 0 : i32
      %dma_start3A_356 = arith.constant 0 : i32
      %dma_start3A_357 = tpu.memref_slice %arg8[%run_scoped3A_348, %dma_start3A_355, %dma_start3A_356] : memref<8x128x16xf32, #tpu.memory_space<vmem>> -> memref<1x16x16xf32, #tpu.memory_space<vmem>>
      %dma_start3A_358 = tpu.memref_squeeze %dma_start3A_357 : memref<1x16x16xf32, #tpu.memory_space<vmem>> -> memref<16x16xf32, #tpu.memory_space<vmem>>
      %dma_start3A_359 = arith.constant 9984 : i32
      %dma_start3A_360 = tpu.memref_slice %arg7[%dma_start3A_359] : memref<10000xi32, #tpu.memory_space<vmem>> -> memref<16xi32, #tpu.memory_space<vmem>>
      %dma_start3A_361 = arith.constant 0 : i32
      %dma_start3A_362 = arith.constant 0 : i32
      %dma_start3A_363 = tpu.memref_slice %arg9[%dma_start3A_361, %dma_start3A_362] : memref<10240x16xf32, #tpu.memory_space<vmem_shared>> -> memref<10240x16xf32, #tpu.memory_space<vmem_shared>>
      tpu.enqueue_indirect_dma source(%dma_start3A_358 : memref<16x16xf32, #tpu.memory_space<vmem>>) target(%dma_start3A_363 : memref<10240x16xf32, #tpu.memory_space<vmem_shared>>) offsets(%dma_start3A_360 : memref<16xi32, #tpu.memory_space<vmem>>) semaphore(%run_scoped3A_354 : memref<!tpu.dma_semaphore, #tpu.memory_space<semaphore_mem>>) {add = true}
      %dma_wait3A_364 = arith.constant 0 : i32
      %dma_wait3A_365 = arith.constant 0 : i32
      %dma_wait3A_366 = tpu.memref_slice %arg8[%run_scoped3A_348, %dma_wait3A_364, %dma_wait3A_365] : memref<8x128x16xf32, #tpu.memory_space<vmem>> -> memref<1x16x16xf32, #tpu.memory_space<vmem>>
      %dma_wait3A_367 = tpu.memref_squeeze %dma_wait3A_366 : memref<1x16x16xf32, #tpu.memory_space<vmem>> -> memref<16x16xf32, #tpu.memory_space<vmem>>
      %dma_wait3A_368 = arith.constant 9984 : i32
      %dma_wait3A_369 = tpu.memref_slice %arg7[%dma_wait3A_368] : memref<10000xi32, #tpu.memory_space<vmem>> -> memref<16xi32, #tpu.memory_space<vmem>>
      %dma_wait3A_370 = arith.constant 0 : i32
      %dma_wait3A_371 = arith.constant 0 : i32
      %dma_wait3A_372 = tpu.memref_slice %arg9[%dma_wait3A_370, %dma_wait3A_371] : memref<10240x16xf32, #tpu.memory_space<vmem_shared>> -> memref<10240x16xf32, #tpu.memory_space<vmem_shared>>
      tpu.wait_indirect_dma semaphore(%run_scoped3A_354 : memref<!tpu.dma_semaphore, #tpu.memory_space<semaphore_mem>>) src(%dma_wait3A_367 : memref<16x16xf32, #tpu.memory_space<vmem>>) dst(%dma_wait3A_372 : memref<10240x16xf32, #tpu.memory_space<vmem_shared>>)
      tpu.yield
    }) : () -> ()
    %barrier3A_349 = arith.constant 0 : index
    tpu.barrier barrier_id(%barrier3A_349)
    %mul3A_350 = arith.constant 640 : i32
    %mul3A_351 = arith.muli %arg1, %mul3A_350 : i32
    %mul3A_352 = arith.constant 640 : i32
    %mul3A_353 = arith.muli %arg1, %mul3A_352 : i32
    "tpu.region"() ({
      %run_scoped3A_354 = tpu.sem_alloc : memref<!tpu.dma_semaphore, #tpu.memory_space<semaphore_mem>>
      %dma_start3A_355 = arith.constant 0 : i32
      %dma_start3A_356 = tpu.memref_slice %arg5[%arg0, %mul3A_353, %dma_start3A_355] : memref<2x10240x16xf32, #tpu.memory_space<hbm>> -> memref<1x640x16xf32, #tpu.memory_space<hbm>>
      %dma_start3A_357 = tpu.memref_squeeze %dma_start3A_356 : memref<1x640x16xf32, #tpu.memory_space<hbm>> -> memref<640x16xf32, #tpu.memory_space<hbm>>
      %dma_start3A_358 = arith.constant 0 : i32
      %dma_start3A_359 = tpu.memref_slice %arg9[%mul3A_351, %dma_start3A_358] : memref<10240x16xf32, #tpu.memory_space<vmem_shared>> -> memref<640x16xf32, #tpu.memory_space<vmem_shared>>
      tpu.enqueue_dma source(%dma_start3A_359 : memref<640x16xf32, #tpu.memory_space<vmem_shared>>) target(%dma_start3A_357 : memref<640x16xf32, #tpu.memory_space<hbm>>) target_semaphore(%run_scoped3A_354 : memref<!tpu.dma_semaphore, #tpu.memory_space<semaphore_mem>>)
      %dma_wait3A_360 = arith.constant 0 : i32
      %dma_wait3A_361 = tpu.memref_slice %arg5[%arg0, %mul3A_353, %dma_wait3A_360] : memref<2x10240x16xf32, #tpu.memory_space<hbm>> -> memref<1x640x16xf32, #tpu.memory_space<hbm>>
      %dma_wait3A_362 = tpu.memref_squeeze %dma_wait3A_361 : memref<1x640x16xf32, #tpu.memory_space<hbm>> -> memref<640x16xf32, #tpu.memory_space<hbm>>
      %dma_wait3A_363 = arith.constant 0 : i32
      %dma_wait3A_364 = tpu.memref_slice %arg9[%mul3A_351, %dma_wait3A_363] : memref<10240x16xf32, #tpu.memory_space<vmem_shared>> -> memref<640x16xf32, #tpu.memory_space<vmem_shared>>
      tpu.wait_dma2 semaphore(%run_scoped3A_354 : memref<!tpu.dma_semaphore, #tpu.memory_space<semaphore_mem>>) src(%dma_wait3A_364 : memref<640x16xf32, #tpu.memory_space<vmem_shared>>) dst(%dma_wait3A_362 : memref<640x16xf32, #tpu.memory_space<hbm>>)
      tpu.yield
    }) : () -> ()
    return
  }
}

#map = affine_map<(d0, d1) -> (0, 0)>
#map1 = affine_map<(d0, d1) -> (0)>
module attributes {stable_mosaic.version = 14 : i64} {
  func.func @_sc_edge_pool(%arg0: i32, %arg1: i32, %arg2: memref<2x320000xi32, #tpu.memory_space<hbm>>, %arg3: memref<10240x16xf32, #tpu.memory_space<hbm>>, %arg4: memref<640x16xf32, #tpu.memory_space<hbm>>, %arg5: memref<10240xf32, #tpu.memory_space<hbm>>, %arg6: memref<10240xi32, #tpu.memory_space<hbm>>, %arg7: memref<16xf32, #tpu.memory_space<hbm>>, %arg8: memref<2176xf32, #tpu.memory_space<hbm>>, %arg9: memref<69632xf32, #tpu.memory_space<hbm>>, %arg10: memref<10000xi32, #tpu.memory_space<vmem>>, %arg11: memref<10000xi32, #tpu.memory_space<vmem>>, %arg12: memref<8x128x16xf32, #tpu.memory_space<vmem>>, %arg13: memref<10240x16xf32, #tpu.memory_space<vmem_shared>>, %arg14: memref<8x!tpu.dma_semaphore, #tpu.memory_space<semaphore_mem>>, %arg15: memref<8x!tpu.dma_semaphore, #tpu.memory_space<semaphore_mem>>, %arg16: memref<640x16xf32, #tpu.memory_space<vmem>>, %arg17: memref<640x16xf32, #tpu.memory_space<vmem>>, %arg18: memref<640xf32, #tpu.memory_space<vmem>>, %arg19: memref<640xi32, #tpu.memory_space<vmem>>, %arg20: memref<16xf32, #tpu.memory_space<vmem>>, %arg21: memref<2176xf32, #tpu.memory_space<vmem>>) attributes {dimension_semantics = [#tpu.dimension_semantics<core_parallel>, #tpu.dimension_semantics<subcore_parallel>], iteration_bounds = array<i64: 2, 16>, scalar_prefetch = 0 : i64, scratch_operands = 12 : i64, tpu.core_type = #tpu.core_type<sc_vector_subcore>, window_params = [{transform_indices = #map}, {transform_indices = #map}, {transform_indices = #map}, {transform_indices = #map1}, {transform_indices = #map1}, {transform_indices = #map1}, {transform_indices = #map1}, {transform_indices = #map1}]} {
    %mul3A = arith.constant 16 : i32
    %mul3A_0 = arith.muli %arg0, %mul3A : i32
    %add3A = arith.addi %mul3A_0, %arg1 : i32
    %mul3A_1 = arith.constant 640 : i32
    %mul3A_2 = arith.muli %arg1, %mul3A_1 : i32
    "tpu.region"() ({
      %run_scoped3A_364 = tpu.sem_alloc : memref<!tpu.dma_semaphore, #tpu.memory_space<semaphore_mem>>
      %dma_start3A_365 = arith.constant 0 : i32
      %dma_start3A_366 = tpu.memref_slice %arg13[%mul3A_2, %dma_start3A_365] : memref<10240x16xf32, #tpu.memory_space<vmem_shared>> -> memref<640x16xf32, #tpu.memory_space<vmem_shared>>
      tpu.enqueue_dma source(%arg4 : memref<640x16xf32, #tpu.memory_space<hbm>>) target(%dma_start3A_366 : memref<640x16xf32, #tpu.memory_space<vmem_shared>>) target_semaphore(%run_scoped3A_364 : memref<!tpu.dma_semaphore, #tpu.memory_space<semaphore_mem>>)
      %dma_wait3A_367 = arith.constant 0 : i32
      %dma_wait3A_368 = tpu.memref_slice %arg13[%mul3A_2, %dma_wait3A_367] : memref<10240x16xf32, #tpu.memory_space<vmem_shared>> -> memref<640x16xf32, #tpu.memory_space<vmem_shared>>
      tpu.wait_dma2 semaphore(%run_scoped3A_364 : memref<!tpu.dma_semaphore, #tpu.memory_space<semaphore_mem>>) src(%arg4 : memref<640x16xf32, #tpu.memory_space<hbm>>) dst(%dma_wait3A_368 : memref<640x16xf32, #tpu.memory_space<vmem_shared>>)
      tpu.yield
    }) : () -> ()
    %mul3A_3 = arith.constant 10000 : i32
    %mul3A_4 = arith.muli %add3A, %mul3A_3 : i32
    %run_scoped3A = arith.constant 0 : i32
    "tpu.region"() ({
      %run_scoped3A_364 = tpu.sem_alloc : memref<!tpu.dma_semaphore, #tpu.memory_space<semaphore_mem>>
      %dma_start3A_365 = tpu.memref_slice %arg2[%run_scoped3A, %mul3A_4] : memref<2x320000xi32, #tpu.memory_space<hbm>> -> memref<1x10000xi32, #tpu.memory_space<hbm>>
      %dma_start3A_366 = tpu.memref_squeeze %dma_start3A_365 : memref<1x10000xi32, #tpu.memory_space<hbm>> -> memref<10000xi32, #tpu.memory_space<hbm>>
      %dma_start3A_367 = tpu.memref_slice %arg2[%run_scoped3A, %mul3A_4] : memref<2x320000xi32, #tpu.memory_space<hbm>> -> memref<1x10000xi32, #tpu.memory_space<hbm>>
      %dma_start3A_368 = tpu.memref_squeeze %dma_start3A_367 : memref<1x10000xi32, #tpu.memory_space<hbm>> -> memref<10000xi32, #tpu.memory_space<hbm>>
      tpu.enqueue_dma source(%dma_start3A_368 : memref<10000xi32, #tpu.memory_space<hbm>>) target(%arg10 : memref<10000xi32, #tpu.memory_space<vmem>>) target_semaphore(%run_scoped3A_364 : memref<!tpu.dma_semaphore, #tpu.memory_space<semaphore_mem>>)
      %dma_wait3A_369 = tpu.memref_slice %arg2[%run_scoped3A, %mul3A_4] : memref<2x320000xi32, #tpu.memory_space<hbm>> -> memref<1x10000xi32, #tpu.memory_space<hbm>>
      %dma_wait3A_370 = tpu.memref_squeeze %dma_wait3A_369 : memref<1x10000xi32, #tpu.memory_space<hbm>> -> memref<10000xi32, #tpu.memory_space<hbm>>
      %dma_wait3A_371 = tpu.memref_slice %arg2[%run_scoped3A, %mul3A_4] : memref<2x320000xi32, #tpu.memory_space<hbm>> -> memref<1x10000xi32, #tpu.memory_space<hbm>>
      %dma_wait3A_372 = tpu.memref_squeeze %dma_wait3A_371 : memref<1x10000xi32, #tpu.memory_space<hbm>> -> memref<10000xi32, #tpu.memory_space<hbm>>
      tpu.wait_dma2 semaphore(%run_scoped3A_364 : memref<!tpu.dma_semaphore, #tpu.memory_space<semaphore_mem>>) src(%dma_wait3A_372 : memref<10000xi32, #tpu.memory_space<hbm>>) dst(%arg10 : memref<10000xi32, #tpu.memory_space<vmem>>)
      tpu.yield
    }) : () -> ()
    %mul3A_5 = arith.constant 10000 : i32
    %mul3A_6 = arith.muli %add3A, %mul3A_5 : i32
    %run_scoped3A_7 = arith.constant 1 : i32
    "tpu.region"() ({
      %run_scoped3A_364 = tpu.sem_alloc : memref<!tpu.dma_semaphore, #tpu.memory_space<semaphore_mem>>
      %dma_start3A_365 = tpu.memref_slice %arg2[%run_scoped3A_7, %mul3A_6] : memref<2x320000xi32, #tpu.memory_space<hbm>> -> memref<1x10000xi32, #tpu.memory_space<hbm>>
      %dma_start3A_366 = tpu.memref_squeeze %dma_start3A_365 : memref<1x10000xi32, #tpu.memory_space<hbm>> -> memref<10000xi32, #tpu.memory_space<hbm>>
      %dma_start3A_367 = tpu.memref_slice %arg2[%run_scoped3A_7, %mul3A_6] : memref<2x320000xi32, #tpu.memory_space<hbm>> -> memref<1x10000xi32, #tpu.memory_space<hbm>>
      %dma_start3A_368 = tpu.memref_squeeze %dma_start3A_367 : memref<1x10000xi32, #tpu.memory_space<hbm>> -> memref<10000xi32, #tpu.memory_space<hbm>>
      tpu.enqueue_dma source(%dma_start3A_368 : memref<10000xi32, #tpu.memory_space<hbm>>) target(%arg11 : memref<10000xi32, #tpu.memory_space<vmem>>) target_semaphore(%run_scoped3A_364 : memref<!tpu.dma_semaphore, #tpu.memory_space<semaphore_mem>>)
      %dma_wait3A_369 = tpu.memref_slice %arg2[%run_scoped3A_7, %mul3A_6] : memref<2x320000xi32, #tpu.memory_space<hbm>> -> memref<1x10000xi32, #tpu.memory_space<hbm>>
      %dma_wait3A_370 = tpu.memref_squeeze %dma_wait3A_369 : memref<1x10000xi32, #tpu.memory_space<hbm>> -> memref<10000xi32, #tpu.memory_space<hbm>>
      %dma_wait3A_371 = tpu.memref_slice %arg2[%run_scoped3A_7, %mul3A_6] : memref<2x320000xi32, #tpu.memory_space<hbm>> -> memref<1x10000xi32, #tpu.memory_space<hbm>>
      %dma_wait3A_372 = tpu.memref_squeeze %dma_wait3A_371 : memref<1x10000xi32, #tpu.memory_space<hbm>> -> memref<10000xi32, #tpu.memory_space<hbm>>
      tpu.wait_dma2 semaphore(%run_scoped3A_364 : memref<!tpu.dma_semaphore, #tpu.memory_space<semaphore_mem>>) src(%dma_wait3A_372 : memref<10000xi32, #tpu.memory_space<hbm>>) dst(%arg11 : memref<10000xi32, #tpu.memory_space<vmem>>)
      tpu.yield
    }) : () -> ()
    %barrier3A = arith.constant 0 : index
    tpu.barrier barrier_id(%barrier3A)
    %scan3A = arith.constant 0 : i32
    %scan3A_8 = arith.constant 9 : i32
    %scan3A_9 = arith.addi %scan3A, %scan3A_8 : i32
    %scan3A_10 = arith.constant 1 : i32
    scf.for %scan3A_364 = %scan3A to %scan3A_9 step %scan3A_10  : i32 {
      %mul3A_365 = arith.constant 1 : i32
      %mul3A_366 = arith.muli %scan3A_364, %mul3A_365 : i32
      %add3A_367 = arith.constant 0 : i32
      %add3A_368 = arith.addi %add3A_367, %mul3A_366 : i32
      %mul3A_369 = arith.constant 8 : i32
      %mul3A_370 = arith.muli %add3A_368, %mul3A_369 : i32
      %mul3A_371 = arith.constant 128 : i32
      %mul3A_372 = arith.muli %mul3A_370, %mul3A_371 : i32
      %add3A_373 = arith.constant 0 : i32
      %add3A_374 = arith.addi %mul3A_372, %add3A_373 : i32
      %dma_start3A_375 = arith.constant 0 : i32
      %dma_start3A_376 = arith.constant 0 : i32
      %dma_start3A_377 = arith.constant 0 : i32
      %dma_start3A_378 = arith.constant 0 : i32
      %dma_start3A_379 = tpu.memref_slice %arg12[%dma_start3A_375, %dma_start3A_377, %dma_start3A_378] : memref<8x128x16xf32, #tpu.memory_space<vmem>> -> memref<1x128x16xf32, #tpu.memory_space<vmem>>
      %dma_start3A_380 = tpu.memref_squeeze %dma_start3A_379 : memref<1x128x16xf32, #tpu.memory_space<vmem>> -> memref<128x16xf32, #tpu.memory_space<vmem>>
      %dma_start3A_381 = tpu.memref_slice %arg10[%add3A_374] : memref<10000xi32, #tpu.memory_space<vmem>> -> memref<128xi32, #tpu.memory_space<vmem>>
      %dma_start3A_382 = arith.constant 0 : i32
      %dma_start3A_383 = arith.constant 0 : i32
      %dma_start3A_384 = tpu.memref_slice %arg3[%dma_start3A_382, %dma_start3A_383] : memref<10240x16xf32, #tpu.memory_space<hbm>> -> memref<10240x16xf32, #tpu.memory_space<hbm>>
      %dma_start3A_385 = tpu.memref_slice %arg14[%dma_start3A_376] : memref<8x!tpu.dma_semaphore, #tpu.memory_space<semaphore_mem>> -> memref<1x!tpu.dma_semaphore, #tpu.memory_space<semaphore_mem>>
      %dma_start3A_386 = tpu.memref_squeeze %dma_start3A_385 : memref<1x!tpu.dma_semaphore, #tpu.memory_space<semaphore_mem>> -> memref<!tpu.dma_semaphore, #tpu.memory_space<semaphore_mem>>
      tpu.enqueue_indirect_dma source(%dma_start3A_384 : memref<10240x16xf32, #tpu.memory_space<hbm>>) target(%dma_start3A_380 : memref<128x16xf32, #tpu.memory_space<vmem>>) offsets(%dma_start3A_381 : memref<128xi32, #tpu.memory_space<vmem>>) semaphore(%dma_start3A_386 : memref<!tpu.dma_semaphore, #tpu.memory_space<semaphore_mem>>)
      %add3A_387 = arith.constant 128 : i32
      %add3A_388 = arith.addi %mul3A_372, %add3A_387 : i32
      %dma_start3A_389 = arith.constant 1 : i32
      %dma_start3A_390 = arith.constant 1 : i32
      %dma_start3A_391 = arith.constant 0 : i32
      %dma_start3A_392 = arith.constant 0 : i32
      %dma_start3A_393 = tpu.memref_slice %arg12[%dma_start3A_389, %dma_start3A_391, %dma_start3A_392] : memref<8x128x16xf32, #tpu.memory_space<vmem>> -> memref<1x128x16xf32, #tpu.memory_space<vmem>>
      %dma_start3A_394 = tpu.memref_squeeze %dma_start3A_393 : memref<1x128x16xf32, #tpu.memory_space<vmem>> -> memref<128x16xf32, #tpu.memory_space<vmem>>
      %dma_start3A_395 = tpu.memref_slice %arg10[%add3A_388] : memref<10000xi32, #tpu.memory_space<vmem>> -> memref<128xi32, #tpu.memory_space<vmem>>
      %dma_start3A_396 = arith.constant 0 : i32
      %dma_start3A_397 = arith.constant 0 : i32
      %dma_start3A_398 = tpu.memref_slice %arg3[%dma_start3A_396, %dma_start3A_397] : memref<10240x16xf32, #tpu.memory_space<hbm>> -> memref<10240x16xf32, #tpu.memory_space<hbm>>
      %dma_start3A_399 = tpu.memref_slice %arg14[%dma_start3A_390] : memref<8x!tpu.dma_semaphore, #tpu.memory_space<semaphore_mem>> -> memref<1x!tpu.dma_semaphore, #tpu.memory_space<semaphore_mem>>
      %dma_start3A_400 = tpu.memref_squeeze %dma_start3A_399 : memref<1x!tpu.dma_semaphore, #tpu.memory_space<semaphore_mem>> -> memref<!tpu.dma_semaphore, #tpu.memory_space<semaphore_mem>>
      tpu.enqueue_indirect_dma source(%dma_start3A_398 : memref<10240x16xf32, #tpu.memory_space<hbm>>) target(%dma_start3A_394 : memref<128x16xf32, #tpu.memory_space<vmem>>) offsets(%dma_start3A_395 : memref<128xi32, #tpu.memory_space<vmem>>) semaphore(%dma_start3A_400 : memref<!tpu.dma_semaphore, #tpu.memory_space<semaphore_mem>>)
      %add3A_401 = arith.constant 256 : i32
      %add3A_402 = arith.addi %mul3A_372, %add3A_401 : i32
      %dma_start3A_403 = arith.constant 2 : i32
      %dma_start3A_404 = arith.constant 2 : i32
      %dma_start3A_405 = arith.constant 0 : i32
      %dma_start3A_406 = arith.constant 0 : i32
      %dma_start3A_407 = tpu.memref_slice %arg12[%dma_start3A_403, %dma_start3A_405, %dma_start3A_406] : memref<8x128x16xf32, #tpu.memory_space<vmem>> -> memref<1x128x16xf32, #tpu.memory_space<vmem>>
      %dma_start3A_408 = tpu.memref_squeeze %dma_start3A_407 : memref<1x128x16xf32, #tpu.memory_space<vmem>> -> memref<128x16xf32, #tpu.memory_space<vmem>>
      %dma_start3A_409 = tpu.memref_slice %arg10[%add3A_402] : memref<10000xi32, #tpu.memory_space<vmem>> -> memref<128xi32, #tpu.memory_space<vmem>>
      %dma_start3A_410 = arith.constant 0 : i32
      %dma_start3A_411 = arith.constant 0 : i32
      %dma_start3A_412 = tpu.memref_slice %arg3[%dma_start3A_410, %dma_start3A_411] : memref<10240x16xf32, #tpu.memory_space<hbm>> -> memref<10240x16xf32, #tpu.memory_space<hbm>>
      %dma_start3A_413 = tpu.memref_slice %arg14[%dma_start3A_404] : memref<8x!tpu.dma_semaphore, #tpu.memory_space<semaphore_mem>> -> memref<1x!tpu.dma_semaphore, #tpu.memory_space<semaphore_mem>>
      %dma_start3A_414 = tpu.memref_squeeze %dma_start3A_413 : memref<1x!tpu.dma_semaphore, #tpu.memory_space<semaphore_mem>> -> memref<!tpu.dma_semaphore, #tpu.memory_space<semaphore_mem>>
      tpu.enqueue_indirect_dma source(%dma_start3A_412 : memref<10240x16xf32, #tpu.memory_space<hbm>>) target(%dma_start3A_408 : memref<128x16xf32, #tpu.memory_space<vmem>>) offsets(%dma_start3A_409 : memref<128xi32, #tpu.memory_space<vmem>>) semaphore(%dma_start3A_414 : memref<!tpu.dma_semaphore, #tpu.memory_space<semaphore_mem>>)
      %add3A_415 = arith.constant 384 : i32
      %add3A_416 = arith.addi %mul3A_372, %add3A_415 : i32
      %dma_start3A_417 = arith.constant 3 : i32
      %dma_start3A_418 = arith.constant 3 : i32
      %dma_start3A_419 = arith.constant 0 : i32
      %dma_start3A_420 = arith.constant 0 : i32
      %dma_start3A_421 = tpu.memref_slice %arg12[%dma_start3A_417, %dma_start3A_419, %dma_start3A_420] : memref<8x128x16xf32, #tpu.memory_space<vmem>> -> memref<1x128x16xf32, #tpu.memory_space<vmem>>
      %dma_start3A_422 = tpu.memref_squeeze %dma_start3A_421 : memref<1x128x16xf32, #tpu.memory_space<vmem>> -> memref<128x16xf32, #tpu.memory_space<vmem>>
      %dma_start3A_423 = tpu.memref_slice %arg10[%add3A_416] : memref<10000xi32, #tpu.memory_space<vmem>> -> memref<128xi32, #tpu.memory_space<vmem>>
      %dma_start3A_424 = arith.constant 0 : i32
      %dma_start3A_425 = arith.constant 0 : i32
      %dma_start3A_426 = tpu.memref_slice %arg3[%dma_start3A_424, %dma_start3A_425] : memref<10240x16xf32, #tpu.memory_space<hbm>> -> memref<10240x16xf32, #tpu.memory_space<hbm>>
      %dma_start3A_427 = tpu.memref_slice %arg14[%dma_start3A_418] : memref<8x!tpu.dma_semaphore, #tpu.memory_space<semaphore_mem>> -> memref<1x!tpu.dma_semaphore, #tpu.memory_space<semaphore_mem>>
      %dma_start3A_428 = tpu.memref_squeeze %dma_start3A_427 : memref<1x!tpu.dma_semaphore, #tpu.memory_space<semaphore_mem>> -> memref<!tpu.dma_semaphore, #tpu.memory_space<semaphore_mem>>
      tpu.enqueue_indirect_dma source(%dma_start3A_426 : memref<10240x16xf32, #tpu.memory_space<hbm>>) target(%dma_start3A_422 : memref<128x16xf32, #tpu.memory_space<vmem>>) offsets(%dma_start3A_423 : memref<128xi32, #tpu.memory_space<vmem>>) semaphore(%dma_start3A_428 : memref<!tpu.dma_semaphore, #tpu.memory_space<semaphore_mem>>)
      %add3A_429 = arith.constant 512 : i32
      %add3A_430 = arith.addi %mul3A_372, %add3A_429 : i32
      %dma_start3A_431 = arith.constant 4 : i32
      %dma_start3A_432 = arith.constant 4 : i32
      %dma_start3A_433 = arith.constant 0 : i32
      %dma_start3A_434 = arith.constant 0 : i32
      %dma_start3A_435 = tpu.memref_slice %arg12[%dma_start3A_431, %dma_start3A_433, %dma_start3A_434] : memref<8x128x16xf32, #tpu.memory_space<vmem>> -> memref<1x128x16xf32, #tpu.memory_space<vmem>>
      %dma_start3A_436 = tpu.memref_squeeze %dma_start3A_435 : memref<1x128x16xf32, #tpu.memory_space<vmem>> -> memref<128x16xf32, #tpu.memory_space<vmem>>
      %dma_start3A_437 = tpu.memref_slice %arg10[%add3A_430] : memref<10000xi32, #tpu.memory_space<vmem>> -> memref<128xi32, #tpu.memory_space<vmem>>
      %dma_start3A_438 = arith.constant 0 : i32
      %dma_start3A_439 = arith.constant 0 : i32
      %dma_start3A_440 = tpu.memref_slice %arg3[%dma_start3A_438, %dma_start3A_439] : memref<10240x16xf32, #tpu.memory_space<hbm>> -> memref<10240x16xf32, #tpu.memory_space<hbm>>
      %dma_start3A_441 = tpu.memref_slice %arg14[%dma_start3A_432] : memref<8x!tpu.dma_semaphore, #tpu.memory_space<semaphore_mem>> -> memref<1x!tpu.dma_semaphore, #tpu.memory_space<semaphore_mem>>
      %dma_start3A_442 = tpu.memref_squeeze %dma_start3A_441 : memref<1x!tpu.dma_semaphore, #tpu.memory_space<semaphore_mem>> -> memref<!tpu.dma_semaphore, #tpu.memory_space<semaphore_mem>>
      tpu.enqueue_indirect_dma source(%dma_start3A_440 : memref<10240x16xf32, #tpu.memory_space<hbm>>) target(%dma_start3A_436 : memref<128x16xf32, #tpu.memory_space<vmem>>) offsets(%dma_start3A_437 : memref<128xi32, #tpu.memory_space<vmem>>) semaphore(%dma_start3A_442 : memref<!tpu.dma_semaphore, #tpu.memory_space<semaphore_mem>>)
      %add3A_443 = arith.constant 640 : i32
      %add3A_444 = arith.addi %mul3A_372, %add3A_443 : i32
      %dma_start3A_445 = arith.constant 5 : i32
      %dma_start3A_446 = arith.constant 5 : i32
      %dma_start3A_447 = arith.constant 0 : i32
      %dma_start3A_448 = arith.constant 0 : i32
      %dma_start3A_449 = tpu.memref_slice %arg12[%dma_start3A_445, %dma_start3A_447, %dma_start3A_448] : memref<8x128x16xf32, #tpu.memory_space<vmem>> -> memref<1x128x16xf32, #tpu.memory_space<vmem>>
      %dma_start3A_450 = tpu.memref_squeeze %dma_start3A_449 : memref<1x128x16xf32, #tpu.memory_space<vmem>> -> memref<128x16xf32, #tpu.memory_space<vmem>>
      %dma_start3A_451 = tpu.memref_slice %arg10[%add3A_444] : memref<10000xi32, #tpu.memory_space<vmem>> -> memref<128xi32, #tpu.memory_space<vmem>>
      %dma_start3A_452 = arith.constant 0 : i32
      %dma_start3A_453 = arith.constant 0 : i32
      %dma_start3A_454 = tpu.memref_slice %arg3[%dma_start3A_452, %dma_start3A_453] : memref<10240x16xf32, #tpu.memory_space<hbm>> -> memref<10240x16xf32, #tpu.memory_space<hbm>>
      %dma_start3A_455 = tpu.memref_slice %arg14[%dma_start3A_446] : memref<8x!tpu.dma_semaphore, #tpu.memory_space<semaphore_mem>> -> memref<1x!tpu.dma_semaphore, #tpu.memory_space<semaphore_mem>>
      %dma_start3A_456 = tpu.memref_squeeze %dma_start3A_455 : memref<1x!tpu.dma_semaphore, #tpu.memory_space<semaphore_mem>> -> memref<!tpu.dma_semaphore, #tpu.memory_space<semaphore_mem>>
      tpu.enqueue_indirect_dma source(%dma_start3A_454 : memref<10240x16xf32, #tpu.memory_space<hbm>>) target(%dma_start3A_450 : memref<128x16xf32, #tpu.memory_space<vmem>>) offsets(%dma_start3A_451 : memref<128xi32, #tpu.memory_space<vmem>>) semaphore(%dma_start3A_456 : memref<!tpu.dma_semaphore, #tpu.memory_space<semaphore_mem>>)
      %add3A_457 = arith.constant 768 : i32
      %add3A_458 = arith.addi %mul3A_372, %add3A_457 : i32
      %dma_start3A_459 = arith.constant 6 : i32
      %dma_start3A_460 = arith.constant 6 : i32
      %dma_start3A_461 = arith.constant 0 : i32
      %dma_start3A_462 = arith.constant 0 : i32
      %dma_start3A_463 = tpu.memref_slice %arg12[%dma_start3A_459, %dma_start3A_461, %dma_start3A_462] : memref<8x128x16xf32, #tpu.memory_space<vmem>> -> memref<1x128x16xf32, #tpu.memory_space<vmem>>
      %dma_start3A_464 = tpu.memref_squeeze %dma_start3A_463 : memref<1x128x16xf32, #tpu.memory_space<vmem>> -> memref<128x16xf32, #tpu.memory_space<vmem>>
      %dma_start3A_465 = tpu.memref_slice %arg10[%add3A_458] : memref<10000xi32, #tpu.memory_space<vmem>> -> memref<128xi32, #tpu.memory_space<vmem>>
      %dma_start3A_466 = arith.constant 0 : i32
      %dma_start3A_467 = arith.constant 0 : i32
      %dma_start3A_468 = tpu.memref_slice %arg3[%dma_start3A_466, %dma_start3A_467] : memref<10240x16xf32, #tpu.memory_space<hbm>> -> memref<10240x16xf32, #tpu.memory_space<hbm>>
      %dma_start3A_469 = tpu.memref_slice %arg14[%dma_start3A_460] : memref<8x!tpu.dma_semaphore, #tpu.memory_space<semaphore_mem>> -> memref<1x!tpu.dma_semaphore, #tpu.memory_space<semaphore_mem>>
      %dma_start3A_470 = tpu.memref_squeeze %dma_start3A_469 : memref<1x!tpu.dma_semaphore, #tpu.memory_space<semaphore_mem>> -> memref<!tpu.dma_semaphore, #tpu.memory_space<semaphore_mem>>
      tpu.enqueue_indirect_dma source(%dma_start3A_468 : memref<10240x16xf32, #tpu.memory_space<hbm>>) target(%dma_start3A_464 : memref<128x16xf32, #tpu.memory_space<vmem>>) offsets(%dma_start3A_465 : memref<128xi32, #tpu.memory_space<vmem>>) semaphore(%dma_start3A_470 : memref<!tpu.dma_semaphore, #tpu.memory_space<semaphore_mem>>)
      %add3A_471 = arith.constant 896 : i32
      %add3A_472 = arith.addi %mul3A_372, %add3A_471 : i32
      %dma_start3A_473 = arith.constant 7 : i32
      %dma_start3A_474 = arith.constant 7 : i32
      %dma_start3A_475 = arith.constant 0 : i32
      %dma_start3A_476 = arith.constant 0 : i32
      %dma_start3A_477 = tpu.memref_slice %arg12[%dma_start3A_473, %dma_start3A_475, %dma_start3A_476] : memref<8x128x16xf32, #tpu.memory_space<vmem>> -> memref<1x128x16xf32, #tpu.memory_space<vmem>>
      %dma_start3A_478 = tpu.memref_squeeze %dma_start3A_477 : memref<1x128x16xf32, #tpu.memory_space<vmem>> -> memref<128x16xf32, #tpu.memory_space<vmem>>
      %dma_start3A_479 = tpu.memref_slice %arg10[%add3A_472] : memref<10000xi32, #tpu.memory_space<vmem>> -> memref<128xi32, #tpu.memory_space<vmem>>
      %dma_start3A_480 = arith.constant 0 : i32
      %dma_start3A_481 = arith.constant 0 : i32
      %dma_start3A_482 = tpu.memref_slice %arg3[%dma_start3A_480, %dma_start3A_481] : memref<10240x16xf32, #tpu.memory_space<hbm>> -> memref<10240x16xf32, #tpu.memory_space<hbm>>
      %dma_start3A_483 = tpu.memref_slice %arg14[%dma_start3A_474] : memref<8x!tpu.dma_semaphore, #tpu.memory_space<semaphore_mem>> -> memref<1x!tpu.dma_semaphore, #tpu.memory_space<semaphore_mem>>
      %dma_start3A_484 = tpu.memref_squeeze %dma_start3A_483 : memref<1x!tpu.dma_semaphore, #tpu.memory_space<semaphore_mem>> -> memref<!tpu.dma_semaphore, #tpu.memory_space<semaphore_mem>>
      tpu.enqueue_indirect_dma source(%dma_start3A_482 : memref<10240x16xf32, #tpu.memory_space<hbm>>) target(%dma_start3A_478 : memref<128x16xf32, #tpu.memory_space<vmem>>) offsets(%dma_start3A_479 : memref<128xi32, #tpu.memory_space<vmem>>) semaphore(%dma_start3A_484 : memref<!tpu.dma_semaphore, #tpu.memory_space<semaphore_mem>>)
      %dma_wait3A_485 = arith.constant 0 : i32
      %dma_wait3A_486 = arith.constant 0 : i32
      %dma_wait3A_487 = arith.constant 0 : i32
      %dma_wait3A_488 = arith.constant 0 : i32
      %dma_wait3A_489 = tpu.memref_slice %arg12[%dma_wait3A_485, %dma_wait3A_487, %dma_wait3A_488] : memref<8x128x16xf32, #tpu.memory_space<vmem>> -> memref<1x128x16xf32, #tpu.memory_space<vmem>>
      %dma_wait3A_490 = tpu.memref_squeeze %dma_wait3A_489 : memref<1x128x16xf32, #tpu.memory_space<vmem>> -> memref<128x16xf32, #tpu.memory_space<vmem>>
      %dma_wait3A_491 = tpu.memref_slice %arg10[%add3A_374] : memref<10000xi32, #tpu.memory_space<vmem>> -> memref<128xi32, #tpu.memory_space<vmem>>
      %dma_wait3A_492 = arith.constant 0 : i32
      %dma_wait3A_493 = arith.constant 0 : i32
      %dma_wait3A_494 = tpu.memref_slice %arg3[%dma_wait3A_492, %dma_wait3A_493] : memref<10240x16xf32, #tpu.memory_space<hbm>> -> memref<10240x16xf32, #tpu.memory_space<hbm>>
      %dma_wait3A_495 = tpu.memref_slice %arg14[%dma_wait3A_486] : memref<8x!tpu.dma_semaphore, #tpu.memory_space<semaphore_mem>> -> memref<1x!tpu.dma_semaphore, #tpu.memory_space<semaphore_mem>>
      %dma_wait3A_496 = tpu.memref_squeeze %dma_wait3A_495 : memref<1x!tpu.dma_semaphore, #tpu.memory_space<semaphore_mem>> -> memref<!tpu.dma_semaphore, #tpu.memory_space<semaphore_mem>>
      tpu.wait_indirect_dma semaphore(%dma_wait3A_496 : memref<!tpu.dma_semaphore, #tpu.memory_space<semaphore_mem>>) src(%dma_wait3A_494 : memref<10240x16xf32, #tpu.memory_space<hbm>>) dst(%dma_wait3A_490 : memref<128x16xf32, #tpu.memory_space<vmem>>)
      %add3A_497 = arith.constant 0 : i32
      %add3A_498 = arith.addi %mul3A_372, %add3A_497 : i32
      %dma_start3A_499 = arith.constant 0 : i32
      %dma_start3A_500 = arith.constant 0 : i32
      %dma_start3A_501 = arith.constant 0 : i32
      %dma_start3A_502 = arith.constant 0 : i32
      %dma_start3A_503 = tpu.memref_slice %arg12[%dma_start3A_499, %dma_start3A_501, %dma_start3A_502] : memref<8x128x16xf32, #tpu.memory_space<vmem>> -> memref<1x128x16xf32, #tpu.memory_space<vmem>>
      %dma_start3A_504 = tpu.memref_squeeze %dma_start3A_503 : memref<1x128x16xf32, #tpu.memory_space<vmem>> -> memref<128x16xf32, #tpu.memory_space<vmem>>
      %dma_start3A_505 = tpu.memref_slice %arg11[%add3A_498] : memref<10000xi32, #tpu.memory_space<vmem>> -> memref<128xi32, #tpu.memory_space<vmem>>
      %dma_start3A_506 = arith.constant 0 : i32
      %dma_start3A_507 = arith.constant 0 : i32
      %dma_start3A_508 = tpu.memref_slice %arg13[%dma_start3A_506, %dma_start3A_507] : memref<10240x16xf32, #tpu.memory_space<vmem_shared>> -> memref<10240x16xf32, #tpu.memory_space<vmem_shared>>
      %dma_start3A_509 = tpu.memref_slice %arg15[%dma_start3A_500] : memref<8x!tpu.dma_semaphore, #tpu.memory_space<semaphore_mem>> -> memref<1x!tpu.dma_semaphore, #tpu.memory_space<semaphore_mem>>
      %dma_start3A_510 = tpu.memref_squeeze %dma_start3A_509 : memref<1x!tpu.dma_semaphore, #tpu.memory_space<semaphore_mem>> -> memref<!tpu.dma_semaphore, #tpu.memory_space<semaphore_mem>>
      tpu.enqueue_indirect_dma source(%dma_start3A_504 : memref<128x16xf32, #tpu.memory_space<vmem>>) target(%dma_start3A_508 : memref<10240x16xf32, #tpu.memory_space<vmem_shared>>) offsets(%dma_start3A_505 : memref<128xi32, #tpu.memory_space<vmem>>) semaphore(%dma_start3A_510 : memref<!tpu.dma_semaphore, #tpu.memory_space<semaphore_mem>>) {add = true}
      %dma_wait3A_511 = arith.constant 1 : i32
      %dma_wait3A_512 = arith.constant 1 : i32
      %dma_wait3A_513 = arith.constant 0 : i32
      %dma_wait3A_514 = arith.constant 0 : i32
      %dma_wait3A_515 = tpu.memref_slice %arg12[%dma_wait3A_511, %dma_wait3A_513, %dma_wait3A_514] : memref<8x128x16xf32, #tpu.memory_space<vmem>> -> memref<1x128x16xf32, #tpu.memory_space<vmem>>
      %dma_wait3A_516 = tpu.memref_squeeze %dma_wait3A_515 : memref<1x128x16xf32, #tpu.memory_space<vmem>> -> memref<128x16xf32, #tpu.memory_space<vmem>>
      %dma_wait3A_517 = tpu.memref_slice %arg10[%add3A_388] : memref<10000xi32, #tpu.memory_space<vmem>> -> memref<128xi32, #tpu.memory_space<vmem>>
      %dma_wait3A_518 = arith.constant 0 : i32
      %dma_wait3A_519 = arith.constant 0 : i32
      %dma_wait3A_520 = tpu.memref_slice %arg3[%dma_wait3A_518, %dma_wait3A_519] : memref<10240x16xf32, #tpu.memory_space<hbm>> -> memref<10240x16xf32, #tpu.memory_space<hbm>>
      %dma_wait3A_521 = tpu.memref_slice %arg14[%dma_wait3A_512] : memref<8x!tpu.dma_semaphore, #tpu.memory_space<semaphore_mem>> -> memref<1x!tpu.dma_semaphore, #tpu.memory_space<semaphore_mem>>
      %dma_wait3A_522 = tpu.memref_squeeze %dma_wait3A_521 : memref<1x!tpu.dma_semaphore, #tpu.memory_space<semaphore_mem>> -> memref<!tpu.dma_semaphore, #tpu.memory_space<semaphore_mem>>
      tpu.wait_indirect_dma semaphore(%dma_wait3A_522 : memref<!tpu.dma_semaphore, #tpu.memory_space<semaphore_mem>>) src(%dma_wait3A_520 : memref<10240x16xf32, #tpu.memory_space<hbm>>) dst(%dma_wait3A_516 : memref<128x16xf32, #tpu.memory_space<vmem>>)
      %add3A_523 = arith.constant 128 : i32
      %add3A_524 = arith.addi %mul3A_372, %add3A_523 : i32
      %dma_start3A_525 = arith.constant 1 : i32
      %dma_start3A_526 = arith.constant 1 : i32
      %dma_start3A_527 = arith.constant 0 : i32
      %dma_start3A_528 = arith.constant 0 : i32
      %dma_start3A_529 = tpu.memref_slice %arg12[%dma_start3A_525, %dma_start3A_527, %dma_start3A_528] : memref<8x128x16xf32, #tpu.memory_space<vmem>> -> memref<1x128x16xf32, #tpu.memory_space<vmem>>
      %dma_start3A_530 = tpu.memref_squeeze %dma_start3A_529 : memref<1x128x16xf32, #tpu.memory_space<vmem>> -> memref<128x16xf32, #tpu.memory_space<vmem>>
      %dma_start3A_531 = tpu.memref_slice %arg11[%add3A_524] : memref<10000xi32, #tpu.memory_space<vmem>> -> memref<128xi32, #tpu.memory_space<vmem>>
      %dma_start3A_532 = arith.constant 0 : i32
      %dma_start3A_533 = arith.constant 0 : i32
      %dma_start3A_534 = tpu.memref_slice %arg13[%dma_start3A_532, %dma_start3A_533] : memref<10240x16xf32, #tpu.memory_space<vmem_shared>> -> memref<10240x16xf32, #tpu.memory_space<vmem_shared>>
      %dma_start3A_535 = tpu.memref_slice %arg15[%dma_start3A_526] : memref<8x!tpu.dma_semaphore, #tpu.memory_space<semaphore_mem>> -> memref<1x!tpu.dma_semaphore, #tpu.memory_space<semaphore_mem>>
      %dma_start3A_536 = tpu.memref_squeeze %dma_start3A_535 : memref<1x!tpu.dma_semaphore, #tpu.memory_space<semaphore_mem>> -> memref<!tpu.dma_semaphore, #tpu.memory_space<semaphore_mem>>
      tpu.enqueue_indirect_dma source(%dma_start3A_530 : memref<128x16xf32, #tpu.memory_space<vmem>>) target(%dma_start3A_534 : memref<10240x16xf32, #tpu.memory_space<vmem_shared>>) offsets(%dma_start3A_531 : memref<128xi32, #tpu.memory_space<vmem>>) semaphore(%dma_start3A_536 : memref<!tpu.dma_semaphore, #tpu.memory_space<semaphore_mem>>) {add = true}
      %dma_wait3A_537 = arith.constant 2 : i32
      %dma_wait3A_538 = arith.constant 2 : i32
      %dma_wait3A_539 = arith.constant 0 : i32
      %dma_wait3A_540 = arith.constant 0 : i32
      %dma_wait3A_541 = tpu.memref_slice %arg12[%dma_wait3A_537, %dma_wait3A_539, %dma_wait3A_540] : memref<8x128x16xf32, #tpu.memory_space<vmem>> -> memref<1x128x16xf32, #tpu.memory_space<vmem>>
      %dma_wait3A_542 = tpu.memref_squeeze %dma_wait3A_541 : memref<1x128x16xf32, #tpu.memory_space<vmem>> -> memref<128x16xf32, #tpu.memory_space<vmem>>
      %dma_wait3A_543 = tpu.memref_slice %arg10[%add3A_402] : memref<10000xi32, #tpu.memory_space<vmem>> -> memref<128xi32, #tpu.memory_space<vmem>>
      %dma_wait3A_544 = arith.constant 0 : i32
      %dma_wait3A_545 = arith.constant 0 : i32
      %dma_wait3A_546 = tpu.memref_slice %arg3[%dma_wait3A_544, %dma_wait3A_545] : memref<10240x16xf32, #tpu.memory_space<hbm>> -> memref<10240x16xf32, #tpu.memory_space<hbm>>
      %dma_wait3A_547 = tpu.memref_slice %arg14[%dma_wait3A_538] : memref<8x!tpu.dma_semaphore, #tpu.memory_space<semaphore_mem>> -> memref<1x!tpu.dma_semaphore, #tpu.memory_space<semaphore_mem>>
      %dma_wait3A_548 = tpu.memref_squeeze %dma_wait3A_547 : memref<1x!tpu.dma_semaphore, #tpu.memory_space<semaphore_mem>> -> memref<!tpu.dma_semaphore, #tpu.memory_space<semaphore_mem>>
      tpu.wait_indirect_dma semaphore(%dma_wait3A_548 : memref<!tpu.dma_semaphore, #tpu.memory_space<semaphore_mem>>) src(%dma_wait3A_546 : memref<10240x16xf32, #tpu.memory_space<hbm>>) dst(%dma_wait3A_542 : memref<128x16xf32, #tpu.memory_space<vmem>>)
      %add3A_549 = arith.constant 256 : i32
      %add3A_550 = arith.addi %mul3A_372, %add3A_549 : i32
      %dma_start3A_551 = arith.constant 2 : i32
      %dma_start3A_552 = arith.constant 2 : i32
      %dma_start3A_553 = arith.constant 0 : i32
      %dma_start3A_554 = arith.constant 0 : i32
      %dma_start3A_555 = tpu.memref_slice %arg12[%dma_start3A_551, %dma_start3A_553, %dma_start3A_554] : memref<8x128x16xf32, #tpu.memory_space<vmem>> -> memref<1x128x16xf32, #tpu.memory_space<vmem>>
      %dma_start3A_556 = tpu.memref_squeeze %dma_start3A_555 : memref<1x128x16xf32, #tpu.memory_space<vmem>> -> memref<128x16xf32, #tpu.memory_space<vmem>>
      %dma_start3A_557 = tpu.memref_slice %arg11[%add3A_550] : memref<10000xi32, #tpu.memory_space<vmem>> -> memref<128xi32, #tpu.memory_space<vmem>>
      %dma_start3A_558 = arith.constant 0 : i32
      %dma_start3A_559 = arith.constant 0 : i32
      %dma_start3A_560 = tpu.memref_slice %arg13[%dma_start3A_558, %dma_start3A_559] : memref<10240x16xf32, #tpu.memory_space<vmem_shared>> -> memref<10240x16xf32, #tpu.memory_space<vmem_shared>>
      %dma_start3A_561 = tpu.memref_slice %arg15[%dma_start3A_552] : memref<8x!tpu.dma_semaphore, #tpu.memory_space<semaphore_mem>> -> memref<1x!tpu.dma_semaphore, #tpu.memory_space<semaphore_mem>>
      %dma_start3A_562 = tpu.memref_squeeze %dma_start3A_561 : memref<1x!tpu.dma_semaphore, #tpu.memory_space<semaphore_mem>> -> memref<!tpu.dma_semaphore, #tpu.memory_space<semaphore_mem>>
      tpu.enqueue_indirect_dma source(%dma_start3A_556 : memref<128x16xf32, #tpu.memory_space<vmem>>) target(%dma_start3A_560 : memref<10240x16xf32, #tpu.memory_space<vmem_shared>>) offsets(%dma_start3A_557 : memref<128xi32, #tpu.memory_space<vmem>>) semaphore(%dma_start3A_562 : memref<!tpu.dma_semaphore, #tpu.memory_space<semaphore_mem>>) {add = true}
      %dma_wait3A_563 = arith.constant 3 : i32
      %dma_wait3A_564 = arith.constant 3 : i32
      %dma_wait3A_565 = arith.constant 0 : i32
      %dma_wait3A_566 = arith.constant 0 : i32
      %dma_wait3A_567 = tpu.memref_slice %arg12[%dma_wait3A_563, %dma_wait3A_565, %dma_wait3A_566] : memref<8x128x16xf32, #tpu.memory_space<vmem>> -> memref<1x128x16xf32, #tpu.memory_space<vmem>>
      %dma_wait3A_568 = tpu.memref_squeeze %dma_wait3A_567 : memref<1x128x16xf32, #tpu.memory_space<vmem>> -> memref<128x16xf32, #tpu.memory_space<vmem>>
      %dma_wait3A_569 = tpu.memref_slice %arg10[%add3A_416] : memref<10000xi32, #tpu.memory_space<vmem>> -> memref<128xi32, #tpu.memory_space<vmem>>
      %dma_wait3A_570 = arith.constant 0 : i32
      %dma_wait3A_571 = arith.constant 0 : i32
      %dma_wait3A_572 = tpu.memref_slice %arg3[%dma_wait3A_570, %dma_wait3A_571] : memref<10240x16xf32, #tpu.memory_space<hbm>> -> memref<10240x16xf32, #tpu.memory_space<hbm>>
      %dma_wait3A_573 = tpu.memref_slice %arg14[%dma_wait3A_564] : memref<8x!tpu.dma_semaphore, #tpu.memory_space<semaphore_mem>> -> memref<1x!tpu.dma_semaphore, #tpu.memory_space<semaphore_mem>>
      %dma_wait3A_574 = tpu.memref_squeeze %dma_wait3A_573 : memref<1x!tpu.dma_semaphore, #tpu.memory_space<semaphore_mem>> -> memref<!tpu.dma_semaphore, #tpu.memory_space<semaphore_mem>>
      tpu.wait_indirect_dma semaphore(%dma_wait3A_574 : memref<!tpu.dma_semaphore, #tpu.memory_space<semaphore_mem>>) src(%dma_wait3A_572 : memref<10240x16xf32, #tpu.memory_space<hbm>>) dst(%dma_wait3A_568 : memref<128x16xf32, #tpu.memory_space<vmem>>)
      %add3A_575 = arith.constant 384 : i32
      %add3A_576 = arith.addi %mul3A_372, %add3A_575 : i32
      %dma_start3A_577 = arith.constant 3 : i32
      %dma_start3A_578 = arith.constant 3 : i32
      %dma_start3A_579 = arith.constant 0 : i32
      %dma_start3A_580 = arith.constant 0 : i32
      %dma_start3A_581 = tpu.memref_slice %arg12[%dma_start3A_577, %dma_start3A_579, %dma_start3A_580] : memref<8x128x16xf32, #tpu.memory_space<vmem>> -> memref<1x128x16xf32, #tpu.memory_space<vmem>>
      %dma_start3A_582 = tpu.memref_squeeze %dma_start3A_581 : memref<1x128x16xf32, #tpu.memory_space<vmem>> -> memref<128x16xf32, #tpu.memory_space<vmem>>
      %dma_start3A_583 = tpu.memref_slice %arg11[%add3A_576] : memref<10000xi32, #tpu.memory_space<vmem>> -> memref<128xi32, #tpu.memory_space<vmem>>
      %dma_start3A_584 = arith.constant 0 : i32
      %dma_start3A_585 = arith.constant 0 : i32
      %dma_start3A_586 = tpu.memref_slice %arg13[%dma_start3A_584, %dma_start3A_585] : memref<10240x16xf32, #tpu.memory_space<vmem_shared>> -> memref<10240x16xf32, #tpu.memory_space<vmem_shared>>
      %dma_start3A_587 = tpu.memref_slice %arg15[%dma_start3A_578] : memref<8x!tpu.dma_semaphore, #tpu.memory_space<semaphore_mem>> -> memref<1x!tpu.dma_semaphore, #tpu.memory_space<semaphore_mem>>
      %dma_start3A_588 = tpu.memref_squeeze %dma_start3A_587 : memref<1x!tpu.dma_semaphore, #tpu.memory_space<semaphore_mem>> -> memref<!tpu.dma_semaphore, #tpu.memory_space<semaphore_mem>>
      tpu.enqueue_indirect_dma source(%dma_start3A_582 : memref<128x16xf32, #tpu.memory_space<vmem>>) target(%dma_start3A_586 : memref<10240x16xf32, #tpu.memory_space<vmem_shared>>) offsets(%dma_start3A_583 : memref<128xi32, #tpu.memory_space<vmem>>) semaphore(%dma_start3A_588 : memref<!tpu.dma_semaphore, #tpu.memory_space<semaphore_mem>>) {add = true}
      %dma_wait3A_589 = arith.constant 4 : i32
      %dma_wait3A_590 = arith.constant 4 : i32
      %dma_wait3A_591 = arith.constant 0 : i32
      %dma_wait3A_592 = arith.constant 0 : i32
      %dma_wait3A_593 = tpu.memref_slice %arg12[%dma_wait3A_589, %dma_wait3A_591, %dma_wait3A_592] : memref<8x128x16xf32, #tpu.memory_space<vmem>> -> memref<1x128x16xf32, #tpu.memory_space<vmem>>
      %dma_wait3A_594 = tpu.memref_squeeze %dma_wait3A_593 : memref<1x128x16xf32, #tpu.memory_space<vmem>> -> memref<128x16xf32, #tpu.memory_space<vmem>>
      %dma_wait3A_595 = tpu.memref_slice %arg10[%add3A_430] : memref<10000xi32, #tpu.memory_space<vmem>> -> memref<128xi32, #tpu.memory_space<vmem>>
      %dma_wait3A_596 = arith.constant 0 : i32
      %dma_wait3A_597 = arith.constant 0 : i32
      %dma_wait3A_598 = tpu.memref_slice %arg3[%dma_wait3A_596, %dma_wait3A_597] : memref<10240x16xf32, #tpu.memory_space<hbm>> -> memref<10240x16xf32, #tpu.memory_space<hbm>>
      %dma_wait3A_599 = tpu.memref_slice %arg14[%dma_wait3A_590] : memref<8x!tpu.dma_semaphore, #tpu.memory_space<semaphore_mem>> -> memref<1x!tpu.dma_semaphore, #tpu.memory_space<semaphore_mem>>
      %dma_wait3A_600 = tpu.memref_squeeze %dma_wait3A_599 : memref<1x!tpu.dma_semaphore, #tpu.memory_space<semaphore_mem>> -> memref<!tpu.dma_semaphore, #tpu.memory_space<semaphore_mem>>
      tpu.wait_indirect_dma semaphore(%dma_wait3A_600 : memref<!tpu.dma_semaphore, #tpu.memory_space<semaphore_mem>>) src(%dma_wait3A_598 : memref<10240x16xf32, #tpu.memory_space<hbm>>) dst(%dma_wait3A_594 : memref<128x16xf32, #tpu.memory_space<vmem>>)
      %add3A_601 = arith.constant 512 : i32
      %add3A_602 = arith.addi %mul3A_372, %add3A_601 : i32
      %dma_start3A_603 = arith.constant 4 : i32
      %dma_start3A_604 = arith.constant 4 : i32
      %dma_start3A_605 = arith.constant 0 : i32
      %dma_start3A_606 = arith.constant 0 : i32
      %dma_start3A_607 = tpu.memref_slice %arg12[%dma_start3A_603, %dma_start3A_605, %dma_start3A_606] : memref<8x128x16xf32, #tpu.memory_space<vmem>> -> memref<1x128x16xf32, #tpu.memory_space<vmem>>
      %dma_start3A_608 = tpu.memref_squeeze %dma_start3A_607 : memref<1x128x16xf32, #tpu.memory_space<vmem>> -> memref<128x16xf32, #tpu.memory_space<vmem>>
      %dma_start3A_609 = tpu.memref_slice %arg11[%add3A_602] : memref<10000xi32, #tpu.memory_space<vmem>> -> memref<128xi32, #tpu.memory_space<vmem>>
      %dma_start3A_610 = arith.constant 0 : i32
      %dma_start3A_611 = arith.constant 0 : i32
      %dma_start3A_612 = tpu.memref_slice %arg13[%dma_start3A_610, %dma_start3A_611] : memref<10240x16xf32, #tpu.memory_space<vmem_shared>> -> memref<10240x16xf32, #tpu.memory_space<vmem_shared>>
      %dma_start3A_613 = tpu.memref_slice %arg15[%dma_start3A_604] : memref<8x!tpu.dma_semaphore, #tpu.memory_space<semaphore_mem>> -> memref<1x!tpu.dma_semaphore, #tpu.memory_space<semaphore_mem>>
      %dma_start3A_614 = tpu.memref_squeeze %dma_start3A_613 : memref<1x!tpu.dma_semaphore, #tpu.memory_space<semaphore_mem>> -> memref<!tpu.dma_semaphore, #tpu.memory_space<semaphore_mem>>
      tpu.enqueue_indirect_dma source(%dma_start3A_608 : memref<128x16xf32, #tpu.memory_space<vmem>>) target(%dma_start3A_612 : memref<10240x16xf32, #tpu.memory_space<vmem_shared>>) offsets(%dma_start3A_609 : memref<128xi32, #tpu.memory_space<vmem>>) semaphore(%dma_start3A_614 : memref<!tpu.dma_semaphore, #tpu.memory_space<semaphore_mem>>) {add = true}
      %dma_wait3A_615 = arith.constant 5 : i32
      %dma_wait3A_616 = arith.constant 5 : i32
      %dma_wait3A_617 = arith.constant 0 : i32
      %dma_wait3A_618 = arith.constant 0 : i32
      %dma_wait3A_619 = tpu.memref_slice %arg12[%dma_wait3A_615, %dma_wait3A_617, %dma_wait3A_618] : memref<8x128x16xf32, #tpu.memory_space<vmem>> -> memref<1x128x16xf32, #tpu.memory_space<vmem>>
      %dma_wait3A_620 = tpu.memref_squeeze %dma_wait3A_619 : memref<1x128x16xf32, #tpu.memory_space<vmem>> -> memref<128x16xf32, #tpu.memory_space<vmem>>
      %dma_wait3A_621 = tpu.memref_slice %arg10[%add3A_444] : memref<10000xi32, #tpu.memory_space<vmem>> -> memref<128xi32, #tpu.memory_space<vmem>>
      %dma_wait3A_622 = arith.constant 0 : i32
      %dma_wait3A_623 = arith.constant 0 : i32
      %dma_wait3A_624 = tpu.memref_slice %arg3[%dma_wait3A_622, %dma_wait3A_623] : memref<10240x16xf32, #tpu.memory_space<hbm>> -> memref<10240x16xf32, #tpu.memory_space<hbm>>
      %dma_wait3A_625 = tpu.memref_slice %arg14[%dma_wait3A_616] : memref<8x!tpu.dma_semaphore, #tpu.memory_space<semaphore_mem>> -> memref<1x!tpu.dma_semaphore, #tpu.memory_space<semaphore_mem>>
      %dma_wait3A_626 = tpu.memref_squeeze %dma_wait3A_625 : memref<1x!tpu.dma_semaphore, #tpu.memory_space<semaphore_mem>> -> memref<!tpu.dma_semaphore, #tpu.memory_space<semaphore_mem>>
      tpu.wait_indirect_dma semaphore(%dma_wait3A_626 : memref<!tpu.dma_semaphore, #tpu.memory_space<semaphore_mem>>) src(%dma_wait3A_624 : memref<10240x16xf32, #tpu.memory_space<hbm>>) dst(%dma_wait3A_620 : memref<128x16xf32, #tpu.memory_space<vmem>>)
      %add3A_627 = arith.constant 640 : i32
      %add3A_628 = arith.addi %mul3A_372, %add3A_627 : i32
      %dma_start3A_629 = arith.constant 5 : i32
      %dma_start3A_630 = arith.constant 5 : i32
      %dma_start3A_631 = arith.constant 0 : i32
      %dma_start3A_632 = arith.constant 0 : i32
      %dma_start3A_633 = tpu.memref_slice %arg12[%dma_start3A_629, %dma_start3A_631, %dma_start3A_632] : memref<8x128x16xf32, #tpu.memory_space<vmem>> -> memref<1x128x16xf32, #tpu.memory_space<vmem>>
      %dma_start3A_634 = tpu.memref_squeeze %dma_start3A_633 : memref<1x128x16xf32, #tpu.memory_space<vmem>> -> memref<128x16xf32, #tpu.memory_space<vmem>>
      %dma_start3A_635 = tpu.memref_slice %arg11[%add3A_628] : memref<10000xi32, #tpu.memory_space<vmem>> -> memref<128xi32, #tpu.memory_space<vmem>>
      %dma_start3A_636 = arith.constant 0 : i32
      %dma_start3A_637 = arith.constant 0 : i32
      %dma_start3A_638 = tpu.memref_slice %arg13[%dma_start3A_636, %dma_start3A_637] : memref<10240x16xf32, #tpu.memory_space<vmem_shared>> -> memref<10240x16xf32, #tpu.memory_space<vmem_shared>>
      %dma_start3A_639 = tpu.memref_slice %arg15[%dma_start3A_630] : memref<8x!tpu.dma_semaphore, #tpu.memory_space<semaphore_mem>> -> memref<1x!tpu.dma_semaphore, #tpu.memory_space<semaphore_mem>>
      %dma_start3A_640 = tpu.memref_squeeze %dma_start3A_639 : memref<1x!tpu.dma_semaphore, #tpu.memory_space<semaphore_mem>> -> memref<!tpu.dma_semaphore, #tpu.memory_space<semaphore_mem>>
      tpu.enqueue_indirect_dma source(%dma_start3A_634 : memref<128x16xf32, #tpu.memory_space<vmem>>) target(%dma_start3A_638 : memref<10240x16xf32, #tpu.memory_space<vmem_shared>>) offsets(%dma_start3A_635 : memref<128xi32, #tpu.memory_space<vmem>>) semaphore(%dma_start3A_640 : memref<!tpu.dma_semaphore, #tpu.memory_space<semaphore_mem>>) {add = true}
      %dma_wait3A_641 = arith.constant 6 : i32
      %dma_wait3A_642 = arith.constant 6 : i32
      %dma_wait3A_643 = arith.constant 0 : i32
      %dma_wait3A_644 = arith.constant 0 : i32
      %dma_wait3A_645 = tpu.memref_slice %arg12[%dma_wait3A_641, %dma_wait3A_643, %dma_wait3A_644] : memref<8x128x16xf32, #tpu.memory_space<vmem>> -> memref<1x128x16xf32, #tpu.memory_space<vmem>>
      %dma_wait3A_646 = tpu.memref_squeeze %dma_wait3A_645 : memref<1x128x16xf32, #tpu.memory_space<vmem>> -> memref<128x16xf32, #tpu.memory_space<vmem>>
      %dma_wait3A_647 = tpu.memref_slice %arg10[%add3A_458] : memref<10000xi32, #tpu.memory_space<vmem>> -> memref<128xi32, #tpu.memory_space<vmem>>
      %dma_wait3A_648 = arith.constant 0 : i32
      %dma_wait3A_649 = arith.constant 0 : i32
      %dma_wait3A_650 = tpu.memref_slice %arg3[%dma_wait3A_648, %dma_wait3A_649] : memref<10240x16xf32, #tpu.memory_space<hbm>> -> memref<10240x16xf32, #tpu.memory_space<hbm>>
      %dma_wait3A_651 = tpu.memref_slice %arg14[%dma_wait3A_642] : memref<8x!tpu.dma_semaphore, #tpu.memory_space<semaphore_mem>> -> memref<1x!tpu.dma_semaphore, #tpu.memory_space<semaphore_mem>>
      %dma_wait3A_652 = tpu.memref_squeeze %dma_wait3A_651 : memref<1x!tpu.dma_semaphore, #tpu.memory_space<semaphore_mem>> -> memref<!tpu.dma_semaphore, #tpu.memory_space<semaphore_mem>>
      tpu.wait_indirect_dma semaphore(%dma_wait3A_652 : memref<!tpu.dma_semaphore, #tpu.memory_space<semaphore_mem>>) src(%dma_wait3A_650 : memref<10240x16xf32, #tpu.memory_space<hbm>>) dst(%dma_wait3A_646 : memref<128x16xf32, #tpu.memory_space<vmem>>)
      %add3A_653 = arith.constant 768 : i32
      %add3A_654 = arith.addi %mul3A_372, %add3A_653 : i32
      %dma_start3A_655 = arith.constant 6 : i32
      %dma_start3A_656 = arith.constant 6 : i32
      %dma_start3A_657 = arith.constant 0 : i32
      %dma_start3A_658 = arith.constant 0 : i32
      %dma_start3A_659 = tpu.memref_slice %arg12[%dma_start3A_655, %dma_start3A_657, %dma_start3A_658] : memref<8x128x16xf32, #tpu.memory_space<vmem>> -> memref<1x128x16xf32, #tpu.memory_space<vmem>>
      %dma_start3A_660 = tpu.memref_squeeze %dma_start3A_659 : memref<1x128x16xf32, #tpu.memory_space<vmem>> -> memref<128x16xf32, #tpu.memory_space<vmem>>
      %dma_start3A_661 = tpu.memref_slice %arg11[%add3A_654] : memref<10000xi32, #tpu.memory_space<vmem>> -> memref<128xi32, #tpu.memory_space<vmem>>
      %dma_start3A_662 = arith.constant 0 : i32
      %dma_start3A_663 = arith.constant 0 : i32
      %dma_start3A_664 = tpu.memref_slice %arg13[%dma_start3A_662, %dma_start3A_663] : memref<10240x16xf32, #tpu.memory_space<vmem_shared>> -> memref<10240x16xf32, #tpu.memory_space<vmem_shared>>
      %dma_start3A_665 = tpu.memref_slice %arg15[%dma_start3A_656] : memref<8x!tpu.dma_semaphore, #tpu.memory_space<semaphore_mem>> -> memref<1x!tpu.dma_semaphore, #tpu.memory_space<semaphore_mem>>
      %dma_start3A_666 = tpu.memref_squeeze %dma_start3A_665 : memref<1x!tpu.dma_semaphore, #tpu.memory_space<semaphore_mem>> -> memref<!tpu.dma_semaphore, #tpu.memory_space<semaphore_mem>>
      tpu.enqueue_indirect_dma source(%dma_start3A_660 : memref<128x16xf32, #tpu.memory_space<vmem>>) target(%dma_start3A_664 : memref<10240x16xf32, #tpu.memory_space<vmem_shared>>) offsets(%dma_start3A_661 : memref<128xi32, #tpu.memory_space<vmem>>) semaphore(%dma_start3A_666 : memref<!tpu.dma_semaphore, #tpu.memory_space<semaphore_mem>>) {add = true}
      %dma_wait3A_667 = arith.constant 7 : i32
      %dma_wait3A_668 = arith.constant 7 : i32
      %dma_wait3A_669 = arith.constant 0 : i32
      %dma_wait3A_670 = arith.constant 0 : i32
      %dma_wait3A_671 = tpu.memref_slice %arg12[%dma_wait3A_667, %dma_wait3A_669, %dma_wait3A_670] : memref<8x128x16xf32, #tpu.memory_space<vmem>> -> memref<1x128x16xf32, #tpu.memory_space<vmem>>
      %dma_wait3A_672 = tpu.memref_squeeze %dma_wait3A_671 : memref<1x128x16xf32, #tpu.memory_space<vmem>> -> memref<128x16xf32, #tpu.memory_space<vmem>>
      %dma_wait3A_673 = tpu.memref_slice %arg10[%add3A_472] : memref<10000xi32, #tpu.memory_space<vmem>> -> memref<128xi32, #tpu.memory_space<vmem>>
      %dma_wait3A_674 = arith.constant 0 : i32
      %dma_wait3A_675 = arith.constant 0 : i32
      %dma_wait3A_676 = tpu.memref_slice %arg3[%dma_wait3A_674, %dma_wait3A_675] : memref<10240x16xf32, #tpu.memory_space<hbm>> -> memref<10240x16xf32, #tpu.memory_space<hbm>>
      %dma_wait3A_677 = tpu.memref_slice %arg14[%dma_wait3A_668] : memref<8x!tpu.dma_semaphore, #tpu.memory_space<semaphore_mem>> -> memref<1x!tpu.dma_semaphore, #tpu.memory_space<semaphore_mem>>
      %dma_wait3A_678 = tpu.memref_squeeze %dma_wait3A_677 : memref<1x!tpu.dma_semaphore, #tpu.memory_space<semaphore_mem>> -> memref<!tpu.dma_semaphore, #tpu.memory_space<semaphore_mem>>
      tpu.wait_indirect_dma semaphore(%dma_wait3A_678 : memref<!tpu.dma_semaphore, #tpu.memory_space<semaphore_mem>>) src(%dma_wait3A_676 : memref<10240x16xf32, #tpu.memory_space<hbm>>) dst(%dma_wait3A_672 : memref<128x16xf32, #tpu.memory_space<vmem>>)
      %add3A_679 = arith.constant 896 : i32
      %add3A_680 = arith.addi %mul3A_372, %add3A_679 : i32
      %dma_start3A_681 = arith.constant 7 : i32
      %dma_start3A_682 = arith.constant 7 : i32
      %dma_start3A_683 = arith.constant 0 : i32
      %dma_start3A_684 = arith.constant 0 : i32
      %dma_start3A_685 = tpu.memref_slice %arg12[%dma_start3A_681, %dma_start3A_683, %dma_start3A_684] : memref<8x128x16xf32, #tpu.memory_space<vmem>> -> memref<1x128x16xf32, #tpu.memory_space<vmem>>
      %dma_start3A_686 = tpu.memref_squeeze %dma_start3A_685 : memref<1x128x16xf32, #tpu.memory_space<vmem>> -> memref<128x16xf32, #tpu.memory_space<vmem>>
      %dma_start3A_687 = tpu.memref_slice %arg11[%add3A_680] : memref<10000xi32, #tpu.memory_space<vmem>> -> memref<128xi32, #tpu.memory_space<vmem>>
      %dma_start3A_688 = arith.constant 0 : i32
      %dma_start3A_689 = arith.constant 0 : i32
      %dma_start3A_690 = tpu.memref_slice %arg13[%dma_start3A_688, %dma_start3A_689] : memref<10240x16xf32, #tpu.memory_space<vmem_shared>> -> memref<10240x16xf32, #tpu.memory_space<vmem_shared>>
      %dma_start3A_691 = tpu.memref_slice %arg15[%dma_start3A_682] : memref<8x!tpu.dma_semaphore, #tpu.memory_space<semaphore_mem>> -> memref<1x!tpu.dma_semaphore, #tpu.memory_space<semaphore_mem>>
      %dma_start3A_692 = tpu.memref_squeeze %dma_start3A_691 : memref<1x!tpu.dma_semaphore, #tpu.memory_space<semaphore_mem>> -> memref<!tpu.dma_semaphore, #tpu.memory_space<semaphore_mem>>
      tpu.enqueue_indirect_dma source(%dma_start3A_686 : memref<128x16xf32, #tpu.memory_space<vmem>>) target(%dma_start3A_690 : memref<10240x16xf32, #tpu.memory_space<vmem_shared>>) offsets(%dma_start3A_687 : memref<128xi32, #tpu.memory_space<vmem>>) semaphore(%dma_start3A_692 : memref<!tpu.dma_semaphore, #tpu.memory_space<semaphore_mem>>) {add = true}
      %dma_wait3A_693 = arith.constant 0 : i32
      %dma_wait3A_694 = arith.constant 0 : i32
      %dma_wait3A_695 = arith.constant 0 : i32
      %dma_wait3A_696 = arith.constant 0 : i32
      %dma_wait3A_697 = tpu.memref_slice %arg12[%dma_wait3A_693, %dma_wait3A_695, %dma_wait3A_696] : memref<8x128x16xf32, #tpu.memory_space<vmem>> -> memref<1x128x16xf32, #tpu.memory_space<vmem>>
      %dma_wait3A_698 = tpu.memref_squeeze %dma_wait3A_697 : memref<1x128x16xf32, #tpu.memory_space<vmem>> -> memref<128x16xf32, #tpu.memory_space<vmem>>
      %dma_wait3A_699 = tpu.memref_slice %arg11[%add3A_498] : memref<10000xi32, #tpu.memory_space<vmem>> -> memref<128xi32, #tpu.memory_space<vmem>>
      %dma_wait3A_700 = arith.constant 0 : i32
      %dma_wait3A_701 = arith.constant 0 : i32
      %dma_wait3A_702 = tpu.memref_slice %arg13[%dma_wait3A_700, %dma_wait3A_701] : memref<10240x16xf32, #tpu.memory_space<vmem_shared>> -> memref<10240x16xf32, #tpu.memory_space<vmem_shared>>
      %dma_wait3A_703 = tpu.memref_slice %arg15[%dma_wait3A_694] : memref<8x!tpu.dma_semaphore, #tpu.memory_space<semaphore_mem>> -> memref<1x!tpu.dma_semaphore, #tpu.memory_space<semaphore_mem>>
      %dma_wait3A_704 = tpu.memref_squeeze %dma_wait3A_703 : memref<1x!tpu.dma_semaphore, #tpu.memory_space<semaphore_mem>> -> memref<!tpu.dma_semaphore, #tpu.memory_space<semaphore_mem>>
      tpu.wait_indirect_dma semaphore(%dma_wait3A_704 : memref<!tpu.dma_semaphore, #tpu.memory_space<semaphore_mem>>) src(%dma_wait3A_698 : memref<128x16xf32, #tpu.memory_space<vmem>>) dst(%dma_wait3A_702 : memref<10240x16xf32, #tpu.memory_space<vmem_shared>>)
      %dma_wait3A_705 = arith.constant 1 : i32
      %dma_wait3A_706 = arith.constant 1 : i32
      %dma_wait3A_707 = arith.constant 0 : i32
      %dma_wait3A_708 = arith.constant 0 : i32
      %dma_wait3A_709 = tpu.memref_slice %arg12[%dma_wait3A_705, %dma_wait3A_707, %dma_wait3A_708] : memref<8x128x16xf32, #tpu.memory_space<vmem>> -> memref<1x128x16xf32, #tpu.memory_space<vmem>>
      %dma_wait3A_710 = tpu.memref_squeeze %dma_wait3A_709 : memref<1x128x16xf32, #tpu.memory_space<vmem>> -> memref<128x16xf32, #tpu.memory_space<vmem>>
      %dma_wait3A_711 = tpu.memref_slice %arg11[%add3A_524] : memref<10000xi32, #tpu.memory_space<vmem>> -> memref<128xi32, #tpu.memory_space<vmem>>
      %dma_wait3A_712 = arith.constant 0 : i32
      %dma_wait3A_713 = arith.constant 0 : i32
      %dma_wait3A_714 = tpu.memref_slice %arg13[%dma_wait3A_712, %dma_wait3A_713] : memref<10240x16xf32, #tpu.memory_space<vmem_shared>> -> memref<10240x16xf32, #tpu.memory_space<vmem_shared>>
      %dma_wait3A_715 = tpu.memref_slice %arg15[%dma_wait3A_706] : memref<8x!tpu.dma_semaphore, #tpu.memory_space<semaphore_mem>> -> memref<1x!tpu.dma_semaphore, #tpu.memory_space<semaphore_mem>>
      %dma_wait3A_716 = tpu.memref_squeeze %dma_wait3A_715 : memref<1x!tpu.dma_semaphore, #tpu.memory_space<semaphore_mem>> -> memref<!tpu.dma_semaphore, #tpu.memory_space<semaphore_mem>>
      tpu.wait_indirect_dma semaphore(%dma_wait3A_716 : memref<!tpu.dma_semaphore, #tpu.memory_space<semaphore_mem>>) src(%dma_wait3A_710 : memref<128x16xf32, #tpu.memory_space<vmem>>) dst(%dma_wait3A_714 : memref<10240x16xf32, #tpu.memory_space<vmem_shared>>)
      %dma_wait3A_717 = arith.constant 2 : i32
      %dma_wait3A_718 = arith.constant 2 : i32
      %dma_wait3A_719 = arith.constant 0 : i32
      %dma_wait3A_720 = arith.constant 0 : i32
      %dma_wait3A_721 = tpu.memref_slice %arg12[%dma_wait3A_717, %dma_wait3A_719, %dma_wait3A_720] : memref<8x128x16xf32, #tpu.memory_space<vmem>> -> memref<1x128x16xf32, #tpu.memory_space<vmem>>
      %dma_wait3A_722 = tpu.memref_squeeze %dma_wait3A_721 : memref<1x128x16xf32, #tpu.memory_space<vmem>> -> memref<128x16xf32, #tpu.memory_space<vmem>>
      %dma_wait3A_723 = tpu.memref_slice %arg11[%add3A_550] : memref<10000xi32, #tpu.memory_space<vmem>> -> memref<128xi32, #tpu.memory_space<vmem>>
      %dma_wait3A_724 = arith.constant 0 : i32
      %dma_wait3A_725 = arith.constant 0 : i32
      %dma_wait3A_726 = tpu.memref_slice %arg13[%dma_wait3A_724, %dma_wait3A_725] : memref<10240x16xf32, #tpu.memory_space<vmem_shared>> -> memref<10240x16xf32, #tpu.memory_space<vmem_shared>>
      %dma_wait3A_727 = tpu.memref_slice %arg15[%dma_wait3A_718] : memref<8x!tpu.dma_semaphore, #tpu.memory_space<semaphore_mem>> -> memref<1x!tpu.dma_semaphore, #tpu.memory_space<semaphore_mem>>
      %dma_wait3A_728 = tpu.memref_squeeze %dma_wait3A_727 : memref<1x!tpu.dma_semaphore, #tpu.memory_space<semaphore_mem>> -> memref<!tpu.dma_semaphore, #tpu.memory_space<semaphore_mem>>
      tpu.wait_indirect_dma semaphore(%dma_wait3A_728 : memref<!tpu.dma_semaphore, #tpu.memory_space<semaphore_mem>>) src(%dma_wait3A_722 : memref<128x16xf32, #tpu.memory_space<vmem>>) dst(%dma_wait3A_726 : memref<10240x16xf32, #tpu.memory_space<vmem_shared>>)
      %dma_wait3A_729 = arith.constant 3 : i32
      %dma_wait3A_730 = arith.constant 3 : i32
      %dma_wait3A_731 = arith.constant 0 : i32
      %dma_wait3A_732 = arith.constant 0 : i32
      %dma_wait3A_733 = tpu.memref_slice %arg12[%dma_wait3A_729, %dma_wait3A_731, %dma_wait3A_732] : memref<8x128x16xf32, #tpu.memory_space<vmem>> -> memref<1x128x16xf32, #tpu.memory_space<vmem>>
      %dma_wait3A_734 = tpu.memref_squeeze %dma_wait3A_733 : memref<1x128x16xf32, #tpu.memory_space<vmem>> -> memref<128x16xf32, #tpu.memory_space<vmem>>
      %dma_wait3A_735 = tpu.memref_slice %arg11[%add3A_576] : memref<10000xi32, #tpu.memory_space<vmem>> -> memref<128xi32, #tpu.memory_space<vmem>>
      %dma_wait3A_736 = arith.constant 0 : i32
      %dma_wait3A_737 = arith.constant 0 : i32
      %dma_wait3A_738 = tpu.memref_slice %arg13[%dma_wait3A_736, %dma_wait3A_737] : memref<10240x16xf32, #tpu.memory_space<vmem_shared>> -> memref<10240x16xf32, #tpu.memory_space<vmem_shared>>
      %dma_wait3A_739 = tpu.memref_slice %arg15[%dma_wait3A_730] : memref<8x!tpu.dma_semaphore, #tpu.memory_space<semaphore_mem>> -> memref<1x!tpu.dma_semaphore, #tpu.memory_space<semaphore_mem>>
      %dma_wait3A_740 = tpu.memref_squeeze %dma_wait3A_739 : memref<1x!tpu.dma_semaphore, #tpu.memory_space<semaphore_mem>> -> memref<!tpu.dma_semaphore, #tpu.memory_space<semaphore_mem>>
      tpu.wait_indirect_dma semaphore(%dma_wait3A_740 : memref<!tpu.dma_semaphore, #tpu.memory_space<semaphore_mem>>) src(%dma_wait3A_734 : memref<128x16xf32, #tpu.memory_space<vmem>>) dst(%dma_wait3A_738 : memref<10240x16xf32, #tpu.memory_space<vmem_shared>>)
      %dma_wait3A_741 = arith.constant 4 : i32
      %dma_wait3A_742 = arith.constant 4 : i32
      %dma_wait3A_743 = arith.constant 0 : i32
      %dma_wait3A_744 = arith.constant 0 : i32
      %dma_wait3A_745 = tpu.memref_slice %arg12[%dma_wait3A_741, %dma_wait3A_743, %dma_wait3A_744] : memref<8x128x16xf32, #tpu.memory_space<vmem>> -> memref<1x128x16xf32, #tpu.memory_space<vmem>>
      %dma_wait3A_746 = tpu.memref_squeeze %dma_wait3A_745 : memref<1x128x16xf32, #tpu.memory_space<vmem>> -> memref<128x16xf32, #tpu.memory_space<vmem>>
      %dma_wait3A_747 = tpu.memref_slice %arg11[%add3A_602] : memref<10000xi32, #tpu.memory_space<vmem>> -> memref<128xi32, #tpu.memory_space<vmem>>
      %dma_wait3A_748 = arith.constant 0 : i32
      %dma_wait3A_749 = arith.constant 0 : i32
      %dma_wait3A_750 = tpu.memref_slice %arg13[%dma_wait3A_748, %dma_wait3A_749] : memref<10240x16xf32, #tpu.memory_space<vmem_shared>> -> memref<10240x16xf32, #tpu.memory_space<vmem_shared>>
      %dma_wait3A_751 = tpu.memref_slice %arg15[%dma_wait3A_742] : memref<8x!tpu.dma_semaphore, #tpu.memory_space<semaphore_mem>> -> memref<1x!tpu.dma_semaphore, #tpu.memory_space<semaphore_mem>>
      %dma_wait3A_752 = tpu.memref_squeeze %dma_wait3A_751 : memref<1x!tpu.dma_semaphore, #tpu.memory_space<semaphore_mem>> -> memref<!tpu.dma_semaphore, #tpu.memory_space<semaphore_mem>>
      tpu.wait_indirect_dma semaphore(%dma_wait3A_752 : memref<!tpu.dma_semaphore, #tpu.memory_space<semaphore_mem>>) src(%dma_wait3A_746 : memref<128x16xf32, #tpu.memory_space<vmem>>) dst(%dma_wait3A_750 : memref<10240x16xf32, #tpu.memory_space<vmem_shared>>)
      %dma_wait3A_753 = arith.constant 5 : i32
      %dma_wait3A_754 = arith.constant 5 : i32
      %dma_wait3A_755 = arith.constant 0 : i32
      %dma_wait3A_756 = arith.constant 0 : i32
      %dma_wait3A_757 = tpu.memref_slice %arg12[%dma_wait3A_753, %dma_wait3A_755, %dma_wait3A_756] : memref<8x128x16xf32, #tpu.memory_space<vmem>> -> memref<1x128x16xf32, #tpu.memory_space<vmem>>
      %dma_wait3A_758 = tpu.memref_squeeze %dma_wait3A_757 : memref<1x128x16xf32, #tpu.memory_space<vmem>> -> memref<128x16xf32, #tpu.memory_space<vmem>>
      %dma_wait3A_759 = tpu.memref_slice %arg11[%add3A_628] : memref<10000xi32, #tpu.memory_space<vmem>> -> memref<128xi32, #tpu.memory_space<vmem>>
      %dma_wait3A_760 = arith.constant 0 : i32
      %dma_wait3A_761 = arith.constant 0 : i32
      %dma_wait3A_762 = tpu.memref_slice %arg13[%dma_wait3A_760, %dma_wait3A_761] : memref<10240x16xf32, #tpu.memory_space<vmem_shared>> -> memref<10240x16xf32, #tpu.memory_space<vmem_shared>>
      %dma_wait3A_763 = tpu.memref_slice %arg15[%dma_wait3A_754] : memref<8x!tpu.dma_semaphore, #tpu.memory_space<semaphore_mem>> -> memref<1x!tpu.dma_semaphore, #tpu.memory_space<semaphore_mem>>
      %dma_wait3A_764 = tpu.memref_squeeze %dma_wait3A_763 : memref<1x!tpu.dma_semaphore, #tpu.memory_space<semaphore_mem>> -> memref<!tpu.dma_semaphore, #tpu.memory_space<semaphore_mem>>
      tpu.wait_indirect_dma semaphore(%dma_wait3A_764 : memref<!tpu.dma_semaphore, #tpu.memory_space<semaphore_mem>>) src(%dma_wait3A_758 : memref<128x16xf32, #tpu.memory_space<vmem>>) dst(%dma_wait3A_762 : memref<10240x16xf32, #tpu.memory_space<vmem_shared>>)
      %dma_wait3A_765 = arith.constant 6 : i32
      %dma_wait3A_766 = arith.constant 6 : i32
      %dma_wait3A_767 = arith.constant 0 : i32
      %dma_wait3A_768 = arith.constant 0 : i32
      %dma_wait3A_769 = tpu.memref_slice %arg12[%dma_wait3A_765, %dma_wait3A_767, %dma_wait3A_768] : memref<8x128x16xf32, #tpu.memory_space<vmem>> -> memref<1x128x16xf32, #tpu.memory_space<vmem>>
      %dma_wait3A_770 = tpu.memref_squeeze %dma_wait3A_769 : memref<1x128x16xf32, #tpu.memory_space<vmem>> -> memref<128x16xf32, #tpu.memory_space<vmem>>
      %dma_wait3A_771 = tpu.memref_slice %arg11[%add3A_654] : memref<10000xi32, #tpu.memory_space<vmem>> -> memref<128xi32, #tpu.memory_space<vmem>>
      %dma_wait3A_772 = arith.constant 0 : i32
      %dma_wait3A_773 = arith.constant 0 : i32
      %dma_wait3A_774 = tpu.memref_slice %arg13[%dma_wait3A_772, %dma_wait3A_773] : memref<10240x16xf32, #tpu.memory_space<vmem_shared>> -> memref<10240x16xf32, #tpu.memory_space<vmem_shared>>
      %dma_wait3A_775 = tpu.memref_slice %arg15[%dma_wait3A_766] : memref<8x!tpu.dma_semaphore, #tpu.memory_space<semaphore_mem>> -> memref<1x!tpu.dma_semaphore, #tpu.memory_space<semaphore_mem>>
      %dma_wait3A_776 = tpu.memref_squeeze %dma_wait3A_775 : memref<1x!tpu.dma_semaphore, #tpu.memory_space<semaphore_mem>> -> memref<!tpu.dma_semaphore, #tpu.memory_space<semaphore_mem>>
      tpu.wait_indirect_dma semaphore(%dma_wait3A_776 : memref<!tpu.dma_semaphore, #tpu.memory_space<semaphore_mem>>) src(%dma_wait3A_770 : memref<128x16xf32, #tpu.memory_space<vmem>>) dst(%dma_wait3A_774 : memref<10240x16xf32, #tpu.memory_space<vmem_shared>>)
      %dma_wait3A_777 = arith.constant 7 : i32
      %dma_wait3A_778 = arith.constant 7 : i32
      %dma_wait3A_779 = arith.constant 0 : i32
      %dma_wait3A_780 = arith.constant 0 : i32
      %dma_wait3A_781 = tpu.memref_slice %arg12[%dma_wait3A_777, %dma_wait3A_779, %dma_wait3A_780] : memref<8x128x16xf32, #tpu.memory_space<vmem>> -> memref<1x128x16xf32, #tpu.memory_space<vmem>>
      %dma_wait3A_782 = tpu.memref_squeeze %dma_wait3A_781 : memref<1x128x16xf32, #tpu.memory_space<vmem>> -> memref<128x16xf32, #tpu.memory_space<vmem>>
      %dma_wait3A_783 = tpu.memref_slice %arg11[%add3A_680] : memref<10000xi32, #tpu.memory_space<vmem>> -> memref<128xi32, #tpu.memory_space<vmem>>
      %dma_wait3A_784 = arith.constant 0 : i32
      %dma_wait3A_785 = arith.constant 0 : i32
      %dma_wait3A_786 = tpu.memref_slice %arg13[%dma_wait3A_784, %dma_wait3A_785] : memref<10240x16xf32, #tpu.memory_space<vmem_shared>> -> memref<10240x16xf32, #tpu.memory_space<vmem_shared>>
      %dma_wait3A_787 = tpu.memref_slice %arg15[%dma_wait3A_778] : memref<8x!tpu.dma_semaphore, #tpu.memory_space<semaphore_mem>> -> memref<1x!tpu.dma_semaphore, #tpu.memory_space<semaphore_mem>>
      %dma_wait3A_788 = tpu.memref_squeeze %dma_wait3A_787 : memref<1x!tpu.dma_semaphore, #tpu.memory_space<semaphore_mem>> -> memref<!tpu.dma_semaphore, #tpu.memory_space<semaphore_mem>>
      tpu.wait_indirect_dma semaphore(%dma_wait3A_788 : memref<!tpu.dma_semaphore, #tpu.memory_space<semaphore_mem>>) src(%dma_wait3A_782 : memref<128x16xf32, #tpu.memory_space<vmem>>) dst(%dma_wait3A_786 : memref<10240x16xf32, #tpu.memory_space<vmem_shared>>)
    }
    %scan3A_11 = arith.constant 9 : i32
    %dma_start3A = arith.constant 0 : i32
    %dma_start3A_12 = arith.constant 0 : i32
    %dma_start3A_13 = arith.constant 0 : i32
    %dma_start3A_14 = arith.constant 0 : i32
    %dma_start3A_15 = tpu.memref_slice %arg12[%dma_start3A, %dma_start3A_13, %dma_start3A_14] : memref<8x128x16xf32, #tpu.memory_space<vmem>> -> memref<1x128x16xf32, #tpu.memory_space<vmem>>
    %dma_start3A_16 = tpu.memref_squeeze %dma_start3A_15 : memref<1x128x16xf32, #tpu.memory_space<vmem>> -> memref<128x16xf32, #tpu.memory_space<vmem>>
    %dma_start3A_17 = arith.constant 9216 : i32
    %dma_start3A_18 = tpu.memref_slice %arg10[%dma_start3A_17] : memref<10000xi32, #tpu.memory_space<vmem>> -> memref<128xi32, #tpu.memory_space<vmem>>
    %dma_start3A_19 = arith.constant 0 : i32
    %dma_start3A_20 = arith.constant 0 : i32
    %dma_start3A_21 = tpu.memref_slice %arg3[%dma_start3A_19, %dma_start3A_20] : memref<10240x16xf32, #tpu.memory_space<hbm>> -> memref<10240x16xf32, #tpu.memory_space<hbm>>
    %dma_start3A_22 = tpu.memref_slice %arg14[%dma_start3A_12] : memref<8x!tpu.dma_semaphore, #tpu.memory_space<semaphore_mem>> -> memref<1x!tpu.dma_semaphore, #tpu.memory_space<semaphore_mem>>
    %dma_start3A_23 = tpu.memref_squeeze %dma_start3A_22 : memref<1x!tpu.dma_semaphore, #tpu.memory_space<semaphore_mem>> -> memref<!tpu.dma_semaphore, #tpu.memory_space<semaphore_mem>>
    tpu.enqueue_indirect_dma source(%dma_start3A_21 : memref<10240x16xf32, #tpu.memory_space<hbm>>) target(%dma_start3A_16 : memref<128x16xf32, #tpu.memory_space<vmem>>) offsets(%dma_start3A_18 : memref<128xi32, #tpu.memory_space<vmem>>) semaphore(%dma_start3A_23 : memref<!tpu.dma_semaphore, #tpu.memory_space<semaphore_mem>>)
    %dma_start3A_24 = arith.constant 1 : i32
    %dma_start3A_25 = arith.constant 1 : i32
    %dma_start3A_26 = arith.constant 0 : i32
    %dma_start3A_27 = arith.constant 0 : i32
    %dma_start3A_28 = tpu.memref_slice %arg12[%dma_start3A_24, %dma_start3A_26, %dma_start3A_27] : memref<8x128x16xf32, #tpu.memory_space<vmem>> -> memref<1x128x16xf32, #tpu.memory_space<vmem>>
    %dma_start3A_29 = tpu.memref_squeeze %dma_start3A_28 : memref<1x128x16xf32, #tpu.memory_space<vmem>> -> memref<128x16xf32, #tpu.memory_space<vmem>>
    %dma_start3A_30 = arith.constant 9344 : i32
    %dma_start3A_31 = tpu.memref_slice %arg10[%dma_start3A_30] : memref<10000xi32, #tpu.memory_space<vmem>> -> memref<128xi32, #tpu.memory_space<vmem>>
    %dma_start3A_32 = arith.constant 0 : i32
    %dma_start3A_33 = arith.constant 0 : i32
    %dma_start3A_34 = tpu.memref_slice %arg3[%dma_start3A_32, %dma_start3A_33] : memref<10240x16xf32, #tpu.memory_space<hbm>> -> memref<10240x16xf32, #tpu.memory_space<hbm>>
    %dma_start3A_35 = tpu.memref_slice %arg14[%dma_start3A_25] : memref<8x!tpu.dma_semaphore, #tpu.memory_space<semaphore_mem>> -> memref<1x!tpu.dma_semaphore, #tpu.memory_space<semaphore_mem>>
    %dma_start3A_36 = tpu.memref_squeeze %dma_start3A_35 : memref<1x!tpu.dma_semaphore, #tpu.memory_space<semaphore_mem>> -> memref<!tpu.dma_semaphore, #tpu.memory_space<semaphore_mem>>
    tpu.enqueue_indirect_dma source(%dma_start3A_34 : memref<10240x16xf32, #tpu.memory_space<hbm>>) target(%dma_start3A_29 : memref<128x16xf32, #tpu.memory_space<vmem>>) offsets(%dma_start3A_31 : memref<128xi32, #tpu.memory_space<vmem>>) semaphore(%dma_start3A_36 : memref<!tpu.dma_semaphore, #tpu.memory_space<semaphore_mem>>)
    %dma_start3A_37 = arith.constant 2 : i32
    %dma_start3A_38 = arith.constant 2 : i32
    %dma_start3A_39 = arith.constant 0 : i32
    %dma_start3A_40 = arith.constant 0 : i32
    %dma_start3A_41 = tpu.memref_slice %arg12[%dma_start3A_37, %dma_start3A_39, %dma_start3A_40] : memref<8x128x16xf32, #tpu.memory_space<vmem>> -> memref<1x128x16xf32, #tpu.memory_space<vmem>>
    %dma_start3A_42 = tpu.memref_squeeze %dma_start3A_41 : memref<1x128x16xf32, #tpu.memory_space<vmem>> -> memref<128x16xf32, #tpu.memory_space<vmem>>
    %dma_start3A_43 = arith.constant 9472 : i32
    %dma_start3A_44 = tpu.memref_slice %arg10[%dma_start3A_43] : memref<10000xi32, #tpu.memory_space<vmem>> -> memref<128xi32, #tpu.memory_space<vmem>>
    %dma_start3A_45 = arith.constant 0 : i32
    %dma_start3A_46 = arith.constant 0 : i32
    %dma_start3A_47 = tpu.memref_slice %arg3[%dma_start3A_45, %dma_start3A_46] : memref<10240x16xf32, #tpu.memory_space<hbm>> -> memref<10240x16xf32, #tpu.memory_space<hbm>>
    %dma_start3A_48 = tpu.memref_slice %arg14[%dma_start3A_38] : memref<8x!tpu.dma_semaphore, #tpu.memory_space<semaphore_mem>> -> memref<1x!tpu.dma_semaphore, #tpu.memory_space<semaphore_mem>>
    %dma_start3A_49 = tpu.memref_squeeze %dma_start3A_48 : memref<1x!tpu.dma_semaphore, #tpu.memory_space<semaphore_mem>> -> memref<!tpu.dma_semaphore, #tpu.memory_space<semaphore_mem>>
    tpu.enqueue_indirect_dma source(%dma_start3A_47 : memref<10240x16xf32, #tpu.memory_space<hbm>>) target(%dma_start3A_42 : memref<128x16xf32, #tpu.memory_space<vmem>>) offsets(%dma_start3A_44 : memref<128xi32, #tpu.memory_space<vmem>>) semaphore(%dma_start3A_49 : memref<!tpu.dma_semaphore, #tpu.memory_space<semaphore_mem>>)
    %dma_start3A_50 = arith.constant 3 : i32
    %dma_start3A_51 = arith.constant 3 : i32
    %dma_start3A_52 = arith.constant 0 : i32
    %dma_start3A_53 = arith.constant 0 : i32
    %dma_start3A_54 = tpu.memref_slice %arg12[%dma_start3A_50, %dma_start3A_52, %dma_start3A_53] : memref<8x128x16xf32, #tpu.memory_space<vmem>> -> memref<1x128x16xf32, #tpu.memory_space<vmem>>
    %dma_start3A_55 = tpu.memref_squeeze %dma_start3A_54 : memref<1x128x16xf32, #tpu.memory_space<vmem>> -> memref<128x16xf32, #tpu.memory_space<vmem>>
    %dma_start3A_56 = arith.constant 9600 : i32
    %dma_start3A_57 = tpu.memref_slice %arg10[%dma_start3A_56] : memref<10000xi32, #tpu.memory_space<vmem>> -> memref<128xi32, #tpu.memory_space<vmem>>
    %dma_start3A_58 = arith.constant 0 : i32
    %dma_start3A_59 = arith.constant 0 : i32
    %dma_start3A_60 = tpu.memref_slice %arg3[%dma_start3A_58, %dma_start3A_59] : memref<10240x16xf32, #tpu.memory_space<hbm>> -> memref<10240x16xf32, #tpu.memory_space<hbm>>
    %dma_start3A_61 = tpu.memref_slice %arg14[%dma_start3A_51] : memref<8x!tpu.dma_semaphore, #tpu.memory_space<semaphore_mem>> -> memref<1x!tpu.dma_semaphore, #tpu.memory_space<semaphore_mem>>
    %dma_start3A_62 = tpu.memref_squeeze %dma_start3A_61 : memref<1x!tpu.dma_semaphore, #tpu.memory_space<semaphore_mem>> -> memref<!tpu.dma_semaphore, #tpu.memory_space<semaphore_mem>>
    tpu.enqueue_indirect_dma source(%dma_start3A_60 : memref<10240x16xf32, #tpu.memory_space<hbm>>) target(%dma_start3A_55 : memref<128x16xf32, #tpu.memory_space<vmem>>) offsets(%dma_start3A_57 : memref<128xi32, #tpu.memory_space<vmem>>) semaphore(%dma_start3A_62 : memref<!tpu.dma_semaphore, #tpu.memory_space<semaphore_mem>>)
    %dma_start3A_63 = arith.constant 4 : i32
    %dma_start3A_64 = arith.constant 4 : i32
    %dma_start3A_65 = arith.constant 0 : i32
    %dma_start3A_66 = arith.constant 0 : i32
    %dma_start3A_67 = tpu.memref_slice %arg12[%dma_start3A_63, %dma_start3A_65, %dma_start3A_66] : memref<8x128x16xf32, #tpu.memory_space<vmem>> -> memref<1x128x16xf32, #tpu.memory_space<vmem>>
    %dma_start3A_68 = tpu.memref_squeeze %dma_start3A_67 : memref<1x128x16xf32, #tpu.memory_space<vmem>> -> memref<128x16xf32, #tpu.memory_space<vmem>>
    %dma_start3A_69 = arith.constant 9728 : i32
    %dma_start3A_70 = tpu.memref_slice %arg10[%dma_start3A_69] : memref<10000xi32, #tpu.memory_space<vmem>> -> memref<128xi32, #tpu.memory_space<vmem>>
    %dma_start3A_71 = arith.constant 0 : i32
    %dma_start3A_72 = arith.constant 0 : i32
    %dma_start3A_73 = tpu.memref_slice %arg3[%dma_start3A_71, %dma_start3A_72] : memref<10240x16xf32, #tpu.memory_space<hbm>> -> memref<10240x16xf32, #tpu.memory_space<hbm>>
    %dma_start3A_74 = tpu.memref_slice %arg14[%dma_start3A_64] : memref<8x!tpu.dma_semaphore, #tpu.memory_space<semaphore_mem>> -> memref<1x!tpu.dma_semaphore, #tpu.memory_space<semaphore_mem>>
    %dma_start3A_75 = tpu.memref_squeeze %dma_start3A_74 : memref<1x!tpu.dma_semaphore, #tpu.memory_space<semaphore_mem>> -> memref<!tpu.dma_semaphore, #tpu.memory_space<semaphore_mem>>
    tpu.enqueue_indirect_dma source(%dma_start3A_73 : memref<10240x16xf32, #tpu.memory_space<hbm>>) target(%dma_start3A_68 : memref<128x16xf32, #tpu.memory_space<vmem>>) offsets(%dma_start3A_70 : memref<128xi32, #tpu.memory_space<vmem>>) semaphore(%dma_start3A_75 : memref<!tpu.dma_semaphore, #tpu.memory_space<semaphore_mem>>)
    %dma_start3A_76 = arith.constant 5 : i32
    %dma_start3A_77 = arith.constant 5 : i32
    %dma_start3A_78 = arith.constant 0 : i32
    %dma_start3A_79 = arith.constant 0 : i32
    %dma_start3A_80 = tpu.memref_slice %arg12[%dma_start3A_76, %dma_start3A_78, %dma_start3A_79] : memref<8x128x16xf32, #tpu.memory_space<vmem>> -> memref<1x128x16xf32, #tpu.memory_space<vmem>>
    %dma_start3A_81 = tpu.memref_squeeze %dma_start3A_80 : memref<1x128x16xf32, #tpu.memory_space<vmem>> -> memref<128x16xf32, #tpu.memory_space<vmem>>
    %dma_start3A_82 = arith.constant 9856 : i32
    %dma_start3A_83 = tpu.memref_slice %arg10[%dma_start3A_82] : memref<10000xi32, #tpu.memory_space<vmem>> -> memref<128xi32, #tpu.memory_space<vmem>>
    %dma_start3A_84 = arith.constant 0 : i32
    %dma_start3A_85 = arith.constant 0 : i32
    %dma_start3A_86 = tpu.memref_slice %arg3[%dma_start3A_84, %dma_start3A_85] : memref<10240x16xf32, #tpu.memory_space<hbm>> -> memref<10240x16xf32, #tpu.memory_space<hbm>>
    %dma_start3A_87 = tpu.memref_slice %arg14[%dma_start3A_77] : memref<8x!tpu.dma_semaphore, #tpu.memory_space<semaphore_mem>> -> memref<1x!tpu.dma_semaphore, #tpu.memory_space<semaphore_mem>>
    %dma_start3A_88 = tpu.memref_squeeze %dma_start3A_87 : memref<1x!tpu.dma_semaphore, #tpu.memory_space<semaphore_mem>> -> memref<!tpu.dma_semaphore, #tpu.memory_space<semaphore_mem>>
    tpu.enqueue_indirect_dma source(%dma_start3A_86 : memref<10240x16xf32, #tpu.memory_space<hbm>>) target(%dma_start3A_81 : memref<128x16xf32, #tpu.memory_space<vmem>>) offsets(%dma_start3A_83 : memref<128xi32, #tpu.memory_space<vmem>>) semaphore(%dma_start3A_88 : memref<!tpu.dma_semaphore, #tpu.memory_space<semaphore_mem>>)
    %dma_wait3A = arith.constant 0 : i32
    %dma_wait3A_89 = arith.constant 0 : i32
    %dma_wait3A_90 = arith.constant 0 : i32
    %dma_wait3A_91 = arith.constant 0 : i32
    %dma_wait3A_92 = tpu.memref_slice %arg12[%dma_wait3A, %dma_wait3A_90, %dma_wait3A_91] : memref<8x128x16xf32, #tpu.memory_space<vmem>> -> memref<1x128x16xf32, #tpu.memory_space<vmem>>
    %dma_wait3A_93 = tpu.memref_squeeze %dma_wait3A_92 : memref<1x128x16xf32, #tpu.memory_space<vmem>> -> memref<128x16xf32, #tpu.memory_space<vmem>>
    %dma_wait3A_94 = arith.constant 9216 : i32
    %dma_wait3A_95 = tpu.memref_slice %arg10[%dma_wait3A_94] : memref<10000xi32, #tpu.memory_space<vmem>> -> memref<128xi32, #tpu.memory_space<vmem>>
    %dma_wait3A_96 = arith.constant 0 : i32
    %dma_wait3A_97 = arith.constant 0 : i32
    %dma_wait3A_98 = tpu.memref_slice %arg3[%dma_wait3A_96, %dma_wait3A_97] : memref<10240x16xf32, #tpu.memory_space<hbm>> -> memref<10240x16xf32, #tpu.memory_space<hbm>>
    %dma_wait3A_99 = tpu.memref_slice %arg14[%dma_wait3A_89] : memref<8x!tpu.dma_semaphore, #tpu.memory_space<semaphore_mem>> -> memref<1x!tpu.dma_semaphore, #tpu.memory_space<semaphore_mem>>
    %dma_wait3A_100 = tpu.memref_squeeze %dma_wait3A_99 : memref<1x!tpu.dma_semaphore, #tpu.memory_space<semaphore_mem>> -> memref<!tpu.dma_semaphore, #tpu.memory_space<semaphore_mem>>
    tpu.wait_indirect_dma semaphore(%dma_wait3A_100 : memref<!tpu.dma_semaphore, #tpu.memory_space<semaphore_mem>>) src(%dma_wait3A_98 : memref<10240x16xf32, #tpu.memory_space<hbm>>) dst(%dma_wait3A_93 : memref<128x16xf32, #tpu.memory_space<vmem>>)
    %dma_start3A_101 = arith.constant 0 : i32
    %dma_start3A_102 = arith.constant 0 : i32
    %dma_start3A_103 = arith.constant 0 : i32
    %dma_start3A_104 = arith.constant 0 : i32
    %dma_start3A_105 = tpu.memref_slice %arg12[%dma_start3A_101, %dma_start3A_103, %dma_start3A_104] : memref<8x128x16xf32, #tpu.memory_space<vmem>> -> memref<1x128x16xf32, #tpu.memory_space<vmem>>
    %dma_start3A_106 = tpu.memref_squeeze %dma_start3A_105 : memref<1x128x16xf32, #tpu.memory_space<vmem>> -> memref<128x16xf32, #tpu.memory_space<vmem>>
    %dma_start3A_107 = arith.constant 9216 : i32
    %dma_start3A_108 = tpu.memref_slice %arg11[%dma_start3A_107] : memref<10000xi32, #tpu.memory_space<vmem>> -> memref<128xi32, #tpu.memory_space<vmem>>
    %dma_start3A_109 = arith.constant 0 : i32
    %dma_start3A_110 = arith.constant 0 : i32
    %dma_start3A_111 = tpu.memref_slice %arg13[%dma_start3A_109, %dma_start3A_110] : memref<10240x16xf32, #tpu.memory_space<vmem_shared>> -> memref<10240x16xf32, #tpu.memory_space<vmem_shared>>
    %dma_start3A_112 = tpu.memref_slice %arg15[%dma_start3A_102] : memref<8x!tpu.dma_semaphore, #tpu.memory_space<semaphore_mem>> -> memref<1x!tpu.dma_semaphore, #tpu.memory_space<semaphore_mem>>
    %dma_start3A_113 = tpu.memref_squeeze %dma_start3A_112 : memref<1x!tpu.dma_semaphore, #tpu.memory_space<semaphore_mem>> -> memref<!tpu.dma_semaphore, #tpu.memory_space<semaphore_mem>>
    tpu.enqueue_indirect_dma source(%dma_start3A_106 : memref<128x16xf32, #tpu.memory_space<vmem>>) target(%dma_start3A_111 : memref<10240x16xf32, #tpu.memory_space<vmem_shared>>) offsets(%dma_start3A_108 : memref<128xi32, #tpu.memory_space<vmem>>) semaphore(%dma_start3A_113 : memref<!tpu.dma_semaphore, #tpu.memory_space<semaphore_mem>>) {add = true}
    %dma_wait3A_114 = arith.constant 1 : i32
    %dma_wait3A_115 = arith.constant 1 : i32
    %dma_wait3A_116 = arith.constant 0 : i32
    %dma_wait3A_117 = arith.constant 0 : i32
    %dma_wait3A_118 = tpu.memref_slice %arg12[%dma_wait3A_114, %dma_wait3A_116, %dma_wait3A_117] : memref<8x128x16xf32, #tpu.memory_space<vmem>> -> memref<1x128x16xf32, #tpu.memory_space<vmem>>
    %dma_wait3A_119 = tpu.memref_squeeze %dma_wait3A_118 : memref<1x128x16xf32, #tpu.memory_space<vmem>> -> memref<128x16xf32, #tpu.memory_space<vmem>>
    %dma_wait3A_120 = arith.constant 9344 : i32
    %dma_wait3A_121 = tpu.memref_slice %arg10[%dma_wait3A_120] : memref<10000xi32, #tpu.memory_space<vmem>> -> memref<128xi32, #tpu.memory_space<vmem>>
    %dma_wait3A_122 = arith.constant 0 : i32
    %dma_wait3A_123 = arith.constant 0 : i32
    %dma_wait3A_124 = tpu.memref_slice %arg3[%dma_wait3A_122, %dma_wait3A_123] : memref<10240x16xf32, #tpu.memory_space<hbm>> -> memref<10240x16xf32, #tpu.memory_space<hbm>>
    %dma_wait3A_125 = tpu.memref_slice %arg14[%dma_wait3A_115] : memref<8x!tpu.dma_semaphore, #tpu.memory_space<semaphore_mem>> -> memref<1x!tpu.dma_semaphore, #tpu.memory_space<semaphore_mem>>
    %dma_wait3A_126 = tpu.memref_squeeze %dma_wait3A_125 : memref<1x!tpu.dma_semaphore, #tpu.memory_space<semaphore_mem>> -> memref<!tpu.dma_semaphore, #tpu.memory_space<semaphore_mem>>
    tpu.wait_indirect_dma semaphore(%dma_wait3A_126 : memref<!tpu.dma_semaphore, #tpu.memory_space<semaphore_mem>>) src(%dma_wait3A_124 : memref<10240x16xf32, #tpu.memory_space<hbm>>) dst(%dma_wait3A_119 : memref<128x16xf32, #tpu.memory_space<vmem>>)
    %dma_start3A_127 = arith.constant 1 : i32
    %dma_start3A_128 = arith.constant 1 : i32
    %dma_start3A_129 = arith.constant 0 : i32
    %dma_start3A_130 = arith.constant 0 : i32
    %dma_start3A_131 = tpu.memref_slice %arg12[%dma_start3A_127, %dma_start3A_129, %dma_start3A_130] : memref<8x128x16xf32, #tpu.memory_space<vmem>> -> memref<1x128x16xf32, #tpu.memory_space<vmem>>
    %dma_start3A_132 = tpu.memref_squeeze %dma_start3A_131 : memref<1x128x16xf32, #tpu.memory_space<vmem>> -> memref<128x16xf32, #tpu.memory_space<vmem>>
    %dma_start3A_133 = arith.constant 9344 : i32
    %dma_start3A_134 = tpu.memref_slice %arg11[%dma_start3A_133] : memref<10000xi32, #tpu.memory_space<vmem>> -> memref<128xi32, #tpu.memory_space<vmem>>
    %dma_start3A_135 = arith.constant 0 : i32
    %dma_start3A_136 = arith.constant 0 : i32
    %dma_start3A_137 = tpu.memref_slice %arg13[%dma_start3A_135, %dma_start3A_136] : memref<10240x16xf32, #tpu.memory_space<vmem_shared>> -> memref<10240x16xf32, #tpu.memory_space<vmem_shared>>
    %dma_start3A_138 = tpu.memref_slice %arg15[%dma_start3A_128] : memref<8x!tpu.dma_semaphore, #tpu.memory_space<semaphore_mem>> -> memref<1x!tpu.dma_semaphore, #tpu.memory_space<semaphore_mem>>
    %dma_start3A_139 = tpu.memref_squeeze %dma_start3A_138 : memref<1x!tpu.dma_semaphore, #tpu.memory_space<semaphore_mem>> -> memref<!tpu.dma_semaphore, #tpu.memory_space<semaphore_mem>>
    tpu.enqueue_indirect_dma source(%dma_start3A_132 : memref<128x16xf32, #tpu.memory_space<vmem>>) target(%dma_start3A_137 : memref<10240x16xf32, #tpu.memory_space<vmem_shared>>) offsets(%dma_start3A_134 : memref<128xi32, #tpu.memory_space<vmem>>) semaphore(%dma_start3A_139 : memref<!tpu.dma_semaphore, #tpu.memory_space<semaphore_mem>>) {add = true}
    %dma_wait3A_140 = arith.constant 2 : i32
    %dma_wait3A_141 = arith.constant 2 : i32
    %dma_wait3A_142 = arith.constant 0 : i32
    %dma_wait3A_143 = arith.constant 0 : i32
    %dma_wait3A_144 = tpu.memref_slice %arg12[%dma_wait3A_140, %dma_wait3A_142, %dma_wait3A_143] : memref<8x128x16xf32, #tpu.memory_space<vmem>> -> memref<1x128x16xf32, #tpu.memory_space<vmem>>
    %dma_wait3A_145 = tpu.memref_squeeze %dma_wait3A_144 : memref<1x128x16xf32, #tpu.memory_space<vmem>> -> memref<128x16xf32, #tpu.memory_space<vmem>>
    %dma_wait3A_146 = arith.constant 9472 : i32
    %dma_wait3A_147 = tpu.memref_slice %arg10[%dma_wait3A_146] : memref<10000xi32, #tpu.memory_space<vmem>> -> memref<128xi32, #tpu.memory_space<vmem>>
    %dma_wait3A_148 = arith.constant 0 : i32
    %dma_wait3A_149 = arith.constant 0 : i32
    %dma_wait3A_150 = tpu.memref_slice %arg3[%dma_wait3A_148, %dma_wait3A_149] : memref<10240x16xf32, #tpu.memory_space<hbm>> -> memref<10240x16xf32, #tpu.memory_space<hbm>>
    %dma_wait3A_151 = tpu.memref_slice %arg14[%dma_wait3A_141] : memref<8x!tpu.dma_semaphore, #tpu.memory_space<semaphore_mem>> -> memref<1x!tpu.dma_semaphore, #tpu.memory_space<semaphore_mem>>
    %dma_wait3A_152 = tpu.memref_squeeze %dma_wait3A_151 : memref<1x!tpu.dma_semaphore, #tpu.memory_space<semaphore_mem>> -> memref<!tpu.dma_semaphore, #tpu.memory_space<semaphore_mem>>
    tpu.wait_indirect_dma semaphore(%dma_wait3A_152 : memref<!tpu.dma_semaphore, #tpu.memory_space<semaphore_mem>>) src(%dma_wait3A_150 : memref<10240x16xf32, #tpu.memory_space<hbm>>) dst(%dma_wait3A_145 : memref<128x16xf32, #tpu.memory_space<vmem>>)
    %dma_start3A_153 = arith.constant 2 : i32
    %dma_start3A_154 = arith.constant 2 : i32
    %dma_start3A_155 = arith.constant 0 : i32
    %dma_start3A_156 = arith.constant 0 : i32
    %dma_start3A_157 = tpu.memref_slice %arg12[%dma_start3A_153, %dma_start3A_155, %dma_start3A_156] : memref<8x128x16xf32, #tpu.memory_space<vmem>> -> memref<1x128x16xf32, #tpu.memory_space<vmem>>
    %dma_start3A_158 = tpu.memref_squeeze %dma_start3A_157 : memref<1x128x16xf32, #tpu.memory_space<vmem>> -> memref<128x16xf32, #tpu.memory_space<vmem>>
    %dma_start3A_159 = arith.constant 9472 : i32
    %dma_start3A_160 = tpu.memref_slice %arg11[%dma_start3A_159] : memref<10000xi32, #tpu.memory_space<vmem>> -> memref<128xi32, #tpu.memory_space<vmem>>
    %dma_start3A_161 = arith.constant 0 : i32
    %dma_start3A_162 = arith.constant 0 : i32
    %dma_start3A_163 = tpu.memref_slice %arg13[%dma_start3A_161, %dma_start3A_162] : memref<10240x16xf32, #tpu.memory_space<vmem_shared>> -> memref<10240x16xf32, #tpu.memory_space<vmem_shared>>
    %dma_start3A_164 = tpu.memref_slice %arg15[%dma_start3A_154] : memref<8x!tpu.dma_semaphore, #tpu.memory_space<semaphore_mem>> -> memref<1x!tpu.dma_semaphore, #tpu.memory_space<semaphore_mem>>
    %dma_start3A_165 = tpu.memref_squeeze %dma_start3A_164 : memref<1x!tpu.dma_semaphore, #tpu.memory_space<semaphore_mem>> -> memref<!tpu.dma_semaphore, #tpu.memory_space<semaphore_mem>>
    tpu.enqueue_indirect_dma source(%dma_start3A_158 : memref<128x16xf32, #tpu.memory_space<vmem>>) target(%dma_start3A_163 : memref<10240x16xf32, #tpu.memory_space<vmem_shared>>) offsets(%dma_start3A_160 : memref<128xi32, #tpu.memory_space<vmem>>) semaphore(%dma_start3A_165 : memref<!tpu.dma_semaphore, #tpu.memory_space<semaphore_mem>>) {add = true}
    %dma_wait3A_166 = arith.constant 3 : i32
    %dma_wait3A_167 = arith.constant 3 : i32
    %dma_wait3A_168 = arith.constant 0 : i32
    %dma_wait3A_169 = arith.constant 0 : i32
    %dma_wait3A_170 = tpu.memref_slice %arg12[%dma_wait3A_166, %dma_wait3A_168, %dma_wait3A_169] : memref<8x128x16xf32, #tpu.memory_space<vmem>> -> memref<1x128x16xf32, #tpu.memory_space<vmem>>
    %dma_wait3A_171 = tpu.memref_squeeze %dma_wait3A_170 : memref<1x128x16xf32, #tpu.memory_space<vmem>> -> memref<128x16xf32, #tpu.memory_space<vmem>>
    %dma_wait3A_172 = arith.constant 9600 : i32
    %dma_wait3A_173 = tpu.memref_slice %arg10[%dma_wait3A_172] : memref<10000xi32, #tpu.memory_space<vmem>> -> memref<128xi32, #tpu.memory_space<vmem>>
    %dma_wait3A_174 = arith.constant 0 : i32
    %dma_wait3A_175 = arith.constant 0 : i32
    %dma_wait3A_176 = tpu.memref_slice %arg3[%dma_wait3A_174, %dma_wait3A_175] : memref<10240x16xf32, #tpu.memory_space<hbm>> -> memref<10240x16xf32, #tpu.memory_space<hbm>>
    %dma_wait3A_177 = tpu.memref_slice %arg14[%dma_wait3A_167] : memref<8x!tpu.dma_semaphore, #tpu.memory_space<semaphore_mem>> -> memref<1x!tpu.dma_semaphore, #tpu.memory_space<semaphore_mem>>
    %dma_wait3A_178 = tpu.memref_squeeze %dma_wait3A_177 : memref<1x!tpu.dma_semaphore, #tpu.memory_space<semaphore_mem>> -> memref<!tpu.dma_semaphore, #tpu.memory_space<semaphore_mem>>
    tpu.wait_indirect_dma semaphore(%dma_wait3A_178 : memref<!tpu.dma_semaphore, #tpu.memory_space<semaphore_mem>>) src(%dma_wait3A_176 : memref<10240x16xf32, #tpu.memory_space<hbm>>) dst(%dma_wait3A_171 : memref<128x16xf32, #tpu.memory_space<vmem>>)
    %dma_start3A_179 = arith.constant 3 : i32
    %dma_start3A_180 = arith.constant 3 : i32
    %dma_start3A_181 = arith.constant 0 : i32
    %dma_start3A_182 = arith.constant 0 : i32
    %dma_start3A_183 = tpu.memref_slice %arg12[%dma_start3A_179, %dma_start3A_181, %dma_start3A_182] : memref<8x128x16xf32, #tpu.memory_space<vmem>> -> memref<1x128x16xf32, #tpu.memory_space<vmem>>
    %dma_start3A_184 = tpu.memref_squeeze %dma_start3A_183 : memref<1x128x16xf32, #tpu.memory_space<vmem>> -> memref<128x16xf32, #tpu.memory_space<vmem>>
    %dma_start3A_185 = arith.constant 9600 : i32
    %dma_start3A_186 = tpu.memref_slice %arg11[%dma_start3A_185] : memref<10000xi32, #tpu.memory_space<vmem>> -> memref<128xi32, #tpu.memory_space<vmem>>
    %dma_start3A_187 = arith.constant 0 : i32
    %dma_start3A_188 = arith.constant 0 : i32
    %dma_start3A_189 = tpu.memref_slice %arg13[%dma_start3A_187, %dma_start3A_188] : memref<10240x16xf32, #tpu.memory_space<vmem_shared>> -> memref<10240x16xf32, #tpu.memory_space<vmem_shared>>
    %dma_start3A_190 = tpu.memref_slice %arg15[%dma_start3A_180] : memref<8x!tpu.dma_semaphore, #tpu.memory_space<semaphore_mem>> -> memref<1x!tpu.dma_semaphore, #tpu.memory_space<semaphore_mem>>
    %dma_start3A_191 = tpu.memref_squeeze %dma_start3A_190 : memref<1x!tpu.dma_semaphore, #tpu.memory_space<semaphore_mem>> -> memref<!tpu.dma_semaphore, #tpu.memory_space<semaphore_mem>>
    tpu.enqueue_indirect_dma source(%dma_start3A_184 : memref<128x16xf32, #tpu.memory_space<vmem>>) target(%dma_start3A_189 : memref<10240x16xf32, #tpu.memory_space<vmem_shared>>) offsets(%dma_start3A_186 : memref<128xi32, #tpu.memory_space<vmem>>) semaphore(%dma_start3A_191 : memref<!tpu.dma_semaphore, #tpu.memory_space<semaphore_mem>>) {add = true}
    %dma_wait3A_192 = arith.constant 4 : i32
    %dma_wait3A_193 = arith.constant 4 : i32
    %dma_wait3A_194 = arith.constant 0 : i32
    %dma_wait3A_195 = arith.constant 0 : i32
    %dma_wait3A_196 = tpu.memref_slice %arg12[%dma_wait3A_192, %dma_wait3A_194, %dma_wait3A_195] : memref<8x128x16xf32, #tpu.memory_space<vmem>> -> memref<1x128x16xf32, #tpu.memory_space<vmem>>
    %dma_wait3A_197 = tpu.memref_squeeze %dma_wait3A_196 : memref<1x128x16xf32, #tpu.memory_space<vmem>> -> memref<128x16xf32, #tpu.memory_space<vmem>>
    %dma_wait3A_198 = arith.constant 9728 : i32
    %dma_wait3A_199 = tpu.memref_slice %arg10[%dma_wait3A_198] : memref<10000xi32, #tpu.memory_space<vmem>> -> memref<128xi32, #tpu.memory_space<vmem>>
    %dma_wait3A_200 = arith.constant 0 : i32
    %dma_wait3A_201 = arith.constant 0 : i32
    %dma_wait3A_202 = tpu.memref_slice %arg3[%dma_wait3A_200, %dma_wait3A_201] : memref<10240x16xf32, #tpu.memory_space<hbm>> -> memref<10240x16xf32, #tpu.memory_space<hbm>>
    %dma_wait3A_203 = tpu.memref_slice %arg14[%dma_wait3A_193] : memref<8x!tpu.dma_semaphore, #tpu.memory_space<semaphore_mem>> -> memref<1x!tpu.dma_semaphore, #tpu.memory_space<semaphore_mem>>
    %dma_wait3A_204 = tpu.memref_squeeze %dma_wait3A_203 : memref<1x!tpu.dma_semaphore, #tpu.memory_space<semaphore_mem>> -> memref<!tpu.dma_semaphore, #tpu.memory_space<semaphore_mem>>
    tpu.wait_indirect_dma semaphore(%dma_wait3A_204 : memref<!tpu.dma_semaphore, #tpu.memory_space<semaphore_mem>>) src(%dma_wait3A_202 : memref<10240x16xf32, #tpu.memory_space<hbm>>) dst(%dma_wait3A_197 : memref<128x16xf32, #tpu.memory_space<vmem>>)
    %dma_start3A_205 = arith.constant 4 : i32
    %dma_start3A_206 = arith.constant 4 : i32
    %dma_start3A_207 = arith.constant 0 : i32
    %dma_start3A_208 = arith.constant 0 : i32
    %dma_start3A_209 = tpu.memref_slice %arg12[%dma_start3A_205, %dma_start3A_207, %dma_start3A_208] : memref<8x128x16xf32, #tpu.memory_space<vmem>> -> memref<1x128x16xf32, #tpu.memory_space<vmem>>
    %dma_start3A_210 = tpu.memref_squeeze %dma_start3A_209 : memref<1x128x16xf32, #tpu.memory_space<vmem>> -> memref<128x16xf32, #tpu.memory_space<vmem>>
    %dma_start3A_211 = arith.constant 9728 : i32
    %dma_start3A_212 = tpu.memref_slice %arg11[%dma_start3A_211] : memref<10000xi32, #tpu.memory_space<vmem>> -> memref<128xi32, #tpu.memory_space<vmem>>
    %dma_start3A_213 = arith.constant 0 : i32
    %dma_start3A_214 = arith.constant 0 : i32
    %dma_start3A_215 = tpu.memref_slice %arg13[%dma_start3A_213, %dma_start3A_214] : memref<10240x16xf32, #tpu.memory_space<vmem_shared>> -> memref<10240x16xf32, #tpu.memory_space<vmem_shared>>
    %dma_start3A_216 = tpu.memref_slice %arg15[%dma_start3A_206] : memref<8x!tpu.dma_semaphore, #tpu.memory_space<semaphore_mem>> -> memref<1x!tpu.dma_semaphore, #tpu.memory_space<semaphore_mem>>
    %dma_start3A_217 = tpu.memref_squeeze %dma_start3A_216 : memref<1x!tpu.dma_semaphore, #tpu.memory_space<semaphore_mem>> -> memref<!tpu.dma_semaphore, #tpu.memory_space<semaphore_mem>>
    tpu.enqueue_indirect_dma source(%dma_start3A_210 : memref<128x16xf32, #tpu.memory_space<vmem>>) target(%dma_start3A_215 : memref<10240x16xf32, #tpu.memory_space<vmem_shared>>) offsets(%dma_start3A_212 : memref<128xi32, #tpu.memory_space<vmem>>) semaphore(%dma_start3A_217 : memref<!tpu.dma_semaphore, #tpu.memory_space<semaphore_mem>>) {add = true}
    %dma_wait3A_218 = arith.constant 5 : i32
    %dma_wait3A_219 = arith.constant 5 : i32
    %dma_wait3A_220 = arith.constant 0 : i32
    %dma_wait3A_221 = arith.constant 0 : i32
    %dma_wait3A_222 = tpu.memref_slice %arg12[%dma_wait3A_218, %dma_wait3A_220, %dma_wait3A_221] : memref<8x128x16xf32, #tpu.memory_space<vmem>> -> memref<1x128x16xf32, #tpu.memory_space<vmem>>
    %dma_wait3A_223 = tpu.memref_squeeze %dma_wait3A_222 : memref<1x128x16xf32, #tpu.memory_space<vmem>> -> memref<128x16xf32, #tpu.memory_space<vmem>>
    %dma_wait3A_224 = arith.constant 9856 : i32
    %dma_wait3A_225 = tpu.memref_slice %arg10[%dma_wait3A_224] : memref<10000xi32, #tpu.memory_space<vmem>> -> memref<128xi32, #tpu.memory_space<vmem>>
    %dma_wait3A_226 = arith.constant 0 : i32
    %dma_wait3A_227 = arith.constant 0 : i32
    %dma_wait3A_228 = tpu.memref_slice %arg3[%dma_wait3A_226, %dma_wait3A_227] : memref<10240x16xf32, #tpu.memory_space<hbm>> -> memref<10240x16xf32, #tpu.memory_space<hbm>>
    %dma_wait3A_229 = tpu.memref_slice %arg14[%dma_wait3A_219] : memref<8x!tpu.dma_semaphore, #tpu.memory_space<semaphore_mem>> -> memref<1x!tpu.dma_semaphore, #tpu.memory_space<semaphore_mem>>
    %dma_wait3A_230 = tpu.memref_squeeze %dma_wait3A_229 : memref<1x!tpu.dma_semaphore, #tpu.memory_space<semaphore_mem>> -> memref<!tpu.dma_semaphore, #tpu.memory_space<semaphore_mem>>
    tpu.wait_indirect_dma semaphore(%dma_wait3A_230 : memref<!tpu.dma_semaphore, #tpu.memory_space<semaphore_mem>>) src(%dma_wait3A_228 : memref<10240x16xf32, #tpu.memory_space<hbm>>) dst(%dma_wait3A_223 : memref<128x16xf32, #tpu.memory_space<vmem>>)
    %dma_start3A_231 = arith.constant 5 : i32
    %dma_start3A_232 = arith.constant 5 : i32
    %dma_start3A_233 = arith.constant 0 : i32
    %dma_start3A_234 = arith.constant 0 : i32
    %dma_start3A_235 = tpu.memref_slice %arg12[%dma_start3A_231, %dma_start3A_233, %dma_start3A_234] : memref<8x128x16xf32, #tpu.memory_space<vmem>> -> memref<1x128x16xf32, #tpu.memory_space<vmem>>
    %dma_start3A_236 = tpu.memref_squeeze %dma_start3A_235 : memref<1x128x16xf32, #tpu.memory_space<vmem>> -> memref<128x16xf32, #tpu.memory_space<vmem>>
    %dma_start3A_237 = arith.constant 9856 : i32
    %dma_start3A_238 = tpu.memref_slice %arg11[%dma_start3A_237] : memref<10000xi32, #tpu.memory_space<vmem>> -> memref<128xi32, #tpu.memory_space<vmem>>
    %dma_start3A_239 = arith.constant 0 : i32
    %dma_start3A_240 = arith.constant 0 : i32
    %dma_start3A_241 = tpu.memref_slice %arg13[%dma_start3A_239, %dma_start3A_240] : memref<10240x16xf32, #tpu.memory_space<vmem_shared>> -> memref<10240x16xf32, #tpu.memory_space<vmem_shared>>
    %dma_start3A_242 = tpu.memref_slice %arg15[%dma_start3A_232] : memref<8x!tpu.dma_semaphore, #tpu.memory_space<semaphore_mem>> -> memref<1x!tpu.dma_semaphore, #tpu.memory_space<semaphore_mem>>
    %dma_start3A_243 = tpu.memref_squeeze %dma_start3A_242 : memref<1x!tpu.dma_semaphore, #tpu.memory_space<semaphore_mem>> -> memref<!tpu.dma_semaphore, #tpu.memory_space<semaphore_mem>>
    tpu.enqueue_indirect_dma source(%dma_start3A_236 : memref<128x16xf32, #tpu.memory_space<vmem>>) target(%dma_start3A_241 : memref<10240x16xf32, #tpu.memory_space<vmem_shared>>) offsets(%dma_start3A_238 : memref<128xi32, #tpu.memory_space<vmem>>) semaphore(%dma_start3A_243 : memref<!tpu.dma_semaphore, #tpu.memory_space<semaphore_mem>>) {add = true}
    %dma_wait3A_244 = arith.constant 0 : i32
    %dma_wait3A_245 = arith.constant 0 : i32
    %dma_wait3A_246 = arith.constant 0 : i32
    %dma_wait3A_247 = arith.constant 0 : i32
    %dma_wait3A_248 = tpu.memref_slice %arg12[%dma_wait3A_244, %dma_wait3A_246, %dma_wait3A_247] : memref<8x128x16xf32, #tpu.memory_space<vmem>> -> memref<1x128x16xf32, #tpu.memory_space<vmem>>
    %dma_wait3A_249 = tpu.memref_squeeze %dma_wait3A_248 : memref<1x128x16xf32, #tpu.memory_space<vmem>> -> memref<128x16xf32, #tpu.memory_space<vmem>>
    %dma_wait3A_250 = arith.constant 9216 : i32
    %dma_wait3A_251 = tpu.memref_slice %arg11[%dma_wait3A_250] : memref<10000xi32, #tpu.memory_space<vmem>> -> memref<128xi32, #tpu.memory_space<vmem>>
    %dma_wait3A_252 = arith.constant 0 : i32
    %dma_wait3A_253 = arith.constant 0 : i32
    %dma_wait3A_254 = tpu.memref_slice %arg13[%dma_wait3A_252, %dma_wait3A_253] : memref<10240x16xf32, #tpu.memory_space<vmem_shared>> -> memref<10240x16xf32, #tpu.memory_space<vmem_shared>>
    %dma_wait3A_255 = tpu.memref_slice %arg15[%dma_wait3A_245] : memref<8x!tpu.dma_semaphore, #tpu.memory_space<semaphore_mem>> -> memref<1x!tpu.dma_semaphore, #tpu.memory_space<semaphore_mem>>
    %dma_wait3A_256 = tpu.memref_squeeze %dma_wait3A_255 : memref<1x!tpu.dma_semaphore, #tpu.memory_space<semaphore_mem>> -> memref<!tpu.dma_semaphore, #tpu.memory_space<semaphore_mem>>
    tpu.wait_indirect_dma semaphore(%dma_wait3A_256 : memref<!tpu.dma_semaphore, #tpu.memory_space<semaphore_mem>>) src(%dma_wait3A_249 : memref<128x16xf32, #tpu.memory_space<vmem>>) dst(%dma_wait3A_254 : memref<10240x16xf32, #tpu.memory_space<vmem_shared>>)
    %dma_wait3A_257 = arith.constant 1 : i32
    %dma_wait3A_258 = arith.constant 1 : i32
    %dma_wait3A_259 = arith.constant 0 : i32
    %dma_wait3A_260 = arith.constant 0 : i32
    %dma_wait3A_261 = tpu.memref_slice %arg12[%dma_wait3A_257, %dma_wait3A_259, %dma_wait3A_260] : memref<8x128x16xf32, #tpu.memory_space<vmem>> -> memref<1x128x16xf32, #tpu.memory_space<vmem>>
    %dma_wait3A_262 = tpu.memref_squeeze %dma_wait3A_261 : memref<1x128x16xf32, #tpu.memory_space<vmem>> -> memref<128x16xf32, #tpu.memory_space<vmem>>
    %dma_wait3A_263 = arith.constant 9344 : i32
    %dma_wait3A_264 = tpu.memref_slice %arg11[%dma_wait3A_263] : memref<10000xi32, #tpu.memory_space<vmem>> -> memref<128xi32, #tpu.memory_space<vmem>>
    %dma_wait3A_265 = arith.constant 0 : i32
    %dma_wait3A_266 = arith.constant 0 : i32
    %dma_wait3A_267 = tpu.memref_slice %arg13[%dma_wait3A_265, %dma_wait3A_266] : memref<10240x16xf32, #tpu.memory_space<vmem_shared>> -> memref<10240x16xf32, #tpu.memory_space<vmem_shared>>
    %dma_wait3A_268 = tpu.memref_slice %arg15[%dma_wait3A_258] : memref<8x!tpu.dma_semaphore, #tpu.memory_space<semaphore_mem>> -> memref<1x!tpu.dma_semaphore, #tpu.memory_space<semaphore_mem>>
    %dma_wait3A_269 = tpu.memref_squeeze %dma_wait3A_268 : memref<1x!tpu.dma_semaphore, #tpu.memory_space<semaphore_mem>> -> memref<!tpu.dma_semaphore, #tpu.memory_space<semaphore_mem>>
    tpu.wait_indirect_dma semaphore(%dma_wait3A_269 : memref<!tpu.dma_semaphore, #tpu.memory_space<semaphore_mem>>) src(%dma_wait3A_262 : memref<128x16xf32, #tpu.memory_space<vmem>>) dst(%dma_wait3A_267 : memref<10240x16xf32, #tpu.memory_space<vmem_shared>>)
    %dma_wait3A_270 = arith.constant 2 : i32
    %dma_wait3A_271 = arith.constant 2 : i32
    %dma_wait3A_272 = arith.constant 0 : i32
    %dma_wait3A_273 = arith.constant 0 : i32
    %dma_wait3A_274 = tpu.memref_slice %arg12[%dma_wait3A_270, %dma_wait3A_272, %dma_wait3A_273] : memref<8x128x16xf32, #tpu.memory_space<vmem>> -> memref<1x128x16xf32, #tpu.memory_space<vmem>>
    %dma_wait3A_275 = tpu.memref_squeeze %dma_wait3A_274 : memref<1x128x16xf32, #tpu.memory_space<vmem>> -> memref<128x16xf32, #tpu.memory_space<vmem>>
    %dma_wait3A_276 = arith.constant 9472 : i32
    %dma_wait3A_277 = tpu.memref_slice %arg11[%dma_wait3A_276] : memref<10000xi32, #tpu.memory_space<vmem>> -> memref<128xi32, #tpu.memory_space<vmem>>
    %dma_wait3A_278 = arith.constant 0 : i32
    %dma_wait3A_279 = arith.constant 0 : i32
    %dma_wait3A_280 = tpu.memref_slice %arg13[%dma_wait3A_278, %dma_wait3A_279] : memref<10240x16xf32, #tpu.memory_space<vmem_shared>> -> memref<10240x16xf32, #tpu.memory_space<vmem_shared>>
    %dma_wait3A_281 = tpu.memref_slice %arg15[%dma_wait3A_271] : memref<8x!tpu.dma_semaphore, #tpu.memory_space<semaphore_mem>> -> memref<1x!tpu.dma_semaphore, #tpu.memory_space<semaphore_mem>>
    %dma_wait3A_282 = tpu.memref_squeeze %dma_wait3A_281 : memref<1x!tpu.dma_semaphore, #tpu.memory_space<semaphore_mem>> -> memref<!tpu.dma_semaphore, #tpu.memory_space<semaphore_mem>>
    tpu.wait_indirect_dma semaphore(%dma_wait3A_282 : memref<!tpu.dma_semaphore, #tpu.memory_space<semaphore_mem>>) src(%dma_wait3A_275 : memref<128x16xf32, #tpu.memory_space<vmem>>) dst(%dma_wait3A_280 : memref<10240x16xf32, #tpu.memory_space<vmem_shared>>)
    %dma_wait3A_283 = arith.constant 3 : i32
    %dma_wait3A_284 = arith.constant 3 : i32
    %dma_wait3A_285 = arith.constant 0 : i32
    %dma_wait3A_286 = arith.constant 0 : i32
    %dma_wait3A_287 = tpu.memref_slice %arg12[%dma_wait3A_283, %dma_wait3A_285, %dma_wait3A_286] : memref<8x128x16xf32, #tpu.memory_space<vmem>> -> memref<1x128x16xf32, #tpu.memory_space<vmem>>
    %dma_wait3A_288 = tpu.memref_squeeze %dma_wait3A_287 : memref<1x128x16xf32, #tpu.memory_space<vmem>> -> memref<128x16xf32, #tpu.memory_space<vmem>>
    %dma_wait3A_289 = arith.constant 9600 : i32
    %dma_wait3A_290 = tpu.memref_slice %arg11[%dma_wait3A_289] : memref<10000xi32, #tpu.memory_space<vmem>> -> memref<128xi32, #tpu.memory_space<vmem>>
    %dma_wait3A_291 = arith.constant 0 : i32
    %dma_wait3A_292 = arith.constant 0 : i32
    %dma_wait3A_293 = tpu.memref_slice %arg13[%dma_wait3A_291, %dma_wait3A_292] : memref<10240x16xf32, #tpu.memory_space<vmem_shared>> -> memref<10240x16xf32, #tpu.memory_space<vmem_shared>>
    %dma_wait3A_294 = tpu.memref_slice %arg15[%dma_wait3A_284] : memref<8x!tpu.dma_semaphore, #tpu.memory_space<semaphore_mem>> -> memref<1x!tpu.dma_semaphore, #tpu.memory_space<semaphore_mem>>
    %dma_wait3A_295 = tpu.memref_squeeze %dma_wait3A_294 : memref<1x!tpu.dma_semaphore, #tpu.memory_space<semaphore_mem>> -> memref<!tpu.dma_semaphore, #tpu.memory_space<semaphore_mem>>
    tpu.wait_indirect_dma semaphore(%dma_wait3A_295 : memref<!tpu.dma_semaphore, #tpu.memory_space<semaphore_mem>>) src(%dma_wait3A_288 : memref<128x16xf32, #tpu.memory_space<vmem>>) dst(%dma_wait3A_293 : memref<10240x16xf32, #tpu.memory_space<vmem_shared>>)
    %dma_wait3A_296 = arith.constant 4 : i32
    %dma_wait3A_297 = arith.constant 4 : i32
    %dma_wait3A_298 = arith.constant 0 : i32
    %dma_wait3A_299 = arith.constant 0 : i32
    %dma_wait3A_300 = tpu.memref_slice %arg12[%dma_wait3A_296, %dma_wait3A_298, %dma_wait3A_299] : memref<8x128x16xf32, #tpu.memory_space<vmem>> -> memref<1x128x16xf32, #tpu.memory_space<vmem>>
    %dma_wait3A_301 = tpu.memref_squeeze %dma_wait3A_300 : memref<1x128x16xf32, #tpu.memory_space<vmem>> -> memref<128x16xf32, #tpu.memory_space<vmem>>
    %dma_wait3A_302 = arith.constant 9728 : i32
    %dma_wait3A_303 = tpu.memref_slice %arg11[%dma_wait3A_302] : memref<10000xi32, #tpu.memory_space<vmem>> -> memref<128xi32, #tpu.memory_space<vmem>>
    %dma_wait3A_304 = arith.constant 0 : i32
    %dma_wait3A_305 = arith.constant 0 : i32
    %dma_wait3A_306 = tpu.memref_slice %arg13[%dma_wait3A_304, %dma_wait3A_305] : memref<10240x16xf32, #tpu.memory_space<vmem_shared>> -> memref<10240x16xf32, #tpu.memory_space<vmem_shared>>
    %dma_wait3A_307 = tpu.memref_slice %arg15[%dma_wait3A_297] : memref<8x!tpu.dma_semaphore, #tpu.memory_space<semaphore_mem>> -> memref<1x!tpu.dma_semaphore, #tpu.memory_space<semaphore_mem>>
    %dma_wait3A_308 = tpu.memref_squeeze %dma_wait3A_307 : memref<1x!tpu.dma_semaphore, #tpu.memory_space<semaphore_mem>> -> memref<!tpu.dma_semaphore, #tpu.memory_space<semaphore_mem>>
    tpu.wait_indirect_dma semaphore(%dma_wait3A_308 : memref<!tpu.dma_semaphore, #tpu.memory_space<semaphore_mem>>) src(%dma_wait3A_301 : memref<128x16xf32, #tpu.memory_space<vmem>>) dst(%dma_wait3A_306 : memref<10240x16xf32, #tpu.memory_space<vmem_shared>>)
    %dma_wait3A_309 = arith.constant 5 : i32
    %dma_wait3A_310 = arith.constant 5 : i32
    %dma_wait3A_311 = arith.constant 0 : i32
    %dma_wait3A_312 = arith.constant 0 : i32
    %dma_wait3A_313 = tpu.memref_slice %arg12[%dma_wait3A_309, %dma_wait3A_311, %dma_wait3A_312] : memref<8x128x16xf32, #tpu.memory_space<vmem>> -> memref<1x128x16xf32, #tpu.memory_space<vmem>>
    %dma_wait3A_314 = tpu.memref_squeeze %dma_wait3A_313 : memref<1x128x16xf32, #tpu.memory_space<vmem>> -> memref<128x16xf32, #tpu.memory_space<vmem>>
    %dma_wait3A_315 = arith.constant 9856 : i32
    %dma_wait3A_316 = tpu.memref_slice %arg11[%dma_wait3A_315] : memref<10000xi32, #tpu.memory_space<vmem>> -> memref<128xi32, #tpu.memory_space<vmem>>
    %dma_wait3A_317 = arith.constant 0 : i32
    %dma_wait3A_318 = arith.constant 0 : i32
    %dma_wait3A_319 = tpu.memref_slice %arg13[%dma_wait3A_317, %dma_wait3A_318] : memref<10240x16xf32, #tpu.memory_space<vmem_shared>> -> memref<10240x16xf32, #tpu.memory_space<vmem_shared>>
    %dma_wait3A_320 = tpu.memref_slice %arg15[%dma_wait3A_310] : memref<8x!tpu.dma_semaphore, #tpu.memory_space<semaphore_mem>> -> memref<1x!tpu.dma_semaphore, #tpu.memory_space<semaphore_mem>>
    %dma_wait3A_321 = tpu.memref_squeeze %dma_wait3A_320 : memref<1x!tpu.dma_semaphore, #tpu.memory_space<semaphore_mem>> -> memref<!tpu.dma_semaphore, #tpu.memory_space<semaphore_mem>>
    tpu.wait_indirect_dma semaphore(%dma_wait3A_321 : memref<!tpu.dma_semaphore, #tpu.memory_space<semaphore_mem>>) src(%dma_wait3A_314 : memref<128x16xf32, #tpu.memory_space<vmem>>) dst(%dma_wait3A_319 : memref<10240x16xf32, #tpu.memory_space<vmem_shared>>)
    %dma_start3A_322 = arith.constant 0 : i32
    %dma_start3A_323 = arith.constant 0 : i32
    %dma_start3A_324 = arith.constant 0 : i32
    %dma_start3A_325 = arith.constant 0 : i32
    %dma_start3A_326 = tpu.memref_slice %arg12[%dma_start3A_322, %dma_start3A_324, %dma_start3A_325] : memref<8x128x16xf32, #tpu.memory_space<vmem>> -> memref<1x16x16xf32, #tpu.memory_space<vmem>>
    %dma_start3A_327 = tpu.memref_squeeze %dma_start3A_326 : memref<1x16x16xf32, #tpu.memory_space<vmem>> -> memref<16x16xf32, #tpu.memory_space<vmem>>
    %dma_start3A_328 = arith.constant 9984 : i32
    %dma_start3A_329 = tpu.memref_slice %arg10[%dma_start3A_328] : memref<10000xi32, #tpu.memory_space<vmem>> -> memref<16xi32, #tpu.memory_space<vmem>>
    %dma_start3A_330 = arith.constant 0 : i32
    %dma_start3A_331 = arith.constant 0 : i32
    %dma_start3A_332 = tpu.memref_slice %arg3[%dma_start3A_330, %dma_start3A_331] : memref<10240x16xf32, #tpu.memory_space<hbm>> -> memref<10240x16xf32, #tpu.memory_space<hbm>>
    %dma_start3A_333 = tpu.memref_slice %arg14[%dma_start3A_323] : memref<8x!tpu.dma_semaphore, #tpu.memory_space<semaphore_mem>> -> memref<1x!tpu.dma_semaphore, #tpu.memory_space<semaphore_mem>>
    %dma_start3A_334 = tpu.memref_squeeze %dma_start3A_333 : memref<1x!tpu.dma_semaphore, #tpu.memory_space<semaphore_mem>> -> memref<!tpu.dma_semaphore, #tpu.memory_space<semaphore_mem>>
    tpu.enqueue_indirect_dma source(%dma_start3A_332 : memref<10240x16xf32, #tpu.memory_space<hbm>>) target(%dma_start3A_327 : memref<16x16xf32, #tpu.memory_space<vmem>>) offsets(%dma_start3A_329 : memref<16xi32, #tpu.memory_space<vmem>>) semaphore(%dma_start3A_334 : memref<!tpu.dma_semaphore, #tpu.memory_space<semaphore_mem>>)
    %dma_wait3A_335 = arith.constant 0 : i32
    %dma_wait3A_336 = arith.constant 0 : i32
    %dma_wait3A_337 = arith.constant 0 : i32
    %dma_wait3A_338 = arith.constant 0 : i32
    %dma_wait3A_339 = tpu.memref_slice %arg12[%dma_wait3A_335, %dma_wait3A_337, %dma_wait3A_338] : memref<8x128x16xf32, #tpu.memory_space<vmem>> -> memref<1x16x16xf32, #tpu.memory_space<vmem>>
    %dma_wait3A_340 = tpu.memref_squeeze %dma_wait3A_339 : memref<1x16x16xf32, #tpu.memory_space<vmem>> -> memref<16x16xf32, #tpu.memory_space<vmem>>
    %dma_wait3A_341 = arith.constant 9984 : i32
    %dma_wait3A_342 = tpu.memref_slice %arg10[%dma_wait3A_341] : memref<10000xi32, #tpu.memory_space<vmem>> -> memref<16xi32, #tpu.memory_space<vmem>>
    %dma_wait3A_343 = arith.constant 0 : i32
    %dma_wait3A_344 = arith.constant 0 : i32
    %dma_wait3A_345 = tpu.memref_slice %arg3[%dma_wait3A_343, %dma_wait3A_344] : memref<10240x16xf32, #tpu.memory_space<hbm>> -> memref<10240x16xf32, #tpu.memory_space<hbm>>
    %dma_wait3A_346 = tpu.memref_slice %arg14[%dma_wait3A_336] : memref<8x!tpu.dma_semaphore, #tpu.memory_space<semaphore_mem>> -> memref<1x!tpu.dma_semaphore, #tpu.memory_space<semaphore_mem>>
    %dma_wait3A_347 = tpu.memref_squeeze %dma_wait3A_346 : memref<1x!tpu.dma_semaphore, #tpu.memory_space<semaphore_mem>> -> memref<!tpu.dma_semaphore, #tpu.memory_space<semaphore_mem>>
    tpu.wait_indirect_dma semaphore(%dma_wait3A_347 : memref<!tpu.dma_semaphore, #tpu.memory_space<semaphore_mem>>) src(%dma_wait3A_345 : memref<10240x16xf32, #tpu.memory_space<hbm>>) dst(%dma_wait3A_340 : memref<16x16xf32, #tpu.memory_space<vmem>>)
    %run_scoped3A_348 = arith.constant 0 : i32
    "tpu.region"() ({
      %run_scoped3A_364 = tpu.sem_alloc : memref<!tpu.dma_semaphore, #tpu.memory_space<semaphore_mem>>
      %dma_start3A_365 = arith.constant 0 : i32
      %dma_start3A_366 = arith.constant 0 : i32
      %dma_start3A_367 = tpu.memref_slice %arg12[%run_scoped3A_348, %dma_start3A_365, %dma_start3A_366] : memref<8x128x16xf32, #tpu.memory_space<vmem>> -> memref<1x16x16xf32, #tpu.memory_space<vmem>>
      %dma_start3A_368 = tpu.memref_squeeze %dma_start3A_367 : memref<1x16x16xf32, #tpu.memory_space<vmem>> -> memref<16x16xf32, #tpu.memory_space<vmem>>
      %dma_start3A_369 = arith.constant 9984 : i32
      %dma_start3A_370 = tpu.memref_slice %arg11[%dma_start3A_369] : memref<10000xi32, #tpu.memory_space<vmem>> -> memref<16xi32, #tpu.memory_space<vmem>>
      %dma_start3A_371 = arith.constant 0 : i32
      %dma_start3A_372 = arith.constant 0 : i32
      %dma_start3A_373 = tpu.memref_slice %arg13[%dma_start3A_371, %dma_start3A_372] : memref<10240x16xf32, #tpu.memory_space<vmem_shared>> -> memref<10240x16xf32, #tpu.memory_space<vmem_shared>>
      tpu.enqueue_indirect_dma source(%dma_start3A_368 : memref<16x16xf32, #tpu.memory_space<vmem>>) target(%dma_start3A_373 : memref<10240x16xf32, #tpu.memory_space<vmem_shared>>) offsets(%dma_start3A_370 : memref<16xi32, #tpu.memory_space<vmem>>) semaphore(%run_scoped3A_364 : memref<!tpu.dma_semaphore, #tpu.memory_space<semaphore_mem>>) {add = true}
      %dma_wait3A_374 = arith.constant 0 : i32
      %dma_wait3A_375 = arith.constant 0 : i32
      %dma_wait3A_376 = tpu.memref_slice %arg12[%run_scoped3A_348, %dma_wait3A_374, %dma_wait3A_375] : memref<8x128x16xf32, #tpu.memory_space<vmem>> -> memref<1x16x16xf32, #tpu.memory_space<vmem>>
      %dma_wait3A_377 = tpu.memref_squeeze %dma_wait3A_376 : memref<1x16x16xf32, #tpu.memory_space<vmem>> -> memref<16x16xf32, #tpu.memory_space<vmem>>
      %dma_wait3A_378 = arith.constant 9984 : i32
      %dma_wait3A_379 = tpu.memref_slice %arg11[%dma_wait3A_378] : memref<10000xi32, #tpu.memory_space<vmem>> -> memref<16xi32, #tpu.memory_space<vmem>>
      %dma_wait3A_380 = arith.constant 0 : i32
      %dma_wait3A_381 = arith.constant 0 : i32
      %dma_wait3A_382 = tpu.memref_slice %arg13[%dma_wait3A_380, %dma_wait3A_381] : memref<10240x16xf32, #tpu.memory_space<vmem_shared>> -> memref<10240x16xf32, #tpu.memory_space<vmem_shared>>
      tpu.wait_indirect_dma semaphore(%run_scoped3A_364 : memref<!tpu.dma_semaphore, #tpu.memory_space<semaphore_mem>>) src(%dma_wait3A_377 : memref<16x16xf32, #tpu.memory_space<vmem>>) dst(%dma_wait3A_382 : memref<10240x16xf32, #tpu.memory_space<vmem_shared>>)
      tpu.yield
    }) : () -> ()
    %barrier3A_349 = arith.constant 0 : index
    tpu.barrier barrier_id(%barrier3A_349)
    %mul3A_350 = arith.constant 640 : i32
    %mul3A_351 = arith.muli %arg1, %mul3A_350 : i32
    "tpu.region"() ({
      %run_scoped3A_364 = tpu.sem_alloc : memref<!tpu.dma_semaphore, #tpu.memory_space<semaphore_mem>>
      %dma_start3A_365 = arith.constant 0 : i32
      %dma_start3A_366 = tpu.memref_slice %arg13[%mul3A_351, %dma_start3A_365] : memref<10240x16xf32, #tpu.memory_space<vmem_shared>> -> memref<640x16xf32, #tpu.memory_space<vmem_shared>>
      %dma_start3A_367 = arith.constant 0 : i32
      %dma_start3A_368 = tpu.memref_slice %arg13[%mul3A_351, %dma_start3A_367] : memref<10240x16xf32, #tpu.memory_space<vmem_shared>> -> memref<640x16xf32, #tpu.memory_space<vmem_shared>>
      tpu.enqueue_dma source(%dma_start3A_368 : memref<640x16xf32, #tpu.memory_space<vmem_shared>>) target(%arg16 : memref<640x16xf32, #tpu.memory_space<vmem>>) target_semaphore(%run_scoped3A_364 : memref<!tpu.dma_semaphore, #tpu.memory_space<semaphore_mem>>)
      %dma_wait3A_369 = arith.constant 0 : i32
      %dma_wait3A_370 = tpu.memref_slice %arg13[%mul3A_351, %dma_wait3A_369] : memref<10240x16xf32, #tpu.memory_space<vmem_shared>> -> memref<640x16xf32, #tpu.memory_space<vmem_shared>>
      %dma_wait3A_371 = arith.constant 0 : i32
      %dma_wait3A_372 = tpu.memref_slice %arg13[%mul3A_351, %dma_wait3A_371] : memref<10240x16xf32, #tpu.memory_space<vmem_shared>> -> memref<640x16xf32, #tpu.memory_space<vmem_shared>>
      tpu.wait_dma2 semaphore(%run_scoped3A_364 : memref<!tpu.dma_semaphore, #tpu.memory_space<semaphore_mem>>) src(%dma_wait3A_372 : memref<640x16xf32, #tpu.memory_space<vmem_shared>>) dst(%arg16 : memref<640x16xf32, #tpu.memory_space<vmem>>)
      tpu.yield
    }) : () -> ()
    "tpu.region"() ({
      %run_scoped3A_364 = tpu.sem_alloc : memref<!tpu.dma_semaphore, #tpu.memory_space<semaphore_mem>>
      %dma_start3A_365 = arith.constant 0 : i32
      %dma_start3A_366 = tpu.memref_slice %arg3[%mul3A_351, %dma_start3A_365] : memref<10240x16xf32, #tpu.memory_space<hbm>> -> memref<640x16xf32, #tpu.memory_space<hbm>>
      %dma_start3A_367 = arith.constant 0 : i32
      %dma_start3A_368 = tpu.memref_slice %arg3[%mul3A_351, %dma_start3A_367] : memref<10240x16xf32, #tpu.memory_space<hbm>> -> memref<640x16xf32, #tpu.memory_space<hbm>>
      tpu.enqueue_dma source(%dma_start3A_368 : memref<640x16xf32, #tpu.memory_space<hbm>>) target(%arg17 : memref<640x16xf32, #tpu.memory_space<vmem>>) target_semaphore(%run_scoped3A_364 : memref<!tpu.dma_semaphore, #tpu.memory_space<semaphore_mem>>)
      %dma_wait3A_369 = arith.constant 0 : i32
      %dma_wait3A_370 = tpu.memref_slice %arg3[%mul3A_351, %dma_wait3A_369] : memref<10240x16xf32, #tpu.memory_space<hbm>> -> memref<640x16xf32, #tpu.memory_space<hbm>>
      %dma_wait3A_371 = arith.constant 0 : i32
      %dma_wait3A_372 = tpu.memref_slice %arg3[%mul3A_351, %dma_wait3A_371] : memref<10240x16xf32, #tpu.memory_space<hbm>> -> memref<640x16xf32, #tpu.memory_space<hbm>>
      tpu.wait_dma2 semaphore(%run_scoped3A_364 : memref<!tpu.dma_semaphore, #tpu.memory_space<semaphore_mem>>) src(%dma_wait3A_372 : memref<640x16xf32, #tpu.memory_space<hbm>>) dst(%arg17 : memref<640x16xf32, #tpu.memory_space<vmem>>)
      tpu.yield
    }) : () -> ()
    "tpu.region"() ({
      %run_scoped3A_364 = tpu.sem_alloc : memref<!tpu.dma_semaphore, #tpu.memory_space<semaphore_mem>>
      %dma_start3A_365 = tpu.memref_slice %arg5[%mul3A_351] : memref<10240xf32, #tpu.memory_space<hbm>> -> memref<640xf32, #tpu.memory_space<hbm>>
      %dma_start3A_366 = tpu.memref_slice %arg5[%mul3A_351] : memref<10240xf32, #tpu.memory_space<hbm>> -> memref<640xf32, #tpu.memory_space<hbm>>
      tpu.enqueue_dma source(%dma_start3A_366 : memref<640xf32, #tpu.memory_space<hbm>>) target(%arg18 : memref<640xf32, #tpu.memory_space<vmem>>) target_semaphore(%run_scoped3A_364 : memref<!tpu.dma_semaphore, #tpu.memory_space<semaphore_mem>>)
      %dma_wait3A_367 = tpu.memref_slice %arg5[%mul3A_351] : memref<10240xf32, #tpu.memory_space<hbm>> -> memref<640xf32, #tpu.memory_space<hbm>>
      %dma_wait3A_368 = tpu.memref_slice %arg5[%mul3A_351] : memref<10240xf32, #tpu.memory_space<hbm>> -> memref<640xf32, #tpu.memory_space<hbm>>
      tpu.wait_dma2 semaphore(%run_scoped3A_364 : memref<!tpu.dma_semaphore, #tpu.memory_space<semaphore_mem>>) src(%dma_wait3A_368 : memref<640xf32, #tpu.memory_space<hbm>>) dst(%arg18 : memref<640xf32, #tpu.memory_space<vmem>>)
      tpu.yield
    }) : () -> ()
    "tpu.region"() ({
      %run_scoped3A_364 = tpu.sem_alloc : memref<!tpu.dma_semaphore, #tpu.memory_space<semaphore_mem>>
      %dma_start3A_365 = tpu.memref_slice %arg6[%mul3A_351] : memref<10240xi32, #tpu.memory_space<hbm>> -> memref<640xi32, #tpu.memory_space<hbm>>
      %dma_start3A_366 = tpu.memref_slice %arg6[%mul3A_351] : memref<10240xi32, #tpu.memory_space<hbm>> -> memref<640xi32, #tpu.memory_space<hbm>>
      tpu.enqueue_dma source(%dma_start3A_366 : memref<640xi32, #tpu.memory_space<hbm>>) target(%arg19 : memref<640xi32, #tpu.memory_space<vmem>>) target_semaphore(%run_scoped3A_364 : memref<!tpu.dma_semaphore, #tpu.memory_space<semaphore_mem>>)
      %dma_wait3A_367 = tpu.memref_slice %arg6[%mul3A_351] : memref<10240xi32, #tpu.memory_space<hbm>> -> memref<640xi32, #tpu.memory_space<hbm>>
      %dma_wait3A_368 = tpu.memref_slice %arg6[%mul3A_351] : memref<10240xi32, #tpu.memory_space<hbm>> -> memref<640xi32, #tpu.memory_space<hbm>>
      tpu.wait_dma2 semaphore(%run_scoped3A_364 : memref<!tpu.dma_semaphore, #tpu.memory_space<semaphore_mem>>) src(%dma_wait3A_368 : memref<640xi32, #tpu.memory_space<hbm>>) dst(%arg19 : memref<640xi32, #tpu.memory_space<vmem>>)
      tpu.yield
    }) : () -> ()
    "tpu.region"() ({
      %run_scoped3A_364 = tpu.sem_alloc : memref<!tpu.dma_semaphore, #tpu.memory_space<semaphore_mem>>
      tpu.enqueue_dma source(%arg7 : memref<16xf32, #tpu.memory_space<hbm>>) target(%arg20 : memref<16xf32, #tpu.memory_space<vmem>>) target_semaphore(%run_scoped3A_364 : memref<!tpu.dma_semaphore, #tpu.memory_space<semaphore_mem>>)
      tpu.wait_dma2 semaphore(%run_scoped3A_364 : memref<!tpu.dma_semaphore, #tpu.memory_space<semaphore_mem>>) src(%arg7 : memref<16xf32, #tpu.memory_space<hbm>>) dst(%arg20 : memref<16xf32, #tpu.memory_space<vmem>>)
      tpu.yield
    }) : () -> ()
    "tpu.region"() ({
      %run_scoped3A_364 = tpu.sem_alloc : memref<!tpu.dma_semaphore, #tpu.memory_space<semaphore_mem>>
      tpu.enqueue_dma source(%arg8 : memref<2176xf32, #tpu.memory_space<hbm>>) target(%arg21 : memref<2176xf32, #tpu.memory_space<vmem>>) target_semaphore(%run_scoped3A_364 : memref<!tpu.dma_semaphore, #tpu.memory_space<semaphore_mem>>)
      tpu.wait_dma2 semaphore(%run_scoped3A_364 : memref<!tpu.dma_semaphore, #tpu.memory_space<semaphore_mem>>) src(%arg8 : memref<2176xf32, #tpu.memory_space<hbm>>) dst(%arg21 : memref<2176xf32, #tpu.memory_space<vmem>>)
      tpu.yield
    }) : () -> ()
    %eq3A = arith.constant 0 : i32
    %eq3A_352 = arith.cmpi eq, %arg0, %eq3A : i32
    %jit3A = arith.constant 1.000000e+00 : f32
    %jit3A_353 = arith.constant 0.000000e+00 : f32
    %select_n3A = arith.select %eq3A_352, %jit3A, %jit3A_353 : f32
    %get3A = arith.constant 0 : index
    %get3A_354 = tpu.vector_load %arg20[%get3A] {strides = array<i32>} : memref<16xf32, #tpu.memory_space<vmem>>, vector<16xf32>,
    %mul3A_355 = vector.broadcast %select_n3A : f32 to vector<16xf32>
    %mul3A_356 = arith.mulf %get3A_354, %mul3A_355 : vector<16xf32>
    %iota3A = tpu.iota {dimensions = array<i32: 0>} : vector<16xi32>
    %scan3A_357 = arith.constant 0 : i32
    %scan3A_358 = arith.constant 40 : i32
    %scan3A_359 = arith.addi %scan3A_357, %scan3A_358 : i32
    %scan3A_360 = arith.constant 1 : i32
    scf.for %scan3A_364 = %scan3A_357 to %scan3A_359 step %scan3A_360  : i32 {
      %mul3A_365 = arith.constant 1 : i32
      %mul3A_366 = arith.muli %scan3A_364, %mul3A_365 : i32
      %add3A_367 = arith.constant 0 : i32
      %add3A_368 = arith.addi %add3A_367, %mul3A_366 : i32
      %mul3A_369 = arith.constant 16 : i32
      %mul3A_370 = arith.muli %add3A_368, %mul3A_369 : i32
      %get3A_371 = arith.index_cast %mul3A_370 : i32 to index
      %get3A_372 = tpu.vector_load %arg18[%get3A_371] {strides = array<i32>} : memref<640xf32, #tpu.memory_space<vmem>>, vector<16xf32>,
      %mul3A_373 = arith.constant 16 : i32
      %mul3A_374 = arith.muli %add3A_368, %mul3A_373 : i32
      %get3A_375 = arith.index_cast %mul3A_374 : i32 to index
      %get3A_376 = tpu.vector_load %arg19[%get3A_375] {strides = array<i32>} : memref<640xi32, #tpu.memory_space<vmem>>, vector<16xi32>,
      %mul3A_377 = arith.constant 16 : i32
      %mul3A_378 = arith.muli %add3A_368, %mul3A_377 : i32
      %add3A_379 = arith.constant 0 : i32
      %add3A_380 = arith.addi %mul3A_378, %add3A_379 : i32
      %slice3A = vector.extract_strided_slice %get3A_372 {offsets = [0], sizes = [1], strides = [1]} : vector<16xf32> to vector<1xf32>
      %squeeze3A = vector.extract %slice3A[0] : f32 from vector<1xf32>
      %get3A_381 = arith.index_cast %add3A_380 : i32 to index
      %get3A_382 = arith.constant 0 : index
      %get3A_383 = tpu.vector_load %arg16[%get3A_381, %get3A_382] {strides = array<i32>} : memref<640x16xf32, #tpu.memory_space<vmem>>, vector<16xf32>,
      %get3A_384 = arith.index_cast %add3A_380 : i32 to index
      %get3A_385 = arith.constant 0 : index
      %get3A_386 = tpu.vector_load %arg17[%get3A_384, %get3A_385] {strides = array<i32>} : memref<640x16xf32, #tpu.memory_space<vmem>>, vector<16xf32>,
      %mul3A_387 = vector.broadcast %select_n3A : f32 to vector<16xf32>
      %mul3A_388 = arith.mulf %mul3A_387, %get3A_386 : vector<16xf32>
      %add3A_389 = arith.addf %get3A_383, %mul3A_388 : vector<16xf32>
      %mul3A_390 = vector.broadcast %squeeze3A : f32 to vector<16xf32>
      %mul3A_391 = arith.mulf %mul3A_390, %add3A_389 : vector<16xf32>
      %add3A_392 = arith.addf %mul3A_391, %mul3A_356 : vector<16xf32>
      %slice3A_393 = vector.extract_strided_slice %get3A_376 {offsets = [0], sizes = [1], strides = [1]} : vector<16xi32> to vector<1xi32>
      %squeeze3A_394 = vector.extract %slice3A_393[0] : i32 from vector<1xi32>
      %mul3A_395 = arith.constant 16 : i32
      %mul3A_396 = arith.muli %squeeze3A_394, %mul3A_395 : i32
      %add3A_397 = vector.broadcast %mul3A_396 : i32 to vector<16xi32>
      %add3A_398 = arith.addi %add3A_397, %iota3A : vector<16xi32>
      tpu.vector_store_idx %arg21[%add3A_398], %add3A_392 {add = true} : memref<2176xf32, #tpu.memory_space<vmem>>[vector<16xi32>], vector<16xf32>,
      %mul3A_399 = arith.constant 16 : i32
      %mul3A_400 = arith.muli %add3A_368, %mul3A_399 : i32
      %add3A_401 = arith.constant 1 : i32
      %add3A_402 = arith.addi %mul3A_400, %add3A_401 : i32
      %slice3A_403 = vector.extract_strided_slice %get3A_372 {offsets = [1], sizes = [1], strides = [1]} : vector<16xf32> to vector<1xf32>
      %squeeze3A_404 = vector.extract %slice3A_403[0] : f32 from vector<1xf32>
      %get3A_405 = arith.index_cast %add3A_402 : i32 to index
      %get3A_406 = arith.constant 0 : index
      %get3A_407 = tpu.vector_load %arg16[%get3A_405, %get3A_406] {strides = array<i32>} : memref<640x16xf32, #tpu.memory_space<vmem>>, vector<16xf32>,
      %get3A_408 = arith.index_cast %add3A_402 : i32 to index
      %get3A_409 = arith.constant 0 : index
      %get3A_410 = tpu.vector_load %arg17[%get3A_408, %get3A_409] {strides = array<i32>} : memref<640x16xf32, #tpu.memory_space<vmem>>, vector<16xf32>,
      %mul3A_411 = vector.broadcast %select_n3A : f32 to vector<16xf32>
      %mul3A_412 = arith.mulf %mul3A_411, %get3A_410 : vector<16xf32>
      %add3A_413 = arith.addf %get3A_407, %mul3A_412 : vector<16xf32>
      %mul3A_414 = vector.broadcast %squeeze3A_404 : f32 to vector<16xf32>
      %mul3A_415 = arith.mulf %mul3A_414, %add3A_413 : vector<16xf32>
      %add3A_416 = arith.addf %mul3A_415, %mul3A_356 : vector<16xf32>
      %slice3A_417 = vector.extract_strided_slice %get3A_376 {offsets = [1], sizes = [1], strides = [1]} : vector<16xi32> to vector<1xi32>
      %squeeze3A_418 = vector.extract %slice3A_417[0] : i32 from vector<1xi32>
      %mul3A_419 = arith.constant 16 : i32
      %mul3A_420 = arith.muli %squeeze3A_418, %mul3A_419 : i32
      %add3A_421 = vector.broadcast %mul3A_420 : i32 to vector<16xi32>
      %add3A_422 = arith.addi %add3A_421, %iota3A : vector<16xi32>
      tpu.vector_store_idx %arg21[%add3A_422], %add3A_416 {add = true} : memref<2176xf32, #tpu.memory_space<vmem>>[vector<16xi32>], vector<16xf32>,
      %mul3A_423 = arith.constant 16 : i32
      %mul3A_424 = arith.muli %add3A_368, %mul3A_423 : i32
      %add3A_425 = arith.constant 2 : i32
      %add3A_426 = arith.addi %mul3A_424, %add3A_425 : i32
      %slice3A_427 = vector.extract_strided_slice %get3A_372 {offsets = [2], sizes = [1], strides = [1]} : vector<16xf32> to vector<1xf32>
      %squeeze3A_428 = vector.extract %slice3A_427[0] : f32 from vector<1xf32>
      %get3A_429 = arith.index_cast %add3A_426 : i32 to index
      %get3A_430 = arith.constant 0 : index
      %get3A_431 = tpu.vector_load %arg16[%get3A_429, %get3A_430] {strides = array<i32>} : memref<640x16xf32, #tpu.memory_space<vmem>>, vector<16xf32>,
      %get3A_432 = arith.index_cast %add3A_426 : i32 to index
      %get3A_433 = arith.constant 0 : index
      %get3A_434 = tpu.vector_load %arg17[%get3A_432, %get3A_433] {strides = array<i32>} : memref<640x16xf32, #tpu.memory_space<vmem>>, vector<16xf32>,
      %mul3A_435 = vector.broadcast %select_n3A : f32 to vector<16xf32>
      %mul3A_436 = arith.mulf %mul3A_435, %get3A_434 : vector<16xf32>
      %add3A_437 = arith.addf %get3A_431, %mul3A_436 : vector<16xf32>
      %mul3A_438 = vector.broadcast %squeeze3A_428 : f32 to vector<16xf32>
      %mul3A_439 = arith.mulf %mul3A_438, %add3A_437 : vector<16xf32>
      %add3A_440 = arith.addf %mul3A_439, %mul3A_356 : vector<16xf32>
      %slice3A_441 = vector.extract_strided_slice %get3A_376 {offsets = [2], sizes = [1], strides = [1]} : vector<16xi32> to vector<1xi32>
      %squeeze3A_442 = vector.extract %slice3A_441[0] : i32 from vector<1xi32>
      %mul3A_443 = arith.constant 16 : i32
      %mul3A_444 = arith.muli %squeeze3A_442, %mul3A_443 : i32
      %add3A_445 = vector.broadcast %mul3A_444 : i32 to vector<16xi32>
      %add3A_446 = arith.addi %add3A_445, %iota3A : vector<16xi32>
      tpu.vector_store_idx %arg21[%add3A_446], %add3A_440 {add = true} : memref<2176xf32, #tpu.memory_space<vmem>>[vector<16xi32>], vector<16xf32>,
      %mul3A_447 = arith.constant 16 : i32
      %mul3A_448 = arith.muli %add3A_368, %mul3A_447 : i32
      %add3A_449 = arith.constant 3 : i32
      %add3A_450 = arith.addi %mul3A_448, %add3A_449 : i32
      %slice3A_451 = vector.extract_strided_slice %get3A_372 {offsets = [3], sizes = [1], strides = [1]} : vector<16xf32> to vector<1xf32>
      %squeeze3A_452 = vector.extract %slice3A_451[0] : f32 from vector<1xf32>
      %get3A_453 = arith.index_cast %add3A_450 : i32 to index
      %get3A_454 = arith.constant 0 : index
      %get3A_455 = tpu.vector_load %arg16[%get3A_453, %get3A_454] {strides = array<i32>} : memref<640x16xf32, #tpu.memory_space<vmem>>, vector<16xf32>,
      %get3A_456 = arith.index_cast %add3A_450 : i32 to index
      %get3A_457 = arith.constant 0 : index
      %get3A_458 = tpu.vector_load %arg17[%get3A_456, %get3A_457] {strides = array<i32>} : memref<640x16xf32, #tpu.memory_space<vmem>>, vector<16xf32>,
      %mul3A_459 = vector.broadcast %select_n3A : f32 to vector<16xf32>
      %mul3A_460 = arith.mulf %mul3A_459, %get3A_458 : vector<16xf32>
      %add3A_461 = arith.addf %get3A_455, %mul3A_460 : vector<16xf32>
      %mul3A_462 = vector.broadcast %squeeze3A_452 : f32 to vector<16xf32>
      %mul3A_463 = arith.mulf %mul3A_462, %add3A_461 : vector<16xf32>
      %add3A_464 = arith.addf %mul3A_463, %mul3A_356 : vector<16xf32>
      %slice3A_465 = vector.extract_strided_slice %get3A_376 {offsets = [3], sizes = [1], strides = [1]} : vector<16xi32> to vector<1xi32>
      %squeeze3A_466 = vector.extract %slice3A_465[0] : i32 from vector<1xi32>
      %mul3A_467 = arith.constant 16 : i32
      %mul3A_468 = arith.muli %squeeze3A_466, %mul3A_467 : i32
      %add3A_469 = vector.broadcast %mul3A_468 : i32 to vector<16xi32>
      %add3A_470 = arith.addi %add3A_469, %iota3A : vector<16xi32>
      tpu.vector_store_idx %arg21[%add3A_470], %add3A_464 {add = true} : memref<2176xf32, #tpu.memory_space<vmem>>[vector<16xi32>], vector<16xf32>,
      %mul3A_471 = arith.constant 16 : i32
      %mul3A_472 = arith.muli %add3A_368, %mul3A_471 : i32
      %add3A_473 = arith.constant 4 : i32
      %add3A_474 = arith.addi %mul3A_472, %add3A_473 : i32
      %slice3A_475 = vector.extract_strided_slice %get3A_372 {offsets = [4], sizes = [1], strides = [1]} : vector<16xf32> to vector<1xf32>
      %squeeze3A_476 = vector.extract %slice3A_475[0] : f32 from vector<1xf32>
      %get3A_477 = arith.index_cast %add3A_474 : i32 to index
      %get3A_478 = arith.constant 0 : index
      %get3A_479 = tpu.vector_load %arg16[%get3A_477, %get3A_478] {strides = array<i32>} : memref<640x16xf32, #tpu.memory_space<vmem>>, vector<16xf32>,
      %get3A_480 = arith.index_cast %add3A_474 : i32 to index
      %get3A_481 = arith.constant 0 : index
      %get3A_482 = tpu.vector_load %arg17[%get3A_480, %get3A_481] {strides = array<i32>} : memref<640x16xf32, #tpu.memory_space<vmem>>, vector<16xf32>,
      %mul3A_483 = vector.broadcast %select_n3A : f32 to vector<16xf32>
      %mul3A_484 = arith.mulf %mul3A_483, %get3A_482 : vector<16xf32>
      %add3A_485 = arith.addf %get3A_479, %mul3A_484 : vector<16xf32>
      %mul3A_486 = vector.broadcast %squeeze3A_476 : f32 to vector<16xf32>
      %mul3A_487 = arith.mulf %mul3A_486, %add3A_485 : vector<16xf32>
      %add3A_488 = arith.addf %mul3A_487, %mul3A_356 : vector<16xf32>
      %slice3A_489 = vector.extract_strided_slice %get3A_376 {offsets = [4], sizes = [1], strides = [1]} : vector<16xi32> to vector<1xi32>
      %squeeze3A_490 = vector.extract %slice3A_489[0] : i32 from vector<1xi32>
      %mul3A_491 = arith.constant 16 : i32
      %mul3A_492 = arith.muli %squeeze3A_490, %mul3A_491 : i32
      %add3A_493 = vector.broadcast %mul3A_492 : i32 to vector<16xi32>
      %add3A_494 = arith.addi %add3A_493, %iota3A : vector<16xi32>
      tpu.vector_store_idx %arg21[%add3A_494], %add3A_488 {add = true} : memref<2176xf32, #tpu.memory_space<vmem>>[vector<16xi32>], vector<16xf32>,
      %mul3A_495 = arith.constant 16 : i32
      %mul3A_496 = arith.muli %add3A_368, %mul3A_495 : i32
      %add3A_497 = arith.constant 5 : i32
      %add3A_498 = arith.addi %mul3A_496, %add3A_497 : i32
      %slice3A_499 = vector.extract_strided_slice %get3A_372 {offsets = [5], sizes = [1], strides = [1]} : vector<16xf32> to vector<1xf32>
      %squeeze3A_500 = vector.extract %slice3A_499[0] : f32 from vector<1xf32>
      %get3A_501 = arith.index_cast %add3A_498 : i32 to index
      %get3A_502 = arith.constant 0 : index
      %get3A_503 = tpu.vector_load %arg16[%get3A_501, %get3A_502] {strides = array<i32>} : memref<640x16xf32, #tpu.memory_space<vmem>>, vector<16xf32>,
      %get3A_504 = arith.index_cast %add3A_498 : i32 to index
      %get3A_505 = arith.constant 0 : index
      %get3A_506 = tpu.vector_load %arg17[%get3A_504, %get3A_505] {strides = array<i32>} : memref<640x16xf32, #tpu.memory_space<vmem>>, vector<16xf32>,
      %mul3A_507 = vector.broadcast %select_n3A : f32 to vector<16xf32>
      %mul3A_508 = arith.mulf %mul3A_507, %get3A_506 : vector<16xf32>
      %add3A_509 = arith.addf %get3A_503, %mul3A_508 : vector<16xf32>
      %mul3A_510 = vector.broadcast %squeeze3A_500 : f32 to vector<16xf32>
      %mul3A_511 = arith.mulf %mul3A_510, %add3A_509 : vector<16xf32>
      %add3A_512 = arith.addf %mul3A_511, %mul3A_356 : vector<16xf32>
      %slice3A_513 = vector.extract_strided_slice %get3A_376 {offsets = [5], sizes = [1], strides = [1]} : vector<16xi32> to vector<1xi32>
      %squeeze3A_514 = vector.extract %slice3A_513[0] : i32 from vector<1xi32>
      %mul3A_515 = arith.constant 16 : i32
      %mul3A_516 = arith.muli %squeeze3A_514, %mul3A_515 : i32
      %add3A_517 = vector.broadcast %mul3A_516 : i32 to vector<16xi32>
      %add3A_518 = arith.addi %add3A_517, %iota3A : vector<16xi32>
      tpu.vector_store_idx %arg21[%add3A_518], %add3A_512 {add = true} : memref<2176xf32, #tpu.memory_space<vmem>>[vector<16xi32>], vector<16xf32>,
      %mul3A_519 = arith.constant 16 : i32
      %mul3A_520 = arith.muli %add3A_368, %mul3A_519 : i32
      %add3A_521 = arith.constant 6 : i32
      %add3A_522 = arith.addi %mul3A_520, %add3A_521 : i32
      %slice3A_523 = vector.extract_strided_slice %get3A_372 {offsets = [6], sizes = [1], strides = [1]} : vector<16xf32> to vector<1xf32>
      %squeeze3A_524 = vector.extract %slice3A_523[0] : f32 from vector<1xf32>
      %get3A_525 = arith.index_cast %add3A_522 : i32 to index
      %get3A_526 = arith.constant 0 : index
      %get3A_527 = tpu.vector_load %arg16[%get3A_525, %get3A_526] {strides = array<i32>} : memref<640x16xf32, #tpu.memory_space<vmem>>, vector<16xf32>,
      %get3A_528 = arith.index_cast %add3A_522 : i32 to index
      %get3A_529 = arith.constant 0 : index
      %get3A_530 = tpu.vector_load %arg17[%get3A_528, %get3A_529] {strides = array<i32>} : memref<640x16xf32, #tpu.memory_space<vmem>>, vector<16xf32>,
      %mul3A_531 = vector.broadcast %select_n3A : f32 to vector<16xf32>
      %mul3A_532 = arith.mulf %mul3A_531, %get3A_530 : vector<16xf32>
      %add3A_533 = arith.addf %get3A_527, %mul3A_532 : vector<16xf32>
      %mul3A_534 = vector.broadcast %squeeze3A_524 : f32 to vector<16xf32>
      %mul3A_535 = arith.mulf %mul3A_534, %add3A_533 : vector<16xf32>
      %add3A_536 = arith.addf %mul3A_535, %mul3A_356 : vector<16xf32>
      %slice3A_537 = vector.extract_strided_slice %get3A_376 {offsets = [6], sizes = [1], strides = [1]} : vector<16xi32> to vector<1xi32>
      %squeeze3A_538 = vector.extract %slice3A_537[0] : i32 from vector<1xi32>
      %mul3A_539 = arith.constant 16 : i32
      %mul3A_540 = arith.muli %squeeze3A_538, %mul3A_539 : i32
      %add3A_541 = vector.broadcast %mul3A_540 : i32 to vector<16xi32>
      %add3A_542 = arith.addi %add3A_541, %iota3A : vector<16xi32>
      tpu.vector_store_idx %arg21[%add3A_542], %add3A_536 {add = true} : memref<2176xf32, #tpu.memory_space<vmem>>[vector<16xi32>], vector<16xf32>,
      %mul3A_543 = arith.constant 16 : i32
      %mul3A_544 = arith.muli %add3A_368, %mul3A_543 : i32
      %add3A_545 = arith.constant 7 : i32
      %add3A_546 = arith.addi %mul3A_544, %add3A_545 : i32
      %slice3A_547 = vector.extract_strided_slice %get3A_372 {offsets = [7], sizes = [1], strides = [1]} : vector<16xf32> to vector<1xf32>
      %squeeze3A_548 = vector.extract %slice3A_547[0] : f32 from vector<1xf32>
      %get3A_549 = arith.index_cast %add3A_546 : i32 to index
      %get3A_550 = arith.constant 0 : index
      %get3A_551 = tpu.vector_load %arg16[%get3A_549, %get3A_550] {strides = array<i32>} : memref<640x16xf32, #tpu.memory_space<vmem>>, vector<16xf32>,
      %get3A_552 = arith.index_cast %add3A_546 : i32 to index
      %get3A_553 = arith.constant 0 : index
      %get3A_554 = tpu.vector_load %arg17[%get3A_552, %get3A_553] {strides = array<i32>} : memref<640x16xf32, #tpu.memory_space<vmem>>, vector<16xf32>,
      %mul3A_555 = vector.broadcast %select_n3A : f32 to vector<16xf32>
      %mul3A_556 = arith.mulf %mul3A_555, %get3A_554 : vector<16xf32>
      %add3A_557 = arith.addf %get3A_551, %mul3A_556 : vector<16xf32>
      %mul3A_558 = vector.broadcast %squeeze3A_548 : f32 to vector<16xf32>
      %mul3A_559 = arith.mulf %mul3A_558, %add3A_557 : vector<16xf32>
      %add3A_560 = arith.addf %mul3A_559, %mul3A_356 : vector<16xf32>
      %slice3A_561 = vector.extract_strided_slice %get3A_376 {offsets = [7], sizes = [1], strides = [1]} : vector<16xi32> to vector<1xi32>
      %squeeze3A_562 = vector.extract %slice3A_561[0] : i32 from vector<1xi32>
      %mul3A_563 = arith.constant 16 : i32
      %mul3A_564 = arith.muli %squeeze3A_562, %mul3A_563 : i32
      %add3A_565 = vector.broadcast %mul3A_564 : i32 to vector<16xi32>
      %add3A_566 = arith.addi %add3A_565, %iota3A : vector<16xi32>
      tpu.vector_store_idx %arg21[%add3A_566], %add3A_560 {add = true} : memref<2176xf32, #tpu.memory_space<vmem>>[vector<16xi32>], vector<16xf32>,
      %mul3A_567 = arith.constant 16 : i32
      %mul3A_568 = arith.muli %add3A_368, %mul3A_567 : i32
      %add3A_569 = arith.constant 8 : i32
      %add3A_570 = arith.addi %mul3A_568, %add3A_569 : i32
      %slice3A_571 = vector.extract_strided_slice %get3A_372 {offsets = [8], sizes = [1], strides = [1]} : vector<16xf32> to vector<1xf32>
      %squeeze3A_572 = vector.extract %slice3A_571[0] : f32 from vector<1xf32>
      %get3A_573 = arith.index_cast %add3A_570 : i32 to index
      %get3A_574 = arith.constant 0 : index
      %get3A_575 = tpu.vector_load %arg16[%get3A_573, %get3A_574] {strides = array<i32>} : memref<640x16xf32, #tpu.memory_space<vmem>>, vector<16xf32>,
      %get3A_576 = arith.index_cast %add3A_570 : i32 to index
      %get3A_577 = arith.constant 0 : index
      %get3A_578 = tpu.vector_load %arg17[%get3A_576, %get3A_577] {strides = array<i32>} : memref<640x16xf32, #tpu.memory_space<vmem>>, vector<16xf32>,
      %mul3A_579 = vector.broadcast %select_n3A : f32 to vector<16xf32>
      %mul3A_580 = arith.mulf %mul3A_579, %get3A_578 : vector<16xf32>
      %add3A_581 = arith.addf %get3A_575, %mul3A_580 : vector<16xf32>
      %mul3A_582 = vector.broadcast %squeeze3A_572 : f32 to vector<16xf32>
      %mul3A_583 = arith.mulf %mul3A_582, %add3A_581 : vector<16xf32>
      %add3A_584 = arith.addf %mul3A_583, %mul3A_356 : vector<16xf32>
      %slice3A_585 = vector.extract_strided_slice %get3A_376 {offsets = [8], sizes = [1], strides = [1]} : vector<16xi32> to vector<1xi32>
      %squeeze3A_586 = vector.extract %slice3A_585[0] : i32 from vector<1xi32>
      %mul3A_587 = arith.constant 16 : i32
      %mul3A_588 = arith.muli %squeeze3A_586, %mul3A_587 : i32
      %add3A_589 = vector.broadcast %mul3A_588 : i32 to vector<16xi32>
      %add3A_590 = arith.addi %add3A_589, %iota3A : vector<16xi32>
      tpu.vector_store_idx %arg21[%add3A_590], %add3A_584 {add = true} : memref<2176xf32, #tpu.memory_space<vmem>>[vector<16xi32>], vector<16xf32>,
      %mul3A_591 = arith.constant 16 : i32
      %mul3A_592 = arith.muli %add3A_368, %mul3A_591 : i32
      %add3A_593 = arith.constant 9 : i32
      %add3A_594 = arith.addi %mul3A_592, %add3A_593 : i32
      %slice3A_595 = vector.extract_strided_slice %get3A_372 {offsets = [9], sizes = [1], strides = [1]} : vector<16xf32> to vector<1xf32>
      %squeeze3A_596 = vector.extract %slice3A_595[0] : f32 from vector<1xf32>
      %get3A_597 = arith.index_cast %add3A_594 : i32 to index
      %get3A_598 = arith.constant 0 : index
      %get3A_599 = tpu.vector_load %arg16[%get3A_597, %get3A_598] {strides = array<i32>} : memref<640x16xf32, #tpu.memory_space<vmem>>, vector<16xf32>,
      %get3A_600 = arith.index_cast %add3A_594 : i32 to index
      %get3A_601 = arith.constant 0 : index
      %get3A_602 = tpu.vector_load %arg17[%get3A_600, %get3A_601] {strides = array<i32>} : memref<640x16xf32, #tpu.memory_space<vmem>>, vector<16xf32>,
      %mul3A_603 = vector.broadcast %select_n3A : f32 to vector<16xf32>
      %mul3A_604 = arith.mulf %mul3A_603, %get3A_602 : vector<16xf32>
      %add3A_605 = arith.addf %get3A_599, %mul3A_604 : vector<16xf32>
      %mul3A_606 = vector.broadcast %squeeze3A_596 : f32 to vector<16xf32>
      %mul3A_607 = arith.mulf %mul3A_606, %add3A_605 : vector<16xf32>
      %add3A_608 = arith.addf %mul3A_607, %mul3A_356 : vector<16xf32>
      %slice3A_609 = vector.extract_strided_slice %get3A_376 {offsets = [9], sizes = [1], strides = [1]} : vector<16xi32> to vector<1xi32>
      %squeeze3A_610 = vector.extract %slice3A_609[0] : i32 from vector<1xi32>
      %mul3A_611 = arith.constant 16 : i32
      %mul3A_612 = arith.muli %squeeze3A_610, %mul3A_611 : i32
      %add3A_613 = vector.broadcast %mul3A_612 : i32 to vector<16xi32>
      %add3A_614 = arith.addi %add3A_613, %iota3A : vector<16xi32>
      tpu.vector_store_idx %arg21[%add3A_614], %add3A_608 {add = true} : memref<2176xf32, #tpu.memory_space<vmem>>[vector<16xi32>], vector<16xf32>,
      %mul3A_615 = arith.constant 16 : i32
      %mul3A_616 = arith.muli %add3A_368, %mul3A_615 : i32
      %add3A_617 = arith.constant 10 : i32
      %add3A_618 = arith.addi %mul3A_616, %add3A_617 : i32
      %slice3A_619 = vector.extract_strided_slice %get3A_372 {offsets = [10], sizes = [1], strides = [1]} : vector<16xf32> to vector<1xf32>
      %squeeze3A_620 = vector.extract %slice3A_619[0] : f32 from vector<1xf32>
      %get3A_621 = arith.index_cast %add3A_618 : i32 to index
      %get3A_622 = arith.constant 0 : index
      %get3A_623 = tpu.vector_load %arg16[%get3A_621, %get3A_622] {strides = array<i32>} : memref<640x16xf32, #tpu.memory_space<vmem>>, vector<16xf32>,
      %get3A_624 = arith.index_cast %add3A_618 : i32 to index
      %get3A_625 = arith.constant 0 : index
      %get3A_626 = tpu.vector_load %arg17[%get3A_624, %get3A_625] {strides = array<i32>} : memref<640x16xf32, #tpu.memory_space<vmem>>, vector<16xf32>,
      %mul3A_627 = vector.broadcast %select_n3A : f32 to vector<16xf32>
      %mul3A_628 = arith.mulf %mul3A_627, %get3A_626 : vector<16xf32>
      %add3A_629 = arith.addf %get3A_623, %mul3A_628 : vector<16xf32>
      %mul3A_630 = vector.broadcast %squeeze3A_620 : f32 to vector<16xf32>
      %mul3A_631 = arith.mulf %mul3A_630, %add3A_629 : vector<16xf32>
      %add3A_632 = arith.addf %mul3A_631, %mul3A_356 : vector<16xf32>
      %slice3A_633 = vector.extract_strided_slice %get3A_376 {offsets = [10], sizes = [1], strides = [1]} : vector<16xi32> to vector<1xi32>
      %squeeze3A_634 = vector.extract %slice3A_633[0] : i32 from vector<1xi32>
      %mul3A_635 = arith.constant 16 : i32
      %mul3A_636 = arith.muli %squeeze3A_634, %mul3A_635 : i32
      %add3A_637 = vector.broadcast %mul3A_636 : i32 to vector<16xi32>
      %add3A_638 = arith.addi %add3A_637, %iota3A : vector<16xi32>
      tpu.vector_store_idx %arg21[%add3A_638], %add3A_632 {add = true} : memref<2176xf32, #tpu.memory_space<vmem>>[vector<16xi32>], vector<16xf32>,
      %mul3A_639 = arith.constant 16 : i32
      %mul3A_640 = arith.muli %add3A_368, %mul3A_639 : i32
      %add3A_641 = arith.constant 11 : i32
      %add3A_642 = arith.addi %mul3A_640, %add3A_641 : i32
      %slice3A_643 = vector.extract_strided_slice %get3A_372 {offsets = [11], sizes = [1], strides = [1]} : vector<16xf32> to vector<1xf32>
      %squeeze3A_644 = vector.extract %slice3A_643[0] : f32 from vector<1xf32>
      %get3A_645 = arith.index_cast %add3A_642 : i32 to index
      %get3A_646 = arith.constant 0 : index
      %get3A_647 = tpu.vector_load %arg16[%get3A_645, %get3A_646] {strides = array<i32>} : memref<640x16xf32, #tpu.memory_space<vmem>>, vector<16xf32>,
      %get3A_648 = arith.index_cast %add3A_642 : i32 to index
      %get3A_649 = arith.constant 0 : index
      %get3A_650 = tpu.vector_load %arg17[%get3A_648, %get3A_649] {strides = array<i32>} : memref<640x16xf32, #tpu.memory_space<vmem>>, vector<16xf32>,
      %mul3A_651 = vector.broadcast %select_n3A : f32 to vector<16xf32>
      %mul3A_652 = arith.mulf %mul3A_651, %get3A_650 : vector<16xf32>
      %add3A_653 = arith.addf %get3A_647, %mul3A_652 : vector<16xf32>
      %mul3A_654 = vector.broadcast %squeeze3A_644 : f32 to vector<16xf32>
      %mul3A_655 = arith.mulf %mul3A_654, %add3A_653 : vector<16xf32>
      %add3A_656 = arith.addf %mul3A_655, %mul3A_356 : vector<16xf32>
      %slice3A_657 = vector.extract_strided_slice %get3A_376 {offsets = [11], sizes = [1], strides = [1]} : vector<16xi32> to vector<1xi32>
      %squeeze3A_658 = vector.extract %slice3A_657[0] : i32 from vector<1xi32>
      %mul3A_659 = arith.constant 16 : i32
      %mul3A_660 = arith.muli %squeeze3A_658, %mul3A_659 : i32
      %add3A_661 = vector.broadcast %mul3A_660 : i32 to vector<16xi32>
      %add3A_662 = arith.addi %add3A_661, %iota3A : vector<16xi32>
      tpu.vector_store_idx %arg21[%add3A_662], %add3A_656 {add = true} : memref<2176xf32, #tpu.memory_space<vmem>>[vector<16xi32>], vector<16xf32>,
      %mul3A_663 = arith.constant 16 : i32
      %mul3A_664 = arith.muli %add3A_368, %mul3A_663 : i32
      %add3A_665 = arith.constant 12 : i32
      %add3A_666 = arith.addi %mul3A_664, %add3A_665 : i32
      %slice3A_667 = vector.extract_strided_slice %get3A_372 {offsets = [12], sizes = [1], strides = [1]} : vector<16xf32> to vector<1xf32>
      %squeeze3A_668 = vector.extract %slice3A_667[0] : f32 from vector<1xf32>
      %get3A_669 = arith.index_cast %add3A_666 : i32 to index
      %get3A_670 = arith.constant 0 : index
      %get3A_671 = tpu.vector_load %arg16[%get3A_669, %get3A_670] {strides = array<i32>} : memref<640x16xf32, #tpu.memory_space<vmem>>, vector<16xf32>,
      %get3A_672 = arith.index_cast %add3A_666 : i32 to index
      %get3A_673 = arith.constant 0 : index
      %get3A_674 = tpu.vector_load %arg17[%get3A_672, %get3A_673] {strides = array<i32>} : memref<640x16xf32, #tpu.memory_space<vmem>>, vector<16xf32>,
      %mul3A_675 = vector.broadcast %select_n3A : f32 to vector<16xf32>
      %mul3A_676 = arith.mulf %mul3A_675, %get3A_674 : vector<16xf32>
      %add3A_677 = arith.addf %get3A_671, %mul3A_676 : vector<16xf32>
      %mul3A_678 = vector.broadcast %squeeze3A_668 : f32 to vector<16xf32>
      %mul3A_679 = arith.mulf %mul3A_678, %add3A_677 : vector<16xf32>
      %add3A_680 = arith.addf %mul3A_679, %mul3A_356 : vector<16xf32>
      %slice3A_681 = vector.extract_strided_slice %get3A_376 {offsets = [12], sizes = [1], strides = [1]} : vector<16xi32> to vector<1xi32>
      %squeeze3A_682 = vector.extract %slice3A_681[0] : i32 from vector<1xi32>
      %mul3A_683 = arith.constant 16 : i32
      %mul3A_684 = arith.muli %squeeze3A_682, %mul3A_683 : i32
      %add3A_685 = vector.broadcast %mul3A_684 : i32 to vector<16xi32>
      %add3A_686 = arith.addi %add3A_685, %iota3A : vector<16xi32>
      tpu.vector_store_idx %arg21[%add3A_686], %add3A_680 {add = true} : memref<2176xf32, #tpu.memory_space<vmem>>[vector<16xi32>], vector<16xf32>,
      %mul3A_687 = arith.constant 16 : i32
      %mul3A_688 = arith.muli %add3A_368, %mul3A_687 : i32
      %add3A_689 = arith.constant 13 : i32
      %add3A_690 = arith.addi %mul3A_688, %add3A_689 : i32
      %slice3A_691 = vector.extract_strided_slice %get3A_372 {offsets = [13], sizes = [1], strides = [1]} : vector<16xf32> to vector<1xf32>
      %squeeze3A_692 = vector.extract %slice3A_691[0] : f32 from vector<1xf32>
      %get3A_693 = arith.index_cast %add3A_690 : i32 to index
      %get3A_694 = arith.constant 0 : index
      %get3A_695 = tpu.vector_load %arg16[%get3A_693, %get3A_694] {strides = array<i32>} : memref<640x16xf32, #tpu.memory_space<vmem>>, vector<16xf32>,
      %get3A_696 = arith.index_cast %add3A_690 : i32 to index
      %get3A_697 = arith.constant 0 : index
      %get3A_698 = tpu.vector_load %arg17[%get3A_696, %get3A_697] {strides = array<i32>} : memref<640x16xf32, #tpu.memory_space<vmem>>, vector<16xf32>,
      %mul3A_699 = vector.broadcast %select_n3A : f32 to vector<16xf32>
      %mul3A_700 = arith.mulf %mul3A_699, %get3A_698 : vector<16xf32>
      %add3A_701 = arith.addf %get3A_695, %mul3A_700 : vector<16xf32>
      %mul3A_702 = vector.broadcast %squeeze3A_692 : f32 to vector<16xf32>
      %mul3A_703 = arith.mulf %mul3A_702, %add3A_701 : vector<16xf32>
      %add3A_704 = arith.addf %mul3A_703, %mul3A_356 : vector<16xf32>
      %slice3A_705 = vector.extract_strided_slice %get3A_376 {offsets = [13], sizes = [1], strides = [1]} : vector<16xi32> to vector<1xi32>
      %squeeze3A_706 = vector.extract %slice3A_705[0] : i32 from vector<1xi32>
      %mul3A_707 = arith.constant 16 : i32
      %mul3A_708 = arith.muli %squeeze3A_706, %mul3A_707 : i32
      %add3A_709 = vector.broadcast %mul3A_708 : i32 to vector<16xi32>
      %add3A_710 = arith.addi %add3A_709, %iota3A : vector<16xi32>
      tpu.vector_store_idx %arg21[%add3A_710], %add3A_704 {add = true} : memref<2176xf32, #tpu.memory_space<vmem>>[vector<16xi32>], vector<16xf32>,
      %mul3A_711 = arith.constant 16 : i32
      %mul3A_712 = arith.muli %add3A_368, %mul3A_711 : i32
      %add3A_713 = arith.constant 14 : i32
      %add3A_714 = arith.addi %mul3A_712, %add3A_713 : i32
      %slice3A_715 = vector.extract_strided_slice %get3A_372 {offsets = [14], sizes = [1], strides = [1]} : vector<16xf32> to vector<1xf32>
      %squeeze3A_716 = vector.extract %slice3A_715[0] : f32 from vector<1xf32>
      %get3A_717 = arith.index_cast %add3A_714 : i32 to index
      %get3A_718 = arith.constant 0 : index
      %get3A_719 = tpu.vector_load %arg16[%get3A_717, %get3A_718] {strides = array<i32>} : memref<640x16xf32, #tpu.memory_space<vmem>>, vector<16xf32>,
      %get3A_720 = arith.index_cast %add3A_714 : i32 to index
      %get3A_721 = arith.constant 0 : index
      %get3A_722 = tpu.vector_load %arg17[%get3A_720, %get3A_721] {strides = array<i32>} : memref<640x16xf32, #tpu.memory_space<vmem>>, vector<16xf32>,
      %mul3A_723 = vector.broadcast %select_n3A : f32 to vector<16xf32>
      %mul3A_724 = arith.mulf %mul3A_723, %get3A_722 : vector<16xf32>
      %add3A_725 = arith.addf %get3A_719, %mul3A_724 : vector<16xf32>
      %mul3A_726 = vector.broadcast %squeeze3A_716 : f32 to vector<16xf32>
      %mul3A_727 = arith.mulf %mul3A_726, %add3A_725 : vector<16xf32>
      %add3A_728 = arith.addf %mul3A_727, %mul3A_356 : vector<16xf32>
      %slice3A_729 = vector.extract_strided_slice %get3A_376 {offsets = [14], sizes = [1], strides = [1]} : vector<16xi32> to vector<1xi32>
      %squeeze3A_730 = vector.extract %slice3A_729[0] : i32 from vector<1xi32>
      %mul3A_731 = arith.constant 16 : i32
      %mul3A_732 = arith.muli %squeeze3A_730, %mul3A_731 : i32
      %add3A_733 = vector.broadcast %mul3A_732 : i32 to vector<16xi32>
      %add3A_734 = arith.addi %add3A_733, %iota3A : vector<16xi32>
      tpu.vector_store_idx %arg21[%add3A_734], %add3A_728 {add = true} : memref<2176xf32, #tpu.memory_space<vmem>>[vector<16xi32>], vector<16xf32>,
      %mul3A_735 = arith.constant 16 : i32
      %mul3A_736 = arith.muli %add3A_368, %mul3A_735 : i32
      %add3A_737 = arith.constant 15 : i32
      %add3A_738 = arith.addi %mul3A_736, %add3A_737 : i32
      %slice3A_739 = vector.extract_strided_slice %get3A_372 {offsets = [15], sizes = [1], strides = [1]} : vector<16xf32> to vector<1xf32>
      %squeeze3A_740 = vector.extract %slice3A_739[0] : f32 from vector<1xf32>
      %get3A_741 = arith.index_cast %add3A_738 : i32 to index
      %get3A_742 = arith.constant 0 : index
      %get3A_743 = tpu.vector_load %arg16[%get3A_741, %get3A_742] {strides = array<i32>} : memref<640x16xf32, #tpu.memory_space<vmem>>, vector<16xf32>,
      %get3A_744 = arith.index_cast %add3A_738 : i32 to index
      %get3A_745 = arith.constant 0 : index
      %get3A_746 = tpu.vector_load %arg17[%get3A_744, %get3A_745] {strides = array<i32>} : memref<640x16xf32, #tpu.memory_space<vmem>>, vector<16xf32>,
      %mul3A_747 = vector.broadcast %select_n3A : f32 to vector<16xf32>
      %mul3A_748 = arith.mulf %mul3A_747, %get3A_746 : vector<16xf32>
      %add3A_749 = arith.addf %get3A_743, %mul3A_748 : vector<16xf32>
      %mul3A_750 = vector.broadcast %squeeze3A_740 : f32 to vector<16xf32>
      %mul3A_751 = arith.mulf %mul3A_750, %add3A_749 : vector<16xf32>
      %add3A_752 = arith.addf %mul3A_751, %mul3A_356 : vector<16xf32>
      %slice3A_753 = vector.extract_strided_slice %get3A_376 {offsets = [15], sizes = [1], strides = [1]} : vector<16xi32> to vector<1xi32>
      %squeeze3A_754 = vector.extract %slice3A_753[0] : i32 from vector<1xi32>
      %mul3A_755 = arith.constant 16 : i32
      %mul3A_756 = arith.muli %squeeze3A_754, %mul3A_755 : i32
      %add3A_757 = vector.broadcast %mul3A_756 : i32 to vector<16xi32>
      %add3A_758 = arith.addi %add3A_757, %iota3A : vector<16xi32>
      tpu.vector_store_idx %arg21[%add3A_758], %add3A_752 {add = true} : memref<2176xf32, #tpu.memory_space<vmem>>[vector<16xi32>], vector<16xf32>,
    }
    %scan3A_361 = arith.constant 40 : i32
    %mul3A_362 = arith.constant 2176 : i32
    %mul3A_363 = arith.muli %add3A, %mul3A_362 : i32
    "tpu.region"() ({
      %run_scoped3A_364 = tpu.sem_alloc : memref<!tpu.dma_semaphore, #tpu.memory_space<semaphore_mem>>
      %dma_start3A_365 = tpu.memref_slice %arg9[%mul3A_363] : memref<69632xf32, #tpu.memory_space<hbm>> -> memref<2176xf32, #tpu.memory_space<hbm>>
      %dma_start3A_366 = tpu.memref_slice %arg9[%mul3A_363] : memref<69632xf32, #tpu.memory_space<hbm>> -> memref<2176xf32, #tpu.memory_space<hbm>>
      tpu.enqueue_dma source(%arg21 : memref<2176xf32, #tpu.memory_space<vmem>>) target(%dma_start3A_366 : memref<2176xf32, #tpu.memory_space<hbm>>) target_semaphore(%run_scoped3A_364 : memref<!tpu.dma_semaphore, #tpu.memory_space<semaphore_mem>>)
      %dma_wait3A_367 = tpu.memref_slice %arg9[%mul3A_363] : memref<69632xf32, #tpu.memory_space<hbm>> -> memref<2176xf32, #tpu.memory_space<hbm>>
      %dma_wait3A_368 = tpu.memref_slice %arg9[%mul3A_363] : memref<69632xf32, #tpu.memory_space<hbm>> -> memref<2176xf32, #tpu.memory_space<hbm>>
      tpu.wait_dma2 semaphore(%run_scoped3A_364 : memref<!tpu.dma_semaphore, #tpu.memory_space<semaphore_mem>>) src(%arg21 : memref<2176xf32, #tpu.memory_space<vmem>>) dst(%dma_wait3A_368 : memref<2176xf32, #tpu.memory_space<hbm>>)
      tpu.yield
    }) : () -> ()
    return
  }
}

#map = affine_map<(d0, d1) -> (0, 0)>
#map1 = affine_map<(d0, d1) -> (0)>
module attributes {stable_mosaic.version = 14 : i64} {
  func.func @_sc_degree(%arg0: i32, %arg1: i32, %arg2: memref<2x320000xi32, #tpu.memory_space<hbm>>, %arg3: memref<10240xf32, #tpu.memory_space<hbm>>, %arg4: memref<20480xf32, #tpu.memory_space<hbm>>, %arg5: memref<10000xi32, #tpu.memory_space<vmem>>, %arg6: memref<128xf32, #tpu.memory_space<vmem>>, %arg7: memref<10240xf32, #tpu.memory_space<vmem_shared>>, %arg8: memref<!tpu.dma_semaphore, #tpu.memory_space<semaphore_mem>>) attributes {dimension_semantics = [#tpu.dimension_semantics<core_parallel>, #tpu.dimension_semantics<subcore_parallel>], iteration_bounds = array<i64: 2, 16>, scalar_prefetch = 0 : i64, scratch_operands = 4 : i64, tpu.core_type = #tpu.core_type<sc_vector_subcore>, window_params = [{transform_indices = #map}, {transform_indices = #map1}, {transform_indices = #map1}]} {
    %mul3A = arith.constant 16 : i32
    %mul3A_0 = arith.muli %arg0, %mul3A : i32
    %add3A = arith.addi %mul3A_0, %arg1 : i32
    %mul3A_1 = arith.constant 640 : i32
    %mul3A_2 = arith.muli %arg1, %mul3A_1 : i32
    "tpu.region"() ({
      %run_scoped3A_49 = tpu.sem_alloc : memref<!tpu.dma_semaphore, #tpu.memory_space<semaphore_mem>>
      %dma_start3A = tpu.memref_slice %arg7[%mul3A_2] : memref<10240xf32, #tpu.memory_space<vmem_shared>> -> memref<640xf32, #tpu.memory_space<vmem_shared>>
      %dma_start3A_50 = arith.constant 0 : i32
      %dma_start3A_51 = tpu.memref_slice %arg3[%dma_start3A_50] : memref<10240xf32, #tpu.memory_space<hbm>> -> memref<640xf32, #tpu.memory_space<hbm>>
      tpu.enqueue_dma source(%dma_start3A_51 : memref<640xf32, #tpu.memory_space<hbm>>) target(%dma_start3A : memref<640xf32, #tpu.memory_space<vmem_shared>>) target_semaphore(%run_scoped3A_49 : memref<!tpu.dma_semaphore, #tpu.memory_space<semaphore_mem>>)
      %dma_wait3A = tpu.memref_slice %arg7[%mul3A_2] : memref<10240xf32, #tpu.memory_space<vmem_shared>> -> memref<640xf32, #tpu.memory_space<vmem_shared>>
      %dma_wait3A_52 = arith.constant 0 : i32
      %dma_wait3A_53 = tpu.memref_slice %arg3[%dma_wait3A_52] : memref<10240xf32, #tpu.memory_space<hbm>> -> memref<640xf32, #tpu.memory_space<hbm>>
      tpu.wait_dma2 semaphore(%run_scoped3A_49 : memref<!tpu.dma_semaphore, #tpu.memory_space<semaphore_mem>>) src(%dma_wait3A_53 : memref<640xf32, #tpu.memory_space<hbm>>) dst(%dma_wait3A : memref<640xf32, #tpu.memory_space<vmem_shared>>)
      tpu.yield
    }) : () -> ()
    %broadcast_in_dim3A = arith.constant 1.000000e+00 : f32
    %broadcast_in_dim3A_3 = vector.broadcast %broadcast_in_dim3A : f32 to vector<16xf32>
    %swap3A = arith.constant 0 : index
    %swap3A_4 = tpu.vector_load %arg6[%swap3A] {strides = array<i32>} : memref<128xf32, #tpu.memory_space<vmem>>, vector<16xf32>,
    %swap3A_5 = vector.shape_cast %swap3A_4 : vector<16xf32> to vector<16xf32>
    %swap3A_6 = vector.shape_cast %broadcast_in_dim3A_3 : vector<16xf32> to vector<16xf32>
    tpu.vector_store %arg6[%swap3A], %swap3A_6 {strides = array<i32>} : memref<128xf32, #tpu.memory_space<vmem>>, vector<16xf32>,
    %swap3A_7 = arith.constant 16 : index
    %swap3A_8 = tpu.vector_load %arg6[%swap3A_7] {strides = array<i32>} : memref<128xf32, #tpu.memory_space<vmem>>, vector<16xf32>,
    %swap3A_9 = vector.shape_cast %swap3A_8 : vector<16xf32> to vector<16xf32>
    %swap3A_10 = vector.shape_cast %broadcast_in_dim3A_3 : vector<16xf32> to vector<16xf32>
    tpu.vector_store %arg6[%swap3A_7], %swap3A_10 {strides = array<i32>} : memref<128xf32, #tpu.memory_space<vmem>>, vector<16xf32>,
    %swap3A_11 = arith.constant 32 : index
    %swap3A_12 = tpu.vector_load %arg6[%swap3A_11] {strides = array<i32>} : memref<128xf32, #tpu.memory_space<vmem>>, vector<16xf32>,
    %swap3A_13 = vector.shape_cast %swap3A_12 : vector<16xf32> to vector<16xf32>
    %swap3A_14 = vector.shape_cast %broadcast_in_dim3A_3 : vector<16xf32> to vector<16xf32>
    tpu.vector_store %arg6[%swap3A_11], %swap3A_14 {strides = array<i32>} : memref<128xf32, #tpu.memory_space<vmem>>, vector<16xf32>,
    %swap3A_15 = arith.constant 48 : index
    %swap3A_16 = tpu.vector_load %arg6[%swap3A_15] {strides = array<i32>} : memref<128xf32, #tpu.memory_space<vmem>>, vector<16xf32>,
    %swap3A_17 = vector.shape_cast %swap3A_16 : vector<16xf32> to vector<16xf32>
    %swap3A_18 = vector.shape_cast %broadcast_in_dim3A_3 : vector<16xf32> to vector<16xf32>
    tpu.vector_store %arg6[%swap3A_15], %swap3A_18 {strides = array<i32>} : memref<128xf32, #tpu.memory_space<vmem>>, vector<16xf32>,
    %swap3A_19 = arith.constant 64 : index
    %swap3A_20 = tpu.vector_load %arg6[%swap3A_19] {strides = array<i32>} : memref<128xf32, #tpu.memory_space<vmem>>, vector<16xf32>,
    %swap3A_21 = vector.shape_cast %swap3A_20 : vector<16xf32> to vector<16xf32>
    %swap3A_22 = vector.shape_cast %broadcast_in_dim3A_3 : vector<16xf32> to vector<16xf32>
    tpu.vector_store %arg6[%swap3A_19], %swap3A_22 {strides = array<i32>} : memref<128xf32, #tpu.memory_space<vmem>>, vector<16xf32>,
    %swap3A_23 = arith.constant 80 : index
    %swap3A_24 = tpu.vector_load %arg6[%swap3A_23] {strides = array<i32>} : memref<128xf32, #tpu.memory_space<vmem>>, vector<16xf32>,
    %swap3A_25 = vector.shape_cast %swap3A_24 : vector<16xf32> to vector<16xf32>
    %swap3A_26 = vector.shape_cast %broadcast_in_dim3A_3 : vector<16xf32> to vector<16xf32>
    tpu.vector_store %arg6[%swap3A_23], %swap3A_26 {strides = array<i32>} : memref<128xf32, #tpu.memory_space<vmem>>, vector<16xf32>,
    %swap3A_27 = arith.constant 96 : index
    %swap3A_28 = tpu.vector_load %arg6[%swap3A_27] {strides = array<i32>} : memref<128xf32, #tpu.memory_space<vmem>>, vector<16xf32>,
    %swap3A_29 = vector.shape_cast %swap3A_28 : vector<16xf32> to vector<16xf32>
    %swap3A_30 = vector.shape_cast %broadcast_in_dim3A_3 : vector<16xf32> to vector<16xf32>
    tpu.vector_store %arg6[%swap3A_27], %swap3A_30 {strides = array<i32>} : memref<128xf32, #tpu.memory_space<vmem>>, vector<16xf32>,
    %swap3A_31 = arith.constant 112 : index
    %swap3A_32 = tpu.vector_load %arg6[%swap3A_31] {strides = array<i32>} : memref<128xf32, #tpu.memory_space<vmem>>, vector<16xf32>,
    %swap3A_33 = vector.shape_cast %swap3A_32 : vector<16xf32> to vector<16xf32>
    %swap3A_34 = vector.shape_cast %broadcast_in_dim3A_3 : vector<16xf32> to vector<16xf32>
    tpu.vector_store %arg6[%swap3A_31], %swap3A_34 {strides = array<i32>} : memref<128xf32, #tpu.memory_space<vmem>>, vector<16xf32>,
    %mul3A_35 = arith.constant 10000 : i32
    %mul3A_36 = arith.muli %add3A, %mul3A_35 : i32
    %run_scoped3A = arith.constant 1 : i32
    "tpu.region"() ({
      %run_scoped3A_49 = tpu.sem_alloc : memref<!tpu.dma_semaphore, #tpu.memory_space<semaphore_mem>>
      %dma_start3A = tpu.memref_slice %arg2[%run_scoped3A, %mul3A_36] : memref<2x320000xi32, #tpu.memory_space<hbm>> -> memref<1x10000xi32, #tpu.memory_space<hbm>>
      %dma_start3A_50 = tpu.memref_squeeze %dma_start3A : memref<1x10000xi32, #tpu.memory_space<hbm>> -> memref<10000xi32, #tpu.memory_space<hbm>>
      %dma_start3A_51 = tpu.memref_slice %arg2[%run_scoped3A, %mul3A_36] : memref<2x320000xi32, #tpu.memory_space<hbm>> -> memref<1x10000xi32, #tpu.memory_space<hbm>>
      %dma_start3A_52 = tpu.memref_squeeze %dma_start3A_51 : memref<1x10000xi32, #tpu.memory_space<hbm>> -> memref<10000xi32, #tpu.memory_space<hbm>>
      tpu.enqueue_dma source(%dma_start3A_52 : memref<10000xi32, #tpu.memory_space<hbm>>) target(%arg5 : memref<10000xi32, #tpu.memory_space<vmem>>) target_semaphore(%run_scoped3A_49 : memref<!tpu.dma_semaphore, #tpu.memory_space<semaphore_mem>>)
      %dma_wait3A = tpu.memref_slice %arg2[%run_scoped3A, %mul3A_36] : memref<2x320000xi32, #tpu.memory_space<hbm>> -> memref<1x10000xi32, #tpu.memory_space<hbm>>
      %dma_wait3A_53 = tpu.memref_squeeze %dma_wait3A : memref<1x10000xi32, #tpu.memory_space<hbm>> -> memref<10000xi32, #tpu.memory_space<hbm>>
      %dma_wait3A_54 = tpu.memref_slice %arg2[%run_scoped3A, %mul3A_36] : memref<2x320000xi32, #tpu.memory_space<hbm>> -> memref<1x10000xi32, #tpu.memory_space<hbm>>
      %dma_wait3A_55 = tpu.memref_squeeze %dma_wait3A_54 : memref<1x10000xi32, #tpu.memory_space<hbm>> -> memref<10000xi32, #tpu.memory_space<hbm>>
      tpu.wait_dma2 semaphore(%run_scoped3A_49 : memref<!tpu.dma_semaphore, #tpu.memory_space<semaphore_mem>>) src(%dma_wait3A_55 : memref<10000xi32, #tpu.memory_space<hbm>>) dst(%arg5 : memref<10000xi32, #tpu.memory_space<vmem>>)
      tpu.yield
    }) : () -> ()
    %barrier3A = arith.constant 0 : index
    tpu.barrier barrier_id(%barrier3A)
    %scan3A = arith.constant 0 : i32
    %scan3A_37 = arith.constant 13 : i32
    %scan3A_38 = arith.addi %scan3A, %scan3A_37 : i32
    %scan3A_39 = arith.constant 1 : i32
    scf.for %scan3A_49 = %scan3A to %scan3A_38 step %scan3A_39  : i32 {
      %mul3A_50 = arith.constant 1 : i32
      %mul3A_51 = arith.muli %scan3A_49, %mul3A_50 : i32
      %add3A_52 = arith.constant 0 : i32
      %add3A_53 = arith.addi %add3A_52, %mul3A_51 : i32
      %mul3A_54 = arith.constant 6 : i32
      %mul3A_55 = arith.muli %add3A_53, %mul3A_54 : i32
      %add3A_56 = arith.constant 0 : i32
      %add3A_57 = arith.addi %mul3A_55, %add3A_56 : i32
      %mul3A_58 = arith.constant 128 : i32
      %mul3A_59 = arith.muli %add3A_57, %mul3A_58 : i32
      %dma_start3A = tpu.memref_slice %arg5[%mul3A_59] : memref<10000xi32, #tpu.memory_space<vmem>> -> memref<128xi32, #tpu.memory_space<vmem>>
      %dma_start3A_60 = arith.constant 0 : i32
      %dma_start3A_61 = tpu.memref_slice %arg7[%dma_start3A_60] : memref<10240xf32, #tpu.memory_space<vmem_shared>> -> memref<10240xf32, #tpu.memory_space<vmem_shared>>
      tpu.enqueue_indirect_dma source(%arg6 : memref<128xf32, #tpu.memory_space<vmem>>) target(%dma_start3A_61 : memref<10240xf32, #tpu.memory_space<vmem_shared>>) offsets(%dma_start3A : memref<128xi32, #tpu.memory_space<vmem>>) semaphore(%arg8 : memref<!tpu.dma_semaphore, #tpu.memory_space<semaphore_mem>>) {add = true}
      %mul3A_62 = arith.constant 6 : i32
      %mul3A_63 = arith.muli %add3A_53, %mul3A_62 : i32
      %add3A_64 = arith.constant 1 : i32
      %add3A_65 = arith.addi %mul3A_63, %add3A_64 : i32
      %mul3A_66 = arith.constant 128 : i32
      %mul3A_67 = arith.muli %add3A_65, %mul3A_66 : i32
      %dma_start3A_68 = tpu.memref_slice %arg5[%mul3A_67] : memref<10000xi32, #tpu.memory_space<vmem>> -> memref<128xi32, #tpu.memory_space<vmem>>
      %dma_start3A_69 = arith.constant 0 : i32
      %dma_start3A_70 = tpu.memref_slice %arg7[%dma_start3A_69] : memref<10240xf32, #tpu.memory_space<vmem_shared>> -> memref<10240xf32, #tpu.memory_space<vmem_shared>>
      tpu.enqueue_indirect_dma source(%arg6 : memref<128xf32, #tpu.memory_space<vmem>>) target(%dma_start3A_70 : memref<10240xf32, #tpu.memory_space<vmem_shared>>) offsets(%dma_start3A_68 : memref<128xi32, #tpu.memory_space<vmem>>) semaphore(%arg8 : memref<!tpu.dma_semaphore, #tpu.memory_space<semaphore_mem>>) {add = true}
      %mul3A_71 = arith.constant 6 : i32
      %mul3A_72 = arith.muli %add3A_53, %mul3A_71 : i32
      %add3A_73 = arith.constant 2 : i32
      %add3A_74 = arith.addi %mul3A_72, %add3A_73 : i32
      %mul3A_75 = arith.constant 128 : i32
      %mul3A_76 = arith.muli %add3A_74, %mul3A_75 : i32
      %dma_start3A_77 = tpu.memref_slice %arg5[%mul3A_76] : memref<10000xi32, #tpu.memory_space<vmem>> -> memref<128xi32, #tpu.memory_space<vmem>>
      %dma_start3A_78 = arith.constant 0 : i32
      %dma_start3A_79 = tpu.memref_slice %arg7[%dma_start3A_78] : memref<10240xf32, #tpu.memory_space<vmem_shared>> -> memref<10240xf32, #tpu.memory_space<vmem_shared>>
      tpu.enqueue_indirect_dma source(%arg6 : memref<128xf32, #tpu.memory_space<vmem>>) target(%dma_start3A_79 : memref<10240xf32, #tpu.memory_space<vmem_shared>>) offsets(%dma_start3A_77 : memref<128xi32, #tpu.memory_space<vmem>>) semaphore(%arg8 : memref<!tpu.dma_semaphore, #tpu.memory_space<semaphore_mem>>) {add = true}
      %mul3A_80 = arith.constant 6 : i32
      %mul3A_81 = arith.muli %add3A_53, %mul3A_80 : i32
      %add3A_82 = arith.constant 3 : i32
      %add3A_83 = arith.addi %mul3A_81, %add3A_82 : i32
      %mul3A_84 = arith.constant 128 : i32
      %mul3A_85 = arith.muli %add3A_83, %mul3A_84 : i32
      %dma_start3A_86 = tpu.memref_slice %arg5[%mul3A_85] : memref<10000xi32, #tpu.memory_space<vmem>> -> memref<128xi32, #tpu.memory_space<vmem>>
      %dma_start3A_87 = arith.constant 0 : i32
      %dma_start3A_88 = tpu.memref_slice %arg7[%dma_start3A_87] : memref<10240xf32, #tpu.memory_space<vmem_shared>> -> memref<10240xf32, #tpu.memory_space<vmem_shared>>
      tpu.enqueue_indirect_dma source(%arg6 : memref<128xf32, #tpu.memory_space<vmem>>) target(%dma_start3A_88 : memref<10240xf32, #tpu.memory_space<vmem_shared>>) offsets(%dma_start3A_86 : memref<128xi32, #tpu.memory_space<vmem>>) semaphore(%arg8 : memref<!tpu.dma_semaphore, #tpu.memory_space<semaphore_mem>>) {add = true}
      %mul3A_89 = arith.constant 6 : i32
      %mul3A_90 = arith.muli %add3A_53, %mul3A_89 : i32
      %add3A_91 = arith.constant 4 : i32
      %add3A_92 = arith.addi %mul3A_90, %add3A_91 : i32
      %mul3A_93 = arith.constant 128 : i32
      %mul3A_94 = arith.muli %add3A_92, %mul3A_93 : i32
      %dma_start3A_95 = tpu.memref_slice %arg5[%mul3A_94] : memref<10000xi32, #tpu.memory_space<vmem>> -> memref<128xi32, #tpu.memory_space<vmem>>
      %dma_start3A_96 = arith.constant 0 : i32
      %dma_start3A_97 = tpu.memref_slice %arg7[%dma_start3A_96] : memref<10240xf32, #tpu.memory_space<vmem_shared>> -> memref<10240xf32, #tpu.memory_space<vmem_shared>>
      tpu.enqueue_indirect_dma source(%arg6 : memref<128xf32, #tpu.memory_space<vmem>>) target(%dma_start3A_97 : memref<10240xf32, #tpu.memory_space<vmem_shared>>) offsets(%dma_start3A_95 : memref<128xi32, #tpu.memory_space<vmem>>) semaphore(%arg8 : memref<!tpu.dma_semaphore, #tpu.memory_space<semaphore_mem>>) {add = true}
      %mul3A_98 = arith.constant 6 : i32
      %mul3A_99 = arith.muli %add3A_53, %mul3A_98 : i32
      %add3A_100 = arith.constant 5 : i32
      %add3A_101 = arith.addi %mul3A_99, %add3A_100 : i32
      %mul3A_102 = arith.constant 128 : i32
      %mul3A_103 = arith.muli %add3A_101, %mul3A_102 : i32
      %dma_start3A_104 = tpu.memref_slice %arg5[%mul3A_103] : memref<10000xi32, #tpu.memory_space<vmem>> -> memref<128xi32, #tpu.memory_space<vmem>>
      %dma_start3A_105 = arith.constant 0 : i32
      %dma_start3A_106 = tpu.memref_slice %arg7[%dma_start3A_105] : memref<10240xf32, #tpu.memory_space<vmem_shared>> -> memref<10240xf32, #tpu.memory_space<vmem_shared>>
      tpu.enqueue_indirect_dma source(%arg6 : memref<128xf32, #tpu.memory_space<vmem>>) target(%dma_start3A_106 : memref<10240xf32, #tpu.memory_space<vmem_shared>>) offsets(%dma_start3A_104 : memref<128xi32, #tpu.memory_space<vmem>>) semaphore(%arg8 : memref<!tpu.dma_semaphore, #tpu.memory_space<semaphore_mem>>) {add = true}
      %dma_wait3A = tpu.memref_slice %arg5[%mul3A_59] : memref<10000xi32, #tpu.memory_space<vmem>> -> memref<128xi32, #tpu.memory_space<vmem>>
      %dma_wait3A_107 = arith.constant 0 : i32
      %dma_wait3A_108 = tpu.memref_slice %arg7[%dma_wait3A_107] : memref<10240xf32, #tpu.memory_space<vmem_shared>> -> memref<10240xf32, #tpu.memory_space<vmem_shared>>
      tpu.wait_indirect_dma semaphore(%arg8 : memref<!tpu.dma_semaphore, #tpu.memory_space<semaphore_mem>>) src(%arg6 : memref<128xf32, #tpu.memory_space<vmem>>) dst(%dma_wait3A_108 : memref<10240xf32, #tpu.memory_space<vmem_shared>>)
      %dma_wait3A_109 = tpu.memref_slice %arg5[%mul3A_67] : memref<10000xi32, #tpu.memory_space<vmem>> -> memref<128xi32, #tpu.memory_space<vmem>>
      %dma_wait3A_110 = arith.constant 0 : i32
      %dma_wait3A_111 = tpu.memref_slice %arg7[%dma_wait3A_110] : memref<10240xf32, #tpu.memory_space<vmem_shared>> -> memref<10240xf32, #tpu.memory_space<vmem_shared>>
      tpu.wait_indirect_dma semaphore(%arg8 : memref<!tpu.dma_semaphore, #tpu.memory_space<semaphore_mem>>) src(%arg6 : memref<128xf32, #tpu.memory_space<vmem>>) dst(%dma_wait3A_111 : memref<10240xf32, #tpu.memory_space<vmem_shared>>)
      %dma_wait3A_112 = tpu.memref_slice %arg5[%mul3A_76] : memref<10000xi32, #tpu.memory_space<vmem>> -> memref<128xi32, #tpu.memory_space<vmem>>
      %dma_wait3A_113 = arith.constant 0 : i32
      %dma_wait3A_114 = tpu.memref_slice %arg7[%dma_wait3A_113] : memref<10240xf32, #tpu.memory_space<vmem_shared>> -> memref<10240xf32, #tpu.memory_space<vmem_shared>>
      tpu.wait_indirect_dma semaphore(%arg8 : memref<!tpu.dma_semaphore, #tpu.memory_space<semaphore_mem>>) src(%arg6 : memref<128xf32, #tpu.memory_space<vmem>>) dst(%dma_wait3A_114 : memref<10240xf32, #tpu.memory_space<vmem_shared>>)
      %dma_wait3A_115 = tpu.memref_slice %arg5[%mul3A_85] : memref<10000xi32, #tpu.memory_space<vmem>> -> memref<128xi32, #tpu.memory_space<vmem>>
      %dma_wait3A_116 = arith.constant 0 : i32
      %dma_wait3A_117 = tpu.memref_slice %arg7[%dma_wait3A_116] : memref<10240xf32, #tpu.memory_space<vmem_shared>> -> memref<10240xf32, #tpu.memory_space<vmem_shared>>
      tpu.wait_indirect_dma semaphore(%arg8 : memref<!tpu.dma_semaphore, #tpu.memory_space<semaphore_mem>>) src(%arg6 : memref<128xf32, #tpu.memory_space<vmem>>) dst(%dma_wait3A_117 : memref<10240xf32, #tpu.memory_space<vmem_shared>>)
      %dma_wait3A_118 = tpu.memref_slice %arg5[%mul3A_94] : memref<10000xi32, #tpu.memory_space<vmem>> -> memref<128xi32, #tpu.memory_space<vmem>>
      %dma_wait3A_119 = arith.constant 0 : i32
      %dma_wait3A_120 = tpu.memref_slice %arg7[%dma_wait3A_119] : memref<10240xf32, #tpu.memory_space<vmem_shared>> -> memref<10240xf32, #tpu.memory_space<vmem_shared>>
      tpu.wait_indirect_dma semaphore(%arg8 : memref<!tpu.dma_semaphore, #tpu.memory_space<semaphore_mem>>) src(%arg6 : memref<128xf32, #tpu.memory_space<vmem>>) dst(%dma_wait3A_120 : memref<10240xf32, #tpu.memory_space<vmem_shared>>)
      %dma_wait3A_121 = tpu.memref_slice %arg5[%mul3A_103] : memref<10000xi32, #tpu.memory_space<vmem>> -> memref<128xi32, #tpu.memory_space<vmem>>
      %dma_wait3A_122 = arith.constant 0 : i32
      %dma_wait3A_123 = tpu.memref_slice %arg7[%dma_wait3A_122] : memref<10240xf32, #tpu.memory_space<vmem_shared>> -> memref<10240xf32, #tpu.memory_space<vmem_shared>>
      tpu.wait_indirect_dma semaphore(%arg8 : memref<!tpu.dma_semaphore, #tpu.memory_space<semaphore_mem>>) src(%arg6 : memref<128xf32, #tpu.memory_space<vmem>>) dst(%dma_wait3A_123 : memref<10240xf32, #tpu.memory_space<vmem_shared>>)
    }
    %scan3A_40 = arith.constant 13 : i32
    "tpu.region"() ({
      %run_scoped3A_49 = tpu.sem_alloc : memref<!tpu.dma_semaphore, #tpu.memory_space<semaphore_mem>>
      %dma_start3A = arith.constant 0 : i32
      %dma_start3A_50 = tpu.memref_slice %arg6[%dma_start3A] : memref<128xf32, #tpu.memory_space<vmem>> -> memref<16xf32, #tpu.memory_space<vmem>>
      %dma_start3A_51 = arith.constant 9984 : i32
      %dma_start3A_52 = tpu.memref_slice %arg5[%dma_start3A_51] : memref<10000xi32, #tpu.memory_space<vmem>> -> memref<16xi32, #tpu.memory_space<vmem>>
      %dma_start3A_53 = arith.constant 0 : i32
      %dma_start3A_54 = tpu.memref_slice %arg7[%dma_start3A_53] : memref<10240xf32, #tpu.memory_space<vmem_shared>> -> memref<10240xf32, #tpu.memory_space<vmem_shared>>
      tpu.enqueue_indirect_dma source(%dma_start3A_50 : memref<16xf32, #tpu.memory_space<vmem>>) target(%dma_start3A_54 : memref<10240xf32, #tpu.memory_space<vmem_shared>>) offsets(%dma_start3A_52 : memref<16xi32, #tpu.memory_space<vmem>>) semaphore(%run_scoped3A_49 : memref<!tpu.dma_semaphore, #tpu.memory_space<semaphore_mem>>) {add = true}
      %dma_wait3A = arith.constant 0 : i32
      %dma_wait3A_55 = tpu.memref_slice %arg6[%dma_wait3A] : memref<128xf32, #tpu.memory_space<vmem>> -> memref<16xf32, #tpu.memory_space<vmem>>
      %dma_wait3A_56 = arith.constant 9984 : i32
      %dma_wait3A_57 = tpu.memref_slice %arg5[%dma_wait3A_56] : memref<10000xi32, #tpu.memory_space<vmem>> -> memref<16xi32, #tpu.memory_space<vmem>>
      %dma_wait3A_58 = arith.constant 0 : i32
      %dma_wait3A_59 = tpu.memref_slice %arg7[%dma_wait3A_58] : memref<10240xf32, #tpu.memory_space<vmem_shared>> -> memref<10240xf32, #tpu.memory_space<vmem_shared>>
      tpu.wait_indirect_dma semaphore(%run_scoped3A_49 : memref<!tpu.dma_semaphore, #tpu.memory_space<semaphore_mem>>) src(%dma_wait3A_55 : memref<16xf32, #tpu.memory_space<vmem>>) dst(%dma_wait3A_59 : memref<10240xf32, #tpu.memory_space<vmem_shared>>)
      tpu.yield
    }) : () -> ()
    %barrier3A_41 = arith.constant 0 : index
    tpu.barrier barrier_id(%barrier3A_41)
    %mul3A_42 = arith.constant 640 : i32
    %mul3A_43 = arith.muli %arg1, %mul3A_42 : i32
    %mul3A_44 = arith.constant 10240 : i32
    %mul3A_45 = arith.muli %arg0, %mul3A_44 : i32
    %mul3A_46 = arith.constant 640 : i32
    %mul3A_47 = arith.muli %arg1, %mul3A_46 : i32
    %add3A_48 = arith.addi %mul3A_45, %mul3A_47 : i32
    "tpu.region"() ({
      %run_scoped3A_49 = tpu.sem_alloc : memref<!tpu.dma_semaphore, #tpu.memory_space<semaphore_mem>>
      %dma_start3A = tpu.memref_slice %arg4[%add3A_48] : memref<20480xf32, #tpu.memory_space<hbm>> -> memref<640xf32, #tpu.memory_space<hbm>>
      %dma_start3A_50 = tpu.memref_slice %arg7[%mul3A_43] : memref<10240xf32, #tpu.memory_space<vmem_shared>> -> memref<640xf32, #tpu.memory_space<vmem_shared>>
      tpu.enqueue_dma source(%dma_start3A_50 : memref<640xf32, #tpu.memory_space<vmem_shared>>) target(%dma_start3A : memref<640xf32, #tpu.memory_space<hbm>>) target_semaphore(%run_scoped3A_49 : memref<!tpu.dma_semaphore, #tpu.memory_space<semaphore_mem>>)
      %dma_wait3A = tpu.memref_slice %arg4[%add3A_48] : memref<20480xf32, #tpu.memory_space<hbm>> -> memref<640xf32, #tpu.memory_space<hbm>>
      %dma_wait3A_51 = tpu.memref_slice %arg7[%mul3A_43] : memref<10240xf32, #tpu.memory_space<vmem_shared>> -> memref<640xf32, #tpu.memory_space<vmem_shared>>
      tpu.wait_dma2 semaphore(%run_scoped3A_49 : memref<!tpu.dma_semaphore, #tpu.memory_space<semaphore_mem>>) src(%dma_wait3A_51 : memref<640xf32, #tpu.memory_space<vmem_shared>>) dst(%dma_wait3A : memref<640xf32, #tpu.memory_space<hbm>>)
      tpu.yield
    }) : () -> ()
    return
  }
}

module attributes {stable_mosaic.version = 14 : i64} {
  func.func @_tc_xw_body(%arg0: memref<10000x128xf32, #tpu.memory_space<vmem>>, %arg1: memref<128x16xf32, #tpu.memory_space<vmem>>, %arg2: memref<10240x16xf32, #tpu.memory_space<vmem>>) attributes {dimension_semantics = [], scalar_prefetch = 0 : i64, scratch_operands = 0 : i64, tpu.core_type = #tpu.core_type<tc>} {
    %get3A = arith.constant 0 : index
    %get3A_0 = arith.constant 0 : index
    %get3A_1 = vector.load %arg0[%get3A, %get3A_0] : memref<10000x128xf32, #tpu.memory_space<vmem>>, vector<10000x128xf32>
    %get3A_2 = arith.constant 0 : index
    %get3A_3 = arith.constant 0 : index
    %get3A_4 = vector.load %arg1[%get3A_2, %get3A_3] : memref<128x16xf32, #tpu.memory_space<vmem>>, vector<128x16xf32>
    %dot_general3A = arith.constant dense<0.000000e+00> : vector<10000x16xf32>
    %dot_general3A_5 = tpu.matmul %get3A_1, %get3A_4, %dot_general3A {dimension_numbers = #tpu.dot_dimension_numbers<[1], [0], [0], [1], [0, 0, 1, 1], [], []>, transpose_lhs_hint = false} : vector<10000x128xf32>, vector<128x16xf32>, vector<10000x16xf32> -> vector<10000x16xf32>
    %broadcast_in_dim3A = arith.constant 0.000000e+00 : f32
    %broadcast_in_dim3A_6 = vector.broadcast %broadcast_in_dim3A : f32 to vector<240x16xf32>
    %concatenate3A = tpu.concatenate %dot_general3A_5, %broadcast_in_dim3A_6 in 0 : vector<10000x16xf32>, vector<240x16xf32> -> vector<10240x16xf32>
    %swap3A = arith.constant 0 : index
    %swap3A_7 = arith.constant 0 : index
    %swap3A_8 = vector.load %arg2[%swap3A, %swap3A_7] : memref<10240x16xf32, #tpu.memory_space<vmem>>, vector<10240x16xf32>
    tpu.vector_store %arg2[%swap3A, %swap3A_7], %concatenate3A {strides = array<i32>} : memref<10240x16xf32, #tpu.memory_space<vmem>>, vector<10240x16xf32>,
    return
  }
}

module attributes {stable_mosaic.version = 14 : i64} {
  func.func @_tc_scale_body(%arg0: memref<10240x16xf32, #tpu.memory_space<vmem>>, %arg1: memref<2x10240xf32, #tpu.memory_space<vmem>>, %arg2: memref<10240x16xf32, #tpu.memory_space<vmem>>, %arg3: memref<10240xf32, #tpu.memory_space<vmem>>) attributes {dimension_semantics = [], scalar_prefetch = 0 : i64, scratch_operands = 0 : i64, tpu.core_type = #tpu.core_type<tc>} {
    %get3A = arith.constant 0 : index
    %get3A_0 = arith.constant 0 : index
    %get3A_1 = vector.load %arg1[%get3A, %get3A_0] : memref<2x10240xf32, #tpu.memory_space<vmem>>, vector<1x10240xf32>
    %get3A_2 = vector.shape_cast %get3A_1 : vector<1x10240xf32> to vector<10240xf32>
    %get3A_3 = arith.constant 1 : index
    %get3A_4 = arith.constant 0 : index
    %get3A_5 = vector.load %arg1[%get3A_3, %get3A_4] : memref<2x10240xf32, #tpu.memory_space<vmem>>, vector<1x10240xf32>
    %get3A_6 = vector.shape_cast %get3A_5 : vector<1x10240xf32> to vector<10240xf32>
    %add3A = arith.addf %get3A_2, %get3A_6 : vector<10240xf32>
    %add3A_7 = arith.constant 1.000000e+00 : f32
    %add3A_8 = vector.broadcast %add3A_7 : f32 to vector<10240xf32>
    %add3A_9 = arith.addf %add3A, %add3A_8 : vector<10240xf32>
    %rsqrt3A = math.rsqrt %add3A_9 : vector<10240xf32>
    %swap3A = arith.constant 0 : index
    %swap3A_10 = vector.load %arg3[%swap3A] : memref<10240xf32, #tpu.memory_space<vmem>>, vector<10240xf32>
    tpu.vector_store %arg3[%swap3A], %rsqrt3A {strides = array<i32>} : memref<10240xf32, #tpu.memory_space<vmem>>, vector<10240xf32>,
    %broadcast_in_dim3A = vector.shape_cast %rsqrt3A : vector<10240xf32> to vector<10240x1xf32>
    %get3A_11 = arith.constant 0 : index
    %get3A_12 = arith.constant 0 : index
    %get3A_13 = vector.load %arg0[%get3A_11, %get3A_12] : memref<10240x16xf32, #tpu.memory_space<vmem>>, vector<10240x16xf32>
    %mul3A = vector.broadcast %broadcast_in_dim3A : vector<10240x1xf32> to vector<10240x16xf32>
    %mul3A_14 = arith.mulf %mul3A, %get3A_13 : vector<10240x16xf32>
    %swap3A_15 = arith.constant 0 : index
    %swap3A_16 = arith.constant 0 : index
    %swap3A_17 = vector.load %arg2[%swap3A_15, %swap3A_16] : memref<10240x16xf32, #tpu.memory_space<vmem>>, vector<10240x16xf32>
    tpu.vector_store %arg2[%swap3A_15, %swap3A_16], %mul3A_14 {strides = array<i32>} : memref<10240x16xf32, #tpu.memory_space<vmem>>, vector<10240x16xf32>,
    return
  }
}

module attributes {stable_mosaic.version = 14 : i64} {
  func.func @_tc_mid_body(%arg0: memref<2x10240x16xf32, #tpu.memory_space<vmem>>, %arg1: memref<10240x16xf32, #tpu.memory_space<vmem>>, %arg2: memref<10240xf32, #tpu.memory_space<vmem>>, %arg3: memref<16xf32, #tpu.memory_space<vmem>>, %arg4: memref<16x16xf32, #tpu.memory_space<vmem>>, %arg5: memref<10240x16xf32, #tpu.memory_space<vmem>>) attributes {dimension_semantics = [], scalar_prefetch = 0 : i64, scratch_operands = 0 : i64, tpu.core_type = #tpu.core_type<tc>} {
    %get3A = arith.constant 0 : index
    %get3A_0 = arith.constant 0 : index
    %get3A_1 = arith.constant 0 : index
    %get3A_2 = vector.load %arg0[%get3A, %get3A_0, %get3A_1] : memref<2x10240x16xf32, #tpu.memory_space<vmem>>, vector<1x10240x16xf32>
    %get3A_3 = vector.shape_cast %get3A_2 : vector<1x10240x16xf32> to vector<10240x16xf32>
    %get3A_4 = arith.constant 1 : index
    %get3A_5 = arith.constant 0 : index
    %get3A_6 = arith.constant 0 : index
    %get3A_7 = vector.load %arg0[%get3A_4, %get3A_5, %get3A_6] : memref<2x10240x16xf32, #tpu.memory_space<vmem>>, vector<1x10240x16xf32>
    %get3A_8 = vector.shape_cast %get3A_7 : vector<1x10240x16xf32> to vector<10240x16xf32>
    %add3A = arith.addf %get3A_3, %get3A_8 : vector<10240x16xf32>
    %get3A_9 = arith.constant 0 : index
    %get3A_10 = arith.constant 0 : index
    %get3A_11 = vector.load %arg1[%get3A_9, %get3A_10] : memref<10240x16xf32, #tpu.memory_space<vmem>>, vector<10240x16xf32>
    %add3A_12 = arith.addf %add3A, %get3A_11 : vector<10240x16xf32>
    %get3A_13 = arith.constant 0 : index
    %get3A_14 = vector.load %arg2[%get3A_13] : memref<10240xf32, #tpu.memory_space<vmem>>, vector<10240xf32>
    %broadcast_in_dim3A = vector.shape_cast %get3A_14 : vector<10240xf32> to vector<10240x1xf32>
    %mul3A = vector.broadcast %broadcast_in_dim3A : vector<10240x1xf32> to vector<10240x16xf32>
    %mul3A_15 = arith.mulf %mul3A, %add3A_12 : vector<10240x16xf32>
    %get3A_16 = arith.constant 0 : index
    %get3A_17 = vector.load %arg3[%get3A_16] : memref<16xf32, #tpu.memory_space<vmem>>, vector<16xf32>
    %broadcast_in_dim3A_18 = vector.shape_cast %get3A_17 : vector<16xf32> to vector<1x16xf32>
    %add3A_19 = vector.broadcast %broadcast_in_dim3A_18 : vector<1x16xf32> to vector<10240x16xf32>
    %add3A_20 = arith.addf %mul3A_15, %add3A_19 : vector<10240x16xf32>
    %max3A = arith.constant 0.000000e+00 : f32
    %max3A_21 = vector.broadcast %max3A : f32 to vector<10240x16xf32>
    %max3A_22 = arith.maximumf %add3A_20, %max3A_21 : vector<10240x16xf32>
    %broadcast_in_dim3A_23 = vector.shape_cast %get3A_14 : vector<10240xf32> to vector<10240x1xf32>
    %mul3A_24 = vector.broadcast %broadcast_in_dim3A_23 : vector<10240x1xf32> to vector<10240x16xf32>
    %mul3A_25 = arith.mulf %mul3A_24, %max3A_22 : vector<10240x16xf32>
    %get3A_26 = arith.constant 0 : index
    %get3A_27 = arith.constant 0 : index
    %get3A_28 = vector.load %arg4[%get3A_26, %get3A_27] : memref<16x16xf32, #tpu.memory_space<vmem>>, vector<16x16xf32>
    %dot_general3A = arith.constant dense<0.000000e+00> : vector<10240x16xf32>
    %dot_general3A_29 = tpu.matmul %mul3A_25, %get3A_28, %dot_general3A {dimension_numbers = #tpu.dot_dimension_numbers<[1], [0], [0], [1], [0, 0, 1, 1], [], []>, transpose_lhs_hint = false} : vector<10240x16xf32>, vector<16x16xf32>, vector<10240x16xf32> -> vector<10240x16xf32>
    %swap3A = arith.constant 0 : index
    %swap3A_30 = arith.constant 0 : index
    %swap3A_31 = vector.load %arg5[%swap3A, %swap3A_30] : memref<10240x16xf32, #tpu.memory_space<vmem>>, vector<10240x16xf32>
    tpu.vector_store %arg5[%swap3A, %swap3A_30], %dot_general3A_29 {strides = array<i32>} : memref<10240x16xf32, #tpu.memory_space<vmem>>, vector<10240x16xf32>,
    return
  }
}

module attributes {stable_mosaic.version = 14 : i64} {
  func.func @_tc_head_body(%arg0: memref<32x136x16xf32, #tpu.memory_space<vmem>>, %arg1: memref<16x100xf32, #tpu.memory_space<vmem>>, %arg2: memref<100xf32, #tpu.memory_space<vmem>>, %arg3: memref<100x12xf32, #tpu.memory_space<vmem>>, %arg4: memref<12xf32, #tpu.memory_space<vmem>>, %arg5: memref<128x12xf32, #tpu.memory_space<vmem>>) attributes {dimension_semantics = [], scalar_prefetch = 0 : i64, scratch_operands = 0 : i64, tpu.core_type = #tpu.core_type<tc>} {
    %get3A = arith.constant 0 : index
    %get3A_0 = arith.constant 0 : index
    %get3A_1 = arith.constant 0 : index
    %get3A_2 = vector.load %arg0[%get3A, %get3A_0, %get3A_1] : memref<32x136x16xf32, #tpu.memory_space<vmem>>, vector<32x136x16xf32>
    %reduce_sum3A = arith.constant dense<0.000000e+00> : vector<136x16xf32>
    %reduce_sum3A_3 = vector.multi_reduction <add>, %get3A_2, %reduce_sum3A [0] : vector<32x136x16xf32> to vector<136x16xf32>
    %slice3A = vector.extract_strided_slice %reduce_sum3A_3 {offsets = [0, 0], sizes = [128, 16], strides = [1, 1]} : vector<136x16xf32> to vector<128x16xf32>
    %max3A = arith.constant 0.000000e+00 : f32
    %max3A_4 = vector.broadcast %max3A : f32 to vector<128x16xf32>
    %max3A_5 = arith.maximumf %slice3A, %max3A_4 : vector<128x16xf32>
    %get3A_6 = arith.constant 0 : index
    %get3A_7 = arith.constant 0 : index
    %get3A_8 = vector.load %arg1[%get3A_6, %get3A_7] : memref<16x100xf32, #tpu.memory_space<vmem>>, vector<16x100xf32>
    %dot_general3A = arith.constant dense<0.000000e+00> : vector<128x100xf32>
    %dot_general3A_9 = tpu.matmul %max3A_5, %get3A_8, %dot_general3A {dimension_numbers = #tpu.dot_dimension_numbers<[1], [0], [0], [1], [0, 0, 1, 1], [], []>, transpose_lhs_hint = false} : vector<128x16xf32>, vector<16x100xf32>, vector<128x100xf32> -> vector<128x100xf32>
    %get3A_10 = arith.constant 0 : index
    %get3A_11 = vector.load %arg2[%get3A_10] : memref<100xf32, #tpu.memory_space<vmem>>, vector<100xf32>
    %broadcast_in_dim3A = vector.shape_cast %get3A_11 : vector<100xf32> to vector<1x100xf32>
    %add3A = vector.broadcast %broadcast_in_dim3A : vector<1x100xf32> to vector<128x100xf32>
    %add3A_12 = arith.addf %dot_general3A_9, %add3A : vector<128x100xf32>
    %max3A_13 = arith.constant 0.000000e+00 : f32
    %max3A_14 = vector.broadcast %max3A_13 : f32 to vector<128x100xf32>
    %max3A_15 = arith.maximumf %add3A_12, %max3A_14 : vector<128x100xf32>
    %get3A_16 = arith.constant 0 : index
    %get3A_17 = arith.constant 0 : index
    %get3A_18 = vector.load %arg3[%get3A_16, %get3A_17] : memref<100x12xf32, #tpu.memory_space<vmem>>, vector<100x12xf32>
    %dot_general3A_19 = arith.constant dense<0.000000e+00> : vector<128x12xf32>
    %dot_general3A_20 = tpu.matmul %max3A_15, %get3A_18, %dot_general3A_19 {dimension_numbers = #tpu.dot_dimension_numbers<[1], [0], [0], [1], [0, 0, 1, 1], [], []>, transpose_lhs_hint = false} : vector<128x100xf32>, vector<100x12xf32>, vector<128x12xf32> -> vector<128x12xf32>
    %get3A_21 = arith.constant 0 : index
    %get3A_22 = vector.load %arg4[%get3A_21] : memref<12xf32, #tpu.memory_space<vmem>>, vector<12xf32>
    %broadcast_in_dim3A_23 = vector.shape_cast %get3A_22 : vector<12xf32> to vector<1x12xf32>
    %add3A_24 = vector.broadcast %broadcast_in_dim3A_23 : vector<1x12xf32> to vector<128x12xf32>
    %add3A_25 = arith.addf %dot_general3A_20, %add3A_24 : vector<128x12xf32>
    %swap3A = arith.constant 0 : index
    %swap3A_26 = arith.constant 0 : index
    %swap3A_27 = vector.load %arg5[%swap3A, %swap3A_26] : memref<128x12xf32, #tpu.memory_space<vmem>>, vector<128x12xf32>
    tpu.vector_store %arg5[%swap3A, %swap3A_26], %add3A_25 {strides = array<i32>} : memref<128x12xf32, #tpu.memory_space<vmem>>, vector<128x12xf32>,
    return
  }
}

</mosaic_0001>

<sc_bundles>
// kernel: kernel.12.cloned.1.call-start
scs
__scs_entry_jumppad:
0x0: {  	(pc) =	sbr.rel $0x88, $3  }
0x1: {  	(tag) =	ssettag $0x0;
	lr =	simm.s32 $0x1  }
0x2: {  	[smem:$0x3F96] =	sst lr;
	_ =	strace $0xD0000000  }
0x3: {  	_ = 	snop  }
0x4: {  	_ = 	snop  }
0x5: {  	_ = 	snop  }
0x6: {  	_ = 	snop  }
0x7: {  	_ = 	snop  }
__scs_overlays_trampoline_lowered:
0x8: {  	[smem:$0x3FA5] =	sst s0  }
0x9: {  	[smem:$0x3FA6] =	sst s1  }
0xa: {  	[smem:$0x3FA7] =	sst s2  }
0xb: {  	[smem:$0x3FA8] =	sst s3  }
0xc: {  	[smem:$0x3FA9] =	sst s4  }
0xd: {  	[smem:$0x3FAA] =	sst s5  }
0xe: {  	[smem:$0x3FAB] =	sst s6  }
0xf: {  	[smem:$0x3FAC] =	sst s7  }
0x10: {  	[smem:$0x3FAD] =	sst s8  }
0x11: {  	[smem:$0x3FAE] =	sst s9;
	s0 =	simm.s32 @!p0 $0x0  }
0x12: {  	s1 =	sld [smem:$0x3F94];
	s0 =	simm.s32 @p0 $0x1  }
0x13: {  	[smem:$0x3FAF] =	sst s0;
	s0 =	simm.s32 @!p1 $0x0  }
0x14: {  	s2 =	sld [smem:$0x3F93];
	s0 =	simm.s32 @p1 $0x1  }
0x15: {  	[smem:$0x3FB0] =	sst s0;
	s0 =	simm.s32 @!p2 $0x0  }
0x16: {  	s3 =	sld [smem:$0x3FDB];
	s0 =	simm.s32 @p2 $0x1  }
0x17: {  	s4 =	simm.s32 $0x1BF5;
	[smem:$0x3FB2] =	sst s0  }
0x18: {  	s0 =	sld [smem:$0x3F95];
	_ =	swait.ge [sflag:s4], $0x0  }
0x19: {  	s7 =	sld [smem:$0x3F96]  }
0x1a: {  	s8 =	sadd.s32 $0xFFFFE003, lr  }
0x1b: {  	s9 =	sadd.s32 $0xFFFFFEF7, lr;
	s5 =	simm.s32 $0xFFFFFFFF;
	p2 =	slt.u32 s8, $0xFFFFF086  }
0x1c: {  	p1 =	slt.u32 s9, $0xF7A;
	s5 =	simm.s32 @!p2 $0x0  }
0x1d: {  	s5 =	simm.s32 @p1 $0x1;
	p0 =	seq.s32 s7, s2  }
0x1e: {  	s7 =	smul.u32 @!p0 $0xF7A, s2;
	p2 =	seq.s32 @!p0 s5, $0x0  }
0x1f: {  	s9 =	smul.u32 $0xF7A, s1;
	s8 =	simm.s32 @!p0 $0x1BF5;
	p2 =	por !p2, p0  }
0x20: {  	[sflag:s8] =	ssyncset.s32 @!p0 $0xFFFFF086;
	s6 =	sadd.s32 @!p0 s3, s7;
	s7 =	simm.s32 @!p0 $0x108  }
0x21: {  	s3 =	sadd.s32 s3, s9;
	s6 =	sadd.s32 @!p0 $0x88, s6;
	s7 =	simm.s32 @p2 $0x1082  }
0x22: {  	[simem:s7], [sflag:s8] =	dma.local @!p0 [hbm:s6], $0xF7A  }
0x23: {  	s9 =	sor.u32 $0xD0000000, s2;
	s6 =	simm.s32 $0x108;
	_ =	swait.ge @!p0 [sflag:s8], $0x0  }
0x24: {  	s3 =	sadd.s32 $0x88, s3;
	s6 =	simm.s32 @!p1 $0x1082;
	[sflag:s4] =	ssyncset.s32 $0xFFFFF086  }
0x25: {  	[simem:s6], [sflag:s4] =	dma.local [hbm:s3], $0xF7A  }
0x26: {  	[smem:$0x3F96] =	sst s1;
	(tag) =	ssettag s2;
	_ =	strace s9  }
0x27: {  	s1 =	sld [smem:$0x3FA6]  }
0x28: {  	s2 =	sld [smem:$0x3FA7]  }
0x29: {  	s4 =	sld [smem:$0x3FA9]  }
0x2a: {  	p0 =	seq.s32 s5, $0x0;
	s5 =	sld [smem:$0x3FAA]  }
0x2b: {  	s6 =	sld [smem:$0x3FAB]  }
0x2c: {  	s7 =	sld [smem:$0x3FAC]  }
0x2d: {  	s3 =	simm.s32 $0x108;
	s8 =	sld [smem:$0x3FAD]  }
0x2e: {  	s3 =	simm.s32 @!p0 $0x1082;
	s9 =	sld [smem:$0x3FAE]  }
0x2f: {  	lr =	sadd.s32 s0, s3;
	s0 =	sld [smem:$0x3FA5]  }
0x30: {  	s3 =	sld [smem:$0x3FA8]  }
0x31: {  	[smem:$0x3FB1] =	sst s10  }
0x32: {  	s10 =	sld [smem:$0x3FAF];
	_ =	sdelay $0x3  }
0x33: {  	p0 =	seq.s32 s10, $0x1;
	s10 =	sld [smem:$0x3FB1];
	_ =	sdelay $0x3  }
0x34: {  	[smem:$0x3FB1] =	sst s10  }
0x35: {  	s10 =	sld [smem:$0x3FB0];
	_ =	sdelay $0x3  }
0x36: {  	p1 =	seq.s32 s10, $0x1;
	s10 =	sld [smem:$0x3FB1];
	_ =	sdelay $0x3  }
0x37: {  	[smem:$0x3FB1] =	sst s10  }
0x38: {  	s10 =	sld [smem:$0x3FB2]  }
0x39: {  	_ = 	snop;
	(pc) =	sbr.ind lr, $3  }
0x3a: {  	_ = 	snop  }
0x3b: {  	_ = 	snop  }
0x3c: {  	p2 =	seq.s32 s10, $0x1;
	s10 =	sld [smem:$0x3FB1]  }
0x3d: {  	_ =	shalt  }
0x3e: {  	_ =	shalt  }
0x3f: {  	_ =	shalt  }
0x40: {  	_ =	shalt  }
0x41: {  	_ =	shalt  }
0x42: {  	_ =	shalt  }
0x43: {  	_ =	shalt  }
0x44: {  	_ =	shalt  }
0x45: {  	_ =	shalt  }
0x46: {  	_ =	shalt  }
0x47: {  	_ =	shalt  }
0x48: {  	_ =	shalt  }
0x49: {  	_ =	shalt  }
0x4a: {  	_ =	shalt  }
0x4b: {  	_ =	shalt  }
0x4c: {  	_ =	shalt  }
0x4d: {  	_ =	shalt  }
0x4e: {  	_ =	shalt  }
0x4f: {  	_ =	shalt  }
0x50: {  	_ =	shalt  }
0x51: {  	_ =	shalt  }
0x52: {  	_ =	shalt  }
0x53: {  	_ =	shalt  }
0x54: {  	_ =	shalt  }
0x55: {  	_ =	shalt  }
0x56: {  	_ =	shalt  }
0x57: {  	_ =	shalt  }
0x58: {  	_ =	shalt  }
0x59: {  	_ =	shalt  }
0x5a: {  	_ =	shalt  }
0x5b: {  	_ =	shalt  }
0x5c: {  	_ =	shalt  }
0x5d: {  	_ =	shalt  }
0x5e: {  	_ =	shalt  }
0x5f: {  	_ =	shalt  }
0x60: {  	_ =	shalt  }
0x61: {  	_ =	shalt  }
0x62: {  	_ =	shalt  }
0x63: {  	_ =	shalt  }
0x64: {  	_ =	shalt  }
0x65: {  	_ =	shalt  }
0x66: {  	_ =	shalt  }
0x67: {  	_ =	shalt  }
0x68: {  	_ =	shalt  }
0x69: {  	_ =	shalt  }
0x6a: {  	_ =	shalt  }
0x6b: {  	_ =	shalt  }
0x6c: {  	_ =	shalt  }
0x6d: {  	_ =	shalt  }
0x6e: {  	_ =	shalt  }
0x6f: {  	_ =	shalt  }
0x70: {  	_ =	shalt  }
0x71: {  	_ =	shalt  }
0x72: {  	_ =	shalt  }
0x73: {  	_ =	shalt  }
0x74: {  	_ =	shalt  }
0x75: {  	_ =	shalt  }
0x76: {  	_ =	shalt  }
0x77: {  	_ =	shalt  }
0x78: {  	_ =	shalt  }
0x79: {  	_ =	shalt  }
0x7a: {  	_ =	shalt  }
0x7b: {  	_ =	shalt  }
0x7c: {  	_ =	shalt  }
0x7d: {  	_ =	shalt  }
0x7e: {  	_ =	shalt  }
0x7f: {  	_ =	shalt  }
0x80: {  	_ =	shalt  }
0x81: {  	_ =	shalt  }
0x82: {  	_ =	shalt  }
0x83: {  	_ =	shalt  }
0x84: {  	_ =	shalt  }
0x85: {  	_ =	shalt  }
0x86: {  	_ =	shalt  }
0x87: {  	_ =	shalt  }
.Lfunc_end0:
.L_simem_size_0:
called_computation.1_lowered:
.L_overlay_start_0:
0x88: {  	s2 =	sld [smem:$0x3FD9]  }
0x89: {  	s3 =	sld [smem:$0x3FFE];
	_ =	sdelay $0x1  }
0x8a: {  	s1 =	srdreg.scid  }
0x8b: {  	s0 =	sand.u32 $0x1, s1  }
0x8c: {  	s16 =	sshll.u32 s0, $0xA;
	s2 =	sadd.s32 s3, s2  }
0x8d: {  	s2 =	sadd.s32 s2, s16  }
0x8e: {  	[smem:$0x3FBD] =	sst s2  }
0x8f: {  	_ = 	snop  }
0x90: {  	(tm) =	ssettm $0x1  }
0x91: {  	s17 =	sld [smem:$0x3FFB];
	_ =	sdelay $0x3  }
0x92: {  	_ =	strace s17  }
0x93: {  	s2 =	sld [smem:$0x3FFC];
	_ =	sdelay $0x3  }
0x94: {  	_ =	strace s2  }
0x95: {  	s2 =	sld [smem:$0x3FFD];
	_ =	sdelay $0x3  }
0x96: {  	_ =	strace s2  }
0x97: {  	_ =	strace $0x8FFFFFFF  }
0x98: {  	s18 =	sld [smem:$0x3FDB];
	_ =	sdelay $0x1  }
0x99: {  	s19 =	simm.s32 $_scs_section_size  }
0x9a: {  	s4 =	simm.s32 $_size__tile_overlayer_lowered;
	s5 =	simm.s32 $_tile_overlayer_lowered  }
0x9b: {  	s22 =	simm.s32 $0x1BFF;
	s21 =	sshll.u32 s5, $0x1;
	s2 =	sadd.s32 s19, s18  }
0x9c: {  	s6 =	simm.s32 $0x0;
	s20 =	sshll.u32 s4, $0x1;
	s4 =	sadd.s32 s21, s2  }
0x9d: {  	[timem:s6], [sflag:s22] =	dma.local [hbm:s4], s20  }
0x9e: {  	_ =	swait.ge [sflag:s22], s20  }
0x9f: {  	s3 =	ssub.s32 $0x0, s20;
	[sflag:s22] =	ssyncset.done $0x0  }
0xa0: {  	[sflag:s22] =	ssyncadd.s32 s3;
	_ =	sdelay $0x1  }
0xa1: {  	s23 =	simm.s32 $0x1B8B  }
0xa2: {  	_ =	swait.ge [sflag:s23], $0x1  }
0xa3: {  	[sflag:s23] =	ssyncset.done $0x0  }
0xa4: {  	s25 =	simm.s32 $0x1B8E;
	s24 =	sld [smem:$0x3FFE];
	[sflag:s23] =	ssyncadd.s32 $0xFFFFFFFF  }
0xa5: {  	s26 =	simm.s32 $execute0_lowered;
	[smem:$0x3FD2] =	sst s25  }
0xa6: {  	s4 =	sshll.u32 s26, $0x1;
	_ =	strace $0x80000049;
	[dreg:$0x1] =	wrdreg $0xFFFFFFFF  }
0xa7: {  	s28 =	simm.s32 $_size_execute0_lowered;
	s2 =	sadd.s32 s2, s4;
	[dreg:$0x0] =	wrdreg $0x0  }
0xa8: {  	s4 =	sshll.u32 s28, $0x1;
	[dreg:$0x2] =	wrdreg s2  }
0xa9: {  	[dreg:$0x3] =	wrdreg s4  }
0xaa: {  	[dreg:$0x4] =	wrdreg $0xC0  }
0xab: {  	_ =	task [dreg:s6], $0x5FFFF  }
0xac: {  	[dreg:$0x1] =	wrdreg $0xFFFFFFFF  }
0xad: {  	[dreg:$0x0] =	wrdreg $0x60  }
0xae: {  	[dreg:$0x2] =	wrdreg s24  }
0xaf: {  	[dreg:$0x3] =	wrdreg $0x8E200  }
0xb0: {  	[dreg:$0x4] =	wrdreg $0x9  }
0xb1: {  	_ =	task.clear_ibuf [dreg:s6], $0x5FFFF;
	_ =	strace $0x90000049  }
0xb2: {  	s29 =	simm.s32 $0x9;
	_ =	strace $0x8000004B  }
0xb3: {  	_ =	swait.ge [sflag:s29], $0x1  }
0xb4: {  	[sflag:s29] =	ssyncadd.s32 $0xFFFFFFFF  }
0xb5: {  	_ =	strace $0x9000004B  }
0xb6: {  	_ =	sfence  }
0xb7: {  	s30 =	sld [smem:$0x0];
	_ =	sdelay $0x2  }
0xb8: {  	s31 =	sshll.u32 s1, $0xD;
	s1 =	sshrl.u32 s1, $0x2  }
0xb9: {  	s3 =	sand.u32 $0x4000, s31;
	s1 =	sadd.s32 s1, s30  }
0xba: {  	s0 =	sor.u32 s3, s0;
	s1 =	sshll.u32 s1, $0x11  }
0xbb: {  	s0 =	sor.u32 s1, s0  }
0xbc: {  	s0 =	sadd.s32 $0x8F2B, s0  }
0xbd: {  	[sflag:s0] =	ssyncadd.remote.s32 $0x1  }
0xbe: {  	_ =	sfence.sel $0xFFFF  }
0xbf: {  	[dreg:$0x0] =	wrdreg $0xFFFFFFFF;
	(pc) =	sbr.abs _section_cstart, $3  }
0xc0: {  	[dreg:$0x1] =	wrdreg $0xFFFFFFFF  }
0xc1: {  	_ =	task.clear_ibuf [dreg:s6], $0x2FFFF;
	_ =	strace $0x9FFFFFFF  }
0xc2: {  	(tm) =	ssettm $0x7FFFFFFF  }
0xc3: {  	_ =	shalt  }
tec
execute0_lowered:
.L_overlay_start_1:
0x0: {  	(tag) =	ssettag $0x1  }
0x1: {  	s0 =	srdreg.scid  }
0x2: {  	s7 =	stileid.u32;
	s3 =	rddreg [dreg:$0x0]  }
0x3: {  	s2 =	rddreg [dreg:$0x1];
	s6 =	simm.s32 $0x0;
	s12 =	simm.s32 $0x11  }
0x4: {  	s14 =	simm.s32 $0x80;
	s15 =	simm.s32 $0x4E20;
	s16 =	simm.s32 $0x5620  }
0x5: {  	s17 =	simm.s32 $0x5E20;
	s18 =	simm.s32 $0x6620;
	s19 =	simm.s32 $0x6E20  }
0x6: {  	s20 =	simm.s32 $0x7620;
	s21 =	simm.s32 $0x7E20;
	s28 =	simm.s32 $0x5  }
0x7: {  	s29 =	simm.s32 $0x6;
	s30 =	simm.s32 $0x7;
	s31 =	simm.s32 $0x8  }
0x8: {  	s13 =	simm.s32 $0xB;
	s9 =	simm.s32 $0x10;
	s0 =	sand.u32 $0x1, s0  }
0x9: {  	s5 =	smul.u32 $0x2800, s7;
	[smem:$0x7FF] =	sst s6;
	s8 =	sadd.s32 $0x16200, s3  }
0xa: {  	s24 =	sshll.u32 s7, $0x6;
	s1 =	sshll.u32 s0, $0x4;
	s4 =	smul.u32 $0x28000, s0  }
0xb: {  	_ =	strace $0x8000004A;
	s0 =	ssub.s32 $0x2, s0;
	[dreg:$0x3] =	wrdreg s8  }
0xc: {  	s10 =	sor.u32 $0x1C11, s24;
	s24 =	simm.s32 $0x2;
	s8 =	simm.s32 $0xF  }
0xd: {  	s1 =	sor.u32 s7, s1;
	s23 =	sshrl.u32 s0, $0x1;
	s7 =	simm.s32 $0xE  }
0xe: {  	[dreg:$0x4] =	wrdreg s10;
	s1 =	smul.u32 $0x2710, s1;
	s0 =	ssub.s32 s0, s23  }
0xf: {  	s22 =	sadd.s32 s5, s4;
	s5 =	sadd.s32 s5, s2;
	s0 =	smax.u32 s0, $0x1  }
0x10: {  	s4 =	sadd.s32 $0x16E00, s3;
	s11 =	sshrl.u32 s5, $0x3;
	[dreg:$0x8] =	wrdreg s0  }
0x11: {  	s6 =	sshrl.u32 s22, $0x3;
	s1 =	sshrl.u32 s1, $0x3;
	[dreg:$0x9] =	wrdreg s11  }
0x12: {  	s1 =	sadd.s32 s1, s3;
	s3 =	sadd.s32 s6, s3;
	s6 =	simm.s32 $0x0  }
0x13: {  	s23 =	simm.s32 $0x1;
	s25 =	sadd.s32 $0x2800, s1;
	[dreg:$0xa] =	wrdreg s6  }
0x14: {  	s22 =	simm.s32 $0x8620;
	s1 =	sadd.s32 $0xC440, s1;
	[dreg:$0x5] =	wrdreg s25  }
0x15: {  	s5 =	simm.s32 $0xD;
	s26 =	sadd.s32 $0x1BE00, s3;
	[dreg:$0x6] =	wrdreg s1  }
0x16: {  	s0 =	simm.s32 $0xA;
	s3 =	simm.s32 $0xC;
	[dreg:$0x7] =	wrdreg s26  }
0x17: {  	s25 =	simm.s32 $0x3;
	s26 =	simm.s32 $0x4;
	s1 =	simm.s32 $0x9  }
.LBB2_1:
0x18: {  	s6 =	rddreg [dreg:$0x3]  }
0x19: {  	[spmem:s11], [sflag:s10] =	dma.local [hbm:s6], $0x500  }
0x1a: {  	_ =	swait.ge [sflag:s12], $0x500  }
0x1b: {  	[sflag:s12] =	ssyncset.done $0x0  }
0x1c: {  	s6 =	simm.s32 $0x0;
	s11 =	rddreg [dreg:$0x5];
	[sflag:s12] =	ssyncadd.s32 $0xFFFFFB00  }
0x1d: {  	[tilespmem:s6], [sflag:$0x11] =	stream.linear.gather [hbm4b:s11+s6], $0x2710, $0x38;
	[tilespmem:$0xB620] =	vst v63  }
0x1e: {  	_ =	swait.ge [sflag:s12], $0x2710  }
0x1f: {  	[sflag:s12] =	ssyncset.done $0x0  }
0x20: {  	s11 =	simm.s32 $0x2710;
	s10 =	rddreg [dreg:$0x6];
	[sflag:s12] =	ssyncadd.s32 $0xFFFFD8F0  }
0x21: {  	[tilespmem:s11], [sflag:$0x11] =	stream.linear.gather [hbm4b:s10+s6], $0x2710, $0x38;
	[tilespmem:$0xB620] =	vst v63  }
0x22: {  	_ =	swait.ge [sflag:s12], $0x2710  }
0x23: {  	[sflag:s12] =	ssyncset.done $0x0  }
0x24: {  	[sflag:s12] =	ssyncadd.s32 $0xFFFFD8F0  }
0x25: {  	s12 =	simm.s32 $0x0;
	[bflag:$0x0] =	sbarrier.arrive $0xFFFF  }
0x26: {  	[tilespmem:s15], [sflag:$0x1] =	stream.indirect.gather [hbm4b:s4+s14], $0x10, s12, s14, $0xb8;
	[tilespmem:$0xB620] =	vst v63  }
0x27: {  	s10 =	simm.s32 $0x80  }
0x28: {  	[tilespmem:s16], [sflag:$0x2] =	stream.indirect.gather [hbm4b:s4+s14], $0x10, s10, s14, $0xb8;
	[tilespmem:$0xB620] =	vst v63  }
0x29: {  	s11 =	simm.s32 $0x100  }
0x2a: {  	[tilespmem:s17], [sflag:$0x3] =	stream.indirect.gather [hbm4b:s4+s14], $0x10, s11, s14, $0xb8;
	[tilespmem:$0xB620] =	vst v63  }
0x2b: {  	s12 =	simm.s32 $0x180  }
0x2c: {  	[tilespmem:s18], [sflag:$0x4] =	stream.indirect.gather [hbm4b:s4+s14], $0x10, s12, s14, $0xb8;
	[tilespmem:$0xB620] =	vst v63  }
0x2d: {  	s10 =	simm.s32 $0x200  }
0x2e: {  	[tilespmem:s19], [sflag:$0x5] =	stream.indirect.gather [hbm4b:s4+s14], $0x10, s10, s14, $0xb8;
	[tilespmem:$0xB620] =	vst v63  }
0x2f: {  	s11 =	simm.s32 $0x280  }
0x30: {  	[tilespmem:s20], [sflag:$0x6] =	stream.indirect.gather [hbm4b:s4+s14], $0x10, s11, s14, $0xb8;
	[tilespmem:$0xB620] =	vst v63  }
0x31: {  	s12 =	simm.s32 $0x300  }
0x32: {  	[tilespmem:s21], [sflag:$0x7] =	stream.indirect.gather [hbm4b:s4+s14], $0x10, s12, s14, $0xb8;
	[tilespmem:$0xB620] =	vst v63  }
0x33: {  	s10 =	simm.s32 $0x380  }
0x34: {  	[tilespmem:s22], [sflag:$0x8] =	stream.indirect.gather [hbm4b:s4+s14], $0x10, s10, s14, $0xb8;
	[tilespmem:$0xB620] =	vst v63  }
0x35: {  	_ =	swait.ge [sflag:s23], $0x800  }
0x36: {  	[sflag:s23] =	ssyncset.done $0x0  }
0x37: {  	s11 =	simm.s32 $0x2710;
	[sflag:s23] =	ssyncadd.s32 $0xFFFFF800  }
0x38: {  	[spmem:s2] =	stream.indirect.scatter.add.f32 [tilespmem:s15], [sflag:$0x9], $0x10, s11, s14, $0xb8;
	[tilespmem:$0xB620] =	vst v63  }
0x39: {  	_ =	swait.ge [sflag:s24], $0x800  }
0x3a: {  	[sflag:s24] =	ssyncset.done $0x0  }
0x3b: {  	s12 =	simm.s32 $0x2790;
	[sflag:s24] =	ssyncadd.s32 $0xFFFFF800  }
0x3c: {  	[spmem:s2] =	stream.indirect.scatter.add.f32 [tilespmem:s16], [sflag:$0xA], $0x10, s12, s14, $0xb8;
	[tilespmem:$0xB620] =	vst v63  }
0x3d: {  	_ =	swait.ge [sflag:s25], $0x800  }
0x3e: {  	[sflag:s25] =	ssyncset.done $0x0  }
0x3f: {  	s10 =	simm.s32 $0x2810;
	[sflag:s25] =	ssyncadd.s32 $0xFFFFF800  }
0x40: {  	[spmem:s2] =	stream.indirect.scatter.add.f32 [tilespmem:s17], [sflag:$0xB], $0x10, s10, s14, $0xb8;
	[tilespmem:$0xB620] =	vst v63  }
0x41: {  	_ =	swait.ge [sflag:s26], $0x800  }
0x42: {  	[sflag:s26] =	ssyncset.done $0x0  }
0x43: {  	s11 =	simm.s32 $0x2890;
	[sflag:s26] =	ssyncadd.s32 $0xFFFFF800  }
0x44: {  	[spmem:s2] =	stream.indirect.scatter.add.f32 [tilespmem:s18], [sflag:$0xC], $0x10, s11, s14, $0xb8;
	[tilespmem:$0xB620] =	vst v63  }
0x45: {  	_ =	swait.ge [sflag:s28], $0x800  }
0x46: {  	[sflag:s28] =	ssyncset.done $0x0  }
0x47: {  	s12 =	simm.s32 $0x2910;
	[sflag:s28] =	ssyncadd.s32 $0xFFFFF800  }
0x48: {  	[spmem:s2] =	stream.indirect.scatter.add.f32 [tilespmem:s19], [sflag:$0xD], $0x10, s12, s14, $0xb8;
	[tilespmem:$0xB620] =	vst v63  }
0x49: {  	_ =	swait.ge [sflag:s29], $0x800  }
0x4a: {  	[sflag:s29] =	ssyncset.done $0x0  }
0x4b: {  	s10 =	simm.s32 $0x2990;
	[sflag:s29] =	ssyncadd.s32 $0xFFFFF800  }
0x4c: {  	[spmem:s2] =	stream.indirect.scatter.add.f32 [tilespmem:s20], [sflag:$0xE], $0x10, s10, s14, $0xb8;
	[tilespmem:$0xB620] =	vst v63  }
0x4d: {  	_ =	swait.ge [sflag:s30], $0x800  }
0x4e: {  	[sflag:s30] =	ssyncset.done $0x0  }
0x4f: {  	s11 =	simm.s32 $0x2A10;
	[sflag:s30] =	ssyncadd.s32 $0xFFFFF800  }
0x50: {  	[spmem:s2] =	stream.indirect.scatter.add.f32 [tilespmem:s21], [sflag:$0xF], $0x10, s11, s14, $0xb8;
	[tilespmem:$0xB620] =	vst v63  }
0x51: {  	_ =	swait.ge [sflag:s31], $0x800  }
0x52: {  	[sflag:s31] =	ssyncset.done $0x0  }
0x53: {  	s12 =	simm.s32 $0x2A90;
	[sflag:s31] =	ssyncadd.s32 $0xFFFFF800  }
0x54: {  	[spmem:s2] =	stream.indirect.scatter.add.f32 [tilespmem:s22], [sflag:$0x10], $0x10, s12, s14, $0xb8;
	[tilespmem:$0xB620] =	vst v63  }
0x55: {  	_ =	swait.ge [sflag:s1], $0x800  }
0x56: {  	[sflag:s1] =	ssyncset.done $0x0  }
0x57: {  	[sflag:s1] =	ssyncadd.s32 $0xFFFFF800  }
0x58: {  	_ =	swait.ge [sflag:s0], $0x800  }
0x59: {  	[sflag:s0] =	ssyncset.done $0x0  }
0x5a: {  	[sflag:s0] =	ssyncadd.s32 $0xFFFFF800  }
0x5b: {  	_ =	swait.ge [sflag:s13], $0x800  }
0x5c: {  	[sflag:s13] =	ssyncset.done $0x0  }
0x5d: {  	[sflag:s13] =	ssyncadd.s32 $0xFFFFF800  }
0x5e: {  	_ =	swait.ge [sflag:s3], $0x800  }
0x5f: {  	[sflag:s3] =	ssyncset.done $0x0  }
0x60: {  	[sflag:s3] =	ssyncadd.s32 $0xFFFFF800  }
0x61: {  	_ =	swait.ge [sflag:s5], $0x800  }
0x62: {  	[sflag:s5] =	ssyncset.done $0x0  }
0x63: {  	[sflag:s5] =	ssyncadd.s32 $0xFFFFF800  }
0x64: {  	_ =	swait.ge [sflag:s7], $0x800  }
0x65: {  	[sflag:s7] =	ssyncset.done $0x0  }
0x66: {  	[sflag:s7] =	ssyncadd.s32 $0xFFFFF800  }
0x67: {  	_ =	swait.ge [sflag:s8], $0x800  }
0x68: {  	[sflag:s8] =	ssyncset.done $0x0  }
0x69: {  	[sflag:s8] =	ssyncadd.s32 $0xFFFFF800  }
0x6a: {  	_ =	swait.ge [sflag:s9], $0x800  }
0x6b: {  	s6 =	simm.s32 $0x1000;
	s11 =	simm.s32 $0x2000;
	[sflag:s9] =	ssyncset.done $0x0  }
.LBB2_2:
0x6c: {  	s12 =	sshra.s32 s6, $0x2  }
0x6d: {  	[sflag:s9] =	ssyncadd.s32 $0xFFFFF800;
	s6 =	smov.u32 s11;
	s10 =	sadd.s32 $0x1000, s11  }
0x6e: {  	[tilespmem:s15], [sflag:$0x1] =	stream.indirect.gather [hbm4b:s4+s14], $0x10, s12, s14, $0xb8;
	[tilespmem:$0xB620] =	vst v63  }
0x6f: {  	p0 =	sne.s32 s11, $0x8000;
	s11 =	sadd.s32 $0x80, s12  }
0x70: {  	[tilespmem:s16], [sflag:$0x2] =	stream.indirect.gather [hbm4b:s4+s14], $0x10, s11, s14, $0xb8;
	[tilespmem:$0xB620] =	vst v63  }
0x71: {  	s11 =	sadd.s32 $0x100, s12  }
0x72: {  	[tilespmem:s17], [sflag:$0x3] =	stream.indirect.gather [hbm4b:s4+s14], $0x10, s11, s14, $0xb8;
	[tilespmem:$0xB620] =	vst v63  }
0x73: {  	s11 =	sadd.s32 $0x180, s12  }
0x74: {  	[tilespmem:s18], [sflag:$0x4] =	stream.indirect.gather [hbm4b:s4+s14], $0x10, s11, s14, $0xb8;
	[tilespmem:$0xB620] =	vst v63  }
0x75: {  	s11 =	sadd.s32 $0x200, s12  }
0x76: {  	[tilespmem:s19], [sflag:$0x5] =	stream.indirect.gather [hbm4b:s4+s14], $0x10, s11, s14, $0xb8;
	[tilespmem:$0xB620] =	vst v63  }
0x77: {  	s11 =	sadd.s32 $0x280, s12  }
0x78: {  	[tilespmem:s20], [sflag:$0x6] =	stream.indirect.gather [hbm4b:s4+s14], $0x10, s11, s14, $0xb8;
	[tilespmem:$0xB620] =	vst v63  }
0x79: {  	s11 =	sadd.s32 $0x300, s12  }
0x7a: {  	[tilespmem:s21], [sflag:$0x7] =	stream.indirect.gather [hbm4b:s4+s14], $0x10, s11, s14, $0xb8;
	[tilespmem:$0xB620] =	vst v63  }
0x7b: {  	s11 =	sadd.s32 $0x380, s12  }
0x7c: {  	[tilespmem:s22], [sflag:$0x8] =	stream.indirect.gather [hbm4b:s4+s14], $0x10, s11, s14, $0xb8;
	[tilespmem:$0xB620] =	vst v63  }
0x7d: {  	_ =	swait.ge [sflag:s23], $0x800  }
0x7e: {  	[sflag:s23] =	ssyncset.done $0x0  }
0x7f: {  	s11 =	sadd.s32 $0x2710, s12;
	[sflag:s23] =	ssyncadd.s32 $0xFFFFF800  }
0x80: {  	[spmem:s2] =	stream.indirect.scatter.add.f32 [tilespmem:s15], [sflag:$0x9], $0x10, s11, s14, $0xb8;
	[tilespmem:$0xB620] =	vst v63  }
0x81: {  	_ =	swait.ge [sflag:s24], $0x800  }
0x82: {  	[sflag:s24] =	ssyncset.done $0x0  }
0x83: {  	s11 =	sadd.s32 $0x2790, s12;
	[sflag:s24] =	ssyncadd.s32 $0xFFFFF800  }
0x84: {  	[spmem:s2] =	stream.indirect.scatter.add.f32 [tilespmem:s16], [sflag:$0xA], $0x10, s11, s14, $0xb8;
	[tilespmem:$0xB620] =	vst v63  }
0x85: {  	_ =	swait.ge [sflag:s25], $0x800  }
0x86: {  	[sflag:s25] =	ssyncset.done $0x0  }
0x87: {  	s11 =	sadd.s32 $0x2810, s12;
	[sflag:s25] =	ssyncadd.s32 $0xFFFFF800  }
0x88: {  	[spmem:s2] =	stream.indirect.scatter.add.f32 [tilespmem:s17], [sflag:$0xB], $0x10, s11, s14, $0xb8;
	[tilespmem:$0xB620] =	vst v63  }
0x89: {  	_ =	swait.ge [sflag:s26], $0x800  }
0x8a: {  	[sflag:s26] =	ssyncset.done $0x0  }
0x8b: {  	s11 =	sadd.s32 $0x2890, s12;
	[sflag:s26] =	ssyncadd.s32 $0xFFFFF800  }
0x8c: {  	[spmem:s2] =	stream.indirect.scatter.add.f32 [tilespmem:s18], [sflag:$0xC], $0x10, s11, s14, $0xb8;
	[tilespmem:$0xB620] =	vst v63  }
0x8d: {  	_ =	swait.ge [sflag:s28], $0x800  }
0x8e: {  	[sflag:s28] =	ssyncset.done $0x0  }
0x8f: {  	s11 =	sadd.s32 $0x2910, s12;
	[sflag:s28] =	ssyncadd.s32 $0xFFFFF800  }
0x90: {  	[spmem:s2] =	stream.indirect.scatter.add.f32 [tilespmem:s19], [sflag:$0xD], $0x10, s11, s14, $0xb8;
	[tilespmem:$0xB620] =	vst v63  }
0x91: {  	_ =	swait.ge [sflag:s29], $0x800  }
0x92: {  	[sflag:s29] =	ssyncset.done $0x0  }
0x93: {  	s11 =	sadd.s32 $0x2990, s12;
	[sflag:s29] =	ssyncadd.s32 $0xFFFFF800  }
0x94: {  	[spmem:s2] =	stream.indirect.scatter.add.f32 [tilespmem:s20], [sflag:$0xE], $0x10, s11, s14, $0xb8;
	[tilespmem:$0xB620] =	vst v63  }
0x95: {  	_ =	swait.ge [sflag:s30], $0x800  }
0x96: {  	[sflag:s30] =	ssyncset.done $0x0  }
0x97: {  	s11 =	sadd.s32 $0x2A10, s12;
	[sflag:s30] =	ssyncadd.s32 $0xFFFFF800  }
0x98: {  	[spmem:s2] =	stream.indirect.scatter.add.f32 [tilespmem:s21], [sflag:$0xF], $0x10, s11, s14, $0xb8;
	[tilespmem:$0xB620] =	vst v63  }
0x99: {  	_ =	swait.ge [sflag:s31], $0x800  }
0x9a: {  	[sflag:s31] =	ssyncset.done $0x0  }
0x9b: {  	s11 =	sadd.s32 $0x2A90, s12;
	[sflag:s31] =	ssyncadd.s32 $0xFFFFF800  }
0x9c: {  	[spmem:s2] =	stream.indirect.scatter.add.f32 [tilespmem:s22], [sflag:$0x10], $0x10, s11, s14, $0xb8;
	[tilespmem:$0xB620] =	vst v63  }
0x9d: {  	_ =	swait.ge [sflag:s1], $0x800  }
0x9e: {  	[sflag:s1] =	ssyncset.done $0x0  }
0x9f: {  	[sflag:s1] =	ssyncadd.s32 $0xFFFFF800  }
0xa0: {  	_ =	swait.ge [sflag:s0], $0x800  }
0xa1: {  	[sflag:s0] =	ssyncset.done $0x0  }
0xa2: {  	[sflag:s0] =	ssyncadd.s32 $0xFFFFF800  }
0xa3: {  	_ =	swait.ge [sflag:s13], $0x800  }
0xa4: {  	[sflag:s13] =	ssyncset.done $0x0  }
0xa5: {  	[sflag:s13] =	ssyncadd.s32 $0xFFFFF800  }
0xa6: {  	_ =	swait.ge [sflag:s3], $0x800  }
0xa7: {  	[sflag:s3] =	ssyncset.done $0x0  }
0xa8: {  	[sflag:s3] =	ssyncadd.s32 $0xFFFFF800  }
0xa9: {  	_ =	swait.ge [sflag:s5], $0x800  }
0xaa: {  	[sflag:s5] =	ssyncset.done $0x0  }
0xab: {  	[sflag:s5] =	ssyncadd.s32 $0xFFFFF800  }
0xac: {  	_ =	swait.ge [sflag:s7], $0x800  }
0xad: {  	[sflag:s7] =	ssyncset.done $0x0  }
0xae: {  	[sflag:s7] =	ssyncadd.s32 $0xFFFFF800  }
.Ltmp0:
0xaf: {  	_ =	swait.ge [sflag:s8], $0x800;
	(pc) =	sbr.rel @p0 .LBB2_2-.Ltmp0, $4  }
0xb0: {  	[sflag:s8] =	ssyncset.done $0x0  }
0xb1: {  	[sflag:s8] =	ssyncadd.s32 $0xFFFFF800  }
0xb2: {  	_ =	swait.ge [sflag:s9], $0x800  }
0xb3: {  	s11 =	smov.u32 s10;
	[sflag:s9] =	ssyncset.done $0x0  }
0xb4: {  	s6 =	sshra.s32 s6, $0x2;
	[sflag:s9] =	ssyncadd.s32 $0xFFFFF800  }
0xb5: {  	[tilespmem:s15], [sflag:$0x1] =	stream.indirect.gather [hbm4b:s4+s14], $0x10, s6, s14, $0xb8;
	[tilespmem:$0xB620] =	vst v63  }
0xb6: {  	s10 =	sadd.s32 $0x80, s6  }
0xb7: {  	[tilespmem:s16], [sflag:$0x2] =	stream.indirect.gather [hbm4b:s4+s14], $0x10, s10, s14, $0xb8;
	[tilespmem:$0xB620] =	vst v63  }
0xb8: {  	s12 =	sadd.s32 $0x100, s6  }
0xb9: {  	[tilespmem:s17], [sflag:$0x3] =	stream.indirect.gather [hbm4b:s4+s14], $0x10, s12, s14, $0xb8;
	[tilespmem:$0xB620] =	vst v63  }
0xba: {  	s11 =	sadd.s32 $0x180, s6  }
0xbb: {  	[tilespmem:s18], [sflag:$0x4] =	stream.indirect.gather [hbm4b:s4+s14], $0x10, s11, s14, $0xb8;
	[tilespmem:$0xB620] =	vst v63  }
0xbc: {  	s12 =	sadd.s32 $0x200, s6  }
0xbd: {  	[tilespmem:s19], [sflag:$0x5] =	stream.indirect.gather [hbm4b:s4+s14], $0x10, s12, s14, $0xb8;
	[tilespmem:$0xB620] =	vst v63  }
0xbe: {  	s11 =	sadd.s32 $0x280, s6  }
0xbf: {  	[tilespmem:s20], [sflag:$0x6] =	stream.indirect.gather [hbm4b:s4+s14], $0x10, s11, s14, $0xb8;
	[tilespmem:$0xB620] =	vst v63  }
0xc0: {  	s12 =	sadd.s32 $0x300, s6  }
0xc1: {  	[tilespmem:s21], [sflag:$0x7] =	stream.indirect.gather [hbm4b:s4+s14], $0x10, s12, s14, $0xb8;
	[tilespmem:$0xB620] =	vst v63  }
0xc2: {  	s11 =	sadd.s32 $0x380, s6  }
0xc3: {  	[tilespmem:s22], [sflag:$0x8] =	stream.indirect.gather [hbm4b:s4+s14], $0x10, s11, s14, $0xb8;
	[tilespmem:$0xB620] =	vst v63  }
0xc4: {  	_ =	swait.ge [sflag:s23], $0x800  }
0xc5: {  	[sflag:s23] =	ssyncset.done $0x0  }
0xc6: {  	s12 =	sadd.s32 $0x2710, s6;
	[sflag:s23] =	ssyncadd.s32 $0xFFFFF800  }
0xc7: {  	[spmem:s2] =	stream.indirect.scatter.add.f32 [tilespmem:s15], [sflag:$0x9], $0x10, s12, s14, $0xb8;
	[tilespmem:$0xB620] =	vst v63  }
0xc8: {  	_ =	swait.ge [sflag:s24], $0x800  }
0xc9: {  	[sflag:s24] =	ssyncset.done $0x0  }
0xca: {  	s11 =	sadd.s32 $0x2790, s6;
	[sflag:s24] =	ssyncadd.s32 $0xFFFFF800  }
0xcb: {  	[spmem:s2] =	stream.indirect.scatter.add.f32 [tilespmem:s16], [sflag:$0xA], $0x10, s11, s14, $0xb8;
	[tilespmem:$0xB620] =	vst v63  }
0xcc: {  	_ =	swait.ge [sflag:s25], $0x800  }
0xcd: {  	[sflag:s25] =	ssyncset.done $0x0  }
0xce: {  	s12 =	sadd.s32 $0x2810, s6;
	[sflag:s25] =	ssyncadd.s32 $0xFFFFF800  }
0xcf: {  	[spmem:s2] =	stream.indirect.scatter.add.f32 [tilespmem:s17], [sflag:$0xB], $0x10, s12, s14, $0xb8;
	[tilespmem:$0xB620] =	vst v63  }
0xd0: {  	_ =	swait.ge [sflag:s26], $0x800  }
0xd1: {  	[sflag:s26] =	ssyncset.done $0x0  }
0xd2: {  	s11 =	sadd.s32 $0x2890, s6;
	[sflag:s26] =	ssyncadd.s32 $0xFFFFF800  }
0xd3: {  	[spmem:s2] =	stream.indirect.scatter.add.f32 [tilespmem:s18], [sflag:$0xC], $0x10, s11, s14, $0xb8;
	[tilespmem:$0xB620] =	vst v63  }
0xd4: {  	_ =	swait.ge [sflag:s28], $0x800  }
0xd5: {  	[sflag:s28] =	ssyncset.done $0x0  }
0xd6: {  	s12 =	sadd.s32 $0x2910, s6;
	[sflag:s28] =	ssyncadd.s32 $0xFFFFF800  }
0xd7: {  	[spmem:s2] =	stream.indirect.scatter.add.f32 [tilespmem:s19], [sflag:$0xD], $0x10, s12, s14, $0xb8;
	[tilespmem:$0xB620] =	vst v63  }
0xd8: {  	_ =	swait.ge [sflag:s29], $0x800  }
0xd9: {  	[sflag:s29] =	ssyncset.done $0x0  }
0xda: {  	s11 =	sadd.s32 $0x2990, s6;
	[sflag:s29] =	ssyncadd.s32 $0xFFFFF800  }
0xdb: {  	[spmem:s2] =	stream.indirect.scatter.add.f32 [tilespmem:s20], [sflag:$0xE], $0x10, s11, s14, $0xb8;
	[tilespmem:$0xB620] =	vst v63  }
0xdc: {  	_ =	swait.ge [sflag:s30], $0x800  }
0xdd: {  	[sflag:s30] =	ssyncset.done $0x0  }
0xde: {  	s12 =	sadd.s32 $0x2A10, s6;
	[sflag:s30] =	ssyncadd.s32 $0xFFFFF800  }
0xdf: {  	[spmem:s2] =	stream.indirect.scatter.add.f32 [tilespmem:s21], [sflag:$0xF], $0x10, s12, s14, $0xb8;
	[tilespmem:$0xB620] =	vst v63  }
0xe0: {  	_ =	swait.ge [sflag:s31], $0x800  }
0xe1: {  	[sflag:s31] =	ssyncset.done $0x0  }
0xe2: {  	s6 =	sadd.s32 $0x2A90, s6;
	[sflag:s31] =	ssyncadd.s32 $0xFFFFF800  }
0xe3: {  	[spmem:s2] =	stream.indirect.scatter.add.f32 [tilespmem:s22], [sflag:$0x10], $0x10, s6, s14, $0xb8;
	[tilespmem:$0xB620] =	vst v63  }
0xe4: {  	_ =	swait.ge [sflag:s1], $0x800  }
0xe5: {  	[sflag:s1] =	ssyncset.done $0x0  }
0xe6: {  	[sflag:s1] =	ssyncadd.s32 $0xFFFFF800  }
0xe7: {  	_ =	swait.ge [sflag:s0], $0x800  }
0xe8: {  	[sflag:s0] =	ssyncset.done $0x0  }
0xe9: {  	[sflag:s0] =	ssyncadd.s32 $0xFFFFF800  }
0xea: {  	_ =	swait.ge [sflag:s13], $0x800  }
0xeb: {  	[sflag:s13] =	ssyncset.done $0x0  }
0xec: {  	[sflag:s13] =	ssyncadd.s32 $0xFFFFF800  }
0xed: {  	_ =	swait.ge [sflag:s3], $0x800  }
0xee: {  	[sflag:s3] =	ssyncset.done $0x0  }
0xef: {  	[sflag:s3] =	ssyncadd.s32 $0xFFFFF800  }
0xf0: {  	_ =	swait.ge [sflag:s5], $0x800  }
0xf1: {  	[sflag:s5] =	ssyncset.done $0x0  }
0xf2: {  	[sflag:s5] =	ssyncadd.s32 $0xFFFFF800  }
0xf3: {  	_ =	swait.ge [sflag:s7], $0x800  }
0xf4: {  	[sflag:s7] =	ssyncset.done $0x0  }
0xf5: {  	[sflag:s7] =	ssyncadd.s32 $0xFFFFF800  }
0xf6: {  	_ =	swait.ge [sflag:s8], $0x800  }
0xf7: {  	[sflag:s8] =	ssyncset.done $0x0  }
0xf8: {  	[sflag:s8] =	ssyncadd.s32 $0xFFFFF800  }
0xf9: {  	_ =	swait.ge [sflag:s9], $0x800  }
0xfa: {  	[sflag:s9] =	ssyncset.done $0x0  }
0xfb: {  	s11 =	simm.s32 $0x2400;
	[sflag:s9] =	ssyncadd.s32 $0xFFFFF800  }
0xfc: {  	[tilespmem:s15], [sflag:$0x1] =	stream.indirect.gather [hbm4b:s4+s14], $0x10, s11, s14, $0xb8;
	[tilespmem:$0xB620] =	vst v63  }
0xfd: {  	s12 =	simm.s32 $0x2480  }
0xfe: {  	[tilespmem:s16], [sflag:$0x2] =	stream.indirect.gather [hbm4b:s4+s14], $0x10, s12, s14, $0xb8;
	[tilespmem:$0xB620] =	vst v63  }
0xff: {  	s10 =	simm.s32 $0x2500  }
0x100: {  	[tilespmem:s17], [sflag:$0x3] =	stream.indirect.gather [hbm4b:s4+s14], $0x10, s10, s14, $0xb8;
	[tilespmem:$0xB620] =	vst v63  }
0x101: {  	s11 =	simm.s32 $0x2580  }
0x102: {  	[tilespmem:s18], [sflag:$0x4] =	stream.indirect.gather [hbm4b:s4+s14], $0x10, s11, s14, $0xb8;
	[tilespmem:$0xB620] =	vst v63  }
0x103: {  	s12 =	simm.s32 $0x2600  }
0x104: {  	[tilespmem:s19], [sflag:$0x5] =	stream.indirect.gather [hbm4b:s4+s14], $0x10, s12, s14, $0xb8;
	[tilespmem:$0xB620] =	vst v63  }
0x105: {  	s10 =	simm.s32 $0x2680  }
0x106: {  	[tilespmem:s20], [sflag:$0x6] =	stream.indirect.gather [hbm4b:s4+s14], $0x10, s10, s14, $0xb8;
	[tilespmem:$0xB620] =	vst v63  }
0x107: {  	_ =	swait.ge [sflag:s23], $0x800  }
0x108: {  	[sflag:s23] =	ssyncset.done $0x0  }
0x109: {  	s11 =	simm.s32 $0x4B10;
	[sflag:s23] =	ssyncadd.s32 $0xFFFFF800  }
0x10a: {  	[spmem:s2] =	stream.indirect.scatter.add.f32 [tilespmem:s15], [sflag:$0x9], $0x10, s11, s14, $0xb8;
	[tilespmem:$0xB620] =	vst v63  }
0x10b: {  	_ =	swait.ge [sflag:s24], $0x800  }
0x10c: {  	[sflag:s24] =	ssyncset.done $0x0  }
0x10d: {  	s12 =	simm.s32 $0x4B90;
	[sflag:s24] =	ssyncadd.s32 $0xFFFFF800  }
0x10e: {  	[spmem:s2] =	stream.indirect.scatter.add.f32 [tilespmem:s16], [sflag:$0xA], $0x10, s12, s14, $0xb8;
	[tilespmem:$0xB620] =	vst v63  }
0x10f: {  	_ =	swait.ge [sflag:s25], $0x800  }
0x110: {  	[sflag:s25] =	ssyncset.done $0x0  }
0x111: {  	s10 =	simm.s32 $0x4C10;
	[sflag:s25] =	ssyncadd.s32 $0xFFFFF800  }
0x112: {  	[spmem:s2] =	stream.indirect.scatter.add.f32 [tilespmem:s17], [sflag:$0xB], $0x10, s10, s14, $0xb8;
	[tilespmem:$0xB620] =	vst v63  }
0x113: {  	_ =	swait.ge [sflag:s26], $0x800  }
0x114: {  	[sflag:s26] =	ssyncset.done $0x0  }
0x115: {  	s11 =	simm.s32 $0x4C90;
	[sflag:s26] =	ssyncadd.s32 $0xFFFFF800  }
0x116: {  	[spmem:s2] =	stream.indirect.scatter.add.f32 [tilespmem:s18], [sflag:$0xC], $0x10, s11, s14, $0xb8;
	[tilespmem:$0xB620] =	vst v63  }
0x117: {  	_ =	swait.ge [sflag:s28], $0x800  }
0x118: {  	[sflag:s28] =	ssyncset.done $0x0  }
0x119: {  	s12 =	simm.s32 $0x4D10;
	[sflag:s28] =	ssyncadd.s32 $0xFFFFF800  }
0x11a: {  	[spmem:s2] =	stream.indirect.scatter.add.f32 [tilespmem:s19], [sflag:$0xD], $0x10, s12, s14, $0xb8;
	[tilespmem:$0xB620] =	vst v63  }
0x11b: {  	_ =	swait.ge [sflag:s29], $0x800  }
0x11c: {  	[sflag:s29] =	ssyncset.done $0x0  }
0x11d: {  	s10 =	simm.s32 $0x4D90;
	[sflag:s29] =	ssyncadd.s32 $0xFFFFF800  }
0x11e: {  	[spmem:s2] =	stream.indirect.scatter.add.f32 [tilespmem:s20], [sflag:$0xE], $0x10, s10, s14, $0xb8;
	[tilespmem:$0xB620] =	vst v63  }
0x11f: {  	_ =	swait.ge [sflag:s1], $0x800  }
0x120: {  	[sflag:s1] =	ssyncset.done $0x0  }
0x121: {  	[sflag:s1] =	ssyncadd.s32 $0xFFFFF800  }
0x122: {  	_ =	swait.ge [sflag:s0], $0x800  }
0x123: {  	[sflag:s0] =	ssyncset.done $0x0  }
0x124: {  	[sflag:s0] =	ssyncadd.s32 $0xFFFFF800  }
0x125: {  	_ =	swait.ge [sflag:s13], $0x800  }
0x126: {  	[sflag:s13] =	ssyncset.done $0x0  }
0x127: {  	[sflag:s13] =	ssyncadd.s32 $0xFFFFF800  }
0x128: {  	_ =	swait.ge [sflag:s3], $0x800  }
0x129: {  	[sflag:s3] =	ssyncset.done $0x0  }
0x12a: {  	[sflag:s3] =	ssyncadd.s32 $0xFFFFF800  }
0x12b: {  	_ =	swait.ge [sflag:s5], $0x800  }
0x12c: {  	[sflag:s5] =	ssyncset.done $0x0  }
0x12d: {  	[sflag:s5] =	ssyncadd.s32 $0xFFFFF800  }
0x12e: {  	_ =	swait.ge [sflag:s7], $0x800  }
0x12f: {  	[sflag:s7] =	ssyncset.done $0x0  }
0x130: {  	s11 =	simm.s32 $0x2700;
	[sflag:s7] =	ssyncadd.s32 $0xFFFFF800  }
0x131: {  	[tilespmem:s15], [sflag:$0x1] =	stream.indirect.gather [hbm4b:s4+s9], $0x10, s11, s9, $0xb8;
	[tilespmem:$0xB620] =	vst v63  }
0x132: {  	_ =	swait.ge [sflag:s23], $0x100  }
0x133: {  	[sflag:s23] =	ssyncset.done $0x0  }
0x134: {  	s12 =	simm.s32 $0x4E10;
	[sflag:s23] =	ssyncadd.s32 $0xFFFFFF00  }
0x135: {  	[spmem:s2] =	stream.indirect.scatter.add.f32 [tilespmem:s15], [sflag:$0x11], $0x10, s12, s9, $0xb8;
	[tilespmem:$0xB620] =	vst v63  }
0x136: {  	s12 =	simm.s32 $0x11  }
0x137: {  	_ =	swait.ge [sflag:s12], $0x100  }
0x138: {  	[sflag:s12] =	ssyncset.done $0x0  }
0x139: {  	[sflag:s12] =	ssyncadd.s32 $0xFFFFFF00  }
0x13a: {  	[bflag:$0x0] =	sbarrier.arrive $0xFFFF  }
0x13b: {  	s10 =	rddreg [dreg:$0x4]  }
0x13c: {  	s6 =	rddreg [dreg:$0x7]  }
0x13d: {  	s11 =	rddreg [dreg:$0x9]  }
0x13e: {  	[hbm:s6], [sflag:s10] =	dma.local [spmem:s11], $0x500  }
0x13f: {  	_ =	swait.ge [sflag:s12], $0x500  }
0x140: {  	s6 =	rddreg [dreg:$0xa]  }
0x141: {  	s10 =	sadd.s32 $0x1, s6;
	s6 =	rddreg [dreg:$0x8]  }
0x142: {  	p0 =	sne.s32 s10, s6  }
.Ltmp1:
0x143: {  	_ = 	snop;
	(pc) =	sbr.rel @p0 .LBB2_1-.Ltmp1, $3  }
0x144: {  	_ =	sdelay $0x1  }
0x145: {  	[sflag:s12] =	ssyncset.done $0x0;
	[dreg:$0xa] =	wrdreg s10  }
0x146: {  	[sflag:s12] =	ssyncadd.s32 $0xFFFFFB00;
	s10 =	rddreg [dreg:$0x4]  }
0x147: {  	_ =	sfence.sel $0x180000  }
0x148: {  	[bflag:$0x0] =	sbarrier.arrive $0xFFFF  }
0x149: {  	_ =	strace $0x9000004A  }
0x14a: {  	s0 =	stileid.u32;
	[bflag:$0x2] =	sbarrier.arrive $0xFFFF  }
0x14b: {  	p0 =	sne.s32 s0, $0x0;
	s0 =	rddreg [dreg:$0x2]  }
0x14c: {  	s0 =	sadd.s32 @!p0 $0x100000, s0  }
0x14d: {  	[sflag:s0] =	ssyncadd.tile.s32 @!p0 $0x1;
	_ =	shalt  }
.Lfunc_end2:
_tile_overlayer_lowered:
.L_overlay_start_2:
0x14e: {  	(tag) =	ssettag $0x2  }
0x14f: {  	s0 =	rddreg [dreg:$0x0];
	s2 =	stileid.u32  }
0x150: {  	s1 =	rddreg [dreg:$0x1];
	p0 =	sne.s32 s2, $0x0  }
0x151: {  	s3 =	rddreg [dreg:$0x2];
	[bflag:$0x3] =	sbarrier.arrive $0xFFFF;
	s2 =	simm.s32 @!p0 $0x1C11  }
0x152: {  	[timem:s3], [sflag:s2] =	dma.local @!p0 [hbm:s0], s1  }
0x153: {  	s0 =	simm.s32 @!p0 $0x11  }
0x154: {  	_ =	swait.ge @!p0 [sflag:s0], s1  }
0x155: {  	s1 =	ssub.s32 @!p0 $0x0, s1;
	[sflag:s0] =	ssyncset.done @!p0 $0x0  }
0x156: {  	[sflag:s0] =	ssyncadd.s32 @!p0 s1  }
0x157: {  	[bflag:$0x3] =	sbarrier.arrive $0xFFFF  }
0x158: {  	_ =	shalt  }

// kernel: kernel.15.cloned.1.call-start
scs
__scs_entry_jumppad:
0x0: {  	(pc) =	sbr.rel $0x88, $3  }
0x1: {  	(tag) =	ssettag $0x0;
	lr =	simm.s32 $0x1  }
0x2: {  	[smem:$0x3F96] =	sst lr;
	_ =	strace $0xD0000000  }
0x3: {  	_ = 	snop  }
0x4: {  	_ = 	snop  }
0x5: {  	_ = 	snop  }
0x6: {  	_ = 	snop  }
0x7: {  	_ = 	snop  }
__scs_overlays_trampoline_lowered:
0x8: {  	[smem:$0x3FA5] =	sst s0  }
0x9: {  	[smem:$0x3FA6] =	sst s1  }
0xa: {  	[smem:$0x3FA7] =	sst s2  }
0xb: {  	[smem:$0x3FA8] =	sst s3  }
0xc: {  	[smem:$0x3FA9] =	sst s4  }
0xd: {  	[smem:$0x3FAA] =	sst s5  }
0xe: {  	[smem:$0x3FAB] =	sst s6  }
0xf: {  	[smem:$0x3FAC] =	sst s7  }
0x10: {  	[smem:$0x3FAD] =	sst s8  }
0x11: {  	[smem:$0x3FAE] =	sst s9;
	s0 =	simm.s32 @!p0 $0x0  }
0x12: {  	s1 =	sld [smem:$0x3F94];
	s0 =	simm.s32 @p0 $0x1  }
0x13: {  	[smem:$0x3FAF] =	sst s0;
	s0 =	simm.s32 @!p1 $0x0  }
0x14: {  	s2 =	sld [smem:$0x3F93];
	s0 =	simm.s32 @p1 $0x1  }
0x15: {  	[smem:$0x3FB0] =	sst s0;
	s0 =	simm.s32 @!p2 $0x0  }
0x16: {  	s3 =	sld [smem:$0x3FDB];
	s0 =	simm.s32 @p2 $0x1  }
0x17: {  	s4 =	simm.s32 $0x1BF5;
	[smem:$0x3FB2] =	sst s0  }
0x18: {  	s0 =	sld [smem:$0x3F95];
	_ =	swait.ge [sflag:s4], $0x0  }
0x19: {  	s7 =	sld [smem:$0x3F96]  }
0x1a: {  	s8 =	sadd.s32 $0xFFFFE003, lr  }
0x1b: {  	s9 =	sadd.s32 $0xFFFFFEF7, lr;
	s5 =	simm.s32 $0xFFFFFFFF;
	p2 =	slt.u32 s8, $0xFFFFF086  }
0x1c: {  	p1 =	slt.u32 s9, $0xF7A;
	s5 =	simm.s32 @!p2 $0x0  }
0x1d: {  	s5 =	simm.s32 @p1 $0x1;
	p0 =	seq.s32 s7, s2  }
0x1e: {  	s7 =	smul.u32 @!p0 $0xF7A, s2;
	p2 =	seq.s32 @!p0 s5, $0x0  }
0x1f: {  	s9 =	smul.u32 $0xF7A, s1;
	s8 =	simm.s32 @!p0 $0x1BF5;
	p2 =	por !p2, p0  }
0x20: {  	[sflag:s8] =	ssyncset.s32 @!p0 $0xFFFFF086;
	s6 =	sadd.s32 @!p0 s3, s7;
	s7 =	simm.s32 @!p0 $0x108  }
0x21: {  	s3 =	sadd.s32 s3, s9;
	s6 =	sadd.s32 @!p0 $0x88, s6;
	s7 =	simm.s32 @p2 $0x1082  }
0x22: {  	[simem:s7], [sflag:s8] =	dma.local @!p0 [hbm:s6], $0xF7A  }
0x23: {  	s9 =	sor.u32 $0xD0000000, s2;
	s6 =	simm.s32 $0x108;
	_ =	swait.ge @!p0 [sflag:s8], $0x0  }
0x24: {  	s3 =	sadd.s32 $0x88, s3;
	s6 =	simm.s32 @!p1 $0x1082;
	[sflag:s4] =	ssyncset.s32 $0xFFFFF086  }
0x25: {  	[simem:s6], [sflag:s4] =	dma.local [hbm:s3], $0xF7A  }
0x26: {  	[smem:$0x3F96] =	sst s1;
	(tag) =	ssettag s2;
	_ =	strace s9  }
0x27: {  	s1 =	sld [smem:$0x3FA6]  }
0x28: {  	s2 =	sld [smem:$0x3FA7]  }
0x29: {  	s4 =	sld [smem:$0x3FA9]  }
0x2a: {  	p0 =	seq.s32 s5, $0x0;
	s5 =	sld [smem:$0x3FAA]  }
0x2b: {  	s6 =	sld [smem:$0x3FAB]  }
0x2c: {  	s7 =	sld [smem:$0x3FAC]  }
0x2d: {  	s3 =	simm.s32 $0x108;
	s8 =	sld [smem:$0x3FAD]  }
0x2e: {  	s3 =	simm.s32 @!p0 $0x1082;
	s9 =	sld [smem:$0x3FAE]  }
0x2f: {  	lr =	sadd.s32 s0, s3;
	s0 =	sld [smem:$0x3FA5]  }
0x30: {  	s3 =	sld [smem:$0x3FA8]  }
0x31: {  	[smem:$0x3FB1] =	sst s10  }
0x32: {  	s10 =	sld [smem:$0x3FAF];
	_ =	sdelay $0x3  }
0x33: {  	p0 =	seq.s32 s10, $0x1;
	s10 =	sld [smem:$0x3FB1];
	_ =	sdelay $0x3  }
0x34: {  	[smem:$0x3FB1] =	sst s10  }
0x35: {  	s10 =	sld [smem:$0x3FB0];
	_ =	sdelay $0x3  }
0x36: {  	p1 =	seq.s32 s10, $0x1;
	s10 =	sld [smem:$0x3FB1];
	_ =	sdelay $0x3  }
0x37: {  	[smem:$0x3FB1] =	sst s10  }
0x38: {  	s10 =	sld [smem:$0x3FB2]  }
0x39: {  	_ = 	snop;
	(pc) =	sbr.ind lr, $3  }
0x3a: {  	_ = 	snop  }
0x3b: {  	_ = 	snop  }
0x3c: {  	p2 =	seq.s32 s10, $0x1;
	s10 =	sld [smem:$0x3FB1]  }
0x3d: {  	_ =	shalt  }
0x3e: {  	_ =	shalt  }
0x3f: {  	_ =	shalt  }
0x40: {  	_ =	shalt  }
0x41: {  	_ =	shalt  }
0x42: {  	_ =	shalt  }
0x43: {  	_ =	shalt  }
0x44: {  	_ =	shalt  }
0x45: {  	_ =	shalt  }
0x46: {  	_ =	shalt  }
0x47: {  	_ =	shalt  }
0x48: {  	_ =	shalt  }
0x49: {  	_ =	shalt  }
0x4a: {  	_ =	shalt  }
0x4b: {  	_ =	shalt  }
0x4c: {  	_ =	shalt  }
0x4d: {  	_ =	shalt  }
0x4e: {  	_ =	shalt  }
0x4f: {  	_ =	shalt  }
0x50: {  	_ =	shalt  }
0x51: {  	_ =	shalt  }
0x52: {  	_ =	shalt  }
0x53: {  	_ =	shalt  }
0x54: {  	_ =	shalt  }
0x55: {  	_ =	shalt  }
0x56: {  	_ =	shalt  }
0x57: {  	_ =	shalt  }
0x58: {  	_ =	shalt  }
0x59: {  	_ =	shalt  }
0x5a: {  	_ =	shalt  }
0x5b: {  	_ =	shalt  }
0x5c: {  	_ =	shalt  }
0x5d: {  	_ =	shalt  }
0x5e: {  	_ =	shalt  }
0x5f: {  	_ =	shalt  }
0x60: {  	_ =	shalt  }
0x61: {  	_ =	shalt  }
0x62: {  	_ =	shalt  }
0x63: {  	_ =	shalt  }
0x64: {  	_ =	shalt  }
0x65: {  	_ =	shalt  }
0x66: {  	_ =	shalt  }
0x67: {  	_ =	shalt  }
0x68: {  	_ =	shalt  }
0x69: {  	_ =	shalt  }
0x6a: {  	_ =	shalt  }
0x6b: {  	_ =	shalt  }
0x6c: {  	_ =	shalt  }
0x6d: {  	_ =	shalt  }
0x6e: {  	_ =	shalt  }
0x6f: {  	_ =	shalt  }
0x70: {  	_ =	shalt  }
0x71: {  	_ =	shalt  }
0x72: {  	_ =	shalt  }
0x73: {  	_ =	shalt  }
0x74: {  	_ =	shalt  }
0x75: {  	_ =	shalt  }
0x76: {  	_ =	shalt  }
0x77: {  	_ =	shalt  }
0x78: {  	_ =	shalt  }
0x79: {  	_ =	shalt  }
0x7a: {  	_ =	shalt  }
0x7b: {  	_ =	shalt  }
0x7c: {  	_ =	shalt  }
0x7d: {  	_ =	shalt  }
0x7e: {  	_ =	shalt  }
0x7f: {  	_ =	shalt  }
0x80: {  	_ =	shalt  }
0x81: {  	_ =	shalt  }
0x82: {  	_ =	shalt  }
0x83: {  	_ =	shalt  }
0x84: {  	_ =	shalt  }
0x85: {  	_ =	shalt  }
0x86: {  	_ =	shalt  }
0x87: {  	_ =	shalt  }
.Lfunc_end0:
.L_simem_size_0:
called_computation.2_lowered:
.L_overlay_start_0:
0x88: {  	s2 =	sld [smem:$0x3FD9]  }
0x89: {  	s3 =	sld [smem:$0x3FFE];
	_ =	sdelay $0x1  }
0x8a: {  	s1 =	srdreg.scid  }
0x8b: {  	s0 =	sand.u32 $0x1, s1  }
0x8c: {  	s17 =	sshll.u32 s0, $0xA;
	s2 =	sadd.s32 s3, s2  }
0x8d: {  	s2 =	sadd.s32 s2, s17  }
0x8e: {  	[smem:$0x3FBD] =	sst s2  }
0x8f: {  	_ = 	snop  }
0x90: {  	s2 =	sld [smem:$0x3FC3];
	(tm) =	ssettm $0x1  }
0x91: {  	s18 =	sld [smem:$0x3FFB];
	_ =	sdelay $0x3  }
0x92: {  	_ =	strace s18  }
0x93: {  	s3 =	sld [smem:$0x3FFC];
	_ =	sdelay $0x3  }
0x94: {  	_ =	strace s3  }
0x95: {  	s3 =	sld [smem:$0x3FFD];
	_ =	sdelay $0x3  }
0x96: {  	_ =	strace s3  }
0x97: {  	_ =	strace $0x8FFFFFFF  }
0x98: {  	s19 =	sld [smem:$0x3FDB];
	_ =	sdelay $0x1  }
0x99: {  	s4 =	simm.s32 $_scs_section_size  }
0x9a: {  	s5 =	simm.s32 $_size__tile_overlayer_lowered;
	s6 =	simm.s32 $_tile_overlayer_lowered  }
0x9b: {  	s22 =	simm.s32 $0x1BFF;
	s21 =	sshll.u32 s6, $0x1;
	s3 =	sadd.s32 s4, s19  }
0x9c: {  	s7 =	simm.s32 $0x0;
	s20 =	sshll.u32 s5, $0x1;
	s5 =	sadd.s32 s21, s3  }
0x9d: {  	[timem:s7], [sflag:s22] =	dma.local [hbm:s5], s20  }
0x9e: {  	_ =	swait.ge [sflag:s22], s20  }
0x9f: {  	s4 =	ssub.s32 $0x0, s20;
	[sflag:s22] =	ssyncset.done $0x0  }
0xa0: {  	[sflag:s22] =	ssyncadd.s32 s4;
	_ =	sdelay $0x1  }
0xa1: {  	s23 =	simm.s32 $0x1B8B  }
0xa2: {  	_ =	swait.ge [sflag:s23], $0x1  }
0xa3: {  	[sflag:s23] =	ssyncset.done $0x0  }
0xa4: {  	s25 =	simm.s32 $0x1B8E;
	s24 =	sld [smem:$0x3FFE];
	[sflag:s23] =	ssyncadd.s32 $0xFFFFFFFF  }
0xa5: {  	s26 =	simm.s32 $execute0_lowered;
	[smem:$0x3FD2] =	sst s25  }
0xa6: {  	s5 =	sshll.u32 s26, $0x1;
	_ =	strace $0x8000004C;
	[dreg:$0x1] =	wrdreg $0xFFFFFFFF  }
0xa7: {  	s28 =	simm.s32 $_size_execute0_lowered;
	s3 =	sadd.s32 s3, s5;
	[dreg:$0x0] =	wrdreg $0x0  }
0xa8: {  	s5 =	sshll.u32 s28, $0x1;
	[dreg:$0x2] =	wrdreg s3  }
0xa9: {  	[dreg:$0x3] =	wrdreg s5  }
0xaa: {  	[dreg:$0x4] =	wrdreg $0xC0  }
0xab: {  	_ =	task [dreg:s7], $0x5FFFF  }
0xac: {  	[dreg:$0x1] =	wrdreg $0xFFFFFFFF  }
0xad: {  	[dreg:$0x0] =	wrdreg $0x60  }
0xae: {  	[dreg:$0x2] =	wrdreg s24  }
0xaf: {  	[dreg:$0x3] =	wrdreg s2  }
0xb0: {  	[dreg:$0x4] =	wrdreg $0x8E200  }
0xb1: {  	[dreg:$0x5] =	wrdreg $0x9  }
0xb2: {  	_ =	task.clear_ibuf [dreg:s7], $0x6FFFF;
	_ =	strace $0x9000004C  }
0xb3: {  	s29 =	simm.s32 $0x9;
	_ =	strace $0x8000004E  }
0xb4: {  	_ =	swait.ge [sflag:s29], $0x1  }
0xb5: {  	[sflag:s29] =	ssyncadd.s32 $0xFFFFFFFF  }
0xb6: {  	_ =	strace $0x9000004E  }
0xb7: {  	_ =	sfence  }
0xb8: {  	s30 =	sld [smem:$0x0];
	_ =	sdelay $0x2  }
0xb9: {  	s31 =	sshll.u32 s1, $0xD;
	s1 =	sshrl.u32 s1, $0x2  }
0xba: {  	s3 =	sand.u32 $0x4000, s31;
	s1 =	sadd.s32 s1, s30  }
0xbb: {  	s0 =	sor.u32 s3, s0;
	s1 =	sshll.u32 s1, $0x11  }
0xbc: {  	s0 =	sor.u32 s1, s0  }
0xbd: {  	s0 =	sadd.s32 $0x8F2B, s0  }
0xbe: {  	[sflag:s0] =	ssyncadd.remote.s32 $0x1  }
0xbf: {  	_ =	sfence.sel $0xFFFF  }
0xc0: {  	[dreg:$0x0] =	wrdreg $0xFFFFFFFF;
	(pc) =	sbr.abs _section_cstart, $3  }
0xc1: {  	[dreg:$0x1] =	wrdreg $0xFFFFFFFF  }
0xc2: {  	_ =	task.clear_ibuf [dreg:s7], $0x2FFFF;
	_ =	strace $0x9FFFFFFF  }
0xc3: {  	(tm) =	ssettm $0x7FFFFFFF  }
tec
execute0_lowered:
.L_overlay_start_1:
0x0: {  	(tag) =	ssettag $0x1  }
0x1: {  	s0 =	srdreg.scid  }
0x2: {  	s1 =	rddreg [dreg:$0x0];
	s9 =	stileid.u32  }
0x3: {  	s3 =	rddreg [dreg:$0x2];
	s23 =	simm.s32 $0x0;
	s30 =	simm.s32 $0x1  }
0x4: {  	s31 =	simm.s32 $0x2;
	s11 =	simm.s32 $0xB;
	s12 =	simm.s32 $0xC  }
0x5: {  	s13 =	simm.s32 $0xD;
	s14 =	simm.s32 $0xE;
	s10 =	simm.s32 $0x0  }
0x6: {  	s28 =	simm.s32 $0x6E20;
	s29 =	simm.s32 $0x7620;
	s0 =	sand.u32 $0x1, s0  }
0x7: {  	[smem:$0x7FF] =	sst s23;
	s6 =	smul.u32 $0x50, s9;
	s5 =	sadd.s32 $0x16E00, s1  }
0x8: {  	s7 =	sadd.s32 $0x16200, s1;
	s15 =	sadd.s32 $0x1BE00, s1;
	s8 =	smul.u32 $0x2800, s9  }
0x9: {  	s2 =	sshll.u32 s0, $0x4;
	_ =	strace $0x8000004D;
	[dreg:$0x4] =	wrdreg s7  }
0xa: {  	[dreg:$0x5] =	wrdreg s15;
	s16 =	ssub.s32 $0x2, s0;
	p0 =	seq.s32 s0, $0x0  }
0xb: {  	s0 =	simm.s32 $0x3;
	s7 =	simm.s32 $0x8;
	s15 =	simm.s32 $0xF  }
0xc: {  	s2 =	sor.u32 s9, s2;
	s9 =	sshll.u32 s9, $0x6;
	s18 =	sadd.s32 s8, s3  }
0xd: {  	s6 =	sadd.s32 s6, s1;
	s9 =	sor.u32 $0x1C11, s9;
	[dreg:$0x6] =	wrdreg s18  }
0xe: {  	s17 =	sshrl.u32 s16, $0x1;
	s21 =	sadd.s32 $0x16800, s6;
	[dreg:$0x7] =	wrdreg s9  }
0xf: {  	s20 =	sshrl.u32 s8, $0x3;
	s22 =	sadd.s32 $0x25E00, s6;
	[dreg:$0xb] =	wrdreg s21  }
0x10: {  	s4 =	smul.u32 $0x2710, s2;
	s26 =	sshrl.u32 s18, $0x3;
	[dreg:$0xc] =	wrdreg s22  }
0x11: {  	s2 =	smul.u32 $0x110, s2;
	s6 =	simm.s32 $0x7;
	[dreg:$0xf] =	wrdreg s26  }
0x12: {  	s21 =	simm.s32 $0x4E20;
	s26 =	simm.s32 $0x7620;
	s4 =	sshrl.u32 s4, $0x3  }
0x13: {  	s9 =	simm.s32 $0x9;
	s4 =	sadd.s32 s4, s1;
	s1 =	sadd.s32 s2, s1  }
0x14: {  	s2 =	ssub.s32 s16, s17;
	s16 =	simm.s32 $0x10;
	s19 =	sadd.s32 $0x2800, s4  }
0x15: {  	s17 =	simm.s32 $0x10B30;
	s4 =	sadd.s32 $0xC440, s4;
	[dreg:$0x8] =	wrdreg s19  }
0x16: {  	s24 =	sadd.s32 $0x1C000, s1;
	s25 =	smax.u32 s2, $0x1;
	[dreg:$0x9] =	wrdreg s4  }
0x17: {  	s1 =	simm.s32 $0x4;
	s4 =	sadd.s32 s5, s20;
	[dreg:$0xd] =	wrdreg s24  }
0x18: {  	s2 =	simm.s32 $0x5;
	[dreg:$0xa] =	wrdreg s4;
	s4 =	simm.f32 $1.000000000e+00  }
0x19: {  	[dreg:$0xe] =	wrdreg s25;
	s20 =	simm.s32 $0x80;
	s4 =	simm.s32 @!p0 $0x0  }
0x1a: {  	v1 =	vlaneseq.u32;
	s19 =	simm.s32 $0x6;
	s24 =	simm.s32 $0x5E20;
	s25 =	simm.s32 $0x6620;
	v0 =	vmov s4  }
.LBB2_1:
0x1b: {  	[dreg:$0x10] =	wrdreg s10  }
0x1c: {  	s4 =	rddreg [dreg:$0x4]  }
0x1d: {  	s8 =	rddreg [dreg:$0x7]  }
0x1e: {  	s18 =	simm.s32 $0x11;
	s22 =	rddreg [dreg:$0xf]  }
0x1f: {  	[spmem:s22], [sflag:s8] =	dma.local [hbm:s4], $0x500  }
0x20: {  	_ =	swait.ge [sflag:s18], $0x500  }
0x21: {  	[sflag:s18] =	ssyncset.done $0x0  }
0x22: {  	s8 =	rddreg [dreg:$0x8];
	[sflag:s18] =	ssyncadd.s32 $0xFFFFFB00  }
0x23: {  	[tilespmem:s23], [sflag:$0x11] =	stream.linear.gather [hbm4b:s8+s23], $0x2710, $0x38;
	[tilespmem:$0x113B0] =	vst v63  }
0x24: {  	_ =	swait.ge [sflag:s18], $0x2710  }
0x25: {  	[sflag:s18] =	ssyncset.done $0x0  }
0x26: {  	s22 =	simm.s32 $0x2710;
	s10 =	rddreg [dreg:$0x9];
	[sflag:s18] =	ssyncadd.s32 $0xFFFFD8F0  }
0x27: {  	[tilespmem:s22], [sflag:$0x11] =	stream.linear.gather [hbm4b:s10+s23], $0x2710, $0x38;
	[tilespmem:$0x113B0] =	vst v63  }
0x28: {  	_ =	swait.ge [sflag:s18], $0x2710  }
0x29: {  	[sflag:s18] =	ssyncset.done $0x0  }
0x2a: {  	[sflag:s18] =	ssyncadd.s32 $0xFFFFD8F0  }
0x2b: {  	s23 =	simm.s32 $0x0;
	[bflag:$0x0] =	sbarrier.arrive $0xFFFF  }
0x2c: {  	[tilespmem:s21], [sflag:$0x1] =	stream.indirect.gather [hbm4b:s5+s20], $0x10, s23, s20, $0xb8;
	[tilespmem:$0x113B0] =	vst v63  }
0x2d: {  	s8 =	simm.s32 $0x80;
	s21 =	simm.s32 $0x5620  }
0x2e: {  	[tilespmem:s21], [sflag:$0x2] =	stream.indirect.gather [hbm4b:s5+s20], $0x10, s8, s20, $0xb8;
	[tilespmem:$0x113B0] =	vst v63  }
0x2f: {  	s10 =	simm.s32 $0x100  }
0x30: {  	[tilespmem:s24], [sflag:$0x3] =	stream.indirect.gather [hbm4b:s5+s20], $0x10, s10, s20, $0xb8;
	[tilespmem:$0x113B0] =	vst v63  }
0x31: {  	s18 =	simm.s32 $0x180  }
0x32: {  	[tilespmem:s25], [sflag:$0x4] =	stream.indirect.gather [hbm4b:s5+s20], $0x10, s18, s20, $0xb8;
	[tilespmem:$0x113B0] =	vst v63  }
0x33: {  	s22 =	simm.s32 $0x200  }
0x34: {  	[tilespmem:s28], [sflag:$0x5] =	stream.indirect.gather [hbm4b:s5+s20], $0x10, s22, s20, $0xb8;
	[tilespmem:$0x113B0] =	vst v63  }
0x35: {  	s8 =	simm.s32 $0x280  }
0x36: {  	[tilespmem:s26], [sflag:$0x6] =	stream.indirect.gather [hbm4b:s5+s20], $0x10, s8, s20, $0xb8;
	[tilespmem:$0x113B0] =	vst v63  }
0x37: {  	s10 =	simm.s32 $0x300;
	s26 =	simm.s32 $0x7E20  }
0x38: {  	[tilespmem:s26], [sflag:$0x7] =	stream.indirect.gather [hbm4b:s5+s20], $0x10, s10, s20, $0xb8;
	[tilespmem:$0x113B0] =	vst v63  }
0x39: {  	s18 =	simm.s32 $0x380;
	s8 =	simm.s32 $0x8620  }
0x3a: {  	[tilespmem:s8], [sflag:$0x8] =	stream.indirect.gather [hbm4b:s5+s20], $0x10, s18, s20, $0xb8;
	[tilespmem:$0x113B0] =	vst v63  }
0x3b: {  	_ =	swait.ge [sflag:s30], $0x800  }
0x3c: {  	[sflag:s30] =	ssyncset.done $0x0  }
0x3d: {  	s23 =	simm.s32 $0x4E20;
	s22 =	simm.s32 $0x2710;
	[sflag:s30] =	ssyncadd.s32 $0xFFFFF800  }
0x3e: {  	[spmem:s3] =	stream.indirect.scatter.add.f32 [tilespmem:s23], [sflag:$0x9], $0x10, s22, s20, $0xb8;
	[tilespmem:$0x113B0] =	vst v63  }
0x3f: {  	_ =	swait.ge [sflag:s31], $0x800  }
0x40: {  	[sflag:s31] =	ssyncset.done $0x0  }
0x41: {  	[sflag:s31] =	ssyncadd.s32 $0xFFFFF800;
	s31 =	simm.s32 $0x2790  }
0x42: {  	[spmem:s3] =	stream.indirect.scatter.add.f32 [tilespmem:s21], [sflag:$0xA], $0x10, s31, s20, $0xb8;
	[tilespmem:$0x113B0] =	vst v63  }
0x43: {  	_ =	swait.ge [sflag:s0], $0x800  }
0x44: {  	[sflag:s0] =	ssyncset.done $0x0  }
0x45: {  	[sflag:s0] =	ssyncadd.s32 $0xFFFFF800;
	s0 =	simm.s32 $0x2810  }
0x46: {  	[spmem:s3] =	stream.indirect.scatter.add.f32 [tilespmem:s24], [sflag:$0xB], $0x10, s0, s20, $0xb8;
	[tilespmem:$0x113B0] =	vst v63  }
0x47: {  	_ =	swait.ge [sflag:s1], $0x800  }
0x48: {  	[sflag:s1] =	ssyncset.done $0x0  }
0x49: {  	[sflag:s1] =	ssyncadd.s32 $0xFFFFF800;
	s1 =	simm.s32 $0x2890  }
0x4a: {  	[spmem:s3] =	stream.indirect.scatter.add.f32 [tilespmem:s25], [sflag:$0xC], $0x10, s1, s20, $0xb8;
	[tilespmem:$0x113B0] =	vst v63  }
0x4b: {  	_ =	swait.ge [sflag:s2], $0x800  }
0x4c: {  	[sflag:s2] =	ssyncset.done $0x0  }
0x4d: {  	s10 =	simm.s32 $0x2910;
	[sflag:s2] =	ssyncadd.s32 $0xFFFFF800  }
0x4e: {  	[spmem:s3] =	stream.indirect.scatter.add.f32 [tilespmem:s28], [sflag:$0xD], $0x10, s10, s20, $0xb8;
	[tilespmem:$0x113B0] =	vst v63  }
0x4f: {  	_ =	swait.ge [sflag:s19], $0x800  }
0x50: {  	[sflag:s19] =	ssyncset.done $0x0  }
0x51: {  	s18 =	simm.s32 $0x2990;
	[sflag:s19] =	ssyncadd.s32 $0xFFFFF800  }
0x52: {  	[spmem:s3] =	stream.indirect.scatter.add.f32 [tilespmem:s29], [sflag:$0xE], $0x10, s18, s20, $0xb8;
	[tilespmem:$0x113B0] =	vst v63  }
0x53: {  	_ =	swait.ge [sflag:s6], $0x800  }
0x54: {  	[sflag:s6] =	ssyncset.done $0x0  }
0x55: {  	s19 =	simm.s32 $0x2A10;
	[sflag:s6] =	ssyncadd.s32 $0xFFFFF800  }
0x56: {  	[spmem:s3] =	stream.indirect.scatter.add.f32 [tilespmem:s26], [sflag:$0xF], $0x10, s19, s20, $0xb8;
	[tilespmem:$0x113B0] =	vst v63  }
0x57: {  	_ =	swait.ge [sflag:s7], $0x800  }
0x58: {  	[sflag:s7] =	ssyncset.done $0x0  }
0x59: {  	s22 =	simm.s32 $0x2A90;
	[sflag:s7] =	ssyncadd.s32 $0xFFFFF800  }
0x5a: {  	[spmem:s3] =	stream.indirect.scatter.add.f32 [tilespmem:s8], [sflag:$0x10], $0x10, s22, s20, $0xb8;
	[tilespmem:$0x113B0] =	vst v63  }
0x5b: {  	_ =	swait.ge [sflag:s9], $0x800  }
0x5c: {  	[sflag:s9] =	ssyncset.done $0x0  }
0x5d: {  	s31 =	simm.s32 $0xA;
	[sflag:s9] =	ssyncadd.s32 $0xFFFFF800  }
0x5e: {  	_ =	swait.ge [sflag:s31], $0x800  }
0x5f: {  	[sflag:s31] =	ssyncset.done $0x0  }
0x60: {  	[sflag:s31] =	ssyncadd.s32 $0xFFFFF800  }
0x61: {  	_ =	swait.ge [sflag:s11], $0x800  }
0x62: {  	[sflag:s11] =	ssyncset.done $0x0  }
0x63: {  	[sflag:s11] =	ssyncadd.s32 $0xFFFFF800  }
0x64: {  	_ =	swait.ge [sflag:s12], $0x800  }
0x65: {  	[sflag:s12] =	ssyncset.done $0x0  }
0x66: {  	[sflag:s12] =	ssyncadd.s32 $0xFFFFF800  }
0x67: {  	_ =	swait.ge [sflag:s13], $0x800  }
0x68: {  	[sflag:s13] =	ssyncset.done $0x0  }
0x69: {  	[sflag:s13] =	ssyncadd.s32 $0xFFFFF800  }
0x6a: {  	_ =	swait.ge [sflag:s14], $0x800  }
0x6b: {  	[sflag:s14] =	ssyncset.done $0x0  }
0x6c: {  	s4 =	simm.s32 $0x1000;
	[sflag:s14] =	ssyncadd.s32 $0xFFFFF800  }
0x6d: {  	s30 =	simm.s32 $0x2;
	s0 =	simm.s32 $0x3;
	_ =	swait.ge [sflag:s15], $0x800  }
0x6e: {  	s1 =	simm.s32 $0x1;
	s2 =	simm.s32 $0x4;
	[sflag:s15] =	ssyncset.done $0x0  }
0x6f: {  	s10 =	simm.s32 $0x9;
	s6 =	simm.s32 $0x5;
	[sflag:s15] =	ssyncadd.s32 $0xFFFFF800  }
0x70: {  	s19 =	simm.s32 $0x7;
	s7 =	simm.s32 $0x6;
	_ =	swait.ge [sflag:s16], $0x800  }
0x71: {  	s22 =	simm.s32 $0x2000;
	s9 =	simm.s32 $0x8;
	[sflag:s16] =	ssyncset.done $0x0  }
.LBB2_2:
0x72: {  	s31 =	simm.s32 $0x8620;
	s18 =	sshra.s32 s4, $0x2  }
0x73: {  	[sflag:s16] =	ssyncadd.s32 $0xFFFFF800;
	s4 =	smov.u32 s22;
	s8 =	sadd.s32 $0x1000, s22  }
0x74: {  	[tilespmem:s23], [sflag:$0x1] =	stream.indirect.gather [hbm4b:s5+s20], $0x10, s18, s20, $0xb8;
	[tilespmem:$0x113B0] =	vst v63  }
0x75: {  	p0 =	sne.s32 s22, $0x8000;
	s22 =	sadd.s32 $0x80, s18  }
0x76: {  	[tilespmem:s21], [sflag:$0x2] =	stream.indirect.gather [hbm4b:s5+s20], $0x10, s22, s20, $0xb8;
	[tilespmem:$0x113B0] =	vst v63  }
0x77: {  	s22 =	sadd.s32 $0x100, s18  }
0x78: {  	[tilespmem:s24], [sflag:$0x3] =	stream.indirect.gather [hbm4b:s5+s20], $0x10, s22, s20, $0xb8;
	[tilespmem:$0x113B0] =	vst v63  }
0x79: {  	s22 =	sadd.s32 $0x180, s18  }
0x7a: {  	[tilespmem:s25], [sflag:$0x4] =	stream.indirect.gather [hbm4b:s5+s20], $0x10, s22, s20, $0xb8;
	[tilespmem:$0x113B0] =	vst v63  }
0x7b: {  	s22 =	sadd.s32 $0x200, s18  }
0x7c: {  	[tilespmem:s28], [sflag:$0x5] =	stream.indirect.gather [hbm4b:s5+s20], $0x10, s22, s20, $0xb8;
	[tilespmem:$0x113B0] =	vst v63  }
0x7d: {  	s22 =	sadd.s32 $0x280, s18  }
0x7e: {  	[tilespmem:s29], [sflag:$0x6] =	stream.indirect.gather [hbm4b:s5+s20], $0x10, s22, s20, $0xb8;
	[tilespmem:$0x113B0] =	vst v63  }
0x7f: {  	s22 =	sadd.s32 $0x300, s18  }
0x80: {  	[tilespmem:s26], [sflag:$0x7] =	stream.indirect.gather [hbm4b:s5+s20], $0x10, s22, s20, $0xb8;
	[tilespmem:$0x113B0] =	vst v63  }
0x81: {  	s22 =	sadd.s32 $0x380, s18  }
0x82: {  	[tilespmem:s31], [sflag:$0x8] =	stream.indirect.gather [hbm4b:s5+s20], $0x10, s22, s20, $0xb8;
	[tilespmem:$0x113B0] =	vst v63  }
0x83: {  	_ =	swait.ge [sflag:s1], $0x800  }
0x84: {  	[sflag:s1] =	ssyncset.done $0x0  }
0x85: {  	s22 =	sadd.s32 $0x2710, s18;
	[sflag:s1] =	ssyncadd.s32 $0xFFFFF800  }
0x86: {  	[spmem:s3] =	stream.indirect.scatter.add.f32 [tilespmem:s23], [sflag:$0x9], $0x10, s22, s20, $0xb8;
	[tilespmem:$0x113B0] =	vst v63  }
0x87: {  	_ =	swait.ge [sflag:s30], $0x800  }
0x88: {  	[sflag:s30] =	ssyncset.done $0x0  }
0x89: {  	s22 =	sadd.s32 $0x2790, s18;
	[sflag:s30] =	ssyncadd.s32 $0xFFFFF800  }
0x8a: {  	[spmem:s3] =	stream.indirect.scatter.add.f32 [tilespmem:s21], [sflag:$0xA], $0x10, s22, s20, $0xb8;
	[tilespmem:$0x113B0] =	vst v63  }
0x8b: {  	_ =	swait.ge [sflag:s0], $0x800  }
0x8c: {  	[sflag:s0] =	ssyncset.done $0x0  }
0x8d: {  	s22 =	sadd.s32 $0x2810, s18;
	[sflag:s0] =	ssyncadd.s32 $0xFFFFF800  }
0x8e: {  	[spmem:s3] =	stream.indirect.scatter.add.f32 [tilespmem:s24], [sflag:$0xB], $0x10, s22, s20, $0xb8;
	[tilespmem:$0x113B0] =	vst v63  }
0x8f: {  	_ =	swait.ge [sflag:s2], $0x800  }
0x90: {  	[sflag:s2] =	ssyncset.done $0x0  }
0x91: {  	s22 =	sadd.s32 $0x2890, s18;
	[sflag:s2] =	ssyncadd.s32 $0xFFFFF800  }
0x92: {  	[spmem:s3] =	stream.indirect.scatter.add.f32 [tilespmem:s25], [sflag:$0xC], $0x10, s22, s20, $0xb8;
	[tilespmem:$0x113B0] =	vst v63  }
0x93: {  	_ =	swait.ge [sflag:s6], $0x800  }
0x94: {  	[sflag:s6] =	ssyncset.done $0x0  }
0x95: {  	s22 =	sadd.s32 $0x2910, s18;
	[sflag:s6] =	ssyncadd.s32 $0xFFFFF800  }
0x96: {  	[spmem:s3] =	stream.indirect.scatter.add.f32 [tilespmem:s28], [sflag:$0xD], $0x10, s22, s20, $0xb8;
	[tilespmem:$0x113B0] =	vst v63  }
0x97: {  	_ =	swait.ge [sflag:s7], $0x800  }
0x98: {  	[sflag:s7] =	ssyncset.done $0x0  }
0x99: {  	s22 =	sadd.s32 $0x2990, s18;
	[sflag:s7] =	ssyncadd.s32 $0xFFFFF800  }
0x9a: {  	[spmem:s3] =	stream.indirect.scatter.add.f32 [tilespmem:s29], [sflag:$0xE], $0x10, s22, s20, $0xb8;
	[tilespmem:$0x113B0] =	vst v63  }
0x9b: {  	_ =	swait.ge [sflag:s19], $0x800  }
0x9c: {  	[sflag:s19] =	ssyncset.done $0x0  }
0x9d: {  	s22 =	sadd.s32 $0x2A10, s18;
	[sflag:s19] =	ssyncadd.s32 $0xFFFFF800  }
0x9e: {  	[spmem:s3] =	stream.indirect.scatter.add.f32 [tilespmem:s26], [sflag:$0xF], $0x10, s22, s20, $0xb8;
	[tilespmem:$0x113B0] =	vst v63  }
0x9f: {  	_ =	swait.ge [sflag:s9], $0x800  }
0xa0: {  	[sflag:s9] =	ssyncset.done $0x0  }
0xa1: {  	s18 =	sadd.s32 $0x2A90, s18;
	[sflag:s9] =	ssyncadd.s32 $0xFFFFF800  }
0xa2: {  	[spmem:s3] =	stream.indirect.scatter.add.f32 [tilespmem:s31], [sflag:$0x10], $0x10, s18, s20, $0xb8;
	[tilespmem:$0x113B0] =	vst v63  }
0xa3: {  	s31 =	simm.s32 $0xA;
	s18 =	simm.s32 $0x8620  }
0xa4: {  	_ =	swait.ge [sflag:s10], $0x800  }
0xa5: {  	[sflag:s10] =	ssyncset.done $0x0  }
0xa6: {  	[sflag:s10] =	ssyncadd.s32 $0xFFFFF800  }
0xa7: {  	_ =	swait.ge [sflag:s31], $0x800  }
0xa8: {  	[sflag:s31] =	ssyncset.done $0x0  }
0xa9: {  	[sflag:s31] =	ssyncadd.s32 $0xFFFFF800  }
0xaa: {  	_ =	swait.ge [sflag:s11], $0x800  }
0xab: {  	[sflag:s11] =	ssyncset.done $0x0  }
0xac: {  	[sflag:s11] =	ssyncadd.s32 $0xFFFFF800  }
0xad: {  	_ =	swait.ge [sflag:s12], $0x800  }
0xae: {  	[sflag:s12] =	ssyncset.done $0x0  }
0xaf: {  	[sflag:s12] =	ssyncadd.s32 $0xFFFFF800  }
0xb0: {  	_ =	swait.ge [sflag:s13], $0x800  }
0xb1: {  	[sflag:s13] =	ssyncset.done $0x0  }
0xb2: {  	[sflag:s13] =	ssyncadd.s32 $0xFFFFF800  }
0xb3: {  	_ =	swait.ge [sflag:s14], $0x800  }
0xb4: {  	[sflag:s14] =	ssyncset.done $0x0  }
0xb5: {  	[sflag:s14] =	ssyncadd.s32 $0xFFFFF800  }
.Ltmp0:
0xb6: {  	_ =	swait.ge [sflag:s15], $0x800;
	(pc) =	sbr.rel @p0 .LBB2_2-.Ltmp0, $4  }
0xb7: {  	[sflag:s15] =	ssyncset.done $0x0  }
0xb8: {  	[sflag:s15] =	ssyncadd.s32 $0xFFFFF800  }
0xb9: {  	_ =	swait.ge [sflag:s16], $0x800  }
0xba: {  	s22 =	smov.u32 s8;
	[sflag:s16] =	ssyncset.done $0x0  }
0xbb: {  	s4 =	sshra.s32 s4, $0x2;
	[sflag:s16] =	ssyncadd.s32 $0xFFFFF800  }
0xbc: {  	[tilespmem:s23], [sflag:$0x1] =	stream.indirect.gather [hbm4b:s5+s20], $0x10, s4, s20, $0xb8;
	[tilespmem:$0x113B0] =	vst v63  }
0xbd: {  	s8 =	sadd.s32 $0x80, s4  }
0xbe: {  	[tilespmem:s21], [sflag:$0x2] =	stream.indirect.gather [hbm4b:s5+s20], $0x10, s8, s20, $0xb8;
	[tilespmem:$0x113B0] =	vst v63  }
0xbf: {  	s22 =	sadd.s32 $0x100, s4  }
0xc0: {  	[tilespmem:s24], [sflag:$0x3] =	stream.indirect.gather [hbm4b:s5+s20], $0x10, s22, s20, $0xb8;
	[tilespmem:$0x113B0] =	vst v63  }
0xc1: {  	s22 =	sadd.s32 $0x180, s4  }
0xc2: {  	[tilespmem:s25], [sflag:$0x4] =	stream.indirect.gather [hbm4b:s5+s20], $0x10, s22, s20, $0xb8;
	[tilespmem:$0x113B0] =	vst v63  }
0xc3: {  	s22 =	sadd.s32 $0x200, s4  }
0xc4: {  	[tilespmem:s28], [sflag:$0x5] =	stream.indirect.gather [hbm4b:s5+s20], $0x10, s22, s20, $0xb8;
	[tilespmem:$0x113B0] =	vst v63  }
0xc5: {  	s22 =	sadd.s32 $0x280, s4  }
0xc6: {  	[tilespmem:s29], [sflag:$0x6] =	stream.indirect.gather [hbm4b:s5+s20], $0x10, s22, s20, $0xb8;
	[tilespmem:$0x113B0] =	vst v63  }
0xc7: {  	s22 =	sadd.s32 $0x300, s4  }
0xc8: {  	[tilespmem:s26], [sflag:$0x7] =	stream.indirect.gather [hbm4b:s5+s20], $0x10, s22, s20, $0xb8;
	[tilespmem:$0x113B0] =	vst v63  }
0xc9: {  	s22 =	sadd.s32 $0x380, s4  }
0xca: {  	[tilespmem:s18], [sflag:$0x8] =	stream.indirect.gather [hbm4b:s5+s20], $0x10, s22, s20, $0xb8;
	[tilespmem:$0x113B0] =	vst v63  }
0xcb: {  	_ =	swait.ge [sflag:s1], $0x800  }
0xcc: {  	[sflag:s1] =	ssyncset.done $0x0  }
0xcd: {  	s22 =	sadd.s32 $0x2710, s4;
	[sflag:s1] =	ssyncadd.s32 $0xFFFFF800  }
0xce: {  	[spmem:s3] =	stream.indirect.scatter.add.f32 [tilespmem:s23], [sflag:$0x9], $0x10, s22, s20, $0xb8;
	[tilespmem:$0x113B0] =	vst v63  }
0xcf: {  	_ =	swait.ge [sflag:s30], $0x800  }
0xd0: {  	[sflag:s30] =	ssyncset.done $0x0  }
0xd1: {  	s22 =	sadd.s32 $0x2790, s4;
	[sflag:s30] =	ssyncadd.s32 $0xFFFFF800  }
0xd2: {  	[spmem:s3] =	stream.indirect.scatter.add.f32 [tilespmem:s21], [sflag:$0xA], $0x10, s22, s20, $0xb8;
	[tilespmem:$0x113B0] =	vst v63  }
0xd3: {  	_ =	swait.ge [sflag:s0], $0x800  }
0xd4: {  	[sflag:s0] =	ssyncset.done $0x0  }
0xd5: {  	s22 =	sadd.s32 $0x2810, s4;
	[sflag:s0] =	ssyncadd.s32 $0xFFFFF800  }
0xd6: {  	[spmem:s3] =	stream.indirect.scatter.add.f32 [tilespmem:s24], [sflag:$0xB], $0x10, s22, s20, $0xb8;
	[tilespmem:$0x113B0] =	vst v63  }
0xd7: {  	_ =	swait.ge [sflag:s2], $0x800  }
0xd8: {  	[sflag:s2] =	ssyncset.done $0x0  }
0xd9: {  	s22 =	sadd.s32 $0x2890, s4;
	[sflag:s2] =	ssyncadd.s32 $0xFFFFF800  }
0xda: {  	[spmem:s3] =	stream.indirect.scatter.add.f32 [tilespmem:s25], [sflag:$0xC], $0x10, s22, s20, $0xb8;
	[tilespmem:$0x113B0] =	vst v63  }
0xdb: {  	_ =	swait.ge [sflag:s6], $0x800  }
0xdc: {  	[sflag:s6] =	ssyncset.done $0x0  }
0xdd: {  	s22 =	sadd.s32 $0x2910, s4;
	[sflag:s6] =	ssyncadd.s32 $0xFFFFF800  }
0xde: {  	[spmem:s3] =	stream.indirect.scatter.add.f32 [tilespmem:s28], [sflag:$0xD], $0x10, s22, s20, $0xb8;
	[tilespmem:$0x113B0] =	vst v63  }
0xdf: {  	_ =	swait.ge [sflag:s7], $0x800  }
0xe0: {  	[sflag:s7] =	ssyncset.done $0x0  }
0xe1: {  	s22 =	sadd.s32 $0x2990, s4;
	[sflag:s7] =	ssyncadd.s32 $0xFFFFF800  }
0xe2: {  	[spmem:s3] =	stream.indirect.scatter.add.f32 [tilespmem:s29], [sflag:$0xE], $0x10, s22, s20, $0xb8;
	[tilespmem:$0x113B0] =	vst v63  }
0xe3: {  	_ =	swait.ge [sflag:s19], $0x800  }
0xe4: {  	[sflag:s19] =	ssyncset.done $0x0  }
0xe5: {  	[sflag:s19] =	ssyncadd.s32 $0xFFFFF800;
	s19 =	sadd.s32 $0x2A10, s4  }
0xe6: {  	[spmem:s3] =	stream.indirect.scatter.add.f32 [tilespmem:s26], [sflag:$0xF], $0x10, s19, s20, $0xb8;
	[tilespmem:$0x113B0] =	vst v63  }
0xe7: {  	_ =	swait.ge [sflag:s9], $0x800  }
0xe8: {  	[sflag:s9] =	ssyncset.done $0x0  }
0xe9: {  	s4 =	sadd.s32 $0x2A90, s4;
	[sflag:s9] =	ssyncadd.s32 $0xFFFFF800  }
0xea: {  	[spmem:s3] =	stream.indirect.scatter.add.f32 [tilespmem:s18], [sflag:$0x10], $0x10, s4, s20, $0xb8;
	[tilespmem:$0x113B0] =	vst v63  }
0xeb: {  	_ =	swait.ge [sflag:s10], $0x800  }
0xec: {  	[sflag:s10] =	ssyncset.done $0x0  }
0xed: {  	[sflag:s10] =	ssyncadd.s32 $0xFFFFF800  }
0xee: {  	_ =	swait.ge [sflag:s31], $0x800  }
0xef: {  	[sflag:s31] =	ssyncset.done $0x0  }
0xf0: {  	[sflag:s31] =	ssyncadd.s32 $0xFFFFF800  }
0xf1: {  	_ =	swait.ge [sflag:s11], $0x800  }
0xf2: {  	[sflag:s11] =	ssyncset.done $0x0  }
0xf3: {  	[sflag:s11] =	ssyncadd.s32 $0xFFFFF800  }
0xf4: {  	_ =	swait.ge [sflag:s12], $0x800  }
0xf5: {  	[sflag:s12] =	ssyncset.done $0x0  }
0xf6: {  	[sflag:s12] =	ssyncadd.s32 $0xFFFFF800  }
0xf7: {  	_ =	swait.ge [sflag:s13], $0x800  }
0xf8: {  	[sflag:s13] =	ssyncset.done $0x0  }
0xf9: {  	[sflag:s13] =	ssyncadd.s32 $0xFFFFF800  }
0xfa: {  	_ =	swait.ge [sflag:s14], $0x800  }
0xfb: {  	[sflag:s14] =	ssyncset.done $0x0  }
0xfc: {  	[sflag:s14] =	ssyncadd.s32 $0xFFFFF800  }
0xfd: {  	_ =	swait.ge [sflag:s15], $0x800  }
0xfe: {  	[sflag:s15] =	ssyncset.done $0x0  }
0xff: {  	[sflag:s15] =	ssyncadd.s32 $0xFFFFF800  }
0x100: {  	_ =	swait.ge [sflag:s16], $0x800  }
0x101: {  	[sflag:s16] =	ssyncset.done $0x0  }
0x102: {  	s22 =	simm.s32 $0x2400;
	[sflag:s16] =	ssyncadd.s32 $0xFFFFF800  }
0x103: {  	[tilespmem:s23], [sflag:$0x1] =	stream.indirect.gather [hbm4b:s5+s20], $0x10, s22, s20, $0xb8;
	[tilespmem:$0x113B0] =	vst v63  }
0x104: {  	s26 =	simm.s32 $0x2480  }
0x105: {  	[tilespmem:s21], [sflag:$0x2] =	stream.indirect.gather [hbm4b:s5+s20], $0x10, s26, s20, $0xb8;
	[tilespmem:$0x113B0] =	vst v63  }
0x106: {  	s8 =	simm.s32 $0x2500  }
0x107: {  	[tilespmem:s24], [sflag:$0x3] =	stream.indirect.gather [hbm4b:s5+s20], $0x10, s8, s20, $0xb8;
	[tilespmem:$0x113B0] =	vst v63  }
0x108: {  	s9 =	simm.s32 $0x2580  }
0x109: {  	[tilespmem:s25], [sflag:$0x4] =	stream.indirect.gather [hbm4b:s5+s20], $0x10, s9, s20, $0xb8;
	[tilespmem:$0x113B0] =	vst v63  }
0x10a: {  	s18 =	simm.s32 $0x2600  }
0x10b: {  	[tilespmem:s28], [sflag:$0x5] =	stream.indirect.gather [hbm4b:s5+s20], $0x10, s18, s20, $0xb8;
	[tilespmem:$0x113B0] =	vst v63  }
0x10c: {  	s19 =	simm.s32 $0x2680  }
0x10d: {  	[tilespmem:s29], [sflag:$0x6] =	stream.indirect.gather [hbm4b:s5+s20], $0x10, s19, s20, $0xb8;
	[tilespmem:$0x113B0] =	vst v63  }
0x10e: {  	_ =	swait.ge [sflag:s1], $0x800  }
0x10f: {  	[sflag:s1] =	ssyncset.done $0x0  }
0x110: {  	s22 =	simm.s32 $0x4B10;
	[sflag:s1] =	ssyncadd.s32 $0xFFFFF800  }
0x111: {  	[spmem:s3] =	stream.indirect.scatter.add.f32 [tilespmem:s23], [sflag:$0x9], $0x10, s22, s20, $0xb8;
	[tilespmem:$0x113B0] =	vst v63  }
0x112: {  	_ =	swait.ge [sflag:s30], $0x800  }
0x113: {  	[sflag:s30] =	ssyncset.done $0x0  }
0x114: {  	s26 =	simm.s32 $0x4B90;
	[sflag:s30] =	ssyncadd.s32 $0xFFFFF800  }
0x115: {  	[spmem:s3] =	stream.indirect.scatter.add.f32 [tilespmem:s21], [sflag:$0xA], $0x10, s26, s20, $0xb8;
	[tilespmem:$0x113B0] =	vst v63  }
0x116: {  	_ =	swait.ge [sflag:s0], $0x800  }
0x117: {  	[sflag:s0] =	ssyncset.done $0x0  }
0x118: {  	s4 =	simm.s32 $0x4C10;
	[sflag:s0] =	ssyncadd.s32 $0xFFFFF800  }
0x119: {  	[spmem:s3] =	stream.indirect.scatter.add.f32 [tilespmem:s24], [sflag:$0xB], $0x10, s4, s20, $0xb8;
	[tilespmem:$0x113B0] =	vst v63  }
0x11a: {  	_ =	swait.ge [sflag:s2], $0x800  }
0x11b: {  	[sflag:s2] =	ssyncset.done $0x0  }
0x11c: {  	s8 =	simm.s32 $0x4C90;
	[sflag:s2] =	ssyncadd.s32 $0xFFFFF800  }
0x11d: {  	[spmem:s3] =	stream.indirect.scatter.add.f32 [tilespmem:s25], [sflag:$0xC], $0x10, s8, s20, $0xb8;
	[tilespmem:$0x113B0] =	vst v63  }
0x11e: {  	_ =	swait.ge [sflag:s6], $0x800  }
0x11f: {  	[sflag:s6] =	ssyncset.done $0x0  }
0x120: {  	s9 =	simm.s32 $0x4D10;
	[sflag:s6] =	ssyncadd.s32 $0xFFFFF800  }
0x121: {  	[spmem:s3] =	stream.indirect.scatter.add.f32 [tilespmem:s28], [sflag:$0xD], $0x10, s9, s20, $0xb8;
	[tilespmem:$0x113B0] =	vst v63  }
0x122: {  	_ =	swait.ge [sflag:s7], $0x800  }
0x123: {  	[sflag:s7] =	ssyncset.done $0x0  }
0x124: {  	s18 =	simm.s32 $0x4D90;
	[sflag:s7] =	ssyncadd.s32 $0xFFFFF800  }
0x125: {  	[spmem:s3] =	stream.indirect.scatter.add.f32 [tilespmem:s29], [sflag:$0xE], $0x10, s18, s20, $0xb8;
	[tilespmem:$0x113B0] =	vst v63  }
0x126: {  	_ =	swait.ge [sflag:s10], $0x800  }
0x127: {  	[sflag:s10] =	ssyncset.done $0x0  }
0x128: {  	[sflag:s10] =	ssyncadd.s32 $0xFFFFF800  }
0x129: {  	_ =	swait.ge [sflag:s31], $0x800  }
0x12a: {  	[sflag:s31] =	ssyncset.done $0x0  }
0x12b: {  	[sflag:s31] =	ssyncadd.s32 $0xFFFFF800  }
0x12c: {  	_ =	swait.ge [sflag:s11], $0x800  }
0x12d: {  	[sflag:s11] =	ssyncset.done $0x0  }
0x12e: {  	[sflag:s11] =	ssyncadd.s32 $0xFFFFF800  }
0x12f: {  	_ =	swait.ge [sflag:s12], $0x800  }
0x130: {  	[sflag:s12] =	ssyncset.done $0x0  }
0x131: {  	[sflag:s12] =	ssyncadd.s32 $0xFFFFF800  }
0x132: {  	_ =	swait.ge [sflag:s13], $0x800  }
0x133: {  	[sflag:s13] =	ssyncset.done $0x0  }
0x134: {  	[sflag:s13] =	ssyncadd.s32 $0xFFFFF800  }
0x135: {  	_ =	swait.ge [sflag:s14], $0x800  }
0x136: {  	[sflag:s14] =	ssyncset.done $0x0  }
0x137: {  	s19 =	simm.s32 $0x2700;
	[sflag:s14] =	ssyncadd.s32 $0xFFFFF800  }
0x138: {  	[tilespmem:s23], [sflag:$0x1] =	stream.indirect.gather [hbm4b:s5+s16], $0x10, s19, s16, $0xb8;
	[tilespmem:$0x113B0] =	vst v63  }
0x139: {  	_ =	swait.ge [sflag:s1], $0x100  }
0x13a: {  	[sflag:s1] =	ssyncset.done $0x0  }
0x13b: {  	s21 =	simm.s32 $0x4E10;
	s18 =	simm.s32 $0x11;
	[sflag:s1] =	ssyncadd.s32 $0xFFFFFF00  }
0x13c: {  	[spmem:s3] =	stream.indirect.scatter.add.f32 [tilespmem:s23], [sflag:$0x11], $0x10, s21, s16, $0xb8;
	[tilespmem:$0x113B0] =	vst v63  }
0x13d: {  	_ =	swait.ge [sflag:s18], $0x100  }
0x13e: {  	[sflag:s18] =	ssyncset.done $0x0  }
0x13f: {  	[sflag:s18] =	ssyncadd.s32 $0xFFFFFF00  }
0x140: {  	[bflag:$0x0] =	sbarrier.arrive $0xFFFF  }
0x141: {  	s23 =	simm.s32 $0xB620;
	s22 =	rddreg [dreg:$0x6]  }
0x142: {  	[tilespmem:s23], [sflag:$0x11] =	stream.linear.gather [spmem:s22], $0x2800, $0x38;
	[tilespmem:$0x113B0] =	vst v63  }
0x143: {  	_ =	swait.ge [sflag:s18], $0x2800  }
0x144: {  	s26 =	simm.s32 $0x0;
	[sflag:s18] =	ssyncset.done $0x0  }
0x145: {  	s2 =	simm.s32 $0xDE20;
	s1 =	rddreg [dreg:$0xa];
	[sflag:s18] =	ssyncadd.s32 $0xFFFFD800  }
0x146: {  	[tilespmem:s2], [sflag:$0x11] =	stream.linear.gather [hbm4b:s1+s26], $0x2800, $0x38;
	[tilespmem:$0x113B0] =	vst v63  }
0x147: {  	_ =	swait.ge [sflag:s18], $0x2800  }
0x148: {  	[sflag:s18] =	ssyncset.done $0x0  }
0x149: {  	s7 =	simm.s32 $0x10620;
	s6 =	rddreg [dreg:$0xb];
	[sflag:s18] =	ssyncadd.s32 $0xFFFFD800  }
0x14a: {  	[tilespmem:s7], [sflag:$0x11] =	stream.linear.gather [hbm4b:s6+s26], $0x280, $0x38;
	[tilespmem:$0x113B0] =	vst v63  }
0x14b: {  	_ =	swait.ge [sflag:s18], $0x280  }
0x14c: {  	[sflag:s18] =	ssyncset.done $0x0  }
0x14d: {  	s10 =	simm.s32 $0x108A0;
	s9 =	rddreg [dreg:$0xc];
	[sflag:s18] =	ssyncadd.s32 $0xFFFFFD80  }
0x14e: {  	[tilespmem:s10], [sflag:$0x11] =	stream.linear.gather [hbm4b:s9+s26], $0x280, $0x38;
	[tilespmem:$0x113B0] =	vst v63  }
0x14f: {  	_ =	swait.ge [sflag:s18], $0x280  }
0x150: {  	[sflag:s18] =	ssyncset.done $0x0  }
0x151: {  	[sflag:s18] =	ssyncadd.s32 $0xFFFFFD80  }
0x152: {  	s21 =	simm.s32 $0x10B20;
	s19 =	rddreg [dreg:$0x1]  }
0x153: {  	[tilespmem:s21], [sflag:$0x11] =	stream.linear.gather [hbm4b:s19+s26], $0x10, $0x38;
	[tilespmem:$0x113B0] =	vst v63  }
0x154: {  	_ =	swait.ge [sflag:s18], $0x10  }
0x155: {  	[sflag:s18] =	ssyncset.done $0x0  }
0x156: {  	s22 =	rddreg [dreg:$0x5];
	[sflag:s18] =	ssyncadd.s32 $0xFFFFFFF0  }
0x157: {  	[tilespmem:s17], [sflag:$0x11] =	stream.linear.gather [hbm4b:s22+s26], $0x880, $0x38;
	[tilespmem:$0x113B0] =	vst v63  }
0x158: {  	_ =	swait.ge [sflag:s18], $0x880  }
0x159: {  	[sflag:s18] =	ssyncset.done $0x0  }
0x15a: {  	s4 =	simm.s32 $0xDEA0;
	[sflag:s18] =	ssyncadd.s32 $0xFFFFF780  }
0x15b: {  	s23 =	simm.s32 $0x0;
	v2 =	vld [tilespmem:s4+$0xFFFFFF80]  }
0x15c: {  	s8 =	simm.s32 $0xB6A0;
	v4 =	vld [tilespmem:s23+$0x108A0]  }
0x15d: {  	v5 =	vld [tilespmem:s8+$0xFFFFFF80]  }
0x15e: {  	v3 =	vld [tilespmem:s23+$0x10620];
	_ =	sdelay $0x1  }
0x15f: {  	v6 =	vld [tilespmem:$0x10B20]  }
0x160: {  	v2 =	vmul.f32 v2, v0;
	v4 =	vshll.u32 v4, $0x4  }
0x161: {  	v7 =	vbroadcast v4, $0x0  }
0x162: {  	v8 =	vbroadcast v3, $0x0;
	v5 =	vadd.f32 v2, v5  }
0x163: {  	v7 =	vor.u32 v1, v7  }
0x164: {  	v2 =	vmul.f32 v6, v0;
	v5 =	vmul.f32 v5, v8;
	_ =	sdelay $0x1  }
0x165: {  	v5 =	vadd.f32 v5, v2;
	_ =	sdelay $0x1  }
0x166: {  	[tilespmem:v7+s17+$0x0] =	vst.idx.add.f32.msk $0xffff, v5  }
0x167: {  	v5 =	vld [tilespmem:s4+$0xFFFFFF90];
	_ =	sdelay $0x1  }
0x168: {  	v6 =	vld [tilespmem:s8+$0xFFFFFF90];
	_ =	sdelay $0x2  }
0x169: {  	v5 =	vmul.f32 v5, v0  }
0x16a: {  	v7 =	vbroadcast v4, $0x1  }
0x16b: {  	v5 =	vadd.f32 v5, v6;
	v6 =	vbroadcast v3, $0x1  }
0x16c: {  	v7 =	vor.u32 v1, v7  }
0x16d: {  	v5 =	vmul.f32 v5, v6;
	_ =	sdelay $0x1  }
0x16e: {  	v5 =	vadd.f32 v5, v2;
	_ =	sdelay $0x1  }
0x16f: {  	[tilespmem:v7+s17+$0x0] =	vst.idx.add.f32.msk $0xffff, v5  }
0x170: {  	v5 =	vld [tilespmem:s4+$0xFFFFFFA0];
	_ =	sdelay $0x1  }
0x171: {  	v6 =	vld [tilespmem:s8+$0xFFFFFFA0];
	_ =	sdelay $0x2  }
0x172: {  	v5 =	vmul.f32 v5, v0  }
0x173: {  	v7 =	vbroadcast v4, $0x2  }
0x174: {  	v5 =	vadd.f32 v5, v6;
	v6 =	vbroadcast v3, $0x2  }
0x175: {  	v7 =	vor.u32 v1, v7  }
0x176: {  	v5 =	vmul.f32 v5, v6;
	_ =	sdelay $0x1  }
0x177: {  	v5 =	vadd.f32 v5, v2;
	_ =	sdelay $0x1  }
0x178: {  	[tilespmem:v7+s17+$0x0] =	vst.idx.add.f32.msk $0xffff, v5  }
0x179: {  	v5 =	vld [tilespmem:s4+$0xFFFFFFB0];
	_ =	sdelay $0x1  }
0x17a: {  	v6 =	vld [tilespmem:s8+$0xFFFFFFB0];
	_ =	sdelay $0x2  }
0x17b: {  	v5 =	vmul.f32 v5, v0  }
0x17c: {  	v7 =	vbroadcast v4, $0x3  }
0x17d: {  	v5 =	vadd.f32 v5, v6;
	v6 =	vbroadcast v3, $0x3  }
0x17e: {  	v7 =	vor.u32 v1, v7  }
0x17f: {  	v5 =	vmul.f32 v5, v6;
	_ =	sdelay $0x1  }
0x180: {  	v5 =	vadd.f32 v5, v2;
	_ =	sdelay $0x1  }
0x181: {  	[tilespmem:v7+s17+$0x0] =	vst.idx.add.f32.msk $0xffff, v5  }
0x182: {  	v5 =	vld [tilespmem:s4+$0xFFFFFFC0];
	_ =	sdelay $0x1  }
0x183: {  	v6 =	vld [tilespmem:s8+$0xFFFFFFC0];
	_ =	sdelay $0x2  }
0x184: {  	v5 =	vmul.f32 v5, v0  }
0x185: {  	v7 =	vbroadcast v4, $0x4  }
0x186: {  	v5 =	vadd.f32 v5, v6;
	v6 =	vbroadcast v3, $0x4  }
0x187: {  	v7 =	vor.u32 v1, v7  }
0x188: {  	v5 =	vmul.f32 v5, v6;
	_ =	sdelay $0x1  }
0x189: {  	v5 =	vadd.f32 v5, v2;
	_ =	sdelay $0x1  }
0x18a: {  	[tilespmem:v7+s17+$0x0] =	vst.idx.add.f32.msk $0xffff, v5  }
0x18b: {  	v5 =	vld [tilespmem:s4+$0xFFFFFFD0];
	_ =	sdelay $0x1  }
0x18c: {  	v6 =	vld [tilespmem:s8+$0xFFFFFFD0];
	_ =	sdelay $0x2  }
0x18d: {  	v5 =	vmul.f32 v5, v0  }
0x18e: {  	v7 =	vbroadcast v4, $0x5  }
0x18f: {  	v5 =	vadd.f32 v5, v6;
	v6 =	vbroadcast v3, $0x5  }
0x190: {  	v7 =	vor.u32 v1, v7  }
0x191: {  	v5 =	vmul.f32 v5, v6;
	_ =	sdelay $0x1  }
0x192: {  	v5 =	vadd.f32 v5, v2;
	_ =	sdelay $0x1  }
0x193: {  	[tilespmem:v7+s17+$0x0] =	vst.idx.add.f32.msk $0xffff, v5  }
0x194: {  	v5 =	vld [tilespmem:s4+$0xFFFFFFE0];
	_ =	sdelay $0x1  }
0x195: {  	v6 =	vld [tilespmem:s8+$0xFFFFFFE0];
	_ =	sdelay $0x2  }
0x196: {  	v5 =	vmul.f32 v5, v0  }
0x197: {  	v7 =	vbroadcast v4, $0x6  }
0x198: {  	v5 =	vadd.f32 v5, v6;
	v6 =	vbroadcast v3, $0x6  }
0x199: {  	v7 =	vor.u32 v1, v7  }
0x19a: {  	v5 =	vmul.f32 v5, v6;
	_ =	sdelay $0x1  }
0x19b: {  	v5 =	vadd.f32 v5, v2;
	_ =	sdelay $0x1  }
0x19c: {  	[tilespmem:v7+s17+$0x0] =	vst.idx.add.f32.msk $0xffff, v5  }
0x19d: {  	v5 =	vld [tilespmem:s4+$0xFFFFFFF0];
	_ =	sdelay $0x1  }
0x19e: {  	v6 =	vld [tilespmem:s8+$0xFFFFFFF0];
	_ =	sdelay $0x2  }
0x19f: {  	v5 =	vmul.f32 v5, v0  }
0x1a0: {  	v7 =	vbroadcast v4, $0x7  }
0x1a1: {  	v5 =	vadd.f32 v5, v6;
	v6 =	vbroadcast v3, $0x7  }
0x1a2: {  	v7 =	vor.u32 v1, v7  }
0x1a3: {  	v5 =	vmul.f32 v5, v6;
	_ =	sdelay $0x1  }
0x1a4: {  	v5 =	vadd.f32 v5, v2;
	_ =	sdelay $0x1  }
0x1a5: {  	[tilespmem:v7+s17+$0x0] =	vst.idx.add.f32.msk $0xffff, v5  }
0x1a6: {  	v5 =	vld [tilespmem:s4+$0x0];
	_ =	sdelay $0x1  }
0x1a7: {  	v6 =	vld [tilespmem:s8+$0x0];
	_ =	sdelay $0x2  }
0x1a8: {  	v5 =	vmul.f32 v5, v0  }
0x1a9: {  	v7 =	vbroadcast v4, $0x8  }
0x1aa: {  	v5 =	vadd.f32 v5, v6;
	v6 =	vbroadcast v3, $0x8  }
0x1ab: {  	v7 =	vor.u32 v1, v7  }
0x1ac: {  	v5 =	vmul.f32 v5, v6;
	_ =	sdelay $0x1  }
0x1ad: {  	v5 =	vadd.f32 v5, v2;
	_ =	sdelay $0x1  }
0x1ae: {  	[tilespmem:v7+s17+$0x0] =	vst.idx.add.f32.msk $0xffff, v5  }
0x1af: {  	v5 =	vld [tilespmem:s4+$0x10];
	_ =	sdelay $0x1  }
0x1b0: {  	v6 =	vld [tilespmem:s8+$0x10];
	_ =	sdelay $0x2  }
0x1b1: {  	v5 =	vmul.f32 v5, v0  }
0x1b2: {  	v7 =	vbroadcast v4, $0x9  }
0x1b3: {  	v5 =	vadd.f32 v5, v6;
	v6 =	vbroadcast v3, $0x9  }
0x1b4: {  	v7 =	vor.u32 v1, v7  }
0x1b5: {  	v5 =	vmul.f32 v5, v6;
	_ =	sdelay $0x1  }
0x1b6: {  	v5 =	vadd.f32 v5, v2;
	_ =	sdelay $0x1  }
0x1b7: {  	[tilespmem:v7+s17+$0x0] =	vst.idx.add.f32.msk $0xffff, v5  }
0x1b8: {  	v5 =	vld [tilespmem:s4+$0x20];
	_ =	sdelay $0x1  }
0x1b9: {  	v6 =	vld [tilespmem:s8+$0x20];
	_ =	sdelay $0x2  }
0x1ba: {  	v5 =	vmul.f32 v5, v0  }
0x1bb: {  	v7 =	vbroadcast v4, $0xA  }
0x1bc: {  	v5 =	vadd.f32 v5, v6;
	v6 =	vbroadcast v3, $0xA  }
0x1bd: {  	v7 =	vor.u32 v1, v7  }
0x1be: {  	v5 =	vmul.f32 v5, v6;
	_ =	sdelay $0x1  }
0x1bf: {  	v5 =	vadd.f32 v5, v2;
	_ =	sdelay $0x1  }
0x1c0: {  	[tilespmem:v7+s17+$0x0] =	vst.idx.add.f32.msk $0xffff, v5  }
0x1c1: {  	v5 =	vld [tilespmem:s4+$0x30];
	_ =	sdelay $0x1  }
0x1c2: {  	v6 =	vld [tilespmem:s8+$0x30];
	_ =	sdelay $0x2  }
0x1c3: {  	v5 =	vmul.f32 v5, v0  }
0x1c4: {  	v7 =	vbroadcast v4, $0xB  }
0x1c5: {  	v5 =	vadd.f32 v5, v6;
	v6 =	vbroadcast v3, $0xB  }
0x1c6: {  	v7 =	vor.u32 v1, v7  }
0x1c7: {  	v5 =	vmul.f32 v5, v6;
	_ =	sdelay $0x1  }
0x1c8: {  	v5 =	vadd.f32 v5, v2;
	_ =	sdelay $0x1  }
0x1c9: {  	[tilespmem:v7+s17+$0x0] =	vst.idx.add.f32.msk $0xffff, v5  }
0x1ca: {  	v5 =	vld [tilespmem:s4+$0x40];
	_ =	sdelay $0x1  }
0x1cb: {  	v6 =	vld [tilespmem:s8+$0x40];
	_ =	sdelay $0x2  }
0x1cc: {  	v5 =	vmul.f32 v5, v0  }
0x1cd: {  	v7 =	vbroadcast v4, $0xC  }
0x1ce: {  	v5 =	vadd.f32 v5, v6;
	v6 =	vbroadcast v3, $0xC  }
0x1cf: {  	v7 =	vor.u32 v1, v7  }
0x1d0: {  	v5 =	vmul.f32 v5, v6;
	_ =	sdelay $0x1  }
0x1d1: {  	v5 =	vadd.f32 v5, v2;
	_ =	sdelay $0x1  }
0x1d2: {  	[tilespmem:v7+s17+$0x0] =	vst.idx.add.f32.msk $0xffff, v5  }
0x1d3: {  	v5 =	vld [tilespmem:s4+$0x50];
	_ =	sdelay $0x1  }
0x1d4: {  	v6 =	vld [tilespmem:s8+$0x50];
	_ =	sdelay $0x2  }
0x1d5: {  	v5 =	vmul.f32 v5, v0  }
0x1d6: {  	v7 =	vbroadcast v4, $0xD  }
0x1d7: {  	v5 =	vadd.f32 v5, v6;
	v6 =	vbroadcast v3, $0xD  }
0x1d8: {  	v7 =	vor.u32 v1, v7  }
0x1d9: {  	v5 =	vmul.f32 v5, v6;
	_ =	sdelay $0x1  }
0x1da: {  	v5 =	vadd.f32 v5, v2;
	_ =	sdelay $0x1  }
0x1db: {  	[tilespmem:v7+s17+$0x0] =	vst.idx.add.f32.msk $0xffff, v5  }
0x1dc: {  	v5 =	vld [tilespmem:s4+$0x60];
	_ =	sdelay $0x1  }
0x1dd: {  	v6 =	vld [tilespmem:s8+$0x60];
	_ =	sdelay $0x2  }
0x1de: {  	v5 =	vmul.f32 v5, v0  }
0x1df: {  	v7 =	vbroadcast v4, $0xE  }
0x1e0: {  	(v2sf) =	vpush v4, $0xF;
	v5 =	vadd.f32 v5, v6;
	v6 =	vbroadcast v3, $0xE  }
0x1e1: {  	v7 =	vor.u32 v1, v7  }
0x1e2: {  	v4 =	vmul.f32 v5, v6;
	_ =	sdelay $0x1  }
0x1e3: {  	v4 =	vadd.f32 v4, v2;
	_ =	sdelay $0x1  }
0x1e4: {  	[tilespmem:v7+s17+$0x0] =	vst.idx.add.f32.msk $0xffff, v4  }
0x1e5: {  	v4 =	vld [tilespmem:s4+$0x70];
	_ =	sdelay $0x1  }
0x1e6: {  	v5 =	vld [tilespmem:s8+$0x70];
	_ =	sdelay $0x2  }
0x1e7: {  	v4 =	vmul.f32 v4, v0;
	_ =	sdelay $0x1  }
0x1e8: {  	v3 =	vbroadcast v3, $0xF;
	v4 =	vadd.f32 v4, v5  }
0x1e9: {  	s26 =	spop (v2sf)  }
0x1ea: {  	v4 =	vmul.f32 v4, v3;
	v3 =	vor.u32 s26, v1  }
0x1eb: {  	s30 =	simm.s32 $0x1;
	s31 =	simm.s32 $0x2  }
0x1ec: {  	s2 =	simm.s32 $0x5;
	s9 =	simm.s32 $0x9;
	s21 =	simm.s32 $0x4E20  }
0x1ed: {  	s19 =	simm.s32 $0x6;
	s18 =	simm.s32 $0x40;
	s26 =	simm.s32 $0x7620;
	v4 =	vadd.f32 v4, v2  }
.LBB2_4:
0x1ee: {  	_ = 	snop  }
0x1ef: {  	p0 =	sne.s32 s18, $0x9C0;
	s8 =	sadd.s32 $0x100, s8;
	s4 =	sadd.s32 $0x100, s4;
	[tilespmem:v3+s17+$0x0] =	vst.idx.add.f32.msk $0xffff, v4  }
0x1f0: {  	s22 =	smov.u32 s18;
	s18 =	sadd.s32 $0x40, s18;
	v4 =	vld [tilespmem:s8+$0xFFFFFF80]  }
0x1f1: {  	s22 =	sshra.s32 s22, $0x2;
	v5 =	vld [tilespmem:s4+$0xFFFFFF80]  }
0x1f2: {  	v6 =	vld [tilespmem:s22+$0x108A0]  }
0x1f3: {  	v3 =	vld [tilespmem:s22+$0x10620];
	_ =	sdelay $0x2  }
0x1f4: {  	v5 =	vmul.f32 v5, v0  }
0x1f5: {  	v13 =	vshll.u32 v6, $0x4  }
0x1f6: {  	v4 =	vadd.f32 v5, v4;
	v5 =	vbroadcast v3, $0x0;
	v6 =	vbroadcast v13, $0x0  }
0x1f7: {  	v14 =	vbroadcast v13, $0x1;
	v15 =	vbroadcast v13, $0x2;
	(v2sf) =	vpush v13, $0xF  }
0x1f8: {  	v16 =	vbroadcast v13, $0x3;
	v4 =	vmul.f32 v4, v5;
	v5 =	vor.u32 v1, v6  }
0x1f9: {  	v17 =	vbroadcast v13, $0x4;
	v18 =	vbroadcast v13, $0x5  }
0x1fa: {  	v12 =	vbroadcast v13, $0x6;
	v11 =	vbroadcast v13, $0x7  }
0x1fb: {  	v10 =	vbroadcast v13, $0x8;
	v9 =	vbroadcast v13, $0x9;
	v4 =	vadd.f32 v4, v2  }
0x1fc: {  	v8 =	vbroadcast v13, $0xA;
	v7 =	vbroadcast v13, $0xB  }
0x1fd: {  	v6 =	vbroadcast v13, $0xC;
	[tilespmem:v5+s17+$0x0] =	vst.idx.add.f32.msk $0xffff, v4;
	v5 =	vbroadcast v13, $0xD  }
0x1fe: {  	v4 =	vbroadcast v13, $0xE;
	v19 =	vld [tilespmem:s4+$0xFFFFFF90];
	_ =	sdelay $0x1  }
0x1ff: {  	v13 =	vld [tilespmem:s8+$0xFFFFFF90];
	_ =	sdelay $0x2  }
0x200: {  	v19 =	vmul.f32 v19, v0;
	_ =	sdelay $0x1  }
0x201: {  	v13 =	vadd.f32 v19, v13;
	v19 =	vbroadcast v3, $0x1  }
0x202: {  	v14 =	vor.u32 v1, v14;
	s22 =	spop (v2sf)  }
0x203: {  	v13 =	vmul.f32 v13, v19;
	_ =	sdelay $0x1  }
0x204: {  	v13 =	vadd.f32 v13, v2;
	_ =	sdelay $0x1  }
0x205: {  	[tilespmem:v14+s17+$0x0] =	vst.idx.add.f32.msk $0xffff, v13  }
0x206: {  	v13 =	vld [tilespmem:s4+$0xFFFFFFA0];
	_ =	sdelay $0x1  }
0x207: {  	v14 =	vld [tilespmem:s8+$0xFFFFFFA0];
	_ =	sdelay $0x2  }
0x208: {  	v13 =	vmul.f32 v13, v0;
	_ =	sdelay $0x1  }
0x209: {  	v13 =	vadd.f32 v13, v14;
	v14 =	vbroadcast v3, $0x2  }
0x20a: {  	v15 =	vor.u32 v1, v15  }
0x20b: {  	v13 =	vmul.f32 v13, v14;
	_ =	sdelay $0x1  }
0x20c: {  	v13 =	vadd.f32 v13, v2;
	_ =	sdelay $0x1  }
0x20d: {  	[tilespmem:v15+s17+$0x0] =	vst.idx.add.f32.msk $0xffff, v13  }
0x20e: {  	v13 =	vld [tilespmem:s4+$0xFFFFFFB0];
	_ =	sdelay $0x1  }
0x20f: {  	v14 =	vld [tilespmem:s8+$0xFFFFFFB0];
	_ =	sdelay $0x2  }
0x210: {  	v13 =	vmul.f32 v13, v0;
	_ =	sdelay $0x1  }
0x211: {  	v13 =	vadd.f32 v13, v14;
	v14 =	vbroadcast v3, $0x3  }
0x212: {  	v15 =	vor.u32 v1, v16  }
0x213: {  	v13 =	vmul.f32 v13, v14;
	_ =	sdelay $0x1  }
0x214: {  	v13 =	vadd.f32 v13, v2;
	_ =	sdelay $0x1  }
0x215: {  	[tilespmem:v15+s17+$0x0] =	vst.idx.add.f32.msk $0xffff, v13  }
0x216: {  	v13 =	vld [tilespmem:s4+$0xFFFFFFC0];
	_ =	sdelay $0x1  }
0x217: {  	v14 =	vld [tilespmem:s8+$0xFFFFFFC0];
	_ =	sdelay $0x2  }
0x218: {  	v13 =	vmul.f32 v13, v0;
	_ =	sdelay $0x1  }
0x219: {  	v13 =	vadd.f32 v13, v14;
	v14 =	vbroadcast v3, $0x4  }
0x21a: {  	v15 =	vor.u32 v1, v17  }
0x21b: {  	v13 =	vmul.f32 v13, v14;
	_ =	sdelay $0x1  }
0x21c: {  	v13 =	vadd.f32 v13, v2;
	_ =	sdelay $0x1  }
0x21d: {  	[tilespmem:v15+s17+$0x0] =	vst.idx.add.f32.msk $0xffff, v13  }
0x21e: {  	v13 =	vld [tilespmem:s4+$0xFFFFFFD0];
	_ =	sdelay $0x1  }
0x21f: {  	v14 =	vld [tilespmem:s8+$0xFFFFFFD0];
	_ =	sdelay $0x2  }
0x220: {  	v13 =	vmul.f32 v13, v0;
	_ =	sdelay $0x1  }
0x221: {  	v13 =	vadd.f32 v13, v14;
	v14 =	vbroadcast v3, $0x5  }
0x222: {  	v15 =	vor.u32 v1, v18  }
0x223: {  	v13 =	vmul.f32 v13, v14;
	_ =	sdelay $0x1  }
0x224: {  	v13 =	vadd.f32 v13, v2;
	_ =	sdelay $0x1  }
0x225: {  	[tilespmem:v15+s17+$0x0] =	vst.idx.add.f32.msk $0xffff, v13  }
0x226: {  	v13 =	vld [tilespmem:s4+$0xFFFFFFE0];
	_ =	sdelay $0x1  }
0x227: {  	v14 =	vld [tilespmem:s8+$0xFFFFFFE0];
	_ =	sdelay $0x2  }
0x228: {  	v13 =	vmul.f32 v13, v0;
	_ =	sdelay $0x1  }
0x229: {  	v13 =	vadd.f32 v13, v14;
	v14 =	vbroadcast v3, $0x6  }
0x22a: {  	v12 =	vor.u32 v1, v12  }
0x22b: {  	v13 =	vmul.f32 v13, v14;
	_ =	sdelay $0x1  }
0x22c: {  	v13 =	vadd.f32 v13, v2;
	_ =	sdelay $0x1  }
0x22d: {  	[tilespmem:v12+s17+$0x0] =	vst.idx.add.f32.msk $0xffff, v13  }
0x22e: {  	v12 =	vld [tilespmem:s4+$0xFFFFFFF0];
	_ =	sdelay $0x1  }
0x22f: {  	v13 =	vld [tilespmem:s8+$0xFFFFFFF0];
	_ =	sdelay $0x2  }
0x230: {  	v12 =	vmul.f32 v12, v0;
	_ =	sdelay $0x1  }
0x231: {  	v12 =	vadd.f32 v12, v13;
	v13 =	vbroadcast v3, $0x7  }
0x232: {  	v11 =	vor.u32 v1, v11  }
0x233: {  	v12 =	vmul.f32 v12, v13;
	_ =	sdelay $0x1  }
0x234: {  	v12 =	vadd.f32 v12, v2;
	_ =	sdelay $0x1  }
0x235: {  	[tilespmem:v11+s17+$0x0] =	vst.idx.add.f32.msk $0xffff, v12  }
0x236: {  	v11 =	vld [tilespmem:s4+$0x0];
	_ =	sdelay $0x1  }
0x237: {  	v12 =	vld [tilespmem:s8+$0x0];
	_ =	sdelay $0x2  }
0x238: {  	v11 =	vmul.f32 v11, v0;
	_ =	sdelay $0x1  }
0x239: {  	v11 =	vadd.f32 v11, v12;
	v12 =	vbroadcast v3, $0x8  }
0x23a: {  	v10 =	vor.u32 v1, v10  }
0x23b: {  	v11 =	vmul.f32 v11, v12;
	_ =	sdelay $0x1  }
0x23c: {  	v11 =	vadd.f32 v11, v2;
	_ =	sdelay $0x1  }
0x23d: {  	[tilespmem:v10+s17+$0x0] =	vst.idx.add.f32.msk $0xffff, v11  }
0x23e: {  	v10 =	vld [tilespmem:s4+$0x10]  }
0x23f: {  	v11 =	vld [tilespmem:s8+$0x10];
	_ =	sdelay $0x3  }
0x240: {  	v10 =	vmul.f32 v10, v0;
	_ =	sdelay $0x1  }
0x241: {  	v10 =	vadd.f32 v10, v11;
	v11 =	vbroadcast v3, $0x9  }
0x242: {  	v9 =	vor.u32 v1, v9  }
0x243: {  	v10 =	vmul.f32 v10, v11;
	_ =	sdelay $0x1  }
0x244: {  	v10 =	vadd.f32 v10, v2;
	_ =	sdelay $0x1  }
0x245: {  	[tilespmem:v9+s17+$0x0] =	vst.idx.add.f32.msk $0xffff, v10  }
0x246: {  	v9 =	vld [tilespmem:s4+$0x20]  }
0x247: {  	v10 =	vld [tilespmem:s8+$0x20];
	_ =	sdelay $0x3  }
0x248: {  	v9 =	vmul.f32 v9, v0;
	_ =	sdelay $0x1  }
0x249: {  	v9 =	vadd.f32 v9, v10;
	v10 =	vbroadcast v3, $0xA  }
0x24a: {  	v8 =	vor.u32 v1, v8  }
0x24b: {  	v9 =	vmul.f32 v9, v10;
	_ =	sdelay $0x1  }
0x24c: {  	v9 =	vadd.f32 v9, v2;
	_ =	sdelay $0x1  }
0x24d: {  	[tilespmem:v8+s17+$0x0] =	vst.idx.add.f32.msk $0xffff, v9  }
0x24e: {  	v8 =	vld [tilespmem:s4+$0x30]  }
0x24f: {  	v9 =	vld [tilespmem:s8+$0x30];
	_ =	sdelay $0x3  }
0x250: {  	v8 =	vmul.f32 v8, v0;
	_ =	sdelay $0x1  }
0x251: {  	v8 =	vadd.f32 v8, v9;
	v9 =	vbroadcast v3, $0xB  }
0x252: {  	v7 =	vor.u32 v1, v7  }
0x253: {  	v8 =	vmul.f32 v8, v9;
	_ =	sdelay $0x1  }
0x254: {  	v8 =	vadd.f32 v8, v2;
	_ =	sdelay $0x1  }
0x255: {  	[tilespmem:v7+s17+$0x0] =	vst.idx.add.f32.msk $0xffff, v8  }
0x256: {  	v7 =	vld [tilespmem:s4+$0x40]  }
0x257: {  	v8 =	vld [tilespmem:s8+$0x40];
	_ =	sdelay $0x3  }
0x258: {  	v7 =	vmul.f32 v7, v0;
	_ =	sdelay $0x1  }
0x259: {  	v7 =	vadd.f32 v7, v8;
	v8 =	vbroadcast v3, $0xC  }
0x25a: {  	v6 =	vor.u32 v1, v6  }
0x25b: {  	v7 =	vmul.f32 v7, v8;
	_ =	sdelay $0x1  }
0x25c: {  	v7 =	vadd.f32 v7, v2;
	_ =	sdelay $0x1  }
0x25d: {  	[tilespmem:v6+s17+$0x0] =	vst.idx.add.f32.msk $0xffff, v7  }
0x25e: {  	v6 =	vld [tilespmem:s4+$0x50]  }
0x25f: {  	v7 =	vld [tilespmem:s8+$0x50];
	_ =	sdelay $0x3  }
0x260: {  	v6 =	vmul.f32 v6, v0;
	_ =	sdelay $0x1  }
0x261: {  	v6 =	vadd.f32 v6, v7;
	v7 =	vbroadcast v3, $0xD  }
0x262: {  	v5 =	vor.u32 v1, v5  }
0x263: {  	v6 =	vmul.f32 v6, v7;
	_ =	sdelay $0x1  }
0x264: {  	v6 =	vadd.f32 v6, v2;
	_ =	sdelay $0x1  }
0x265: {  	[tilespmem:v5+s17+$0x0] =	vst.idx.add.f32.msk $0xffff, v6  }
0x266: {  	v5 =	vld [tilespmem:s4+$0x60]  }
0x267: {  	v6 =	vld [tilespmem:s8+$0x60];
	_ =	sdelay $0x3  }
0x268: {  	v5 =	vmul.f32 v5, v0;
	_ =	sdelay $0x1  }
0x269: {  	v5 =	vadd.f32 v5, v6;
	v6 =	vbroadcast v3, $0xE  }
0x26a: {  	v4 =	vor.u32 v1, v4  }
0x26b: {  	v5 =	vmul.f32 v5, v6;
	_ =	sdelay $0x1  }
0x26c: {  	v5 =	vadd.f32 v5, v2;
	_ =	sdelay $0x1  }
0x26d: {  	[tilespmem:v4+s17+$0x0] =	vst.idx.add.f32.msk $0xffff, v5  }
0x26e: {  	v4 =	vld [tilespmem:s4+$0x70]  }
0x26f: {  	v5 =	vld [tilespmem:s8+$0x70];
	_ =	sdelay $0x3  }
0x270: {  	v4 =	vmul.f32 v4, v0;
	_ =	sdelay $0x1  }
.Ltmp1:
0x271: {  	v4 =	vadd.f32 v4, v5;
	v5 =	vbroadcast v3, $0xF;
	(pc) =	sbr.rel @p0 .LBB2_4-.Ltmp1, $3  }
0x272: {  	v3 =	vor.u32 s22, v1  }
0x273: {  	v4 =	vmul.f32 v4, v5;
	_ =	sdelay $0x1  }
0x274: {  	v4 =	vadd.f32 v4, v2  }
0x275: {  	_ =	sdelay $0x3  }
0x276: {  	s23 =	simm.s32 $0x0;
	s4 =	rddreg [dreg:$0xd];
	s8 =	simm.s32 $0x11;
	[tilespmem:v3+s17+$0x0] =	vst.idx.add.f32.msk $0xffff, v4  }
0x277: {  	[hbm4b:s4+s23] =	stream.linear.scatter [tilespmem:s17], [sflag:$0x11], $0x880, $0x38;
	[tilespmem:$0x113B0] =	vst v63  }
0x278: {  	_ =	swait.ge [sflag:s8], $0x880  }
0x279: {  	s10 =	rddreg [dreg:$0x10]  }
0x27a: {  	s22 =	rddreg [dreg:$0xe];
	s10 =	sadd.s32 $0x1, s10  }
0x27b: {  	p0 =	sne.s32 s10, s22  }
.Ltmp2:
0x27c: {  	_ = 	snop;
	(pc) =	sbr.rel @p0 .LBB2_1-.Ltmp2, $3  }
0x27d: {  	_ =	sdelay $0x1  }
0x27e: {  	s0 =	simm.s32 $0x3;
	s1 =	simm.s32 $0x4;
	[sflag:s8] =	ssyncset.done $0x0  }
0x27f: {  	s6 =	simm.s32 $0x7;
	s7 =	simm.s32 $0x8;
	[sflag:s8] =	ssyncadd.s32 $0xFFFFF780  }
0x280: {  	_ =	sfence.sel $0x180000  }
0x281: {  	[bflag:$0x0] =	sbarrier.arrive $0xFFFF  }
0x282: {  	_ =	strace $0x9000004D  }
0x283: {  	s0 =	stileid.u32;
	[bflag:$0x2] =	sbarrier.arrive $0xFFFF  }
0x284: {  	p0 =	sne.s32 s0, $0x0;
	s0 =	rddreg [dreg:$0x3]  }
0x285: {  	s0 =	sadd.s32 @!p0 $0x100000, s0  }
0x286: {  	[sflag:s0] =	ssyncadd.tile.s32 @!p0 $0x1;
	_ =	shalt  }
.Lfunc_end2:
_tile_overlayer_lowered:
.L_overlay_start_2:
0x287: {  	(tag) =	ssettag $0x2  }
0x288: {  	s0 =	rddreg [dreg:$0x0];
	s2 =	stileid.u32  }
0x289: {  	s1 =	rddreg [dreg:$0x1];
	p0 =	sne.s32 s2, $0x0  }
0x28a: {  	s3 =	rddreg [dreg:$0x2];
	[bflag:$0x3] =	sbarrier.arrive $0xFFFF;
	s2 =	simm.s32 @!p0 $0x1C11  }
0x28b: {  	[timem:s3], [sflag:s2] =	dma.local @!p0 [hbm:s0], s1  }
0x28c: {  	s0 =	simm.s32 @!p0 $0x11  }
0x28d: {  	_ =	swait.ge @!p0 [sflag:s0], s1  }
0x28e: {  	s1 =	ssub.s32 @!p0 $0x0, s1;
	[sflag:s0] =	ssyncset.done @!p0 $0x0  }
0x28f: {  	[sflag:s0] =	ssyncadd.s32 @!p0 s1  }
0x290: {  	[bflag:$0x3] =	sbarrier.arrive $0xFFFF  }
0x291: {  	_ =	shalt  }

// kernel: kernel.9.cloned.1.call-start
scs
__scs_entry_jumppad:
0x0: {  	(pc) =	sbr.rel $0x88, $3  }
0x1: {  	(tag) =	ssettag $0x0;
	lr =	simm.s32 $0x1  }
0x2: {  	[smem:$0x3F96] =	sst lr;
	_ =	strace $0xD0000000  }
0x3: {  	_ = 	snop  }
0x4: {  	_ = 	snop  }
0x5: {  	_ = 	snop  }
0x6: {  	_ = 	snop  }
0x7: {  	_ = 	snop  }
__scs_overlays_trampoline_lowered:
0x8: {  	[smem:$0x3FA5] =	sst s0  }
0x9: {  	[smem:$0x3FA6] =	sst s1  }
0xa: {  	[smem:$0x3FA7] =	sst s2  }
0xb: {  	[smem:$0x3FA8] =	sst s3  }
0xc: {  	[smem:$0x3FA9] =	sst s4  }
0xd: {  	[smem:$0x3FAA] =	sst s5  }
0xe: {  	[smem:$0x3FAB] =	sst s6  }
0xf: {  	[smem:$0x3FAC] =	sst s7  }
0x10: {  	[smem:$0x3FAD] =	sst s8  }
0x11: {  	[smem:$0x3FAE] =	sst s9;
	s0 =	simm.s32 @!p0 $0x0  }
0x12: {  	s1 =	sld [smem:$0x3F94];
	s0 =	simm.s32 @p0 $0x1  }
0x13: {  	[smem:$0x3FAF] =	sst s0;
	s0 =	simm.s32 @!p1 $0x0  }
0x14: {  	s2 =	sld [smem:$0x3F93];
	s0 =	simm.s32 @p1 $0x1  }
0x15: {  	[smem:$0x3FB0] =	sst s0;
	s0 =	simm.s32 @!p2 $0x0  }
0x16: {  	s3 =	sld [smem:$0x3FDB];
	s0 =	simm.s32 @p2 $0x1  }
0x17: {  	s4 =	simm.s32 $0x1BF5;
	[smem:$0x3FB2] =	sst s0  }
0x18: {  	s0 =	sld [smem:$0x3F95];
	_ =	swait.ge [sflag:s4], $0x0  }
0x19: {  	s7 =	sld [smem:$0x3F96]  }
0x1a: {  	s8 =	sadd.s32 $0xFFFFE003, lr  }
0x1b: {  	s9 =	sadd.s32 $0xFFFFFEF7, lr;
	s5 =	simm.s32 $0xFFFFFFFF;
	p2 =	slt.u32 s8, $0xFFFFF086  }
0x1c: {  	p1 =	slt.u32 s9, $0xF7A;
	s5 =	simm.s32 @!p2 $0x0  }
0x1d: {  	s5 =	simm.s32 @p1 $0x1;
	p0 =	seq.s32 s7, s2  }
0x1e: {  	s7 =	smul.u32 @!p0 $0xF7A, s2;
	p2 =	seq.s32 @!p0 s5, $0x0  }
0x1f: {  	s9 =	smul.u32 $0xF7A, s1;
	s8 =	simm.s32 @!p0 $0x1BF5;
	p2 =	por !p2, p0  }
0x20: {  	[sflag:s8] =	ssyncset.s32 @!p0 $0xFFFFF086;
	s6 =	sadd.s32 @!p0 s3, s7;
	s7 =	simm.s32 @!p0 $0x108  }
0x21: {  	s3 =	sadd.s32 s3, s9;
	s6 =	sadd.s32 @!p0 $0x88, s6;
	s7 =	simm.s32 @p2 $0x1082  }
0x22: {  	[simem:s7], [sflag:s8] =	dma.local @!p0 [hbm:s6], $0xF7A  }
0x23: {  	s9 =	sor.u32 $0xD0000000, s2;
	s6 =	simm.s32 $0x108;
	_ =	swait.ge @!p0 [sflag:s8], $0x0  }
0x24: {  	s3 =	sadd.s32 $0x88, s3;
	s6 =	simm.s32 @!p1 $0x1082;
	[sflag:s4] =	ssyncset.s32 $0xFFFFF086  }
0x25: {  	[simem:s6], [sflag:s4] =	dma.local [hbm:s3], $0xF7A  }
0x26: {  	[smem:$0x3F96] =	sst s1;
	(tag) =	ssettag s2;
	_ =	strace s9  }
0x27: {  	s1 =	sld [smem:$0x3FA6]  }
0x28: {  	s2 =	sld [smem:$0x3FA7]  }
0x29: {  	s4 =	sld [smem:$0x3FA9]  }
0x2a: {  	p0 =	seq.s32 s5, $0x0;
	s5 =	sld [smem:$0x3FAA]  }
0x2b: {  	s6 =	sld [smem:$0x3FAB]  }
0x2c: {  	s7 =	sld [smem:$0x3FAC]  }
0x2d: {  	s3 =	simm.s32 $0x108;
	s8 =	sld [smem:$0x3FAD]  }
0x2e: {  	s3 =	simm.s32 @!p0 $0x1082;
	s9 =	sld [smem:$0x3FAE]  }
0x2f: {  	lr =	sadd.s32 s0, s3;
	s0 =	sld [smem:$0x3FA5]  }
0x30: {  	s3 =	sld [smem:$0x3FA8]  }
0x31: {  	[smem:$0x3FB1] =	sst s10  }
0x32: {  	s10 =	sld [smem:$0x3FAF];
	_ =	sdelay $0x3  }
0x33: {  	p0 =	seq.s32 s10, $0x1;
	s10 =	sld [smem:$0x3FB1];
	_ =	sdelay $0x3  }
0x34: {  	[smem:$0x3FB1] =	sst s10  }
0x35: {  	s10 =	sld [smem:$0x3FB0];
	_ =	sdelay $0x3  }
0x36: {  	p1 =	seq.s32 s10, $0x1;
	s10 =	sld [smem:$0x3FB1];
	_ =	sdelay $0x3  }
0x37: {  	[smem:$0x3FB1] =	sst s10  }
0x38: {  	s10 =	sld [smem:$0x3FB2]  }
0x39: {  	_ = 	snop;
	(pc) =	sbr.ind lr, $3  }
0x3a: {  	_ = 	snop  }
0x3b: {  	_ = 	snop  }
0x3c: {  	p2 =	seq.s32 s10, $0x1;
	s10 =	sld [smem:$0x3FB1]  }
0x3d: {  	_ =	shalt  }
0x3e: {  	_ =	shalt  }
0x3f: {  	_ =	shalt  }
0x40: {  	_ =	shalt  }
0x41: {  	_ =	shalt  }
0x42: {  	_ =	shalt  }
0x43: {  	_ =	shalt  }
0x44: {  	_ =	shalt  }
0x45: {  	_ =	shalt  }
0x46: {  	_ =	shalt  }
0x47: {  	_ =	shalt  }
0x48: {  	_ =	shalt  }
0x49: {  	_ =	shalt  }
0x4a: {  	_ =	shalt  }
0x4b: {  	_ =	shalt  }
0x4c: {  	_ =	shalt  }
0x4d: {  	_ =	shalt  }
0x4e: {  	_ =	shalt  }
0x4f: {  	_ =	shalt  }
0x50: {  	_ =	shalt  }
0x51: {  	_ =	shalt  }
0x52: {  	_ =	shalt  }
0x53: {  	_ =	shalt  }
0x54: {  	_ =	shalt  }
0x55: {  	_ =	shalt  }
0x56: {  	_ =	shalt  }
0x57: {  	_ =	shalt  }
0x58: {  	_ =	shalt  }
0x59: {  	_ =	shalt  }
0x5a: {  	_ =	shalt  }
0x5b: {  	_ =	shalt  }
0x5c: {  	_ =	shalt  }
0x5d: {  	_ =	shalt  }
0x5e: {  	_ =	shalt  }
0x5f: {  	_ =	shalt  }
0x60: {  	_ =	shalt  }
0x61: {  	_ =	shalt  }
0x62: {  	_ =	shalt  }
0x63: {  	_ =	shalt  }
0x64: {  	_ =	shalt  }
0x65: {  	_ =	shalt  }
0x66: {  	_ =	shalt  }
0x67: {  	_ =	shalt  }
0x68: {  	_ =	shalt  }
0x69: {  	_ =	shalt  }
0x6a: {  	_ =	shalt  }
0x6b: {  	_ =	shalt  }
0x6c: {  	_ =	shalt  }
0x6d: {  	_ =	shalt  }
0x6e: {  	_ =	shalt  }
0x6f: {  	_ =	shalt  }
0x70: {  	_ =	shalt  }
0x71: {  	_ =	shalt  }
0x72: {  	_ =	shalt  }
0x73: {  	_ =	shalt  }
0x74: {  	_ =	shalt  }
0x75: {  	_ =	shalt  }
0x76: {  	_ =	shalt  }
0x77: {  	_ =	shalt  }
0x78: {  	_ =	shalt  }
0x79: {  	_ =	shalt  }
0x7a: {  	_ =	shalt  }
0x7b: {  	_ =	shalt  }
0x7c: {  	_ =	shalt  }
0x7d: {  	_ =	shalt  }
0x7e: {  	_ =	shalt  }
0x7f: {  	_ =	shalt  }
0x80: {  	_ =	shalt  }
0x81: {  	_ =	shalt  }
0x82: {  	_ =	shalt  }
0x83: {  	_ =	shalt  }
0x84: {  	_ =	shalt  }
0x85: {  	_ =	shalt  }
0x86: {  	_ =	shalt  }
0x87: {  	_ =	shalt  }
.Lfunc_end0:
.L_simem_size_0:
called_computation_lowered:
.L_overlay_start_0:
0x88: {  	s2 =	sld [smem:$0x3FD9]  }
0x89: {  	s3 =	sld [smem:$0x3FFE];
	_ =	sdelay $0x1  }
0x8a: {  	s1 =	srdreg.scid  }
0x8b: {  	s0 =	sand.u32 $0x1, s1  }
0x8c: {  	s16 =	sshll.u32 s0, $0xA;
	s2 =	sadd.s32 s3, s2  }
0x8d: {  	s2 =	sadd.s32 s2, s16  }
0x8e: {  	[smem:$0x3FBD] =	sst s2  }
0x8f: {  	_ = 	snop  }
0x90: {  	(tm) =	ssettm $0x1  }
0x91: {  	s17 =	sld [smem:$0x3FFB];
	_ =	sdelay $0x3  }
0x92: {  	_ =	strace s17  }
0x93: {  	s2 =	sld [smem:$0x3FFC];
	_ =	sdelay $0x3  }
0x94: {  	_ =	strace s2  }
0x95: {  	s2 =	sld [smem:$0x3FFD];
	_ =	sdelay $0x3  }
0x96: {  	_ =	strace s2  }
0x97: {  	_ =	strace $0x8FFFFFFF  }
0x98: {  	s18 =	sld [smem:$0x3FDB];
	_ =	sdelay $0x1  }
0x99: {  	s19 =	simm.s32 $_scs_section_size  }
0x9a: {  	s4 =	simm.s32 $_size__tile_overlayer_lowered;
	s5 =	simm.s32 $_tile_overlayer_lowered  }
0x9b: {  	s22 =	simm.s32 $0x1BFF;
	s21 =	sshll.u32 s5, $0x1;
	s2 =	sadd.s32 s19, s18  }
0x9c: {  	s6 =	simm.s32 $0x0;
	s20 =	sshll.u32 s4, $0x1;
	s4 =	sadd.s32 s21, s2  }
0x9d: {  	[timem:s6], [sflag:s22] =	dma.local [hbm:s4], s20  }
0x9e: {  	_ =	swait.ge [sflag:s22], s20  }
0x9f: {  	s3 =	ssub.s32 $0x0, s20;
	[sflag:s22] =	ssyncset.done $0x0  }
0xa0: {  	[sflag:s22] =	ssyncadd.s32 s3;
	_ =	sdelay $0x1  }
0xa1: {  	s23 =	simm.s32 $0x1B8B  }
0xa2: {  	_ =	swait.ge [sflag:s23], $0x1  }
0xa3: {  	[sflag:s23] =	ssyncset.done $0x0  }
0xa4: {  	s25 =	simm.s32 $0x1B8E;
	s24 =	sld [smem:$0x3FFE];
	[sflag:s23] =	ssyncadd.s32 $0xFFFFFFFF  }
0xa5: {  	s26 =	simm.s32 $execute0_lowered;
	[smem:$0x3FD2] =	sst s25  }
0xa6: {  	s4 =	sshll.u32 s26, $0x1;
	_ =	strace $0x80000046;
	[dreg:$0x1] =	wrdreg $0xFFFFFFFF  }
0xa7: {  	s28 =	simm.s32 $_size_execute0_lowered;
	s2 =	sadd.s32 s2, s4;
	[dreg:$0x0] =	wrdreg $0x0  }
0xa8: {  	s4 =	sshll.u32 s28, $0x1;
	[dreg:$0x2] =	wrdreg s2  }
0xa9: {  	[dreg:$0x3] =	wrdreg s4  }
0xaa: {  	[dreg:$0x4] =	wrdreg $0xC0  }
0xab: {  	_ =	task [dreg:s6], $0x5FFFF  }
0xac: {  	[dreg:$0x1] =	wrdreg $0xFFFFFFFF  }
0xad: {  	[dreg:$0x0] =	wrdreg $0x60  }
0xae: {  	[dreg:$0x2] =	wrdreg s24  }
0xaf: {  	[dreg:$0x3] =	wrdreg $0x27900  }
0xb0: {  	[dreg:$0x4] =	wrdreg $0x9  }
0xb1: {  	_ =	task.clear_ibuf [dreg:s6], $0x5FFFF;
	_ =	strace $0x90000046  }
0xb2: {  	s29 =	simm.s32 $0x9;
	_ =	strace $0x80000048  }
0xb3: {  	_ =	swait.ge [sflag:s29], $0x1  }
0xb4: {  	[sflag:s29] =	ssyncadd.s32 $0xFFFFFFFF  }
0xb5: {  	_ =	strace $0x90000048  }
0xb6: {  	_ =	sfence  }
0xb7: {  	s30 =	sld [smem:$0x0];
	_ =	sdelay $0x2  }
0xb8: {  	s31 =	sshll.u32 s1, $0xD;
	s1 =	sshrl.u32 s1, $0x2  }
0xb9: {  	s3 =	sand.u32 $0x4000, s31;
	s1 =	sadd.s32 s1, s30  }
0xba: {  	s0 =	sor.u32 s3, s0;
	s1 =	sshll.u32 s1, $0x11  }
0xbb: {  	s0 =	sor.u32 s1, s0  }
0xbc: {  	s0 =	sadd.s32 $0x8F2B, s0  }
0xbd: {  	[sflag:s0] =	ssyncadd.remote.s32 $0x1  }
0xbe: {  	_ =	sfence.sel $0xFFFF  }
0xbf: {  	[dreg:$0x0] =	wrdreg $0xFFFFFFFF;
	(pc) =	sbr.abs _section_cstart, $3  }
0xc0: {  	[dreg:$0x1] =	wrdreg $0xFFFFFFFF  }
0xc1: {  	_ =	task.clear_ibuf [dreg:s6], $0x2FFFF;
	_ =	strace $0x9FFFFFFF  }
0xc2: {  	(tm) =	ssettm $0x7FFFFFFF  }
0xc3: {  	_ =	shalt  }
tec
execute0_lowered:
.L_overlay_start_1:
0x0: {  	(tag) =	ssettag $0x1  }
0x1: {  	s5 =	rddreg [dreg:$0x0]  }
0x2: {  	s2 =	rddreg [dreg:$0x1]  }
0x3: {  	s0 =	rddreg [dreg:$0x2];
	s4 =	srdreg.scid  }
0x4: {  	s1 =	stileid.u32;
	s3 =	simm.s32 $0x0;
	s11 =	simm.s32 $0x80  }
0x5: {  	s12 =	simm.s32 $0x2710;
	s13 =	simm.s32 $0x1;
	s14 =	simm.s32 $0x10  }
0x6: {  	s15 =	simm.s32 $0x2700;
	s16 =	simm.s32 $0x0;
	s4 =	sand.u32 $0x1, s4  }
0x7: {  	s6 =	smul.u32 $0x280, s1;
	[smem:$0x7FF] =	sst s3;
	s31 =	sshll.u32 s1, $0x6  }
0x8: {  	s7 =	smul.u32 $0x2800, s4;
	s8 =	sshll.u32 s4, $0x4;
	_ =	strace $0x80000047  }
0x9: {  	s9 =	ssub.s32 $0x2, s4;
	s4 =	sadd.s32 $0x16200, s5;
	s8 =	sor.u32 s1, s8  }
0xa: {  	s10 =	sshrl.u32 s9, $0x1;
	s7 =	sadd.s32 s6, s7;
	s8 =	smul.u32 $0x2710, s8  }
0xb: {  	s30 =	sadd.s32 s6, s2;
	s9 =	ssub.s32 s9, s10;
	s7 =	sshrl.u32 s7, $0x3  }
0xc: {  	s10 =	simm.s32 $0x2;
	s7 =	sadd.s32 s7, s5;
	s8 =	sshrl.u32 s8, $0x3  }
0xd: {  	s8 =	sadd.s32 s5, s8;
	s5 =	sor.u32 $0x1C02, s31;
	s7 =	sadd.s32 $0x16800, s7  }
0xe: {  	v0 =	vimm.f32 $1.000000000e+00;
	s6 =	sadd.s32 $0xC440, s8;
	s8 =	smax.u32 s9, $0x1;
	s9 =	sshrl.u32 s30, $0x3  }
.LBB2_1:
0xf: {  	[spmem:s9], [sflag:s5] =	dma.local [hbm:s4], $0x50  }
0x10: {  	_ =	swait.ge [sflag:s10], $0x50  }
0x11: {  	[sflag:s10] =	ssyncset.done $0x0  }
0x12: {  	[sflag:s10] =	ssyncadd.s32 $0xFFFFFFB0  }
0x13: {  	[tilespmem:$0x2710] =	vst v0  }
0x14: {  	[tilespmem:$0x2720] =	vst v0  }
0x15: {  	[tilespmem:$0x2730] =	vst v0  }
0x16: {  	[tilespmem:$0x2740] =	vst v0  }
0x17: {  	[tilespmem:$0x2750] =	vst v0  }
0x18: {  	[tilespmem:$0x2760] =	vst v0  }
0x19: {  	[tilespmem:$0x2770] =	vst v0  }
0x1a: {  	[tilespmem:$0x2780] =	vst v0  }
0x1b: {  	[tilespmem:s3], [sflag:$0x2] =	stream.linear.gather [hbm4b:s6+s3], $0x2710, $0x38;
	[tilespmem:$0x2A10] =	vst v63  }
0x1c: {  	_ =	swait.ge [sflag:s10], $0x2710  }
0x1d: {  	[sflag:s10] =	ssyncset.done $0x0  }
0x1e: {  	[sflag:s10] =	ssyncadd.s32 $0xFFFFD8F0  }
0x1f: {  	s17 =	simm.s32 $0x0;
	[bflag:$0x0] =	sbarrier.arrive $0xFFFF  }
0x20: {  	[spmem:s2] =	stream.indirect.scatter.add.f32 [tilespmem:s12], [sflag:$0x1], $0x1, s17, s11, $0xb8;
	[tilespmem:$0x2A10] =	vst v63  }
0x21: {  	s26 =	simm.s32 $0x80  }
0x22: {  	[spmem:s2] =	stream.indirect.scatter.add.f32 [tilespmem:s12], [sflag:$0x1], $0x1, s26, s11, $0xb8;
	[tilespmem:$0x2A10] =	vst v63  }
0x23: {  	s28 =	simm.s32 $0x100  }
0x24: {  	[spmem:s2] =	stream.indirect.scatter.add.f32 [tilespmem:s12], [sflag:$0x1], $0x1, s28, s11, $0xb8;
	[tilespmem:$0x2A10] =	vst v63  }
0x25: {  	s29 =	simm.s32 $0x180  }
0x26: {  	[spmem:s2] =	stream.indirect.scatter.add.f32 [tilespmem:s12], [sflag:$0x1], $0x1, s29, s11, $0xb8;
	[tilespmem:$0x2A10] =	vst v63  }
0x27: {  	s30 =	simm.s32 $0x200  }
0x28: {  	[spmem:s2] =	stream.indirect.scatter.add.f32 [tilespmem:s12], [sflag:$0x1], $0x1, s30, s11, $0xb8;
	[tilespmem:$0x2A10] =	vst v63  }
0x29: {  	s31 =	simm.s32 $0x280  }
0x2a: {  	[spmem:s2] =	stream.indirect.scatter.add.f32 [tilespmem:s12], [sflag:$0x1], $0x1, s31, s11, $0xb8;
	[tilespmem:$0x2A10] =	vst v63  }
0x2b: {  	_ =	swait.ge [sflag:s13], $0x80  }
0x2c: {  	[sflag:s13] =	ssyncset.done $0x0  }
0x2d: {  	[sflag:s13] =	ssyncadd.s32 $0xFFFFFF80  }
0x2e: {  	_ =	swait.ge [sflag:s13], $0x80  }
0x2f: {  	[sflag:s13] =	ssyncset.done $0x0  }
0x30: {  	[sflag:s13] =	ssyncadd.s32 $0xFFFFFF80  }
0x31: {  	_ =	swait.ge [sflag:s13], $0x80  }
0x32: {  	[sflag:s13] =	ssyncset.done $0x0  }
0x33: {  	[sflag:s13] =	ssyncadd.s32 $0xFFFFFF80  }
0x34: {  	_ =	swait.ge [sflag:s13], $0x80  }
0x35: {  	[sflag:s13] =	ssyncset.done $0x0  }
0x36: {  	[sflag:s13] =	ssyncadd.s32 $0xFFFFFF80  }
0x37: {  	_ =	swait.ge [sflag:s13], $0x80  }
0x38: {  	[sflag:s13] =	ssyncset.done $0x0  }
0x39: {  	[sflag:s13] =	ssyncadd.s32 $0xFFFFFF80  }
0x3a: {  	_ =	swait.ge [sflag:s13], $0x80  }
0x3b: {  	s18 =	simm.s32 $0x1800;
	s17 =	simm.s32 $0xC00;
	[sflag:s13] =	ssyncset.done $0x0  }
.LBB2_2:
0x3c: {  	s19 =	sshra.s32 s17, $0x2  }
0x3d: {  	[sflag:s13] =	ssyncadd.s32 $0xFFFFFF80;
	s17 =	smov.u32 s18;
	s20 =	sadd.s32 $0xC00, s18  }
0x3e: {  	[spmem:s2] =	stream.indirect.scatter.add.f32 [tilespmem:s12], [sflag:$0x1], $0x1, s19, s11, $0xb8;
	[tilespmem:$0x2A10] =	vst v63  }
0x3f: {  	p0 =	sne.s32 s18, $0x9000;
	s18 =	sadd.s32 $0x80, s19  }
0x40: {  	[spmem:s2] =	stream.indirect.scatter.add.f32 [tilespmem:s12], [sflag:$0x1], $0x1, s18, s11, $0xb8;
	[tilespmem:$0x2A10] =	vst v63  }
0x41: {  	s18 =	sadd.s32 $0x100, s19  }
0x42: {  	[spmem:s2] =	stream.indirect.scatter.add.f32 [tilespmem:s12], [sflag:$0x1], $0x1, s18, s11, $0xb8;
	[tilespmem:$0x2A10] =	vst v63  }
0x43: {  	s18 =	sadd.s32 $0x180, s19  }
0x44: {  	[spmem:s2] =	stream.indirect.scatter.add.f32 [tilespmem:s12], [sflag:$0x1], $0x1, s18, s11, $0xb8;
	[tilespmem:$0x2A10] =	vst v63  }
0x45: {  	s18 =	sadd.s32 $0x200, s19  }
0x46: {  	[spmem:s2] =	stream.indirect.scatter.add.f32 [tilespmem:s12], [sflag:$0x1], $0x1, s18, s11, $0xb8;
	[tilespmem:$0x2A10] =	vst v63  }
0x47: {  	s18 =	sadd.s32 $0x280, s19  }
0x48: {  	[spmem:s2] =	stream.indirect.scatter.add.f32 [tilespmem:s12], [sflag:$0x1], $0x1, s18, s11, $0xb8;
	[tilespmem:$0x2A10] =	vst v63  }
0x49: {  	_ =	swait.ge [sflag:s13], $0x80  }
0x4a: {  	[sflag:s13] =	ssyncset.done $0x0  }
0x4b: {  	[sflag:s13] =	ssyncadd.s32 $0xFFFFFF80  }
0x4c: {  	_ =	swait.ge [sflag:s13], $0x80  }
0x4d: {  	[sflag:s13] =	ssyncset.done $0x0  }
0x4e: {  	[sflag:s13] =	ssyncadd.s32 $0xFFFFFF80  }
0x4f: {  	_ =	swait.ge [sflag:s13], $0x80  }
0x50: {  	[sflag:s13] =	ssyncset.done $0x0  }
0x51: {  	[sflag:s13] =	ssyncadd.s32 $0xFFFFFF80  }
0x52: {  	_ =	swait.ge [sflag:s13], $0x80  }
0x53: {  	[sflag:s13] =	ssyncset.done $0x0  }
0x54: {  	[sflag:s13] =	ssyncadd.s32 $0xFFFFFF80  }
.Ltmp0:
0x55: {  	_ =	swait.ge [sflag:s13], $0x80;
	(pc) =	sbr.rel @p0 .LBB2_2-.Ltmp0, $4  }
0x56: {  	[sflag:s13] =	ssyncset.done $0x0  }
0x57: {  	[sflag:s13] =	ssyncadd.s32 $0xFFFFFF80  }
0x58: {  	_ =	swait.ge [sflag:s13], $0x80  }
0x59: {  	s18 =	smov.u32 s20;
	[sflag:s13] =	ssyncset.done $0x0  }
0x5a: {  	s17 =	sshra.s32 s17, $0x2;
	[sflag:s13] =	ssyncadd.s32 $0xFFFFFF80  }
0x5b: {  	[spmem:s2] =	stream.indirect.scatter.add.f32 [tilespmem:s12], [sflag:$0x1], $0x1, s17, s11, $0xb8;
	[tilespmem:$0x2A10] =	vst v63  }
0x5c: {  	s18 =	sadd.s32 $0x80, s17  }
0x5d: {  	[spmem:s2] =	stream.indirect.scatter.add.f32 [tilespmem:s12], [sflag:$0x1], $0x1, s18, s11, $0xb8;
	[tilespmem:$0x2A10] =	vst v63  }
0x5e: {  	s29 =	sadd.s32 $0x100, s17  }
0x5f: {  	[spmem:s2] =	stream.indirect.scatter.add.f32 [tilespmem:s12], [sflag:$0x1], $0x1, s29, s11, $0xb8;
	[tilespmem:$0x2A10] =	vst v63  }
0x60: {  	s30 =	sadd.s32 $0x180, s17  }
0x61: {  	[spmem:s2] =	stream.indirect.scatter.add.f32 [tilespmem:s12], [sflag:$0x1], $0x1, s30, s11, $0xb8;
	[tilespmem:$0x2A10] =	vst v63  }
0x62: {  	s31 =	sadd.s32 $0x200, s17  }
0x63: {  	[spmem:s2] =	stream.indirect.scatter.add.f32 [tilespmem:s12], [sflag:$0x1], $0x1, s31, s11, $0xb8;
	[tilespmem:$0x2A10] =	vst v63  }
0x64: {  	s17 =	sadd.s32 $0x280, s17  }
0x65: {  	[spmem:s2] =	stream.indirect.scatter.add.f32 [tilespmem:s12], [sflag:$0x1], $0x1, s17, s11, $0xb8;
	[tilespmem:$0x2A10] =	vst v63  }
0x66: {  	_ =	swait.ge [sflag:s13], $0x80  }
0x67: {  	[sflag:s13] =	ssyncset.done $0x0  }
0x68: {  	[sflag:s13] =	ssyncadd.s32 $0xFFFFFF80  }
0x69: {  	_ =	swait.ge [sflag:s13], $0x80  }
0x6a: {  	[sflag:s13] =	ssyncset.done $0x0  }
0x6b: {  	[sflag:s13] =	ssyncadd.s32 $0xFFFFFF80  }
0x6c: {  	_ =	swait.ge [sflag:s13], $0x80  }
0x6d: {  	[sflag:s13] =	ssyncset.done $0x0  }
0x6e: {  	[sflag:s13] =	ssyncadd.s32 $0xFFFFFF80  }
0x6f: {  	_ =	swait.ge [sflag:s13], $0x80  }
0x70: {  	[sflag:s13] =	ssyncset.done $0x0  }
0x71: {  	[sflag:s13] =	ssyncadd.s32 $0xFFFFFF80  }
0x72: {  	_ =	swait.ge [sflag:s13], $0x80  }
0x73: {  	[sflag:s13] =	ssyncset.done $0x0  }
0x74: {  	[sflag:s13] =	ssyncadd.s32 $0xFFFFFF80  }
0x75: {  	_ =	swait.ge [sflag:s13], $0x80  }
0x76: {  	[sflag:s13] =	ssyncset.done $0x0  }
0x77: {  	[sflag:s13] =	ssyncadd.s32 $0xFFFFFF80  }
0x78: {  	[spmem:s2] =	stream.indirect.scatter.add.f32 [tilespmem:s12], [sflag:$0x2], $0x1, s15, s14, $0xb8;
	[tilespmem:$0x2A10] =	vst v63  }
0x79: {  	_ =	swait.ge [sflag:s10], $0x10  }
0x7a: {  	s16 =	sadd.s32 $0x1, s16;
	[sflag:s10] =	ssyncset.done $0x0  }
0x7b: {  	p0 =	sne.s32 s16, s8;
	[sflag:s10] =	ssyncadd.s32 $0xFFFFFFF0  }
.Ltmp1:
0x7c: {  	[bflag:$0x0] =	sbarrier.arrive $0xFFFF;
	(pc) =	sbr.rel @p0 .LBB2_1-.Ltmp1, $4  }
0x7d: {  	[hbm:s7], [sflag:s5] =	dma.local [spmem:s9], $0x50  }
0x7e: {  	_ =	swait.ge [sflag:s10], $0x50  }
0x7f: {  	[sflag:s10] =	ssyncset.done $0x0  }
0x80: {  	[sflag:s10] =	ssyncadd.s32 $0xFFFFFFB0  }
0x81: {  	_ =	sfence.sel $0x180000  }
0x82: {  	[bflag:$0x0] =	sbarrier.arrive $0xFFFF  }
0x83: {  	p0 =	sne.s32 s1, $0x0;
	_ =	strace $0x90000047  }
0x84: {  	s0 =	sadd.s32 @!p0 $0x100000, s0;
	[bflag:$0x2] =	sbarrier.arrive $0xFFFF  }
0x85: {  	[sflag:s0] =	ssyncadd.tile.s32 @!p0 $0x1;
	_ =	shalt  }
.Lfunc_end2:
_tile_overlayer_lowered:
.L_overlay_start_2:
0x86: {  	(tag) =	ssettag $0x2  }
0x87: {  	s0 =	rddreg [dreg:$0x0];
	s2 =	stileid.u32  }
0x88: {  	s1 =	rddreg [dreg:$0x1];
	p0 =	sne.s32 s2, $0x0  }
0x89: {  	s3 =	rddreg [dreg:$0x2];
	[bflag:$0x3] =	sbarrier.arrive $0xFFFF;
	s2 =	simm.s32 @!p0 $0x1C02  }
0x8a: {  	[timem:s3], [sflag:s2] =	dma.local @!p0 [hbm:s0], s1  }
0x8b: {  	s0 =	simm.s32 @!p0 $0x2  }
0x8c: {  	_ =	swait.ge @!p0 [sflag:s0], s1  }
0x8d: {  	s1 =	ssub.s32 @!p0 $0x0, s1;
	[sflag:s0] =	ssyncset.done @!p0 $0x0  }
0x8e: {  	[sflag:s0] =	ssyncadd.s32 @!p0 s1  }
0x8f: {  	[bflag:$0x3] =	sbarrier.arrive $0xFFFF  }
0x90: {  	_ =	shalt  }

</sc_bundles>
